<compile_context>
chip_gen: v7x
topology: tpu7x:2x2x1
jax: 0.10.2.dev20260603
libtpu: 0.0.44.dev20260713+nightly
codegen_flags: <defaults>
</compile_context>

<pallas_src>
import jax
import jax.numpy as jnp
from jax import lax
from jax.experimental import pallas as pl
from jax.experimental.pallas import tpu as pltpu
from jax.experimental.pallas import tpu_sc as plsc

_VOCAB = 1000000
_D = 32
_H = 64
_C = 3
_B = 16384
_L = 50

_NC = 2
_NS = 16
_NW = _NC * _NS

_CB = 32
_CHUNK = 80
_IDX_PER_STEP = _CB * _L
_NCHUNK = _IDX_PER_STEP // _CHUNK
_ROWS_PER_W = _B // _NW
_NSTEP = _ROWS_PER_W // _CB


def _pool_body(emb_hbm, ids_hbm, out_hbm,
               idx0, idx1, rows0, rows1, acc_v, sem0, sem1):
    wid = lax.axis_index("s") * _NC + lax.axis_index("c")
    base_row = wid * _ROWS_PER_W
    idx_bufs = (idx0, idx1)
    rows_bufs = (rows0, rows1)
    sems = (sem0, sem1)

    def stage_and_fire(s, p):
        row0 = base_row + s * _CB
        pltpu.sync_copy(ids_hbm.at[pl.ds(row0 * _L, _IDX_PER_STEP)],
                        idx_bufs[p])
        for c in range(_NCHUNK):
            off = c * _CHUNK
            pltpu.async_copy(
                emb_hbm.at[idx_bufs[p].at[pl.ds(off, _CHUNK)]],
                rows_bufs[p].at[pl.ds(off, _CHUNK)],
                sems[p],
            )

    inv = jnp.float32(1.0 / _L)

    def process(s, p):
        pltpu.make_async_copy(
            emb_hbm.at[pl.ds(0, _IDX_PER_STEP)], rows_bufs[p], sems[p]
        ).wait()

        rows_v = rows_bufs[p]

        @plsc.parallel_loop(0, _CB)
        def _pool_one(i):
            j0 = i * _L

            def add_tok(l, acc):
                j = j0 + l
                return (acc[0] + rows_v[j, pl.ds(0, 16)],
                        acc[1] + rows_v[j, pl.ds(16, 16)])

            a0, a1 = lax.fori_loop(
                0, _L, add_tok,
                (jnp.zeros((16,), jnp.float32), jnp.zeros((16,), jnp.float32)),
                unroll=True,
            )
            acc_v[pl.ds(i * _D, 16)] = a0 * inv
            acc_v[pl.ds(i * _D + 16, 16)] = a1 * inv

        pltpu.sync_copy(
            acc_v, out_hbm.at[pl.ds((base_row + s * _CB) * _D, _CB * _D)])

    stage_and_fire(0, 0)

    def pstep(t, carry):
        s0, s1, s2 = 2 * t, 2 * t + 1, 2 * t + 2
        stage_and_fire(s1, 1)
        process(s0, 0)

        @pl.when(s2 < _NSTEP)
        def _():
            stage_and_fire(s2, 0)

        process(s1, 1)
        return carry

    lax.fori_loop(0, _NSTEP // 2, pstep, 0)


@jax.jit
def _pool(ids_flat, emb):
    mesh = plsc.VectorSubcoreMesh(core_axis_name="c", subcore_axis_name="s")
    return pl.kernel(
        _pool_body,
        out_type=jax.ShapeDtypeStruct((_B * _D,), jnp.float32),
        mesh=mesh,
        scratch_types=[
            pltpu.VMEM((_IDX_PER_STEP,), jnp.int32),
            pltpu.VMEM((_IDX_PER_STEP,), jnp.int32),
            pltpu.VMEM((_IDX_PER_STEP, _D), jnp.float32),
            pltpu.VMEM((_IDX_PER_STEP, _D), jnp.float32),
            pltpu.VMEM((_CB * _D,), jnp.float32),
            pltpu.SemaphoreType.DMA,
            pltpu.SemaphoreType.DMA,
        ],
        compiler_params=pltpu.CompilerParams(use_tc_tiling_on_sc=False),
    )(emb, ids_flat)


_RK = 7
_RCW = _RK * 128
_NFULL = _VOCAB // 128
_RNCHUNK = _NFULL // _RK
_TAIL_COL = _NFULL * 128
_TAIL_W = _VOCAB - _TAIL_COL


def _relayout_body(embt_hbm, tail_hbm, out_hbm,
                   sl0, sl1, ov0, ov1, sem0, sem1, semo0, semo1):
    wid = lax.axis_index("s") * _NC + lax.axis_index("c")
    lane = lax.iota(jnp.int32, 16)
    lane32 = lane * _D

    nchunk_w = jnp.where(wid < _RNCHUNK % _NW,
                         _RNCHUNK // _NW + 1, _RNCHUNK // _NW)

    def fire(j, sl, sem):
        col0 = pl.multiple_of((wid + j * _NW) * _RCW, 128)
        for jb in range(4):
            pltpu.async_copy(
                embt_hbm.at[pl.ds(jb * 8, 8), pl.ds(col0, _RCW)],
                sl.at[pl.ds(jb * 8, 8), pl.ds(0, _RCW)], sem)

    def process(j, t, sl, ov, sem, semo):
        pltpu.make_async_copy(
            embt_hbm.at[pl.ds(0, 32), pl.ds(0, _RCW)], sl, sem).wait()

        @pl.when(t > 0)
        def _():
            pltpu.make_async_copy(
                out_hbm.at[pl.ds(0, _RCW * _D)], ov, semo).wait()

        @plsc.parallel_loop(0, _RCW // 16)
        def _rblock(rb):
            r0 = rb * 16
            cvec = lane + r0
            sbase = r0 * _D
            for db in range(2):
                for g in range(0, 16, 4):
                    pairs = []
                    for k in range(g, g + 4):
                        perm = jnp.bitwise_and(lane + k, 15)
                        vals = plsc.load_gather(sl, [perm + db * 16, cvec])
                        pairs.append((lane32 + perm + (sbase + db * 16), vals))
                    for sidx, vals in pairs:
                        plsc.store_scatter(ov, [sidx], vals)

        col0 = pl.multiple_of((wid + j * _NW) * _RCW, 128)
        pltpu.async_copy(ov, out_hbm.at[pl.ds(col0 * _D, _RCW * _D)], semo)

    fire(0, sl0, sem0)
    nt2 = (nchunk_w + 1) // 2

    def step(t, carry):
        j0, j1, j2 = 2 * t, 2 * t + 1, 2 * t + 2

        @pl.when(j1 < nchunk_w)
        def _():
            fire(j1, sl1, sem1)

        process(j0, t, sl0, ov0, sem0, semo0)

        @pl.when(j2 < nchunk_w)
        def _():
            fire(j2, sl0, sem0)

        @pl.when(j1 < nchunk_w)
        def _():
            process(j1, t, sl1, ov1, sem1, semo1)

        return carry

    lax.fori_loop(0, nt2, step, 0)
    pltpu.make_async_copy(
        out_hbm.at[pl.ds(0, _RCW * _D)], ov0, semo0).wait()
    pltpu.make_async_copy(
        out_hbm.at[pl.ds(0, _RCW * _D)], ov1, semo1).wait()

    @pl.when(wid == _NW - 1)
    def _tail():
        pltpu.sync_copy(tail_hbm, ov0.at[pl.ds(0, _TAIL_W * _D)])
        pltpu.sync_copy(ov0.at[pl.ds(0, _TAIL_W * _D)],
                        out_hbm.at[pl.ds(_TAIL_COL * _D, _TAIL_W * _D)])


@jax.jit
def _relayout(emb):
    mesh = plsc.VectorSubcoreMesh(core_axis_name="c", subcore_axis_name="s")
    out_flat = pl.kernel(
        _relayout_body,
        out_type=jax.ShapeDtypeStruct((_VOCAB * _D,), jnp.float32),
        mesh=mesh,
        scratch_types=[
            pltpu.VMEM((32, _RCW), jnp.float32),
            pltpu.VMEM((32, _RCW), jnp.float32),
            pltpu.VMEM((_RCW * _D,), jnp.float32),
            pltpu.VMEM((_RCW * _D,), jnp.float32),
            pltpu.SemaphoreType.DMA,
            pltpu.SemaphoreType.DMA,
            pltpu.SemaphoreType.DMA,
            pltpu.SemaphoreType.DMA,
        ],
        compiler_params=pltpu.CompilerParams(use_tc_tiling_on_sc=True,
                                             needs_layout_passes=False,
                                             disable_bounds_checks=True),
    )(emb.T, emb[_TAIL_COL:].reshape(-1))
    return out_flat.reshape(_VOCAB, _D)


def _mlp_body(x_ref, w1_ref, b1_ref, w2_ref, b2_ref, o_ref):
    x = x_ref[...]
    h = jnp.dot(x, w1_ref[...], preferred_element_type=jnp.float32)
    h = jnp.maximum(h + b1_ref[...], 0.0)
    o_ref[...] = (
        jnp.dot(h, w2_ref[...], preferred_element_type=jnp.float32)
        + b2_ref[...]
    )


@jax.jit
def _mlp(x4, W1, b1, W2, b2):
    rows = _B // 4
    blk = rows // 2
    w1b = jax.scipy.linalg.block_diag(W1, W1, W1, W1)
    b1b = jnp.tile(b1, 4).reshape(1, 4 * _H)
    w2b = jax.scipy.linalg.block_diag(W2, W2, W2, W2)
    b2b = jnp.tile(b2, 4).reshape(1, 4 * _C)
    out4 = pl.pallas_call(
        _mlp_body,
        grid=(2,),
        in_specs=[
            pl.BlockSpec((blk, 128), lambda i: (i, 0)),
            pl.BlockSpec((128, 4 * _H), lambda i: (0, 0)),
            pl.BlockSpec((1, 4 * _H), lambda i: (0, 0)),
            pl.BlockSpec((4 * _H, 4 * _C), lambda i: (0, 0)),
            pl.BlockSpec((1, 4 * _C), lambda i: (0, 0)),
        ],
        out_specs=pl.BlockSpec((blk, 4 * _C), lambda i: (i, 0)),
        out_shape=jax.ShapeDtypeStruct((rows, 4 * _C), jnp.float32),
    )(x4, w1b, b1b, w2b, b2b)
    return out4.reshape(_B, _C)


def kernel(ids, emb, W1, b1, W2, b2):
    ids_flat = ids.reshape(-1).astype(jnp.int32)
    emb_lin = _relayout(emb)
    pooled_flat = _pool(ids_flat, emb_lin)
    return _mlp(pooled_flat.reshape(_B // 4, 128), W1, b1, W2, b2)

# --- scband reference (transcript-rebuilt; emitter-appended) ---
"""Pipeline reference for scband-simple-model-25159918420403 (READ-ONLY COPY).

The authoritative reference and input builder live on the scoring server;
editing this copy changes nothing except your own understanding.
"""

import jax, jax.numpy as jnp
import numpy as np

VOCAB = 1000000
EMBED_DIM = 32
HIDDEN_DIM = 64
NUM_CLASSES = 3
BATCH = 16384
HIST = 50


def setup_inputs(seed: int = 0) -> dict:
    key = jax.random.key(seed)
    k_ids, k_emb, k_w1, k_b1, k_w2, k_b2 = jax.random.split(key, 6)
    ids = jax.random.randint(k_ids, (BATCH, HIST), 0, VOCAB, dtype=jnp.int64 if jax.config.jax_enable_x64 else jnp.int32)
    emb = jax.random.normal(k_emb, (VOCAB, EMBED_DIM), dtype=jnp.float32) * 0.02
    W1 = jax.random.normal(k_w1, (EMBED_DIM, HIDDEN_DIM), dtype=jnp.float32) * (1.0 / np.sqrt(EMBED_DIM))
    b1 = jax.random.normal(k_b1, (HIDDEN_DIM,), dtype=jnp.float32) * 0.01
    W2 = jax.random.normal(k_w2, (HIDDEN_DIM, NUM_CLASSES), dtype=jnp.float32) * (1.0 / np.sqrt(HIDDEN_DIM))
    b2 = jax.random.normal(k_b2, (NUM_CLASSES,), dtype=jnp.float32) * 0.01
    return {"ids": ids, "emb": emb, "W1": W1, "b1": b1, "W2": W2, "b2": b2}


def reference(ids, emb, W1, b1, W2, b2):
    # embedding lookup: gather rows of the table
    e = jnp.take(emb, ids, axis=0)            # [B, L, D]
    x = e.mean(axis=1)                         # [B, D] (mean-pool over tokens)
    h = jax.nn.relu(x @ W1 + b1)               # [B, H]
    logits = h @ W2 + b2                       # [B, C]
    return logits

if __name__ == "__main__":
    import jax
    _d = setup_inputs()
    print(jax.jit(kernel)(*tuple(_d.values())))

</pallas_src>

<mosaic_0001>
#map = affine_map<(d0, d1) -> (0, 0)>
#map1 = affine_map<(d0, d1) -> (0)>
module attributes {stable_mosaic.version = 14 : i64} {
  func.func @_relayout_body(%arg0: i32, %arg1: i32, %arg2: memref<32x1000000xf32, #tpu.memory_space<hbm>>, %arg3: memref<2048xf32, #tpu.memory_space<hbm>>, %arg4: memref<32000000xf32, #tpu.memory_space<hbm>>, %arg5: memref<32x896xf32, #tpu.memory_space<vmem>>, %arg6: memref<32x896xf32, #tpu.memory_space<vmem>>, %arg7: memref<28672xf32, #tpu.memory_space<vmem>>, %arg8: memref<28672xf32, #tpu.memory_space<vmem>>, %arg9: memref<!tpu.dma_semaphore, #tpu.memory_space<semaphore_mem>>, %arg10: memref<!tpu.dma_semaphore, #tpu.memory_space<semaphore_mem>>, %arg11: memref<!tpu.dma_semaphore, #tpu.memory_space<semaphore_mem>>, %arg12: memref<!tpu.dma_semaphore, #tpu.memory_space<semaphore_mem>>) attributes {dimension_semantics = [#tpu.dimension_semantics<core_parallel>, #tpu.dimension_semantics<subcore_parallel>], iteration_bounds = array<i64: 2, 16>, scalar_prefetch = 0 : i64, scratch_operands = 8 : i64, tpu.core_type = #tpu.core_type<sc_vector_subcore>, window_params = [{transform_indices = #map}, {transform_indices = #map1}, {transform_indices = #map1}]} {
    %mul3A = arith.constant 2 : i32
    %mul3A_0 = arith.muli %arg1, %mul3A : i32
    %add3A = arith.addi %mul3A_0, %arg0 : i32
    %iota3A = tpu.iota {dimensions = array<i32: 0>} : vector<16xi32>
    %mul3A_1 = arith.constant 32 : i32
    %mul3A_2 = vector.broadcast %mul3A_1 : i32 to vector<16xi32>
    %mul3A_3 = arith.muli %iota3A, %mul3A_2 : vector<16xi32>
    %lt3A = arith.constant 28 : i32
    %lt3A_4 = arith.cmpi slt, %add3A, %lt3A : i32
    %jit3A = arith.constant 35 : i32
    %jit3A_5 = arith.constant 34 : i32
    %select_n3A = arith.select %lt3A_4, %jit3A, %jit3A_5 : i32
    %add3A_6 = arith.constant 0 : i32
    %add3A_7 = arith.addi %add3A, %add3A_6 : i32
    %mul3A_8 = arith.constant 896 : i32
    %mul3A_9 = arith.muli %add3A_7, %mul3A_8 : i32
    %multiple_of3A = tpu.assume_multiple %mul3A_9, 128 : i32
    %dma_start3A = arith.constant 0 : i32
    %dma_start3A_10 = arith.constant 0 : i32
    %dma_start3A_11 = tpu.memref_slice %arg5[%dma_start3A, %dma_start3A_10] : memref<32x896xf32, #tpu.memory_space<vmem>> -> memref<8x896xf32, #tpu.memory_space<vmem>>
    %dma_start3A_12 = arith.constant 0 : i32
    %dma_start3A_13 = tpu.memref_slice %arg2[%dma_start3A_12, %multiple_of3A] : memref<32x1000000xf32, #tpu.memory_space<hbm>> -> memref<8x896xf32, #tpu.memory_space<hbm>>
    %dma_start3A_14 = arith.constant 0 : i32
    %dma_start3A_15 = arith.constant 0 : i32
    %dma_start3A_16 = tpu.memref_slice %arg5[%dma_start3A_14, %dma_start3A_15] : memref<32x896xf32, #tpu.memory_space<vmem>> -> memref<8x896xf32, #tpu.memory_space<vmem>>
    %dma_start3A_17 = arith.constant 0 : i32
    %dma_start3A_18 = tpu.memref_slice %arg2[%dma_start3A_17, %multiple_of3A] : memref<32x1000000xf32, #tpu.memory_space<hbm>> -> memref<8x896xf32, #tpu.memory_space<hbm>>
    tpu.enqueue_dma source(%dma_start3A_18 : memref<8x896xf32, #tpu.memory_space<hbm>>) target(%dma_start3A_16 : memref<8x896xf32, #tpu.memory_space<vmem>>) target_semaphore(%arg9 : memref<!tpu.dma_semaphore, #tpu.memory_space<semaphore_mem>>)
    %dma_start3A_19 = arith.constant 8 : i32
    %dma_start3A_20 = arith.constant 0 : i32
    %dma_start3A_21 = tpu.memref_slice %arg5[%dma_start3A_19, %dma_start3A_20] : memref<32x896xf32, #tpu.memory_space<vmem>> -> memref<8x896xf32, #tpu.memory_space<vmem>>
    %dma_start3A_22 = arith.constant 8 : i32
    %dma_start3A_23 = tpu.memref_slice %arg2[%dma_start3A_22, %multiple_of3A] : memref<32x1000000xf32, #tpu.memory_space<hbm>> -> memref<8x896xf32, #tpu.memory_space<hbm>>
    %dma_start3A_24 = arith.constant 8 : i32
    %dma_start3A_25 = arith.constant 0 : i32
    %dma_start3A_26 = tpu.memref_slice %arg5[%dma_start3A_24, %dma_start3A_25] : memref<32x896xf32, #tpu.memory_space<vmem>> -> memref<8x896xf32, #tpu.memory_space<vmem>>
    %dma_start3A_27 = arith.constant 8 : i32
    %dma_start3A_28 = tpu.memref_slice %arg2[%dma_start3A_27, %multiple_of3A] : memref<32x1000000xf32, #tpu.memory_space<hbm>> -> memref<8x896xf32, #tpu.memory_space<hbm>>
    tpu.enqueue_dma source(%dma_start3A_28 : memref<8x896xf32, #tpu.memory_space<hbm>>) target(%dma_start3A_26 : memref<8x896xf32, #tpu.memory_space<vmem>>) target_semaphore(%arg9 : memref<!tpu.dma_semaphore, #tpu.memory_space<semaphore_mem>>)
    %dma_start3A_29 = arith.constant 16 : i32
    %dma_start3A_30 = arith.constant 0 : i32
    %dma_start3A_31 = tpu.memref_slice %arg5[%dma_start3A_29, %dma_start3A_30] : memref<32x896xf32, #tpu.memory_space<vmem>> -> memref<8x896xf32, #tpu.memory_space<vmem>>
    %dma_start3A_32 = arith.constant 16 : i32
    %dma_start3A_33 = tpu.memref_slice %arg2[%dma_start3A_32, %multiple_of3A] : memref<32x1000000xf32, #tpu.memory_space<hbm>> -> memref<8x896xf32, #tpu.memory_space<hbm>>
    %dma_start3A_34 = arith.constant 16 : i32
    %dma_start3A_35 = arith.constant 0 : i32
    %dma_start3A_36 = tpu.memref_slice %arg5[%dma_start3A_34, %dma_start3A_35] : memref<32x896xf32, #tpu.memory_space<vmem>> -> memref<8x896xf32, #tpu.memory_space<vmem>>
    %dma_start3A_37 = arith.constant 16 : i32
    %dma_start3A_38 = tpu.memref_slice %arg2[%dma_start3A_37, %multiple_of3A] : memref<32x1000000xf32, #tpu.memory_space<hbm>> -> memref<8x896xf32, #tpu.memory_space<hbm>>
    tpu.enqueue_dma source(%dma_start3A_38 : memref<8x896xf32, #tpu.memory_space<hbm>>) target(%dma_start3A_36 : memref<8x896xf32, #tpu.memory_space<vmem>>) target_semaphore(%arg9 : memref<!tpu.dma_semaphore, #tpu.memory_space<semaphore_mem>>)
    %dma_start3A_39 = arith.constant 24 : i32
    %dma_start3A_40 = arith.constant 0 : i32
    %dma_start3A_41 = tpu.memref_slice %arg5[%dma_start3A_39, %dma_start3A_40] : memref<32x896xf32, #tpu.memory_space<vmem>> -> memref<8x896xf32, #tpu.memory_space<vmem>>
    %dma_start3A_42 = arith.constant 24 : i32
    %dma_start3A_43 = tpu.memref_slice %arg2[%dma_start3A_42, %multiple_of3A] : memref<32x1000000xf32, #tpu.memory_space<hbm>> -> memref<8x896xf32, #tpu.memory_space<hbm>>
    %dma_start3A_44 = arith.constant 24 : i32
    %dma_start3A_45 = arith.constant 0 : i32
    %dma_start3A_46 = tpu.memref_slice %arg5[%dma_start3A_44, %dma_start3A_45] : memref<32x896xf32, #tpu.memory_space<vmem>> -> memref<8x896xf32, #tpu.memory_space<vmem>>
    %dma_start3A_47 = arith.constant 24 : i32
    %dma_start3A_48 = tpu.memref_slice %arg2[%dma_start3A_47, %multiple_of3A] : memref<32x1000000xf32, #tpu.memory_space<hbm>> -> memref<8x896xf32, #tpu.memory_space<hbm>>
    tpu.enqueue_dma source(%dma_start3A_48 : memref<8x896xf32, #tpu.memory_space<hbm>>) target(%dma_start3A_46 : memref<8x896xf32, #tpu.memory_space<vmem>>) target_semaphore(%arg9 : memref<!tpu.dma_semaphore, #tpu.memory_space<semaphore_mem>>)
    %add3A_49 = arith.constant 1 : i32
    %add3A_50 = arith.addi %select_n3A, %add3A_49 : i32
    %jit3A_51 = arith.constant 2 : i32
    %div3A = arith.divsi %add3A_50, %jit3A_51 : i32
    %sign3A = arith.constant 0 : i32
    %sign3A_52 = arith.cmpi sgt, %add3A_50, %sign3A : i32
    %sign3A_53 = arith.extui %sign3A_52 : i1 to i32
    %sign3A_54 = arith.constant 0 : i32
    %sign3A_55 = arith.cmpi slt, %add3A_50, %sign3A_54 : i32
    %sign3A_56 = arith.extui %sign3A_55 : i1 to i32
    %sign3A_57 = arith.subi %sign3A_53, %sign3A_56 : i32
    %sign3A_58 = arith.constant 0 : i32
    %sign3A_59 = arith.cmpi sgt, %jit3A_51, %sign3A_58 : i32
    %sign3A_60 = arith.extui %sign3A_59 : i1 to i32
    %sign3A_61 = arith.constant 0 : i32
    %sign3A_62 = arith.cmpi slt, %jit3A_51, %sign3A_61 : i32
    %sign3A_63 = arith.extui %sign3A_62 : i1 to i32
    %sign3A_64 = arith.subi %sign3A_60, %sign3A_63 : i32
    %ne3A = arith.cmpi ne, %sign3A_57, %sign3A_64 : i32
    %rem3A = arith.remsi %add3A_50, %jit3A_51 : i32
    %ne3A_65 = arith.constant 0 : i32
    %ne3A_66 = arith.cmpi ne, %rem3A, %ne3A_65 : i32
    %and3A = arith.andi %ne3A, %ne3A_66 : i1
    %sub3A = arith.constant 1 : i32
    %sub3A_67 = arith.subi %div3A, %sub3A : i32
    %select_n3A_68 = arith.select %and3A, %sub3A_67, %div3A : i32
    %while3A = arith.constant 0 : i32
    %while3A_69 = arith.constant 0 : i32
    %while3A_70 = arith.subi %select_n3A_68, %while3A_69 : i32
    %while3A_71 = arith.addi %while3A_69, %while3A_70 : i32
    %while3A_72 = arith.constant 1 : i32
    %while3A_73 = arith.divsi %while3A_70, %while3A_72 : i32
    %while3A_74 = arith.muli %while3A_73, %while3A_72 : i32
    %while3A_75 = arith.addi %while3A_69, %while3A_74 : i32
    %while3A_76 = arith.constant 1 : i32
    scf.for %while3A_87 = %while3A_69 to %while3A_75 step %while3A_76  : i32 {
      %mul3A_88 = arith.constant 2 : i32
      %mul3A_89 = arith.muli %mul3A_88, %while3A_87 : i32
      %mul3A_90 = arith.constant 2 : i32
      %mul3A_91 = arith.muli %mul3A_90, %while3A_87 : i32
      %add3A_92 = arith.constant 1 : i32
      %add3A_93 = arith.addi %mul3A_91, %add3A_92 : i32
      %mul3A_94 = arith.constant 2 : i32
      %mul3A_95 = arith.muli %mul3A_94, %while3A_87 : i32
      %add3A_96 = arith.constant 2 : i32
      %add3A_97 = arith.addi %mul3A_95, %add3A_96 : i32
      %lt3A_98 = arith.cmpi slt, %add3A_93, %select_n3A : i32
      %convert_element_type3A_99 = arith.extui %lt3A_98 : i1 to i32
      %cond3A_100 = arith.constant 0 : i32
      %cond3A_101 = arith.cmpi ne, %convert_element_type3A_99, %cond3A_100 : i32
      scf.if %cond3A_101 {
        %mul3A_132 = arith.constant 32 : i32
        %mul3A_133 = arith.muli %add3A_93, %mul3A_132 : i32
        %add3A_134 = arith.addi %add3A, %mul3A_133 : i32
        %mul3A_135 = arith.constant 896 : i32
        %mul3A_136 = arith.muli %add3A_134, %mul3A_135 : i32
        %multiple_of3A_137 = tpu.assume_multiple %mul3A_136, 128 : i32
        %dma_start3A_138 = arith.constant 0 : i32
        %dma_start3A_139 = arith.constant 0 : i32
        %dma_start3A_140 = tpu.memref_slice %arg6[%dma_start3A_138, %dma_start3A_139] : memref<32x896xf32, #tpu.memory_space<vmem>> -> memref<8x896xf32, #tpu.memory_space<vmem>>
        %dma_start3A_141 = arith.constant 0 : i32
        %dma_start3A_142 = tpu.memref_slice %arg2[%dma_start3A_141, %multiple_of3A_137] : memref<32x1000000xf32, #tpu.memory_space<hbm>> -> memref<8x896xf32, #tpu.memory_space<hbm>>
        %dma_start3A_143 = arith.constant 0 : i32
        %dma_start3A_144 = arith.constant 0 : i32
        %dma_start3A_145 = tpu.memref_slice %arg6[%dma_start3A_143, %dma_start3A_144] : memref<32x896xf32, #tpu.memory_space<vmem>> -> memref<8x896xf32, #tpu.memory_space<vmem>>
        %dma_start3A_146 = arith.constant 0 : i32
        %dma_start3A_147 = tpu.memref_slice %arg2[%dma_start3A_146, %multiple_of3A_137] : memref<32x1000000xf32, #tpu.memory_space<hbm>> -> memref<8x896xf32, #tpu.memory_space<hbm>>
        tpu.enqueue_dma source(%dma_start3A_147 : memref<8x896xf32, #tpu.memory_space<hbm>>) target(%dma_start3A_145 : memref<8x896xf32, #tpu.memory_space<vmem>>) target_semaphore(%arg10 : memref<!tpu.dma_semaphore, #tpu.memory_space<semaphore_mem>>)
        %dma_start3A_148 = arith.constant 8 : i32
        %dma_start3A_149 = arith.constant 0 : i32
        %dma_start3A_150 = tpu.memref_slice %arg6[%dma_start3A_148, %dma_start3A_149] : memref<32x896xf32, #tpu.memory_space<vmem>> -> memref<8x896xf32, #tpu.memory_space<vmem>>
        %dma_start3A_151 = arith.constant 8 : i32
        %dma_start3A_152 = tpu.memref_slice %arg2[%dma_start3A_151, %multiple_of3A_137] : memref<32x1000000xf32, #tpu.memory_space<hbm>> -> memref<8x896xf32, #tpu.memory_space<hbm>>
        %dma_start3A_153 = arith.constant 8 : i32
        %dma_start3A_154 = arith.constant 0 : i32
        %dma_start3A_155 = tpu.memref_slice %arg6[%dma_start3A_153, %dma_start3A_154] : memref<32x896xf32, #tpu.memory_space<vmem>> -> memref<8x896xf32, #tpu.memory_space<vmem>>
        %dma_start3A_156 = arith.constant 8 : i32
        %dma_start3A_157 = tpu.memref_slice %arg2[%dma_start3A_156, %multiple_of3A_137] : memref<32x1000000xf32, #tpu.memory_space<hbm>> -> memref<8x896xf32, #tpu.memory_space<hbm>>
        tpu.enqueue_dma source(%dma_start3A_157 : memref<8x896xf32, #tpu.memory_space<hbm>>) target(%dma_start3A_155 : memref<8x896xf32, #tpu.memory_space<vmem>>) target_semaphore(%arg10 : memref<!tpu.dma_semaphore, #tpu.memory_space<semaphore_mem>>)
        %dma_start3A_158 = arith.constant 16 : i32
        %dma_start3A_159 = arith.constant 0 : i32
        %dma_start3A_160 = tpu.memref_slice %arg6[%dma_start3A_158, %dma_start3A_159] : memref<32x896xf32, #tpu.memory_space<vmem>> -> memref<8x896xf32, #tpu.memory_space<vmem>>
        %dma_start3A_161 = arith.constant 16 : i32
        %dma_start3A_162 = tpu.memref_slice %arg2[%dma_start3A_161, %multiple_of3A_137] : memref<32x1000000xf32, #tpu.memory_space<hbm>> -> memref<8x896xf32, #tpu.memory_space<hbm>>
        %dma_start3A_163 = arith.constant 16 : i32
        %dma_start3A_164 = arith.constant 0 : i32
        %dma_start3A_165 = tpu.memref_slice %arg6[%dma_start3A_163, %dma_start3A_164] : memref<32x896xf32, #tpu.memory_space<vmem>> -> memref<8x896xf32, #tpu.memory_space<vmem>>
        %dma_start3A_166 = arith.constant 16 : i32
        %dma_start3A_167 = tpu.memref_slice %arg2[%dma_start3A_166, %multiple_of3A_137] : memref<32x1000000xf32, #tpu.memory_space<hbm>> -> memref<8x896xf32, #tpu.memory_space<hbm>>
        tpu.enqueue_dma source(%dma_start3A_167 : memref<8x896xf32, #tpu.memory_space<hbm>>) target(%dma_start3A_165 : memref<8x896xf32, #tpu.memory_space<vmem>>) target_semaphore(%arg10 : memref<!tpu.dma_semaphore, #tpu.memory_space<semaphore_mem>>)
        %dma_start3A_168 = arith.constant 24 : i32
        %dma_start3A_169 = arith.constant 0 : i32
        %dma_start3A_170 = tpu.memref_slice %arg6[%dma_start3A_168, %dma_start3A_169] : memref<32x896xf32, #tpu.memory_space<vmem>> -> memref<8x896xf32, #tpu.memory_space<vmem>>
        %dma_start3A_171 = arith.constant 24 : i32
        %dma_start3A_172 = tpu.memref_slice %arg2[%dma_start3A_171, %multiple_of3A_137] : memref<32x1000000xf32, #tpu.memory_space<hbm>> -> memref<8x896xf32, #tpu.memory_space<hbm>>
        %dma_start3A_173 = arith.constant 24 : i32
        %dma_start3A_174 = arith.constant 0 : i32
        %dma_start3A_175 = tpu.memref_slice %arg6[%dma_start3A_173, %dma_start3A_174] : memref<32x896xf32, #tpu.memory_space<vmem>> -> memref<8x896xf32, #tpu.memory_space<vmem>>
        %dma_start3A_176 = arith.constant 24 : i32
        %dma_start3A_177 = tpu.memref_slice %arg2[%dma_start3A_176, %multiple_of3A_137] : memref<32x1000000xf32, #tpu.memory_space<hbm>> -> memref<8x896xf32, #tpu.memory_space<hbm>>
        tpu.enqueue_dma source(%dma_start3A_177 : memref<8x896xf32, #tpu.memory_space<hbm>>) target(%dma_start3A_175 : memref<8x896xf32, #tpu.memory_space<vmem>>) target_semaphore(%arg10 : memref<!tpu.dma_semaphore, #tpu.memory_space<semaphore_mem>>)
      } else {
      }
      %dma_wait3A_102 = arith.constant 0 : i32
      %dma_wait3A_103 = arith.constant 0 : i32
      %dma_wait3A_104 = tpu.memref_slice %arg2[%dma_wait3A_102, %dma_wait3A_103] : memref<32x1000000xf32, #tpu.memory_space<hbm>> -> memref<32x896xf32, #tpu.memory_space<hbm>>
      %dma_wait3A_105 = arith.constant 0 : i32
      %dma_wait3A_106 = arith.constant 0 : i32
      %dma_wait3A_107 = tpu.memref_slice %arg2[%dma_wait3A_105, %dma_wait3A_106] : memref<32x1000000xf32, #tpu.memory_space<hbm>> -> memref<32x896xf32, #tpu.memory_space<hbm>>
      tpu.wait_dma2 semaphore(%arg9 : memref<!tpu.dma_semaphore, #tpu.memory_space<semaphore_mem>>) src(%dma_wait3A_107 : memref<32x896xf32, #tpu.memory_space<hbm>>) dst(%arg5 : memref<32x896xf32, #tpu.memory_space<vmem>>)
      %gt3A = arith.constant 0 : i32
      %gt3A_108 = arith.cmpi sgt, %while3A_87, %gt3A : i32
      %convert_element_type3A_109 = arith.extui %gt3A_108 : i1 to i32
      %cond3A_110 = arith.constant 0 : i32
      %cond3A_111 = arith.cmpi ne, %convert_element_type3A_109, %cond3A_110 : i32
      scf.if %cond3A_111 {
        %dma_wait3A_132 = arith.constant 0 : i32
        %dma_wait3A_133 = tpu.memref_slice %arg4[%dma_wait3A_132] : memref<32000000xf32, #tpu.memory_space<hbm>> -> memref<28672xf32, #tpu.memory_space<hbm>>
        %dma_wait3A_134 = arith.constant 0 : i32
        %dma_wait3A_135 = tpu.memref_slice %arg4[%dma_wait3A_134] : memref<32000000xf32, #tpu.memory_space<hbm>> -> memref<28672xf32, #tpu.memory_space<hbm>>
        tpu.wait_dma2 semaphore(%arg11 : memref<!tpu.dma_semaphore, #tpu.memory_space<semaphore_mem>>) src(%dma_wait3A_135 : memref<28672xf32, #tpu.memory_space<hbm>>) dst(%arg7 : memref<28672xf32, #tpu.memory_space<vmem>>)
      } else {
      }
      %parallel_loop3A = arith.constant 0 : i32
      %parallel_loop3A_112 = arith.constant 56 : i32
      %parallel_loop3A_113 = arith.constant 1 : i32
      scf.for %parallel_loop3A_132 = %parallel_loop3A to %parallel_loop3A_112 step %parallel_loop3A_113  : i32 {
        %parallel_loop3A_133 = arith.constant 16 : i32
        %parallel_loop3A_134 = arith.muli %parallel_loop3A_132, %parallel_loop3A_133 : i32
        %parallel_loop3A_135 = vector.broadcast %parallel_loop3A_134 : i32 to vector<16xi32>
        %parallel_loop3A_136 = arith.addi %iota3A, %parallel_loop3A_135 : vector<16xi32>
        %parallel_loop3A_137 = arith.constant 32 : i32
        %parallel_loop3A_138 = arith.muli %parallel_loop3A_134, %parallel_loop3A_137 : i32
        %parallel_loop3A_139 = arith.constant 0 : i32
        %parallel_loop3A_140 = vector.broadcast %parallel_loop3A_139 : i32 to vector<16xi32>
        %parallel_loop3A_141 = arith.addi %iota3A, %parallel_loop3A_140 : vector<16xi32>
        %parallel_loop3A_142 = arith.constant 15 : i32
        %parallel_loop3A_143 = vector.broadcast %parallel_loop3A_142 : i32 to vector<16xi32>
        %parallel_loop3A_144 = arith.andi %parallel_loop3A_141, %parallel_loop3A_143 : vector<16xi32>
        %parallel_loop3A_145 = arith.constant 0 : i32
        %parallel_loop3A_146 = vector.broadcast %parallel_loop3A_145 : i32 to vector<16xi32>
        %parallel_loop3A_147 = arith.addi %parallel_loop3A_144, %parallel_loop3A_146 : vector<16xi32>
        %parallel_loop3A_148 = tpu.vector_load_idx %arg5[%parallel_loop3A_147, %parallel_loop3A_136] : memref<32x896xf32, #tpu.memory_space<vmem>>[vector<16xi32>, vector<16xi32>], vector<16xf32>,
        %parallel_loop3A_149 = arith.addi %mul3A_3, %parallel_loop3A_144 : vector<16xi32>
        %parallel_loop3A_150 = arith.constant 0 : i32
        %parallel_loop3A_151 = arith.addi %parallel_loop3A_138, %parallel_loop3A_150 : i32
        %parallel_loop3A_152 = vector.broadcast %parallel_loop3A_151 : i32 to vector<16xi32>
        %parallel_loop3A_153 = arith.addi %parallel_loop3A_149, %parallel_loop3A_152 : vector<16xi32>
        %parallel_loop3A_154 = arith.constant 1 : i32
        %parallel_loop3A_155 = vector.broadcast %parallel_loop3A_154 : i32 to vector<16xi32>
        %parallel_loop3A_156 = arith.addi %iota3A, %parallel_loop3A_155 : vector<16xi32>
        %parallel_loop3A_157 = arith.constant 15 : i32
        %parallel_loop3A_158 = vector.broadcast %parallel_loop3A_157 : i32 to vector<16xi32>
        %parallel_loop3A_159 = arith.andi %parallel_loop3A_156, %parallel_loop3A_158 : vector<16xi32>
        %parallel_loop3A_160 = arith.constant 0 : i32
        %parallel_loop3A_161 = vector.broadcast %parallel_loop3A_160 : i32 to vector<16xi32>
        %parallel_loop3A_162 = arith.addi %parallel_loop3A_159, %parallel_loop3A_161 : vector<16xi32>
        %parallel_loop3A_163 = tpu.vector_load_idx %arg5[%parallel_loop3A_162, %parallel_loop3A_136] : memref<32x896xf32, #tpu.memory_space<vmem>>[vector<16xi32>, vector<16xi32>], vector<16xf32>,
        %parallel_loop3A_164 = arith.addi %mul3A_3, %parallel_loop3A_159 : vector<16xi32>
        %parallel_loop3A_165 = arith.constant 0 : i32
        %parallel_loop3A_166 = arith.addi %parallel_loop3A_138, %parallel_loop3A_165 : i32
        %parallel_loop3A_167 = vector.broadcast %parallel_loop3A_166 : i32 to vector<16xi32>
        %parallel_loop3A_168 = arith.addi %parallel_loop3A_164, %parallel_loop3A_167 : vector<16xi32>
        %parallel_loop3A_169 = arith.constant 2 : i32
        %parallel_loop3A_170 = vector.broadcast %parallel_loop3A_169 : i32 to vector<16xi32>
        %parallel_loop3A_171 = arith.addi %iota3A, %parallel_loop3A_170 : vector<16xi32>
        %parallel_loop3A_172 = arith.constant 15 : i32
        %parallel_loop3A_173 = vector.broadcast %parallel_loop3A_172 : i32 to vector<16xi32>
        %parallel_loop3A_174 = arith.andi %parallel_loop3A_171, %parallel_loop3A_173 : vector<16xi32>
        %parallel_loop3A_175 = arith.constant 0 : i32
        %parallel_loop3A_176 = vector.broadcast %parallel_loop3A_175 : i32 to vector<16xi32>
        %parallel_loop3A_177 = arith.addi %parallel_loop3A_174, %parallel_loop3A_176 : vector<16xi32>
        %parallel_loop3A_178 = tpu.vector_load_idx %arg5[%parallel_loop3A_177, %parallel_loop3A_136] : memref<32x896xf32, #tpu.memory_space<vmem>>[vector<16xi32>, vector<16xi32>], vector<16xf32>,
        %parallel_loop3A_179 = arith.addi %mul3A_3, %parallel_loop3A_174 : vector<16xi32>
        %parallel_loop3A_180 = arith.constant 0 : i32
        %parallel_loop3A_181 = arith.addi %parallel_loop3A_138, %parallel_loop3A_180 : i32
        %parallel_loop3A_182 = vector.broadcast %parallel_loop3A_181 : i32 to vector<16xi32>
        %parallel_loop3A_183 = arith.addi %parallel_loop3A_179, %parallel_loop3A_182 : vector<16xi32>
        %parallel_loop3A_184 = arith.constant 3 : i32
        %parallel_loop3A_185 = vector.broadcast %parallel_loop3A_184 : i32 to vector<16xi32>
        %parallel_loop3A_186 = arith.addi %iota3A, %parallel_loop3A_185 : vector<16xi32>
        %parallel_loop3A_187 = arith.constant 15 : i32
        %parallel_loop3A_188 = vector.broadcast %parallel_loop3A_187 : i32 to vector<16xi32>
        %parallel_loop3A_189 = arith.andi %parallel_loop3A_186, %parallel_loop3A_188 : vector<16xi32>
        %parallel_loop3A_190 = arith.constant 0 : i32
        %parallel_loop3A_191 = vector.broadcast %parallel_loop3A_190 : i32 to vector<16xi32>
        %parallel_loop3A_192 = arith.addi %parallel_loop3A_189, %parallel_loop3A_191 : vector<16xi32>
        %parallel_loop3A_193 = tpu.vector_load_idx %arg5[%parallel_loop3A_192, %parallel_loop3A_136] : memref<32x896xf32, #tpu.memory_space<vmem>>[vector<16xi32>, vector<16xi32>], vector<16xf32>,
        %parallel_loop3A_194 = arith.addi %mul3A_3, %parallel_loop3A_189 : vector<16xi32>
        %parallel_loop3A_195 = arith.constant 0 : i32
        %parallel_loop3A_196 = arith.addi %parallel_loop3A_138, %parallel_loop3A_195 : i32
        %parallel_loop3A_197 = vector.broadcast %parallel_loop3A_196 : i32 to vector<16xi32>
        %parallel_loop3A_198 = arith.addi %parallel_loop3A_194, %parallel_loop3A_197 : vector<16xi32>
        tpu.vector_store_idx %arg7[%parallel_loop3A_153], %parallel_loop3A_148 : memref<28672xf32, #tpu.memory_space<vmem>>[vector<16xi32>], vector<16xf32>,
        tpu.vector_store_idx %arg7[%parallel_loop3A_168], %parallel_loop3A_163 : memref<28672xf32, #tpu.memory_space<vmem>>[vector<16xi32>], vector<16xf32>,
        tpu.vector_store_idx %arg7[%parallel_loop3A_183], %parallel_loop3A_178 : memref<28672xf32, #tpu.memory_space<vmem>>[vector<16xi32>], vector<16xf32>,
        tpu.vector_store_idx %arg7[%parallel_loop3A_198], %parallel_loop3A_193 : memref<28672xf32, #tpu.memory_space<vmem>>[vector<16xi32>], vector<16xf32>,
        %parallel_loop3A_199 = arith.constant 4 : i32
        %parallel_loop3A_200 = vector.broadcast %parallel_loop3A_199 : i32 to vector<16xi32>
        %parallel_loop3A_201 = arith.addi %iota3A, %parallel_loop3A_200 : vector<16xi32>
        %parallel_loop3A_202 = arith.constant 15 : i32
        %parallel_loop3A_203 = vector.broadcast %parallel_loop3A_202 : i32 to vector<16xi32>
        %parallel_loop3A_204 = arith.andi %parallel_loop3A_201, %parallel_loop3A_203 : vector<16xi32>
        %parallel_loop3A_205 = arith.constant 0 : i32
        %parallel_loop3A_206 = vector.broadcast %parallel_loop3A_205 : i32 to vector<16xi32>
        %parallel_loop3A_207 = arith.addi %parallel_loop3A_204, %parallel_loop3A_206 : vector<16xi32>
        %parallel_loop3A_208 = tpu.vector_load_idx %arg5[%parallel_loop3A_207, %parallel_loop3A_136] : memref<32x896xf32, #tpu.memory_space<vmem>>[vector<16xi32>, vector<16xi32>], vector<16xf32>,
        %parallel_loop3A_209 = arith.addi %mul3A_3, %parallel_loop3A_204 : vector<16xi32>
        %parallel_loop3A_210 = arith.constant 0 : i32
        %parallel_loop3A_211 = arith.addi %parallel_loop3A_138, %parallel_loop3A_210 : i32
        %parallel_loop3A_212 = vector.broadcast %parallel_loop3A_211 : i32 to vector<16xi32>
        %parallel_loop3A_213 = arith.addi %parallel_loop3A_209, %parallel_loop3A_212 : vector<16xi32>
        %parallel_loop3A_214 = arith.constant 5 : i32
        %parallel_loop3A_215 = vector.broadcast %parallel_loop3A_214 : i32 to vector<16xi32>
        %parallel_loop3A_216 = arith.addi %iota3A, %parallel_loop3A_215 : vector<16xi32>
        %parallel_loop3A_217 = arith.constant 15 : i32
        %parallel_loop3A_218 = vector.broadcast %parallel_loop3A_217 : i32 to vector<16xi32>
        %parallel_loop3A_219 = arith.andi %parallel_loop3A_216, %parallel_loop3A_218 : vector<16xi32>
        %parallel_loop3A_220 = arith.constant 0 : i32
        %parallel_loop3A_221 = vector.broadcast %parallel_loop3A_220 : i32 to vector<16xi32>
        %parallel_loop3A_222 = arith.addi %parallel_loop3A_219, %parallel_loop3A_221 : vector<16xi32>
        %parallel_loop3A_223 = tpu.vector_load_idx %arg5[%parallel_loop3A_222, %parallel_loop3A_136] : memref<32x896xf32, #tpu.memory_space<vmem>>[vector<16xi32>, vector<16xi32>], vector<16xf32>,
        %parallel_loop3A_224 = arith.addi %mul3A_3, %parallel_loop3A_219 : vector<16xi32>
        %parallel_loop3A_225 = arith.constant 0 : i32
        %parallel_loop3A_226 = arith.addi %parallel_loop3A_138, %parallel_loop3A_225 : i32
        %parallel_loop3A_227 = vector.broadcast %parallel_loop3A_226 : i32 to vector<16xi32>
        %parallel_loop3A_228 = arith.addi %parallel_loop3A_224, %parallel_loop3A_227 : vector<16xi32>
        %parallel_loop3A_229 = arith.constant 6 : i32
        %parallel_loop3A_230 = vector.broadcast %parallel_loop3A_229 : i32 to vector<16xi32>
        %parallel_loop3A_231 = arith.addi %iota3A, %parallel_loop3A_230 : vector<16xi32>
        %parallel_loop3A_232 = arith.constant 15 : i32
        %parallel_loop3A_233 = vector.broadcast %parallel_loop3A_232 : i32 to vector<16xi32>
        %parallel_loop3A_234 = arith.andi %parallel_loop3A_231, %parallel_loop3A_233 : vector<16xi32>
        %parallel_loop3A_235 = arith.constant 0 : i32
        %parallel_loop3A_236 = vector.broadcast %parallel_loop3A_235 : i32 to vector<16xi32>
        %parallel_loop3A_237 = arith.addi %parallel_loop3A_234, %parallel_loop3A_236 : vector<16xi32>
        %parallel_loop3A_238 = tpu.vector_load_idx %arg5[%parallel_loop3A_237, %parallel_loop3A_136] : memref<32x896xf32, #tpu.memory_space<vmem>>[vector<16xi32>, vector<16xi32>], vector<16xf32>,
        %parallel_loop3A_239 = arith.addi %mul3A_3, %parallel_loop3A_234 : vector<16xi32>
        %parallel_loop3A_240 = arith.constant 0 : i32
        %parallel_loop3A_241 = arith.addi %parallel_loop3A_138, %parallel_loop3A_240 : i32
        %parallel_loop3A_242 = vector.broadcast %parallel_loop3A_241 : i32 to vector<16xi32>
        %parallel_loop3A_243 = arith.addi %parallel_loop3A_239, %parallel_loop3A_242 : vector<16xi32>
        %parallel_loop3A_244 = arith.constant 7 : i32
        %parallel_loop3A_245 = vector.broadcast %parallel_loop3A_244 : i32 to vector<16xi32>
        %parallel_loop3A_246 = arith.addi %iota3A, %parallel_loop3A_245 : vector<16xi32>
        %parallel_loop3A_247 = arith.constant 15 : i32
        %parallel_loop3A_248 = vector.broadcast %parallel_loop3A_247 : i32 to vector<16xi32>
        %parallel_loop3A_249 = arith.andi %parallel_loop3A_246, %parallel_loop3A_248 : vector<16xi32>
        %parallel_loop3A_250 = arith.constant 0 : i32
        %parallel_loop3A_251 = vector.broadcast %parallel_loop3A_250 : i32 to vector<16xi32>
        %parallel_loop3A_252 = arith.addi %parallel_loop3A_249, %parallel_loop3A_251 : vector<16xi32>
        %parallel_loop3A_253 = tpu.vector_load_idx %arg5[%parallel_loop3A_252, %parallel_loop3A_136] : memref<32x896xf32, #tpu.memory_space<vmem>>[vector<16xi32>, vector<16xi32>], vector<16xf32>,
        %parallel_loop3A_254 = arith.addi %mul3A_3, %parallel_loop3A_249 : vector<16xi32>
        %parallel_loop3A_255 = arith.constant 0 : i32
        %parallel_loop3A_256 = arith.addi %parallel_loop3A_138, %parallel_loop3A_255 : i32
        %parallel_loop3A_257 = vector.broadcast %parallel_loop3A_256 : i32 to vector<16xi32>
        %parallel_loop3A_258 = arith.addi %parallel_loop3A_254, %parallel_loop3A_257 : vector<16xi32>
        tpu.vector_store_idx %arg7[%parallel_loop3A_213], %parallel_loop3A_208 : memref<28672xf32, #tpu.memory_space<vmem>>[vector<16xi32>], vector<16xf32>,
        tpu.vector_store_idx %arg7[%parallel_loop3A_228], %parallel_loop3A_223 : memref<28672xf32, #tpu.memory_space<vmem>>[vector<16xi32>], vector<16xf32>,
        tpu.vector_store_idx %arg7[%parallel_loop3A_243], %parallel_loop3A_238 : memref<28672xf32, #tpu.memory_space<vmem>>[vector<16xi32>], vector<16xf32>,
        tpu.vector_store_idx %arg7[%parallel_loop3A_258], %parallel_loop3A_253 : memref<28672xf32, #tpu.memory_space<vmem>>[vector<16xi32>], vector<16xf32>,
        %parallel_loop3A_259 = arith.constant 8 : i32
        %parallel_loop3A_260 = vector.broadcast %parallel_loop3A_259 : i32 to vector<16xi32>
        %parallel_loop3A_261 = arith.addi %iota3A, %parallel_loop3A_260 : vector<16xi32>
        %parallel_loop3A_262 = arith.constant 15 : i32
        %parallel_loop3A_263 = vector.broadcast %parallel_loop3A_262 : i32 to vector<16xi32>
        %parallel_loop3A_264 = arith.andi %parallel_loop3A_261, %parallel_loop3A_263 : vector<16xi32>
        %parallel_loop3A_265 = arith.constant 0 : i32
        %parallel_loop3A_266 = vector.broadcast %parallel_loop3A_265 : i32 to vector<16xi32>
        %parallel_loop3A_267 = arith.addi %parallel_loop3A_264, %parallel_loop3A_266 : vector<16xi32>
        %parallel_loop3A_268 = tpu.vector_load_idx %arg5[%parallel_loop3A_267, %parallel_loop3A_136] : memref<32x896xf32, #tpu.memory_space<vmem>>[vector<16xi32>, vector<16xi32>], vector<16xf32>,
        %parallel_loop3A_269 = arith.addi %mul3A_3, %parallel_loop3A_264 : vector<16xi32>
        %parallel_loop3A_270 = arith.constant 0 : i32
        %parallel_loop3A_271 = arith.addi %parallel_loop3A_138, %parallel_loop3A_270 : i32
        %parallel_loop3A_272 = vector.broadcast %parallel_loop3A_271 : i32 to vector<16xi32>
        %parallel_loop3A_273 = arith.addi %parallel_loop3A_269, %parallel_loop3A_272 : vector<16xi32>
        %parallel_loop3A_274 = arith.constant 9 : i32
        %parallel_loop3A_275 = vector.broadcast %parallel_loop3A_274 : i32 to vector<16xi32>
        %parallel_loop3A_276 = arith.addi %iota3A, %parallel_loop3A_275 : vector<16xi32>
        %parallel_loop3A_277 = arith.constant 15 : i32
        %parallel_loop3A_278 = vector.broadcast %parallel_loop3A_277 : i32 to vector<16xi32>
        %parallel_loop3A_279 = arith.andi %parallel_loop3A_276, %parallel_loop3A_278 : vector<16xi32>
        %parallel_loop3A_280 = arith.constant 0 : i32
        %parallel_loop3A_281 = vector.broadcast %parallel_loop3A_280 : i32 to vector<16xi32>
        %parallel_loop3A_282 = arith.addi %parallel_loop3A_279, %parallel_loop3A_281 : vector<16xi32>
        %parallel_loop3A_283 = tpu.vector_load_idx %arg5[%parallel_loop3A_282, %parallel_loop3A_136] : memref<32x896xf32, #tpu.memory_space<vmem>>[vector<16xi32>, vector<16xi32>], vector<16xf32>,
        %parallel_loop3A_284 = arith.addi %mul3A_3, %parallel_loop3A_279 : vector<16xi32>
        %parallel_loop3A_285 = arith.constant 0 : i32
        %parallel_loop3A_286 = arith.addi %parallel_loop3A_138, %parallel_loop3A_285 : i32
        %parallel_loop3A_287 = vector.broadcast %parallel_loop3A_286 : i32 to vector<16xi32>
        %parallel_loop3A_288 = arith.addi %parallel_loop3A_284, %parallel_loop3A_287 : vector<16xi32>
        %parallel_loop3A_289 = arith.constant 10 : i32
        %parallel_loop3A_290 = vector.broadcast %parallel_loop3A_289 : i32 to vector<16xi32>
        %parallel_loop3A_291 = arith.addi %iota3A, %parallel_loop3A_290 : vector<16xi32>
        %parallel_loop3A_292 = arith.constant 15 : i32
        %parallel_loop3A_293 = vector.broadcast %parallel_loop3A_292 : i32 to vector<16xi32>
        %parallel_loop3A_294 = arith.andi %parallel_loop3A_291, %parallel_loop3A_293 : vector<16xi32>
        %parallel_loop3A_295 = arith.constant 0 : i32
        %parallel_loop3A_296 = vector.broadcast %parallel_loop3A_295 : i32 to vector<16xi32>
        %parallel_loop3A_297 = arith.addi %parallel_loop3A_294, %parallel_loop3A_296 : vector<16xi32>
        %parallel_loop3A_298 = tpu.vector_load_idx %arg5[%parallel_loop3A_297, %parallel_loop3A_136] : memref<32x896xf32, #tpu.memory_space<vmem>>[vector<16xi32>, vector<16xi32>], vector<16xf32>,
        %parallel_loop3A_299 = arith.addi %mul3A_3, %parallel_loop3A_294 : vector<16xi32>
        %parallel_loop3A_300 = arith.constant 0 : i32
        %parallel_loop3A_301 = arith.addi %parallel_loop3A_138, %parallel_loop3A_300 : i32
        %parallel_loop3A_302 = vector.broadcast %parallel_loop3A_301 : i32 to vector<16xi32>
        %parallel_loop3A_303 = arith.addi %parallel_loop3A_299, %parallel_loop3A_302 : vector<16xi32>
        %parallel_loop3A_304 = arith.constant 11 : i32
        %parallel_loop3A_305 = vector.broadcast %parallel_loop3A_304 : i32 to vector<16xi32>
        %parallel_loop3A_306 = arith.addi %iota3A, %parallel_loop3A_305 : vector<16xi32>
        %parallel_loop3A_307 = arith.constant 15 : i32
        %parallel_loop3A_308 = vector.broadcast %parallel_loop3A_307 : i32 to vector<16xi32>
        %parallel_loop3A_309 = arith.andi %parallel_loop3A_306, %parallel_loop3A_308 : vector<16xi32>
        %parallel_loop3A_310 = arith.constant 0 : i32
        %parallel_loop3A_311 = vector.broadcast %parallel_loop3A_310 : i32 to vector<16xi32>
        %parallel_loop3A_312 = arith.addi %parallel_loop3A_309, %parallel_loop3A_311 : vector<16xi32>
        %parallel_loop3A_313 = tpu.vector_load_idx %arg5[%parallel_loop3A_312, %parallel_loop3A_136] : memref<32x896xf32, #tpu.memory_space<vmem>>[vector<16xi32>, vector<16xi32>], vector<16xf32>,
        %parallel_loop3A_314 = arith.addi %mul3A_3, %parallel_loop3A_309 : vector<16xi32>
        %parallel_loop3A_315 = arith.constant 0 : i32
        %parallel_loop3A_316 = arith.addi %parallel_loop3A_138, %parallel_loop3A_315 : i32
        %parallel_loop3A_317 = vector.broadcast %parallel_loop3A_316 : i32 to vector<16xi32>
        %parallel_loop3A_318 = arith.addi %parallel_loop3A_314, %parallel_loop3A_317 : vector<16xi32>
        tpu.vector_store_idx %arg7[%parallel_loop3A_273], %parallel_loop3A_268 : memref<28672xf32, #tpu.memory_space<vmem>>[vector<16xi32>], vector<16xf32>,
        tpu.vector_store_idx %arg7[%parallel_loop3A_288], %parallel_loop3A_283 : memref<28672xf32, #tpu.memory_space<vmem>>[vector<16xi32>], vector<16xf32>,
        tpu.vector_store_idx %arg7[%parallel_loop3A_303], %parallel_loop3A_298 : memref<28672xf32, #tpu.memory_space<vmem>>[vector<16xi32>], vector<16xf32>,
        tpu.vector_store_idx %arg7[%parallel_loop3A_318], %parallel_loop3A_313 : memref<28672xf32, #tpu.memory_space<vmem>>[vector<16xi32>], vector<16xf32>,
        %parallel_loop3A_319 = arith.constant 12 : i32
        %parallel_loop3A_320 = vector.broadcast %parallel_loop3A_319 : i32 to vector<16xi32>
        %parallel_loop3A_321 = arith.addi %iota3A, %parallel_loop3A_320 : vector<16xi32>
        %parallel_loop3A_322 = arith.constant 15 : i32
        %parallel_loop3A_323 = vector.broadcast %parallel_loop3A_322 : i32 to vector<16xi32>
        %parallel_loop3A_324 = arith.andi %parallel_loop3A_321, %parallel_loop3A_323 : vector<16xi32>
        %parallel_loop3A_325 = arith.constant 0 : i32
        %parallel_loop3A_326 = vector.broadcast %parallel_loop3A_325 : i32 to vector<16xi32>
        %parallel_loop3A_327 = arith.addi %parallel_loop3A_324, %parallel_loop3A_326 : vector<16xi32>
        %parallel_loop3A_328 = tpu.vector_load_idx %arg5[%parallel_loop3A_327, %parallel_loop3A_136] : memref<32x896xf32, #tpu.memory_space<vmem>>[vector<16xi32>, vector<16xi32>], vector<16xf32>,
        %parallel_loop3A_329 = arith.addi %mul3A_3, %parallel_loop3A_324 : vector<16xi32>
        %parallel_loop3A_330 = arith.constant 0 : i32
        %parallel_loop3A_331 = arith.addi %parallel_loop3A_138, %parallel_loop3A_330 : i32
        %parallel_loop3A_332 = vector.broadcast %parallel_loop3A_331 : i32 to vector<16xi32>
        %parallel_loop3A_333 = arith.addi %parallel_loop3A_329, %parallel_loop3A_332 : vector<16xi32>
        %parallel_loop3A_334 = arith.constant 13 : i32
        %parallel_loop3A_335 = vector.broadcast %parallel_loop3A_334 : i32 to vector<16xi32>
        %parallel_loop3A_336 = arith.addi %iota3A, %parallel_loop3A_335 : vector<16xi32>
        %parallel_loop3A_337 = arith.constant 15 : i32
        %parallel_loop3A_338 = vector.broadcast %parallel_loop3A_337 : i32 to vector<16xi32>
        %parallel_loop3A_339 = arith.andi %parallel_loop3A_336, %parallel_loop3A_338 : vector<16xi32>
        %parallel_loop3A_340 = arith.constant 0 : i32
        %parallel_loop3A_341 = vector.broadcast %parallel_loop3A_340 : i32 to vector<16xi32>
        %parallel_loop3A_342 = arith.addi %parallel_loop3A_339, %parallel_loop3A_341 : vector<16xi32>
        %parallel_loop3A_343 = tpu.vector_load_idx %arg5[%parallel_loop3A_342, %parallel_loop3A_136] : memref<32x896xf32, #tpu.memory_space<vmem>>[vector<16xi32>, vector<16xi32>], vector<16xf32>,
        %parallel_loop3A_344 = arith.addi %mul3A_3, %parallel_loop3A_339 : vector<16xi32>
        %parallel_loop3A_345 = arith.constant 0 : i32
        %parallel_loop3A_346 = arith.addi %parallel_loop3A_138, %parallel_loop3A_345 : i32
        %parallel_loop3A_347 = vector.broadcast %parallel_loop3A_346 : i32 to vector<16xi32>
        %parallel_loop3A_348 = arith.addi %parallel_loop3A_344, %parallel_loop3A_347 : vector<16xi32>
        %parallel_loop3A_349 = arith.constant 14 : i32
        %parallel_loop3A_350 = vector.broadcast %parallel_loop3A_349 : i32 to vector<16xi32>
        %parallel_loop3A_351 = arith.addi %iota3A, %parallel_loop3A_350 : vector<16xi32>
        %parallel_loop3A_352 = arith.constant 15 : i32
        %parallel_loop3A_353 = vector.broadcast %parallel_loop3A_352 : i32 to vector<16xi32>
        %parallel_loop3A_354 = arith.andi %parallel_loop3A_351, %parallel_loop3A_353 : vector<16xi32>
        %parallel_loop3A_355 = arith.constant 0 : i32
        %parallel_loop3A_356 = vector.broadcast %parallel_loop3A_355 : i32 to vector<16xi32>
        %parallel_loop3A_357 = arith.addi %parallel_loop3A_354, %parallel_loop3A_356 : vector<16xi32>
        %parallel_loop3A_358 = tpu.vector_load_idx %arg5[%parallel_loop3A_357, %parallel_loop3A_136] : memref<32x896xf32, #tpu.memory_space<vmem>>[vector<16xi32>, vector<16xi32>], vector<16xf32>,
        %parallel_loop3A_359 = arith.addi %mul3A_3, %parallel_loop3A_354 : vector<16xi32>
        %parallel_loop3A_360 = arith.constant 0 : i32
        %parallel_loop3A_361 = arith.addi %parallel_loop3A_138, %parallel_loop3A_360 : i32
        %parallel_loop3A_362 = vector.broadcast %parallel_loop3A_361 : i32 to vector<16xi32>
        %parallel_loop3A_363 = arith.addi %parallel_loop3A_359, %parallel_loop3A_362 : vector<16xi32>
        %parallel_loop3A_364 = arith.constant 15 : i32
        %parallel_loop3A_365 = vector.broadcast %parallel_loop3A_364 : i32 to vector<16xi32>
        %parallel_loop3A_366 = arith.addi %iota3A, %parallel_loop3A_365 : vector<16xi32>
        %parallel_loop3A_367 = arith.constant 15 : i32
        %parallel_loop3A_368 = vector.broadcast %parallel_loop3A_367 : i32 to vector<16xi32>
        %parallel_loop3A_369 = arith.andi %parallel_loop3A_366, %parallel_loop3A_368 : vector<16xi32>
        %parallel_loop3A_370 = arith.constant 0 : i32
        %parallel_loop3A_371 = vector.broadcast %parallel_loop3A_370 : i32 to vector<16xi32>
        %parallel_loop3A_372 = arith.addi %parallel_loop3A_369, %parallel_loop3A_371 : vector<16xi32>
        %parallel_loop3A_373 = tpu.vector_load_idx %arg5[%parallel_loop3A_372, %parallel_loop3A_136] : memref<32x896xf32, #tpu.memory_space<vmem>>[vector<16xi32>, vector<16xi32>], vector<16xf32>,
        %parallel_loop3A_374 = arith.addi %mul3A_3, %parallel_loop3A_369 : vector<16xi32>
        %parallel_loop3A_375 = arith.constant 0 : i32
        %parallel_loop3A_376 = arith.addi %parallel_loop3A_138, %parallel_loop3A_375 : i32
        %parallel_loop3A_377 = vector.broadcast %parallel_loop3A_376 : i32 to vector<16xi32>
        %parallel_loop3A_378 = arith.addi %parallel_loop3A_374, %parallel_loop3A_377 : vector<16xi32>
        tpu.vector_store_idx %arg7[%parallel_loop3A_333], %parallel_loop3A_328 : memref<28672xf32, #tpu.memory_space<vmem>>[vector<16xi32>], vector<16xf32>,
        tpu.vector_store_idx %arg7[%parallel_loop3A_348], %parallel_loop3A_343 : memref<28672xf32, #tpu.memory_space<vmem>>[vector<16xi32>], vector<16xf32>,
        tpu.vector_store_idx %arg7[%parallel_loop3A_363], %parallel_loop3A_358 : memref<28672xf32, #tpu.memory_space<vmem>>[vector<16xi32>], vector<16xf32>,
        tpu.vector_store_idx %arg7[%parallel_loop3A_378], %parallel_loop3A_373 : memref<28672xf32, #tpu.memory_space<vmem>>[vector<16xi32>], vector<16xf32>,
        %parallel_loop3A_379 = arith.constant 0 : i32
        %parallel_loop3A_380 = vector.broadcast %parallel_loop3A_379 : i32 to vector<16xi32>
        %parallel_loop3A_381 = arith.addi %iota3A, %parallel_loop3A_380 : vector<16xi32>
        %parallel_loop3A_382 = arith.constant 15 : i32
        %parallel_loop3A_383 = vector.broadcast %parallel_loop3A_382 : i32 to vector<16xi32>
        %parallel_loop3A_384 = arith.andi %parallel_loop3A_381, %parallel_loop3A_383 : vector<16xi32>
        %parallel_loop3A_385 = arith.constant 16 : i32
        %parallel_loop3A_386 = vector.broadcast %parallel_loop3A_385 : i32 to vector<16xi32>
        %parallel_loop3A_387 = arith.addi %parallel_loop3A_384, %parallel_loop3A_386 : vector<16xi32>
        %parallel_loop3A_388 = tpu.vector_load_idx %arg5[%parallel_loop3A_387, %parallel_loop3A_136] : memref<32x896xf32, #tpu.memory_space<vmem>>[vector<16xi32>, vector<16xi32>], vector<16xf32>,
        %parallel_loop3A_389 = arith.addi %mul3A_3, %parallel_loop3A_384 : vector<16xi32>
        %parallel_loop3A_390 = arith.constant 16 : i32
        %parallel_loop3A_391 = arith.addi %parallel_loop3A_138, %parallel_loop3A_390 : i32
        %parallel_loop3A_392 = vector.broadcast %parallel_loop3A_391 : i32 to vector<16xi32>
        %parallel_loop3A_393 = arith.addi %parallel_loop3A_389, %parallel_loop3A_392 : vector<16xi32>
        %parallel_loop3A_394 = arith.constant 1 : i32
        %parallel_loop3A_395 = vector.broadcast %parallel_loop3A_394 : i32 to vector<16xi32>
        %parallel_loop3A_396 = arith.addi %iota3A, %parallel_loop3A_395 : vector<16xi32>
        %parallel_loop3A_397 = arith.constant 15 : i32
        %parallel_loop3A_398 = vector.broadcast %parallel_loop3A_397 : i32 to vector<16xi32>
        %parallel_loop3A_399 = arith.andi %parallel_loop3A_396, %parallel_loop3A_398 : vector<16xi32>
        %parallel_loop3A_400 = arith.constant 16 : i32
        %parallel_loop3A_401 = vector.broadcast %parallel_loop3A_400 : i32 to vector<16xi32>
        %parallel_loop3A_402 = arith.addi %parallel_loop3A_399, %parallel_loop3A_401 : vector<16xi32>
        %parallel_loop3A_403 = tpu.vector_load_idx %arg5[%parallel_loop3A_402, %parallel_loop3A_136] : memref<32x896xf32, #tpu.memory_space<vmem>>[vector<16xi32>, vector<16xi32>], vector<16xf32>,
        %parallel_loop3A_404 = arith.addi %mul3A_3, %parallel_loop3A_399 : vector<16xi32>
        %parallel_loop3A_405 = arith.constant 16 : i32
        %parallel_loop3A_406 = arith.addi %parallel_loop3A_138, %parallel_loop3A_405 : i32
        %parallel_loop3A_407 = vector.broadcast %parallel_loop3A_406 : i32 to vector<16xi32>
        %parallel_loop3A_408 = arith.addi %parallel_loop3A_404, %parallel_loop3A_407 : vector<16xi32>
        %parallel_loop3A_409 = arith.constant 2 : i32
        %parallel_loop3A_410 = vector.broadcast %parallel_loop3A_409 : i32 to vector<16xi32>
        %parallel_loop3A_411 = arith.addi %iota3A, %parallel_loop3A_410 : vector<16xi32>
        %parallel_loop3A_412 = arith.constant 15 : i32
        %parallel_loop3A_413 = vector.broadcast %parallel_loop3A_412 : i32 to vector<16xi32>
        %parallel_loop3A_414 = arith.andi %parallel_loop3A_411, %parallel_loop3A_413 : vector<16xi32>
        %parallel_loop3A_415 = arith.constant 16 : i32
        %parallel_loop3A_416 = vector.broadcast %parallel_loop3A_415 : i32 to vector<16xi32>
        %parallel_loop3A_417 = arith.addi %parallel_loop3A_414, %parallel_loop3A_416 : vector<16xi32>
        %parallel_loop3A_418 = tpu.vector_load_idx %arg5[%parallel_loop3A_417, %parallel_loop3A_136] : memref<32x896xf32, #tpu.memory_space<vmem>>[vector<16xi32>, vector<16xi32>], vector<16xf32>,
        %parallel_loop3A_419 = arith.addi %mul3A_3, %parallel_loop3A_414 : vector<16xi32>
        %parallel_loop3A_420 = arith.constant 16 : i32
        %parallel_loop3A_421 = arith.addi %parallel_loop3A_138, %parallel_loop3A_420 : i32
        %parallel_loop3A_422 = vector.broadcast %parallel_loop3A_421 : i32 to vector<16xi32>
        %parallel_loop3A_423 = arith.addi %parallel_loop3A_419, %parallel_loop3A_422 : vector<16xi32>
        %parallel_loop3A_424 = arith.constant 3 : i32
        %parallel_loop3A_425 = vector.broadcast %parallel_loop3A_424 : i32 to vector<16xi32>
        %parallel_loop3A_426 = arith.addi %iota3A, %parallel_loop3A_425 : vector<16xi32>
        %parallel_loop3A_427 = arith.constant 15 : i32
        %parallel_loop3A_428 = vector.broadcast %parallel_loop3A_427 : i32 to vector<16xi32>
        %parallel_loop3A_429 = arith.andi %parallel_loop3A_426, %parallel_loop3A_428 : vector<16xi32>
        %parallel_loop3A_430 = arith.constant 16 : i32
        %parallel_loop3A_431 = vector.broadcast %parallel_loop3A_430 : i32 to vector<16xi32>
        %parallel_loop3A_432 = arith.addi %parallel_loop3A_429, %parallel_loop3A_431 : vector<16xi32>
        %parallel_loop3A_433 = tpu.vector_load_idx %arg5[%parallel_loop3A_432, %parallel_loop3A_136] : memref<32x896xf32, #tpu.memory_space<vmem>>[vector<16xi32>, vector<16xi32>], vector<16xf32>,
        %parallel_loop3A_434 = arith.addi %mul3A_3, %parallel_loop3A_429 : vector<16xi32>
        %parallel_loop3A_435 = arith.constant 16 : i32
        %parallel_loop3A_436 = arith.addi %parallel_loop3A_138, %parallel_loop3A_435 : i32
        %parallel_loop3A_437 = vector.broadcast %parallel_loop3A_436 : i32 to vector<16xi32>
        %parallel_loop3A_438 = arith.addi %parallel_loop3A_434, %parallel_loop3A_437 : vector<16xi32>
        tpu.vector_store_idx %arg7[%parallel_loop3A_393], %parallel_loop3A_388 : memref<28672xf32, #tpu.memory_space<vmem>>[vector<16xi32>], vector<16xf32>,
        tpu.vector_store_idx %arg7[%parallel_loop3A_408], %parallel_loop3A_403 : memref<28672xf32, #tpu.memory_space<vmem>>[vector<16xi32>], vector<16xf32>,
        tpu.vector_store_idx %arg7[%parallel_loop3A_423], %parallel_loop3A_418 : memref<28672xf32, #tpu.memory_space<vmem>>[vector<16xi32>], vector<16xf32>,
        tpu.vector_store_idx %arg7[%parallel_loop3A_438], %parallel_loop3A_433 : memref<28672xf32, #tpu.memory_space<vmem>>[vector<16xi32>], vector<16xf32>,
        %parallel_loop3A_439 = arith.constant 4 : i32
        %parallel_loop3A_440 = vector.broadcast %parallel_loop3A_439 : i32 to vector<16xi32>
        %parallel_loop3A_441 = arith.addi %iota3A, %parallel_loop3A_440 : vector<16xi32>
        %parallel_loop3A_442 = arith.constant 15 : i32
        %parallel_loop3A_443 = vector.broadcast %parallel_loop3A_442 : i32 to vector<16xi32>
        %parallel_loop3A_444 = arith.andi %parallel_loop3A_441, %parallel_loop3A_443 : vector<16xi32>
        %parallel_loop3A_445 = arith.constant 16 : i32
        %parallel_loop3A_446 = vector.broadcast %parallel_loop3A_445 : i32 to vector<16xi32>
        %parallel_loop3A_447 = arith.addi %parallel_loop3A_444, %parallel_loop3A_446 : vector<16xi32>
        %parallel_loop3A_448 = tpu.vector_load_idx %arg5[%parallel_loop3A_447, %parallel_loop3A_136] : memref<32x896xf32, #tpu.memory_space<vmem>>[vector<16xi32>, vector<16xi32>], vector<16xf32>,
        %parallel_loop3A_449 = arith.addi %mul3A_3, %parallel_loop3A_444 : vector<16xi32>
        %parallel_loop3A_450 = arith.constant 16 : i32
        %parallel_loop3A_451 = arith.addi %parallel_loop3A_138, %parallel_loop3A_450 : i32
        %parallel_loop3A_452 = vector.broadcast %parallel_loop3A_451 : i32 to vector<16xi32>
        %parallel_loop3A_453 = arith.addi %parallel_loop3A_449, %parallel_loop3A_452 : vector<16xi32>
        %parallel_loop3A_454 = arith.constant 5 : i32
        %parallel_loop3A_455 = vector.broadcast %parallel_loop3A_454 : i32 to vector<16xi32>
        %parallel_loop3A_456 = arith.addi %iota3A, %parallel_loop3A_455 : vector<16xi32>
        %parallel_loop3A_457 = arith.constant 15 : i32
        %parallel_loop3A_458 = vector.broadcast %parallel_loop3A_457 : i32 to vector<16xi32>
        %parallel_loop3A_459 = arith.andi %parallel_loop3A_456, %parallel_loop3A_458 : vector<16xi32>
        %parallel_loop3A_460 = arith.constant 16 : i32
        %parallel_loop3A_461 = vector.broadcast %parallel_loop3A_460 : i32 to vector<16xi32>
        %parallel_loop3A_462 = arith.addi %parallel_loop3A_459, %parallel_loop3A_461 : vector<16xi32>
        %parallel_loop3A_463 = tpu.vector_load_idx %arg5[%parallel_loop3A_462, %parallel_loop3A_136] : memref<32x896xf32, #tpu.memory_space<vmem>>[vector<16xi32>, vector<16xi32>], vector<16xf32>,
        %parallel_loop3A_464 = arith.addi %mul3A_3, %parallel_loop3A_459 : vector<16xi32>
        %parallel_loop3A_465 = arith.constant 16 : i32
        %parallel_loop3A_466 = arith.addi %parallel_loop3A_138, %parallel_loop3A_465 : i32
        %parallel_loop3A_467 = vector.broadcast %parallel_loop3A_466 : i32 to vector<16xi32>
        %parallel_loop3A_468 = arith.addi %parallel_loop3A_464, %parallel_loop3A_467 : vector<16xi32>
        %parallel_loop3A_469 = arith.constant 6 : i32
        %parallel_loop3A_470 = vector.broadcast %parallel_loop3A_469 : i32 to vector<16xi32>
        %parallel_loop3A_471 = arith.addi %iota3A, %parallel_loop3A_470 : vector<16xi32>
        %parallel_loop3A_472 = arith.constant 15 : i32
        %parallel_loop3A_473 = vector.broadcast %parallel_loop3A_472 : i32 to vector<16xi32>
        %parallel_loop3A_474 = arith.andi %parallel_loop3A_471, %parallel_loop3A_473 : vector<16xi32>
        %parallel_loop3A_475 = arith.constant 16 : i32
        %parallel_loop3A_476 = vector.broadcast %parallel_loop3A_475 : i32 to vector<16xi32>
        %parallel_loop3A_477 = arith.addi %parallel_loop3A_474, %parallel_loop3A_476 : vector<16xi32>
        %parallel_loop3A_478 = tpu.vector_load_idx %arg5[%parallel_loop3A_477, %parallel_loop3A_136] : memref<32x896xf32, #tpu.memory_space<vmem>>[vector<16xi32>, vector<16xi32>], vector<16xf32>,
        %parallel_loop3A_479 = arith.addi %mul3A_3, %parallel_loop3A_474 : vector<16xi32>
        %parallel_loop3A_480 = arith.constant 16 : i32
        %parallel_loop3A_481 = arith.addi %parallel_loop3A_138, %parallel_loop3A_480 : i32
        %parallel_loop3A_482 = vector.broadcast %parallel_loop3A_481 : i32 to vector<16xi32>
        %parallel_loop3A_483 = arith.addi %parallel_loop3A_479, %parallel_loop3A_482 : vector<16xi32>
        %parallel_loop3A_484 = arith.constant 7 : i32
        %parallel_loop3A_485 = vector.broadcast %parallel_loop3A_484 : i32 to vector<16xi32>
        %parallel_loop3A_486 = arith.addi %iota3A, %parallel_loop3A_485 : vector<16xi32>
        %parallel_loop3A_487 = arith.constant 15 : i32
        %parallel_loop3A_488 = vector.broadcast %parallel_loop3A_487 : i32 to vector<16xi32>
        %parallel_loop3A_489 = arith.andi %parallel_loop3A_486, %parallel_loop3A_488 : vector<16xi32>
        %parallel_loop3A_490 = arith.constant 16 : i32
        %parallel_loop3A_491 = vector.broadcast %parallel_loop3A_490 : i32 to vector<16xi32>
        %parallel_loop3A_492 = arith.addi %parallel_loop3A_489, %parallel_loop3A_491 : vector<16xi32>
        %parallel_loop3A_493 = tpu.vector_load_idx %arg5[%parallel_loop3A_492, %parallel_loop3A_136] : memref<32x896xf32, #tpu.memory_space<vmem>>[vector<16xi32>, vector<16xi32>], vector<16xf32>,
        %parallel_loop3A_494 = arith.addi %mul3A_3, %parallel_loop3A_489 : vector<16xi32>
        %parallel_loop3A_495 = arith.constant 16 : i32
        %parallel_loop3A_496 = arith.addi %parallel_loop3A_138, %parallel_loop3A_495 : i32
        %parallel_loop3A_497 = vector.broadcast %parallel_loop3A_496 : i32 to vector<16xi32>
        %parallel_loop3A_498 = arith.addi %parallel_loop3A_494, %parallel_loop3A_497 : vector<16xi32>
        tpu.vector_store_idx %arg7[%parallel_loop3A_453], %parallel_loop3A_448 : memref<28672xf32, #tpu.memory_space<vmem>>[vector<16xi32>], vector<16xf32>,
        tpu.vector_store_idx %arg7[%parallel_loop3A_468], %parallel_loop3A_463 : memref<28672xf32, #tpu.memory_space<vmem>>[vector<16xi32>], vector<16xf32>,
        tpu.vector_store_idx %arg7[%parallel_loop3A_483], %parallel_loop3A_478 : memref<28672xf32, #tpu.memory_space<vmem>>[vector<16xi32>], vector<16xf32>,
        tpu.vector_store_idx %arg7[%parallel_loop3A_498], %parallel_loop3A_493 : memref<28672xf32, #tpu.memory_space<vmem>>[vector<16xi32>], vector<16xf32>,
        %parallel_loop3A_499 = arith.constant 8 : i32
        %parallel_loop3A_500 = vector.broadcast %parallel_loop3A_499 : i32 to vector<16xi32>
        %parallel_loop3A_501 = arith.addi %iota3A, %parallel_loop3A_500 : vector<16xi32>
        %parallel_loop3A_502 = arith.constant 15 : i32
        %parallel_loop3A_503 = vector.broadcast %parallel_loop3A_502 : i32 to vector<16xi32>
        %parallel_loop3A_504 = arith.andi %parallel_loop3A_501, %parallel_loop3A_503 : vector<16xi32>
        %parallel_loop3A_505 = arith.constant 16 : i32
        %parallel_loop3A_506 = vector.broadcast %parallel_loop3A_505 : i32 to vector<16xi32>
        %parallel_loop3A_507 = arith.addi %parallel_loop3A_504, %parallel_loop3A_506 : vector<16xi32>
        %parallel_loop3A_508 = tpu.vector_load_idx %arg5[%parallel_loop3A_507, %parallel_loop3A_136] : memref<32x896xf32, #tpu.memory_space<vmem>>[vector<16xi32>, vector<16xi32>], vector<16xf32>,
        %parallel_loop3A_509 = arith.addi %mul3A_3, %parallel_loop3A_504 : vector<16xi32>
        %parallel_loop3A_510 = arith.constant 16 : i32
        %parallel_loop3A_511 = arith.addi %parallel_loop3A_138, %parallel_loop3A_510 : i32
        %parallel_loop3A_512 = vector.broadcast %parallel_loop3A_511 : i32 to vector<16xi32>
        %parallel_loop3A_513 = arith.addi %parallel_loop3A_509, %parallel_loop3A_512 : vector<16xi32>
        %parallel_loop3A_514 = arith.constant 9 : i32
        %parallel_loop3A_515 = vector.broadcast %parallel_loop3A_514 : i32 to vector<16xi32>
        %parallel_loop3A_516 = arith.addi %iota3A, %parallel_loop3A_515 : vector<16xi32>
        %parallel_loop3A_517 = arith.constant 15 : i32
        %parallel_loop3A_518 = vector.broadcast %parallel_loop3A_517 : i32 to vector<16xi32>
        %parallel_loop3A_519 = arith.andi %parallel_loop3A_516, %parallel_loop3A_518 : vector<16xi32>
        %parallel_loop3A_520 = arith.constant 16 : i32
        %parallel_loop3A_521 = vector.broadcast %parallel_loop3A_520 : i32 to vector<16xi32>
        %parallel_loop3A_522 = arith.addi %parallel_loop3A_519, %parallel_loop3A_521 : vector<16xi32>
        %parallel_loop3A_523 = tpu.vector_load_idx %arg5[%parallel_loop3A_522, %parallel_loop3A_136] : memref<32x896xf32, #tpu.memory_space<vmem>>[vector<16xi32>, vector<16xi32>], vector<16xf32>,
        %parallel_loop3A_524 = arith.addi %mul3A_3, %parallel_loop3A_519 : vector<16xi32>
        %parallel_loop3A_525 = arith.constant 16 : i32
        %parallel_loop3A_526 = arith.addi %parallel_loop3A_138, %parallel_loop3A_525 : i32
        %parallel_loop3A_527 = vector.broadcast %parallel_loop3A_526 : i32 to vector<16xi32>
        %parallel_loop3A_528 = arith.addi %parallel_loop3A_524, %parallel_loop3A_527 : vector<16xi32>
        %parallel_loop3A_529 = arith.constant 10 : i32
        %parallel_loop3A_530 = vector.broadcast %parallel_loop3A_529 : i32 to vector<16xi32>
        %parallel_loop3A_531 = arith.addi %iota3A, %parallel_loop3A_530 : vector<16xi32>
        %parallel_loop3A_532 = arith.constant 15 : i32
        %parallel_loop3A_533 = vector.broadcast %parallel_loop3A_532 : i32 to vector<16xi32>
        %parallel_loop3A_534 = arith.andi %parallel_loop3A_531, %parallel_loop3A_533 : vector<16xi32>
        %parallel_loop3A_535 = arith.constant 16 : i32
        %parallel_loop3A_536 = vector.broadcast %parallel_loop3A_535 : i32 to vector<16xi32>
        %parallel_loop3A_537 = arith.addi %parallel_loop3A_534, %parallel_loop3A_536 : vector<16xi32>
        %parallel_loop3A_538 = tpu.vector_load_idx %arg5[%parallel_loop3A_537, %parallel_loop3A_136] : memref<32x896xf32, #tpu.memory_space<vmem>>[vector<16xi32>, vector<16xi32>], vector<16xf32>,
        %parallel_loop3A_539 = arith.addi %mul3A_3, %parallel_loop3A_534 : vector<16xi32>
        %parallel_loop3A_540 = arith.constant 16 : i32
        %parallel_loop3A_541 = arith.addi %parallel_loop3A_138, %parallel_loop3A_540 : i32
        %parallel_loop3A_542 = vector.broadcast %parallel_loop3A_541 : i32 to vector<16xi32>
        %parallel_loop3A_543 = arith.addi %parallel_loop3A_539, %parallel_loop3A_542 : vector<16xi32>
        %parallel_loop3A_544 = arith.constant 11 : i32
        %parallel_loop3A_545 = vector.broadcast %parallel_loop3A_544 : i32 to vector<16xi32>
        %parallel_loop3A_546 = arith.addi %iota3A, %parallel_loop3A_545 : vector<16xi32>
        %parallel_loop3A_547 = arith.constant 15 : i32
        %parallel_loop3A_548 = vector.broadcast %parallel_loop3A_547 : i32 to vector<16xi32>
        %parallel_loop3A_549 = arith.andi %parallel_loop3A_546, %parallel_loop3A_548 : vector<16xi32>
        %parallel_loop3A_550 = arith.constant 16 : i32
        %parallel_loop3A_551 = vector.broadcast %parallel_loop3A_550 : i32 to vector<16xi32>
        %parallel_loop3A_552 = arith.addi %parallel_loop3A_549, %parallel_loop3A_551 : vector<16xi32>
        %parallel_loop3A_553 = tpu.vector_load_idx %arg5[%parallel_loop3A_552, %parallel_loop3A_136] : memref<32x896xf32, #tpu.memory_space<vmem>>[vector<16xi32>, vector<16xi32>], vector<16xf32>,
        %parallel_loop3A_554 = arith.addi %mul3A_3, %parallel_loop3A_549 : vector<16xi32>
        %parallel_loop3A_555 = arith.constant 16 : i32
        %parallel_loop3A_556 = arith.addi %parallel_loop3A_138, %parallel_loop3A_555 : i32
        %parallel_loop3A_557 = vector.broadcast %parallel_loop3A_556 : i32 to vector<16xi32>
        %parallel_loop3A_558 = arith.addi %parallel_loop3A_554, %parallel_loop3A_557 : vector<16xi32>
        tpu.vector_store_idx %arg7[%parallel_loop3A_513], %parallel_loop3A_508 : memref<28672xf32, #tpu.memory_space<vmem>>[vector<16xi32>], vector<16xf32>,
        tpu.vector_store_idx %arg7[%parallel_loop3A_528], %parallel_loop3A_523 : memref<28672xf32, #tpu.memory_space<vmem>>[vector<16xi32>], vector<16xf32>,
        tpu.vector_store_idx %arg7[%parallel_loop3A_543], %parallel_loop3A_538 : memref<28672xf32, #tpu.memory_space<vmem>>[vector<16xi32>], vector<16xf32>,
        tpu.vector_store_idx %arg7[%parallel_loop3A_558], %parallel_loop3A_553 : memref<28672xf32, #tpu.memory_space<vmem>>[vector<16xi32>], vector<16xf32>,
        %parallel_loop3A_559 = arith.constant 12 : i32
        %parallel_loop3A_560 = vector.broadcast %parallel_loop3A_559 : i32 to vector<16xi32>
        %parallel_loop3A_561 = arith.addi %iota3A, %parallel_loop3A_560 : vector<16xi32>
        %parallel_loop3A_562 = arith.constant 15 : i32
        %parallel_loop3A_563 = vector.broadcast %parallel_loop3A_562 : i32 to vector<16xi32>
        %parallel_loop3A_564 = arith.andi %parallel_loop3A_561, %parallel_loop3A_563 : vector<16xi32>
        %parallel_loop3A_565 = arith.constant 16 : i32
        %parallel_loop3A_566 = vector.broadcast %parallel_loop3A_565 : i32 to vector<16xi32>
        %parallel_loop3A_567 = arith.addi %parallel_loop3A_564, %parallel_loop3A_566 : vector<16xi32>
        %parallel_loop3A_568 = tpu.vector_load_idx %arg5[%parallel_loop3A_567, %parallel_loop3A_136] : memref<32x896xf32, #tpu.memory_space<vmem>>[vector<16xi32>, vector<16xi32>], vector<16xf32>,
        %parallel_loop3A_569 = arith.addi %mul3A_3, %parallel_loop3A_564 : vector<16xi32>
        %parallel_loop3A_570 = arith.constant 16 : i32
        %parallel_loop3A_571 = arith.addi %parallel_loop3A_138, %parallel_loop3A_570 : i32
        %parallel_loop3A_572 = vector.broadcast %parallel_loop3A_571 : i32 to vector<16xi32>
        %parallel_loop3A_573 = arith.addi %parallel_loop3A_569, %parallel_loop3A_572 : vector<16xi32>
        %parallel_loop3A_574 = arith.constant 13 : i32
        %parallel_loop3A_575 = vector.broadcast %parallel_loop3A_574 : i32 to vector<16xi32>
        %parallel_loop3A_576 = arith.addi %iota3A, %parallel_loop3A_575 : vector<16xi32>
        %parallel_loop3A_577 = arith.constant 15 : i32
        %parallel_loop3A_578 = vector.broadcast %parallel_loop3A_577 : i32 to vector<16xi32>
        %parallel_loop3A_579 = arith.andi %parallel_loop3A_576, %parallel_loop3A_578 : vector<16xi32>
        %parallel_loop3A_580 = arith.constant 16 : i32
        %parallel_loop3A_581 = vector.broadcast %parallel_loop3A_580 : i32 to vector<16xi32>
        %parallel_loop3A_582 = arith.addi %parallel_loop3A_579, %parallel_loop3A_581 : vector<16xi32>
        %parallel_loop3A_583 = tpu.vector_load_idx %arg5[%parallel_loop3A_582, %parallel_loop3A_136] : memref<32x896xf32, #tpu.memory_space<vmem>>[vector<16xi32>, vector<16xi32>], vector<16xf32>,
        %parallel_loop3A_584 = arith.addi %mul3A_3, %parallel_loop3A_579 : vector<16xi32>
        %parallel_loop3A_585 = arith.constant 16 : i32
        %parallel_loop3A_586 = arith.addi %parallel_loop3A_138, %parallel_loop3A_585 : i32
        %parallel_loop3A_587 = vector.broadcast %parallel_loop3A_586 : i32 to vector<16xi32>
        %parallel_loop3A_588 = arith.addi %parallel_loop3A_584, %parallel_loop3A_587 : vector<16xi32>
        %parallel_loop3A_589 = arith.constant 14 : i32
        %parallel_loop3A_590 = vector.broadcast %parallel_loop3A_589 : i32 to vector<16xi32>
        %parallel_loop3A_591 = arith.addi %iota3A, %parallel_loop3A_590 : vector<16xi32>
        %parallel_loop3A_592 = arith.constant 15 : i32
        %parallel_loop3A_593 = vector.broadcast %parallel_loop3A_592 : i32 to vector<16xi32>
        %parallel_loop3A_594 = arith.andi %parallel_loop3A_591, %parallel_loop3A_593 : vector<16xi32>
        %parallel_loop3A_595 = arith.constant 16 : i32
        %parallel_loop3A_596 = vector.broadcast %parallel_loop3A_595 : i32 to vector<16xi32>
        %parallel_loop3A_597 = arith.addi %parallel_loop3A_594, %parallel_loop3A_596 : vector<16xi32>
        %parallel_loop3A_598 = tpu.vector_load_idx %arg5[%parallel_loop3A_597, %parallel_loop3A_136] : memref<32x896xf32, #tpu.memory_space<vmem>>[vector<16xi32>, vector<16xi32>], vector<16xf32>,
        %parallel_loop3A_599 = arith.addi %mul3A_3, %parallel_loop3A_594 : vector<16xi32>
        %parallel_loop3A_600 = arith.constant 16 : i32
        %parallel_loop3A_601 = arith.addi %parallel_loop3A_138, %parallel_loop3A_600 : i32
        %parallel_loop3A_602 = vector.broadcast %parallel_loop3A_601 : i32 to vector<16xi32>
        %parallel_loop3A_603 = arith.addi %parallel_loop3A_599, %parallel_loop3A_602 : vector<16xi32>
        %parallel_loop3A_604 = arith.constant 15 : i32
        %parallel_loop3A_605 = vector.broadcast %parallel_loop3A_604 : i32 to vector<16xi32>
        %parallel_loop3A_606 = arith.addi %iota3A, %parallel_loop3A_605 : vector<16xi32>
        %parallel_loop3A_607 = arith.constant 15 : i32
        %parallel_loop3A_608 = vector.broadcast %parallel_loop3A_607 : i32 to vector<16xi32>
        %parallel_loop3A_609 = arith.andi %parallel_loop3A_606, %parallel_loop3A_608 : vector<16xi32>
        %parallel_loop3A_610 = arith.constant 16 : i32
        %parallel_loop3A_611 = vector.broadcast %parallel_loop3A_610 : i32 to vector<16xi32>
        %parallel_loop3A_612 = arith.addi %parallel_loop3A_609, %parallel_loop3A_611 : vector<16xi32>
        %parallel_loop3A_613 = tpu.vector_load_idx %arg5[%parallel_loop3A_612, %parallel_loop3A_136] : memref<32x896xf32, #tpu.memory_space<vmem>>[vector<16xi32>, vector<16xi32>], vector<16xf32>,
        %parallel_loop3A_614 = arith.addi %mul3A_3, %parallel_loop3A_609 : vector<16xi32>
        %parallel_loop3A_615 = arith.constant 16 : i32
        %parallel_loop3A_616 = arith.addi %parallel_loop3A_138, %parallel_loop3A_615 : i32
        %parallel_loop3A_617 = vector.broadcast %parallel_loop3A_616 : i32 to vector<16xi32>
        %parallel_loop3A_618 = arith.addi %parallel_loop3A_614, %parallel_loop3A_617 : vector<16xi32>
        tpu.vector_store_idx %arg7[%parallel_loop3A_573], %parallel_loop3A_568 : memref<28672xf32, #tpu.memory_space<vmem>>[vector<16xi32>], vector<16xf32>,
        tpu.vector_store_idx %arg7[%parallel_loop3A_588], %parallel_loop3A_583 : memref<28672xf32, #tpu.memory_space<vmem>>[vector<16xi32>], vector<16xf32>,
        tpu.vector_store_idx %arg7[%parallel_loop3A_603], %parallel_loop3A_598 : memref<28672xf32, #tpu.memory_space<vmem>>[vector<16xi32>], vector<16xf32>,
        tpu.vector_store_idx %arg7[%parallel_loop3A_618], %parallel_loop3A_613 : memref<28672xf32, #tpu.memory_space<vmem>>[vector<16xi32>], vector<16xf32>,
      } {sc.loop_unroll_factor = 1 : i64, sc.parallel_access}
      %mul3A_114 = arith.constant 32 : i32
      %mul3A_115 = arith.muli %mul3A_89, %mul3A_114 : i32
      %add3A_116 = arith.addi %add3A, %mul3A_115 : i32
      %mul3A_117 = arith.constant 896 : i32
      %mul3A_118 = arith.muli %add3A_116, %mul3A_117 : i32
      %multiple_of3A_119 = tpu.assume_multiple %mul3A_118, 128 : i32
      %mul3A_120 = arith.constant 32 : i32
      %mul3A_121 = arith.muli %multiple_of3A_119, %mul3A_120 : i32
      %dma_start3A_122 = tpu.memref_slice %arg4[%mul3A_121] : memref<32000000xf32, #tpu.memory_space<hbm>> -> memref<28672xf32, #tpu.memory_space<hbm>>
      %dma_start3A_123 = tpu.memref_slice %arg4[%mul3A_121] : memref<32000000xf32, #tpu.memory_space<hbm>> -> memref<28672xf32, #tpu.memory_space<hbm>>
      tpu.enqueue_dma source(%arg7 : memref<28672xf32, #tpu.memory_space<vmem>>) target(%dma_start3A_123 : memref<28672xf32, #tpu.memory_space<hbm>>) target_semaphore(%arg11 : memref<!tpu.dma_semaphore, #tpu.memory_space<semaphore_mem>>)
      %lt3A_124 = arith.cmpi slt, %add3A_97, %select_n3A : i32
      %convert_element_type3A_125 = arith.extui %lt3A_124 : i1 to i32
      %cond3A_126 = arith.constant 0 : i32
      %cond3A_127 = arith.cmpi ne, %convert_element_type3A_125, %cond3A_126 : i32
      scf.if %cond3A_127 {
        %mul3A_132 = arith.constant 32 : i32
        %mul3A_133 = arith.muli %add3A_97, %mul3A_132 : i32
        %add3A_134 = arith.addi %add3A, %mul3A_133 : i32
        %mul3A_135 = arith.constant 896 : i32
        %mul3A_136 = arith.muli %add3A_134, %mul3A_135 : i32
        %multiple_of3A_137 = tpu.assume_multiple %mul3A_136, 128 : i32
        %dma_start3A_138 = arith.constant 0 : i32
        %dma_start3A_139 = arith.constant 0 : i32
        %dma_start3A_140 = tpu.memref_slice %arg5[%dma_start3A_138, %dma_start3A_139] : memref<32x896xf32, #tpu.memory_space<vmem>> -> memref<8x896xf32, #tpu.memory_space<vmem>>
        %dma_start3A_141 = arith.constant 0 : i32
        %dma_start3A_142 = tpu.memref_slice %arg2[%dma_start3A_141, %multiple_of3A_137] : memref<32x1000000xf32, #tpu.memory_space<hbm>> -> memref<8x896xf32, #tpu.memory_space<hbm>>
        %dma_start3A_143 = arith.constant 0 : i32
        %dma_start3A_144 = arith.constant 0 : i32
        %dma_start3A_145 = tpu.memref_slice %arg5[%dma_start3A_143, %dma_start3A_144] : memref<32x896xf32, #tpu.memory_space<vmem>> -> memref<8x896xf32, #tpu.memory_space<vmem>>
        %dma_start3A_146 = arith.constant 0 : i32
        %dma_start3A_147 = tpu.memref_slice %arg2[%dma_start3A_146, %multiple_of3A_137] : memref<32x1000000xf32, #tpu.memory_space<hbm>> -> memref<8x896xf32, #tpu.memory_space<hbm>>
        tpu.enqueue_dma source(%dma_start3A_147 : memref<8x896xf32, #tpu.memory_space<hbm>>) target(%dma_start3A_145 : memref<8x896xf32, #tpu.memory_space<vmem>>) target_semaphore(%arg9 : memref<!tpu.dma_semaphore, #tpu.memory_space<semaphore_mem>>)
        %dma_start3A_148 = arith.constant 8 : i32
        %dma_start3A_149 = arith.constant 0 : i32
        %dma_start3A_150 = tpu.memref_slice %arg5[%dma_start3A_148, %dma_start3A_149] : memref<32x896xf32, #tpu.memory_space<vmem>> -> memref<8x896xf32, #tpu.memory_space<vmem>>
        %dma_start3A_151 = arith.constant 8 : i32
        %dma_start3A_152 = tpu.memref_slice %arg2[%dma_start3A_151, %multiple_of3A_137] : memref<32x1000000xf32, #tpu.memory_space<hbm>> -> memref<8x896xf32, #tpu.memory_space<hbm>>
        %dma_start3A_153 = arith.constant 8 : i32
        %dma_start3A_154 = arith.constant 0 : i32
        %dma_start3A_155 = tpu.memref_slice %arg5[%dma_start3A_153, %dma_start3A_154] : memref<32x896xf32, #tpu.memory_space<vmem>> -> memref<8x896xf32, #tpu.memory_space<vmem>>
        %dma_start3A_156 = arith.constant 8 : i32
        %dma_start3A_157 = tpu.memref_slice %arg2[%dma_start3A_156, %multiple_of3A_137] : memref<32x1000000xf32, #tpu.memory_space<hbm>> -> memref<8x896xf32, #tpu.memory_space<hbm>>
        tpu.enqueue_dma source(%dma_start3A_157 : memref<8x896xf32, #tpu.memory_space<hbm>>) target(%dma_start3A_155 : memref<8x896xf32, #tpu.memory_space<vmem>>) target_semaphore(%arg9 : memref<!tpu.dma_semaphore, #tpu.memory_space<semaphore_mem>>)
        %dma_start3A_158 = arith.constant 16 : i32
        %dma_start3A_159 = arith.constant 0 : i32
        %dma_start3A_160 = tpu.memref_slice %arg5[%dma_start3A_158, %dma_start3A_159] : memref<32x896xf32, #tpu.memory_space<vmem>> -> memref<8x896xf32, #tpu.memory_space<vmem>>
        %dma_start3A_161 = arith.constant 16 : i32
        %dma_start3A_162 = tpu.memref_slice %arg2[%dma_start3A_161, %multiple_of3A_137] : memref<32x1000000xf32, #tpu.memory_space<hbm>> -> memref<8x896xf32, #tpu.memory_space<hbm>>
        %dma_start3A_163 = arith.constant 16 : i32
        %dma_start3A_164 = arith.constant 0 : i32
        %dma_start3A_165 = tpu.memref_slice %arg5[%dma_start3A_163, %dma_start3A_164] : memref<32x896xf32, #tpu.memory_space<vmem>> -> memref<8x896xf32, #tpu.memory_space<vmem>>
        %dma_start3A_166 = arith.constant 16 : i32
        %dma_start3A_167 = tpu.memref_slice %arg2[%dma_start3A_166, %multiple_of3A_137] : memref<32x1000000xf32, #tpu.memory_space<hbm>> -> memref<8x896xf32, #tpu.memory_space<hbm>>
        tpu.enqueue_dma source(%dma_start3A_167 : memref<8x896xf32, #tpu.memory_space<hbm>>) target(%dma_start3A_165 : memref<8x896xf32, #tpu.memory_space<vmem>>) target_semaphore(%arg9 : memref<!tpu.dma_semaphore, #tpu.memory_space<semaphore_mem>>)
        %dma_start3A_168 = arith.constant 24 : i32
        %dma_start3A_169 = arith.constant 0 : i32
        %dma_start3A_170 = tpu.memref_slice %arg5[%dma_start3A_168, %dma_start3A_169] : memref<32x896xf32, #tpu.memory_space<vmem>> -> memref<8x896xf32, #tpu.memory_space<vmem>>
        %dma_start3A_171 = arith.constant 24 : i32
        %dma_start3A_172 = tpu.memref_slice %arg2[%dma_start3A_171, %multiple_of3A_137] : memref<32x1000000xf32, #tpu.memory_space<hbm>> -> memref<8x896xf32, #tpu.memory_space<hbm>>
        %dma_start3A_173 = arith.constant 24 : i32
        %dma_start3A_174 = arith.constant 0 : i32
        %dma_start3A_175 = tpu.memref_slice %arg5[%dma_start3A_173, %dma_start3A_174] : memref<32x896xf32, #tpu.memory_space<vmem>> -> memref<8x896xf32, #tpu.memory_space<vmem>>
        %dma_start3A_176 = arith.constant 24 : i32
        %dma_start3A_177 = tpu.memref_slice %arg2[%dma_start3A_176, %multiple_of3A_137] : memref<32x1000000xf32, #tpu.memory_space<hbm>> -> memref<8x896xf32, #tpu.memory_space<hbm>>
        tpu.enqueue_dma source(%dma_start3A_177 : memref<8x896xf32, #tpu.memory_space<hbm>>) target(%dma_start3A_175 : memref<8x896xf32, #tpu.memory_space<vmem>>) target_semaphore(%arg9 : memref<!tpu.dma_semaphore, #tpu.memory_space<semaphore_mem>>)
      } else {
      }
      %lt3A_128 = arith.cmpi slt, %add3A_93, %select_n3A : i32
      %convert_element_type3A_129 = arith.extui %lt3A_128 : i1 to i32
      %cond3A_130 = arith.constant 0 : i32
      %cond3A_131 = arith.cmpi ne, %convert_element_type3A_129, %cond3A_130 : i32
      scf.if %cond3A_131 {
        %dma_wait3A_132 = arith.constant 0 : i32
        %dma_wait3A_133 = arith.constant 0 : i32
        %dma_wait3A_134 = tpu.memref_slice %arg2[%dma_wait3A_132, %dma_wait3A_133] : memref<32x1000000xf32, #tpu.memory_space<hbm>> -> memref<32x896xf32, #tpu.memory_space<hbm>>
        %dma_wait3A_135 = arith.constant 0 : i32
        %dma_wait3A_136 = arith.constant 0 : i32
        %dma_wait3A_137 = tpu.memref_slice %arg2[%dma_wait3A_135, %dma_wait3A_136] : memref<32x1000000xf32, #tpu.memory_space<hbm>> -> memref<32x896xf32, #tpu.memory_space<hbm>>
        tpu.wait_dma2 semaphore(%arg10 : memref<!tpu.dma_semaphore, #tpu.memory_space<semaphore_mem>>) src(%dma_wait3A_137 : memref<32x896xf32, #tpu.memory_space<hbm>>) dst(%arg6 : memref<32x896xf32, #tpu.memory_space<vmem>>)
        %gt3A_138 = arith.constant 0 : i32
        %gt3A_139 = arith.cmpi sgt, %while3A_87, %gt3A_138 : i32
        %convert_element_type3A_140 = arith.extui %gt3A_139 : i1 to i32
        %cond3A_141 = arith.constant 0 : i32
        %cond3A_142 = arith.cmpi ne, %convert_element_type3A_140, %cond3A_141 : i32
        scf.if %cond3A_142 {
          %dma_wait3A_156 = arith.constant 0 : i32
          %dma_wait3A_157 = tpu.memref_slice %arg4[%dma_wait3A_156] : memref<32000000xf32, #tpu.memory_space<hbm>> -> memref<28672xf32, #tpu.memory_space<hbm>>
          %dma_wait3A_158 = arith.constant 0 : i32
          %dma_wait3A_159 = tpu.memref_slice %arg4[%dma_wait3A_158] : memref<32000000xf32, #tpu.memory_space<hbm>> -> memref<28672xf32, #tpu.memory_space<hbm>>
          tpu.wait_dma2 semaphore(%arg12 : memref<!tpu.dma_semaphore, #tpu.memory_space<semaphore_mem>>) src(%dma_wait3A_159 : memref<28672xf32, #tpu.memory_space<hbm>>) dst(%arg8 : memref<28672xf32, #tpu.memory_space<vmem>>)
        } else {
        }
        %parallel_loop3A_143 = arith.constant 0 : i32
        %parallel_loop3A_144 = arith.constant 56 : i32
        %parallel_loop3A_145 = arith.constant 1 : i32
        scf.for %parallel_loop3A_156 = %parallel_loop3A_143 to %parallel_loop3A_144 step %parallel_loop3A_145  : i32 {
          %parallel_loop3A_157 = arith.constant 16 : i32
          %parallel_loop3A_158 = arith.muli %parallel_loop3A_156, %parallel_loop3A_157 : i32
          %parallel_loop3A_159 = vector.broadcast %parallel_loop3A_158 : i32 to vector<16xi32>
          %parallel_loop3A_160 = arith.addi %iota3A, %parallel_loop3A_159 : vector<16xi32>
          %parallel_loop3A_161 = arith.constant 32 : i32
          %parallel_loop3A_162 = arith.muli %parallel_loop3A_158, %parallel_loop3A_161 : i32
          %parallel_loop3A_163 = arith.constant 0 : i32
          %parallel_loop3A_164 = vector.broadcast %parallel_loop3A_163 : i32 to vector<16xi32>
          %parallel_loop3A_165 = arith.addi %iota3A, %parallel_loop3A_164 : vector<16xi32>
          %parallel_loop3A_166 = arith.constant 15 : i32
          %parallel_loop3A_167 = vector.broadcast %parallel_loop3A_166 : i32 to vector<16xi32>
          %parallel_loop3A_168 = arith.andi %parallel_loop3A_165, %parallel_loop3A_167 : vector<16xi32>
          %parallel_loop3A_169 = arith.constant 0 : i32
          %parallel_loop3A_170 = vector.broadcast %parallel_loop3A_169 : i32 to vector<16xi32>
          %parallel_loop3A_171 = arith.addi %parallel_loop3A_168, %parallel_loop3A_170 : vector<16xi32>
          %parallel_loop3A_172 = tpu.vector_load_idx %arg6[%parallel_loop3A_171, %parallel_loop3A_160] : memref<32x896xf32, #tpu.memory_space<vmem>>[vector<16xi32>, vector<16xi32>], vector<16xf32>,
          %parallel_loop3A_173 = arith.addi %mul3A_3, %parallel_loop3A_168 : vector<16xi32>
          %parallel_loop3A_174 = arith.constant 0 : i32
          %parallel_loop3A_175 = arith.addi %parallel_loop3A_162, %parallel_loop3A_174 : i32
          %parallel_loop3A_176 = vector.broadcast %parallel_loop3A_175 : i32 to vector<16xi32>
          %parallel_loop3A_177 = arith.addi %parallel_loop3A_173, %parallel_loop3A_176 : vector<16xi32>
          %parallel_loop3A_178 = arith.constant 1 : i32
          %parallel_loop3A_179 = vector.broadcast %parallel_loop3A_178 : i32 to vector<16xi32>
          %parallel_loop3A_180 = arith.addi %iota3A, %parallel_loop3A_179 : vector<16xi32>
          %parallel_loop3A_181 = arith.constant 15 : i32
          %parallel_loop3A_182 = vector.broadcast %parallel_loop3A_181 : i32 to vector<16xi32>
          %parallel_loop3A_183 = arith.andi %parallel_loop3A_180, %parallel_loop3A_182 : vector<16xi32>
          %parallel_loop3A_184 = arith.constant 0 : i32
          %parallel_loop3A_185 = vector.broadcast %parallel_loop3A_184 : i32 to vector<16xi32>
          %parallel_loop3A_186 = arith.addi %parallel_loop3A_183, %parallel_loop3A_185 : vector<16xi32>
          %parallel_loop3A_187 = tpu.vector_load_idx %arg6[%parallel_loop3A_186, %parallel_loop3A_160] : memref<32x896xf32, #tpu.memory_space<vmem>>[vector<16xi32>, vector<16xi32>], vector<16xf32>,
          %parallel_loop3A_188 = arith.addi %mul3A_3, %parallel_loop3A_183 : vector<16xi32>
          %parallel_loop3A_189 = arith.constant 0 : i32
          %parallel_loop3A_190 = arith.addi %parallel_loop3A_162, %parallel_loop3A_189 : i32
          %parallel_loop3A_191 = vector.broadcast %parallel_loop3A_190 : i32 to vector<16xi32>
          %parallel_loop3A_192 = arith.addi %parallel_loop3A_188, %parallel_loop3A_191 : vector<16xi32>
          %parallel_loop3A_193 = arith.constant 2 : i32
          %parallel_loop3A_194 = vector.broadcast %parallel_loop3A_193 : i32 to vector<16xi32>
          %parallel_loop3A_195 = arith.addi %iota3A, %parallel_loop3A_194 : vector<16xi32>
          %parallel_loop3A_196 = arith.constant 15 : i32
          %parallel_loop3A_197 = vector.broadcast %parallel_loop3A_196 : i32 to vector<16xi32>
          %parallel_loop3A_198 = arith.andi %parallel_loop3A_195, %parallel_loop3A_197 : vector<16xi32>
          %parallel_loop3A_199 = arith.constant 0 : i32
          %parallel_loop3A_200 = vector.broadcast %parallel_loop3A_199 : i32 to vector<16xi32>
          %parallel_loop3A_201 = arith.addi %parallel_loop3A_198, %parallel_loop3A_200 : vector<16xi32>
          %parallel_loop3A_202 = tpu.vector_load_idx %arg6[%parallel_loop3A_201, %parallel_loop3A_160] : memref<32x896xf32, #tpu.memory_space<vmem>>[vector<16xi32>, vector<16xi32>], vector<16xf32>,
          %parallel_loop3A_203 = arith.addi %mul3A_3, %parallel_loop3A_198 : vector<16xi32>
          %parallel_loop3A_204 = arith.constant 0 : i32
          %parallel_loop3A_205 = arith.addi %parallel_loop3A_162, %parallel_loop3A_204 : i32
          %parallel_loop3A_206 = vector.broadcast %parallel_loop3A_205 : i32 to vector<16xi32>
          %parallel_loop3A_207 = arith.addi %parallel_loop3A_203, %parallel_loop3A_206 : vector<16xi32>
          %parallel_loop3A_208 = arith.constant 3 : i32
          %parallel_loop3A_209 = vector.broadcast %parallel_loop3A_208 : i32 to vector<16xi32>
          %parallel_loop3A_210 = arith.addi %iota3A, %parallel_loop3A_209 : vector<16xi32>
          %parallel_loop3A_211 = arith.constant 15 : i32
          %parallel_loop3A_212 = vector.broadcast %parallel_loop3A_211 : i32 to vector<16xi32>
          %parallel_loop3A_213 = arith.andi %parallel_loop3A_210, %parallel_loop3A_212 : vector<16xi32>
          %parallel_loop3A_214 = arith.constant 0 : i32
          %parallel_loop3A_215 = vector.broadcast %parallel_loop3A_214 : i32 to vector<16xi32>
          %parallel_loop3A_216 = arith.addi %parallel_loop3A_213, %parallel_loop3A_215 : vector<16xi32>
          %parallel_loop3A_217 = tpu.vector_load_idx %arg6[%parallel_loop3A_216, %parallel_loop3A_160] : memref<32x896xf32, #tpu.memory_space<vmem>>[vector<16xi32>, vector<16xi32>], vector<16xf32>,
          %parallel_loop3A_218 = arith.addi %mul3A_3, %parallel_loop3A_213 : vector<16xi32>
          %parallel_loop3A_219 = arith.constant 0 : i32
          %parallel_loop3A_220 = arith.addi %parallel_loop3A_162, %parallel_loop3A_219 : i32
          %parallel_loop3A_221 = vector.broadcast %parallel_loop3A_220 : i32 to vector<16xi32>
          %parallel_loop3A_222 = arith.addi %parallel_loop3A_218, %parallel_loop3A_221 : vector<16xi32>
          tpu.vector_store_idx %arg8[%parallel_loop3A_177], %parallel_loop3A_172 : memref<28672xf32, #tpu.memory_space<vmem>>[vector<16xi32>], vector<16xf32>,
          tpu.vector_store_idx %arg8[%parallel_loop3A_192], %parallel_loop3A_187 : memref<28672xf32, #tpu.memory_space<vmem>>[vector<16xi32>], vector<16xf32>,
          tpu.vector_store_idx %arg8[%parallel_loop3A_207], %parallel_loop3A_202 : memref<28672xf32, #tpu.memory_space<vmem>>[vector<16xi32>], vector<16xf32>,
          tpu.vector_store_idx %arg8[%parallel_loop3A_222], %parallel_loop3A_217 : memref<28672xf32, #tpu.memory_space<vmem>>[vector<16xi32>], vector<16xf32>,
          %parallel_loop3A_223 = arith.constant 4 : i32
          %parallel_loop3A_224 = vector.broadcast %parallel_loop3A_223 : i32 to vector<16xi32>
          %parallel_loop3A_225 = arith.addi %iota3A, %parallel_loop3A_224 : vector<16xi32>
          %parallel_loop3A_226 = arith.constant 15 : i32
          %parallel_loop3A_227 = vector.broadcast %parallel_loop3A_226 : i32 to vector<16xi32>
          %parallel_loop3A_228 = arith.andi %parallel_loop3A_225, %parallel_loop3A_227 : vector<16xi32>
          %parallel_loop3A_229 = arith.constant 0 : i32
          %parallel_loop3A_230 = vector.broadcast %parallel_loop3A_229 : i32 to vector<16xi32>
          %parallel_loop3A_231 = arith.addi %parallel_loop3A_228, %parallel_loop3A_230 : vector<16xi32>
          %parallel_loop3A_232 = tpu.vector_load_idx %arg6[%parallel_loop3A_231, %parallel_loop3A_160] : memref<32x896xf32, #tpu.memory_space<vmem>>[vector<16xi32>, vector<16xi32>], vector<16xf32>,
          %parallel_loop3A_233 = arith.addi %mul3A_3, %parallel_loop3A_228 : vector<16xi32>
          %parallel_loop3A_234 = arith.constant 0 : i32
          %parallel_loop3A_235 = arith.addi %parallel_loop3A_162, %parallel_loop3A_234 : i32
          %parallel_loop3A_236 = vector.broadcast %parallel_loop3A_235 : i32 to vector<16xi32>
          %parallel_loop3A_237 = arith.addi %parallel_loop3A_233, %parallel_loop3A_236 : vector<16xi32>
          %parallel_loop3A_238 = arith.constant 5 : i32
          %parallel_loop3A_239 = vector.broadcast %parallel_loop3A_238 : i32 to vector<16xi32>
          %parallel_loop3A_240 = arith.addi %iota3A, %parallel_loop3A_239 : vector<16xi32>
          %parallel_loop3A_241 = arith.constant 15 : i32
          %parallel_loop3A_242 = vector.broadcast %parallel_loop3A_241 : i32 to vector<16xi32>
          %parallel_loop3A_243 = arith.andi %parallel_loop3A_240, %parallel_loop3A_242 : vector<16xi32>
          %parallel_loop3A_244 = arith.constant 0 : i32
          %parallel_loop3A_245 = vector.broadcast %parallel_loop3A_244 : i32 to vector<16xi32>
          %parallel_loop3A_246 = arith.addi %parallel_loop3A_243, %parallel_loop3A_245 : vector<16xi32>
          %parallel_loop3A_247 = tpu.vector_load_idx %arg6[%parallel_loop3A_246, %parallel_loop3A_160] : memref<32x896xf32, #tpu.memory_space<vmem>>[vector<16xi32>, vector<16xi32>], vector<16xf32>,
          %parallel_loop3A_248 = arith.addi %mul3A_3, %parallel_loop3A_243 : vector<16xi32>
          %parallel_loop3A_249 = arith.constant 0 : i32
          %parallel_loop3A_250 = arith.addi %parallel_loop3A_162, %parallel_loop3A_249 : i32
          %parallel_loop3A_251 = vector.broadcast %parallel_loop3A_250 : i32 to vector<16xi32>
          %parallel_loop3A_252 = arith.addi %parallel_loop3A_248, %parallel_loop3A_251 : vector<16xi32>
          %parallel_loop3A_253 = arith.constant 6 : i32
          %parallel_loop3A_254 = vector.broadcast %parallel_loop3A_253 : i32 to vector<16xi32>
          %parallel_loop3A_255 = arith.addi %iota3A, %parallel_loop3A_254 : vector<16xi32>
          %parallel_loop3A_256 = arith.constant 15 : i32
          %parallel_loop3A_257 = vector.broadcast %parallel_loop3A_256 : i32 to vector<16xi32>
          %parallel_loop3A_258 = arith.andi %parallel_loop3A_255, %parallel_loop3A_257 : vector<16xi32>
          %parallel_loop3A_259 = arith.constant 0 : i32
          %parallel_loop3A_260 = vector.broadcast %parallel_loop3A_259 : i32 to vector<16xi32>
          %parallel_loop3A_261 = arith.addi %parallel_loop3A_258, %parallel_loop3A_260 : vector<16xi32>
          %parallel_loop3A_262 = tpu.vector_load_idx %arg6[%parallel_loop3A_261, %parallel_loop3A_160] : memref<32x896xf32, #tpu.memory_space<vmem>>[vector<16xi32>, vector<16xi32>], vector<16xf32>,
          %parallel_loop3A_263 = arith.addi %mul3A_3, %parallel_loop3A_258 : vector<16xi32>
          %parallel_loop3A_264 = arith.constant 0 : i32
          %parallel_loop3A_265 = arith.addi %parallel_loop3A_162, %parallel_loop3A_264 : i32
          %parallel_loop3A_266 = vector.broadcast %parallel_loop3A_265 : i32 to vector<16xi32>
          %parallel_loop3A_267 = arith.addi %parallel_loop3A_263, %parallel_loop3A_266 : vector<16xi32>
          %parallel_loop3A_268 = arith.constant 7 : i32
          %parallel_loop3A_269 = vector.broadcast %parallel_loop3A_268 : i32 to vector<16xi32>
          %parallel_loop3A_270 = arith.addi %iota3A, %parallel_loop3A_269 : vector<16xi32>
          %parallel_loop3A_271 = arith.constant 15 : i32
          %parallel_loop3A_272 = vector.broadcast %parallel_loop3A_271 : i32 to vector<16xi32>
          %parallel_loop3A_273 = arith.andi %parallel_loop3A_270, %parallel_loop3A_272 : vector<16xi32>
          %parallel_loop3A_274 = arith.constant 0 : i32
          %parallel_loop3A_275 = vector.broadcast %parallel_loop3A_274 : i32 to vector<16xi32>
          %parallel_loop3A_276 = arith.addi %parallel_loop3A_273, %parallel_loop3A_275 : vector<16xi32>
          %parallel_loop3A_277 = tpu.vector_load_idx %arg6[%parallel_loop3A_276, %parallel_loop3A_160] : memref<32x896xf32, #tpu.memory_space<vmem>>[vector<16xi32>, vector<16xi32>], vector<16xf32>,
          %parallel_loop3A_278 = arith.addi %mul3A_3, %parallel_loop3A_273 : vector<16xi32>
          %parallel_loop3A_279 = arith.constant 0 : i32
          %parallel_loop3A_280 = arith.addi %parallel_loop3A_162, %parallel_loop3A_279 : i32
          %parallel_loop3A_281 = vector.broadcast %parallel_loop3A_280 : i32 to vector<16xi32>
          %parallel_loop3A_282 = arith.addi %parallel_loop3A_278, %parallel_loop3A_281 : vector<16xi32>
          tpu.vector_store_idx %arg8[%parallel_loop3A_237], %parallel_loop3A_232 : memref<28672xf32, #tpu.memory_space<vmem>>[vector<16xi32>], vector<16xf32>,
          tpu.vector_store_idx %arg8[%parallel_loop3A_252], %parallel_loop3A_247 : memref<28672xf32, #tpu.memory_space<vmem>>[vector<16xi32>], vector<16xf32>,
          tpu.vector_store_idx %arg8[%parallel_loop3A_267], %parallel_loop3A_262 : memref<28672xf32, #tpu.memory_space<vmem>>[vector<16xi32>], vector<16xf32>,
          tpu.vector_store_idx %arg8[%parallel_loop3A_282], %parallel_loop3A_277 : memref<28672xf32, #tpu.memory_space<vmem>>[vector<16xi32>], vector<16xf32>,
          %parallel_loop3A_283 = arith.constant 8 : i32
          %parallel_loop3A_284 = vector.broadcast %parallel_loop3A_283 : i32 to vector<16xi32>
          %parallel_loop3A_285 = arith.addi %iota3A, %parallel_loop3A_284 : vector<16xi32>
          %parallel_loop3A_286 = arith.constant 15 : i32
          %parallel_loop3A_287 = vector.broadcast %parallel_loop3A_286 : i32 to vector<16xi32>
          %parallel_loop3A_288 = arith.andi %parallel_loop3A_285, %parallel_loop3A_287 : vector<16xi32>
          %parallel_loop3A_289 = arith.constant 0 : i32
          %parallel_loop3A_290 = vector.broadcast %parallel_loop3A_289 : i32 to vector<16xi32>
          %parallel_loop3A_291 = arith.addi %parallel_loop3A_288, %parallel_loop3A_290 : vector<16xi32>
          %parallel_loop3A_292 = tpu.vector_load_idx %arg6[%parallel_loop3A_291, %parallel_loop3A_160] : memref<32x896xf32, #tpu.memory_space<vmem>>[vector<16xi32>, vector<16xi32>], vector<16xf32>,
          %parallel_loop3A_293 = arith.addi %mul3A_3, %parallel_loop3A_288 : vector<16xi32>
          %parallel_loop3A_294 = arith.constant 0 : i32
          %parallel_loop3A_295 = arith.addi %parallel_loop3A_162, %parallel_loop3A_294 : i32
          %parallel_loop3A_296 = vector.broadcast %parallel_loop3A_295 : i32 to vector<16xi32>
          %parallel_loop3A_297 = arith.addi %parallel_loop3A_293, %parallel_loop3A_296 : vector<16xi32>
          %parallel_loop3A_298 = arith.constant 9 : i32
          %parallel_loop3A_299 = vector.broadcast %parallel_loop3A_298 : i32 to vector<16xi32>
          %parallel_loop3A_300 = arith.addi %iota3A, %parallel_loop3A_299 : vector<16xi32>
          %parallel_loop3A_301 = arith.constant 15 : i32
          %parallel_loop3A_302 = vector.broadcast %parallel_loop3A_301 : i32 to vector<16xi32>
          %parallel_loop3A_303 = arith.andi %parallel_loop3A_300, %parallel_loop3A_302 : vector<16xi32>
          %parallel_loop3A_304 = arith.constant 0 : i32
          %parallel_loop3A_305 = vector.broadcast %parallel_loop3A_304 : i32 to vector<16xi32>
          %parallel_loop3A_306 = arith.addi %parallel_loop3A_303, %parallel_loop3A_305 : vector<16xi32>
          %parallel_loop3A_307 = tpu.vector_load_idx %arg6[%parallel_loop3A_306, %parallel_loop3A_160] : memref<32x896xf32, #tpu.memory_space<vmem>>[vector<16xi32>, vector<16xi32>], vector<16xf32>,
          %parallel_loop3A_308 = arith.addi %mul3A_3, %parallel_loop3A_303 : vector<16xi32>
          %parallel_loop3A_309 = arith.constant 0 : i32
          %parallel_loop3A_310 = arith.addi %parallel_loop3A_162, %parallel_loop3A_309 : i32
          %parallel_loop3A_311 = vector.broadcast %parallel_loop3A_310 : i32 to vector<16xi32>
          %parallel_loop3A_312 = arith.addi %parallel_loop3A_308, %parallel_loop3A_311 : vector<16xi32>
          %parallel_loop3A_313 = arith.constant 10 : i32
          %parallel_loop3A_314 = vector.broadcast %parallel_loop3A_313 : i32 to vector<16xi32>
          %parallel_loop3A_315 = arith.addi %iota3A, %parallel_loop3A_314 : vector<16xi32>
          %parallel_loop3A_316 = arith.constant 15 : i32
          %parallel_loop3A_317 = vector.broadcast %parallel_loop3A_316 : i32 to vector<16xi32>
          %parallel_loop3A_318 = arith.andi %parallel_loop3A_315, %parallel_loop3A_317 : vector<16xi32>
          %parallel_loop3A_319 = arith.constant 0 : i32
          %parallel_loop3A_320 = vector.broadcast %parallel_loop3A_319 : i32 to vector<16xi32>
          %parallel_loop3A_321 = arith.addi %parallel_loop3A_318, %parallel_loop3A_320 : vector<16xi32>
          %parallel_loop3A_322 = tpu.vector_load_idx %arg6[%parallel_loop3A_321, %parallel_loop3A_160] : memref<32x896xf32, #tpu.memory_space<vmem>>[vector<16xi32>, vector<16xi32>], vector<16xf32>,
          %parallel_loop3A_323 = arith.addi %mul3A_3, %parallel_loop3A_318 : vector<16xi32>
          %parallel_loop3A_324 = arith.constant 0 : i32
          %parallel_loop3A_325 = arith.addi %parallel_loop3A_162, %parallel_loop3A_324 : i32
          %parallel_loop3A_326 = vector.broadcast %parallel_loop3A_325 : i32 to vector<16xi32>
          %parallel_loop3A_327 = arith.addi %parallel_loop3A_323, %parallel_loop3A_326 : vector<16xi32>
          %parallel_loop3A_328 = arith.constant 11 : i32
          %parallel_loop3A_329 = vector.broadcast %parallel_loop3A_328 : i32 to vector<16xi32>
          %parallel_loop3A_330 = arith.addi %iota3A, %parallel_loop3A_329 : vector<16xi32>
          %parallel_loop3A_331 = arith.constant 15 : i32
          %parallel_loop3A_332 = vector.broadcast %parallel_loop3A_331 : i32 to vector<16xi32>
          %parallel_loop3A_333 = arith.andi %parallel_loop3A_330, %parallel_loop3A_332 : vector<16xi32>
          %parallel_loop3A_334 = arith.constant 0 : i32
          %parallel_loop3A_335 = vector.broadcast %parallel_loop3A_334 : i32 to vector<16xi32>
          %parallel_loop3A_336 = arith.addi %parallel_loop3A_333, %parallel_loop3A_335 : vector<16xi32>
          %parallel_loop3A_337 = tpu.vector_load_idx %arg6[%parallel_loop3A_336, %parallel_loop3A_160] : memref<32x896xf32, #tpu.memory_space<vmem>>[vector<16xi32>, vector<16xi32>], vector<16xf32>,
          %parallel_loop3A_338 = arith.addi %mul3A_3, %parallel_loop3A_333 : vector<16xi32>
          %parallel_loop3A_339 = arith.constant 0 : i32
          %parallel_loop3A_340 = arith.addi %parallel_loop3A_162, %parallel_loop3A_339 : i32
          %parallel_loop3A_341 = vector.broadcast %parallel_loop3A_340 : i32 to vector<16xi32>
          %parallel_loop3A_342 = arith.addi %parallel_loop3A_338, %parallel_loop3A_341 : vector<16xi32>
          tpu.vector_store_idx %arg8[%parallel_loop3A_297], %parallel_loop3A_292 : memref<28672xf32, #tpu.memory_space<vmem>>[vector<16xi32>], vector<16xf32>,
          tpu.vector_store_idx %arg8[%parallel_loop3A_312], %parallel_loop3A_307 : memref<28672xf32, #tpu.memory_space<vmem>>[vector<16xi32>], vector<16xf32>,
          tpu.vector_store_idx %arg8[%parallel_loop3A_327], %parallel_loop3A_322 : memref<28672xf32, #tpu.memory_space<vmem>>[vector<16xi32>], vector<16xf32>,
          tpu.vector_store_idx %arg8[%parallel_loop3A_342], %parallel_loop3A_337 : memref<28672xf32, #tpu.memory_space<vmem>>[vector<16xi32>], vector<16xf32>,
          %parallel_loop3A_343 = arith.constant 12 : i32
          %parallel_loop3A_344 = vector.broadcast %parallel_loop3A_343 : i32 to vector<16xi32>
          %parallel_loop3A_345 = arith.addi %iota3A, %parallel_loop3A_344 : vector<16xi32>
          %parallel_loop3A_346 = arith.constant 15 : i32
          %parallel_loop3A_347 = vector.broadcast %parallel_loop3A_346 : i32 to vector<16xi32>
          %parallel_loop3A_348 = arith.andi %parallel_loop3A_345, %parallel_loop3A_347 : vector<16xi32>
          %parallel_loop3A_349 = arith.constant 0 : i32
          %parallel_loop3A_350 = vector.broadcast %parallel_loop3A_349 : i32 to vector<16xi32>
          %parallel_loop3A_351 = arith.addi %parallel_loop3A_348, %parallel_loop3A_350 : vector<16xi32>
          %parallel_loop3A_352 = tpu.vector_load_idx %arg6[%parallel_loop3A_351, %parallel_loop3A_160] : memref<32x896xf32, #tpu.memory_space<vmem>>[vector<16xi32>, vector<16xi32>], vector<16xf32>,
          %parallel_loop3A_353 = arith.addi %mul3A_3, %parallel_loop3A_348 : vector<16xi32>
          %parallel_loop3A_354 = arith.constant 0 : i32
          %parallel_loop3A_355 = arith.addi %parallel_loop3A_162, %parallel_loop3A_354 : i32
          %parallel_loop3A_356 = vector.broadcast %parallel_loop3A_355 : i32 to vector<16xi32>
          %parallel_loop3A_357 = arith.addi %parallel_loop3A_353, %parallel_loop3A_356 : vector<16xi32>
          %parallel_loop3A_358 = arith.constant 13 : i32
          %parallel_loop3A_359 = vector.broadcast %parallel_loop3A_358 : i32 to vector<16xi32>
          %parallel_loop3A_360 = arith.addi %iota3A, %parallel_loop3A_359 : vector<16xi32>
          %parallel_loop3A_361 = arith.constant 15 : i32
          %parallel_loop3A_362 = vector.broadcast %parallel_loop3A_361 : i32 to vector<16xi32>
          %parallel_loop3A_363 = arith.andi %parallel_loop3A_360, %parallel_loop3A_362 : vector<16xi32>
          %parallel_loop3A_364 = arith.constant 0 : i32
          %parallel_loop3A_365 = vector.broadcast %parallel_loop3A_364 : i32 to vector<16xi32>
          %parallel_loop3A_366 = arith.addi %parallel_loop3A_363, %parallel_loop3A_365 : vector<16xi32>
          %parallel_loop3A_367 = tpu.vector_load_idx %arg6[%parallel_loop3A_366, %parallel_loop3A_160] : memref<32x896xf32, #tpu.memory_space<vmem>>[vector<16xi32>, vector<16xi32>], vector<16xf32>,
          %parallel_loop3A_368 = arith.addi %mul3A_3, %parallel_loop3A_363 : vector<16xi32>
          %parallel_loop3A_369 = arith.constant 0 : i32
          %parallel_loop3A_370 = arith.addi %parallel_loop3A_162, %parallel_loop3A_369 : i32
          %parallel_loop3A_371 = vector.broadcast %parallel_loop3A_370 : i32 to vector<16xi32>
          %parallel_loop3A_372 = arith.addi %parallel_loop3A_368, %parallel_loop3A_371 : vector<16xi32>
          %parallel_loop3A_373 = arith.constant 14 : i32
          %parallel_loop3A_374 = vector.broadcast %parallel_loop3A_373 : i32 to vector<16xi32>
          %parallel_loop3A_375 = arith.addi %iota3A, %parallel_loop3A_374 : vector<16xi32>
          %parallel_loop3A_376 = arith.constant 15 : i32
          %parallel_loop3A_377 = vector.broadcast %parallel_loop3A_376 : i32 to vector<16xi32>
          %parallel_loop3A_378 = arith.andi %parallel_loop3A_375, %parallel_loop3A_377 : vector<16xi32>
          %parallel_loop3A_379 = arith.constant 0 : i32
          %parallel_loop3A_380 = vector.broadcast %parallel_loop3A_379 : i32 to vector<16xi32>
          %parallel_loop3A_381 = arith.addi %parallel_loop3A_378, %parallel_loop3A_380 : vector<16xi32>
          %parallel_loop3A_382 = tpu.vector_load_idx %arg6[%parallel_loop3A_381, %parallel_loop3A_160] : memref<32x896xf32, #tpu.memory_space<vmem>>[vector<16xi32>, vector<16xi32>], vector<16xf32>,
          %parallel_loop3A_383 = arith.addi %mul3A_3, %parallel_loop3A_378 : vector<16xi32>
          %parallel_loop3A_384 = arith.constant 0 : i32
          %parallel_loop3A_385 = arith.addi %parallel_loop3A_162, %parallel_loop3A_384 : i32
          %parallel_loop3A_386 = vector.broadcast %parallel_loop3A_385 : i32 to vector<16xi32>
          %parallel_loop3A_387 = arith.addi %parallel_loop3A_383, %parallel_loop3A_386 : vector<16xi32>
          %parallel_loop3A_388 = arith.constant 15 : i32
          %parallel_loop3A_389 = vector.broadcast %parallel_loop3A_388 : i32 to vector<16xi32>
          %parallel_loop3A_390 = arith.addi %iota3A, %parallel_loop3A_389 : vector<16xi32>
          %parallel_loop3A_391 = arith.constant 15 : i32
          %parallel_loop3A_392 = vector.broadcast %parallel_loop3A_391 : i32 to vector<16xi32>
          %parallel_loop3A_393 = arith.andi %parallel_loop3A_390, %parallel_loop3A_392 : vector<16xi32>
          %parallel_loop3A_394 = arith.constant 0 : i32
          %parallel_loop3A_395 = vector.broadcast %parallel_loop3A_394 : i32 to vector<16xi32>
          %parallel_loop3A_396 = arith.addi %parallel_loop3A_393, %parallel_loop3A_395 : vector<16xi32>
          %parallel_loop3A_397 = tpu.vector_load_idx %arg6[%parallel_loop3A_396, %parallel_loop3A_160] : memref<32x896xf32, #tpu.memory_space<vmem>>[vector<16xi32>, vector<16xi32>], vector<16xf32>,
          %parallel_loop3A_398 = arith.addi %mul3A_3, %parallel_loop3A_393 : vector<16xi32>
          %parallel_loop3A_399 = arith.constant 0 : i32
          %parallel_loop3A_400 = arith.addi %parallel_loop3A_162, %parallel_loop3A_399 : i32
          %parallel_loop3A_401 = vector.broadcast %parallel_loop3A_400 : i32 to vector<16xi32>
          %parallel_loop3A_402 = arith.addi %parallel_loop3A_398, %parallel_loop3A_401 : vector<16xi32>
          tpu.vector_store_idx %arg8[%parallel_loop3A_357], %parallel_loop3A_352 : memref<28672xf32, #tpu.memory_space<vmem>>[vector<16xi32>], vector<16xf32>,
          tpu.vector_store_idx %arg8[%parallel_loop3A_372], %parallel_loop3A_367 : memref<28672xf32, #tpu.memory_space<vmem>>[vector<16xi32>], vector<16xf32>,
          tpu.vector_store_idx %arg8[%parallel_loop3A_387], %parallel_loop3A_382 : memref<28672xf32, #tpu.memory_space<vmem>>[vector<16xi32>], vector<16xf32>,
          tpu.vector_store_idx %arg8[%parallel_loop3A_402], %parallel_loop3A_397 : memref<28672xf32, #tpu.memory_space<vmem>>[vector<16xi32>], vector<16xf32>,
          %parallel_loop3A_403 = arith.constant 0 : i32
          %parallel_loop3A_404 = vector.broadcast %parallel_loop3A_403 : i32 to vector<16xi32>
          %parallel_loop3A_405 = arith.addi %iota3A, %parallel_loop3A_404 : vector<16xi32>
          %parallel_loop3A_406 = arith.constant 15 : i32
          %parallel_loop3A_407 = vector.broadcast %parallel_loop3A_406 : i32 to vector<16xi32>
          %parallel_loop3A_408 = arith.andi %parallel_loop3A_405, %parallel_loop3A_407 : vector<16xi32>
          %parallel_loop3A_409 = arith.constant 16 : i32
          %parallel_loop3A_410 = vector.broadcast %parallel_loop3A_409 : i32 to vector<16xi32>
          %parallel_loop3A_411 = arith.addi %parallel_loop3A_408, %parallel_loop3A_410 : vector<16xi32>
          %parallel_loop3A_412 = tpu.vector_load_idx %arg6[%parallel_loop3A_411, %parallel_loop3A_160] : memref<32x896xf32, #tpu.memory_space<vmem>>[vector<16xi32>, vector<16xi32>], vector<16xf32>,
          %parallel_loop3A_413 = arith.addi %mul3A_3, %parallel_loop3A_408 : vector<16xi32>
          %parallel_loop3A_414 = arith.constant 16 : i32
          %parallel_loop3A_415 = arith.addi %parallel_loop3A_162, %parallel_loop3A_414 : i32
          %parallel_loop3A_416 = vector.broadcast %parallel_loop3A_415 : i32 to vector<16xi32>
          %parallel_loop3A_417 = arith.addi %parallel_loop3A_413, %parallel_loop3A_416 : vector<16xi32>
          %parallel_loop3A_418 = arith.constant 1 : i32
          %parallel_loop3A_419 = vector.broadcast %parallel_loop3A_418 : i32 to vector<16xi32>
          %parallel_loop3A_420 = arith.addi %iota3A, %parallel_loop3A_419 : vector<16xi32>
          %parallel_loop3A_421 = arith.constant 15 : i32
          %parallel_loop3A_422 = vector.broadcast %parallel_loop3A_421 : i32 to vector<16xi32>
          %parallel_loop3A_423 = arith.andi %parallel_loop3A_420, %parallel_loop3A_422 : vector<16xi32>
          %parallel_loop3A_424 = arith.constant 16 : i32
          %parallel_loop3A_425 = vector.broadcast %parallel_loop3A_424 : i32 to vector<16xi32>
          %parallel_loop3A_426 = arith.addi %parallel_loop3A_423, %parallel_loop3A_425 : vector<16xi32>
          %parallel_loop3A_427 = tpu.vector_load_idx %arg6[%parallel_loop3A_426, %parallel_loop3A_160] : memref<32x896xf32, #tpu.memory_space<vmem>>[vector<16xi32>, vector<16xi32>], vector<16xf32>,
          %parallel_loop3A_428 = arith.addi %mul3A_3, %parallel_loop3A_423 : vector<16xi32>
          %parallel_loop3A_429 = arith.constant 16 : i32
          %parallel_loop3A_430 = arith.addi %parallel_loop3A_162, %parallel_loop3A_429 : i32
          %parallel_loop3A_431 = vector.broadcast %parallel_loop3A_430 : i32 to vector<16xi32>
          %parallel_loop3A_432 = arith.addi %parallel_loop3A_428, %parallel_loop3A_431 : vector<16xi32>
          %parallel_loop3A_433 = arith.constant 2 : i32
          %parallel_loop3A_434 = vector.broadcast %parallel_loop3A_433 : i32 to vector<16xi32>
          %parallel_loop3A_435 = arith.addi %iota3A, %parallel_loop3A_434 : vector<16xi32>
          %parallel_loop3A_436 = arith.constant 15 : i32
          %parallel_loop3A_437 = vector.broadcast %parallel_loop3A_436 : i32 to vector<16xi32>
          %parallel_loop3A_438 = arith.andi %parallel_loop3A_435, %parallel_loop3A_437 : vector<16xi32>
          %parallel_loop3A_439 = arith.constant 16 : i32
          %parallel_loop3A_440 = vector.broadcast %parallel_loop3A_439 : i32 to vector<16xi32>
          %parallel_loop3A_441 = arith.addi %parallel_loop3A_438, %parallel_loop3A_440 : vector<16xi32>
          %parallel_loop3A_442 = tpu.vector_load_idx %arg6[%parallel_loop3A_441, %parallel_loop3A_160] : memref<32x896xf32, #tpu.memory_space<vmem>>[vector<16xi32>, vector<16xi32>], vector<16xf32>,
          %parallel_loop3A_443 = arith.addi %mul3A_3, %parallel_loop3A_438 : vector<16xi32>
          %parallel_loop3A_444 = arith.constant 16 : i32
          %parallel_loop3A_445 = arith.addi %parallel_loop3A_162, %parallel_loop3A_444 : i32
          %parallel_loop3A_446 = vector.broadcast %parallel_loop3A_445 : i32 to vector<16xi32>
          %parallel_loop3A_447 = arith.addi %parallel_loop3A_443, %parallel_loop3A_446 : vector<16xi32>
          %parallel_loop3A_448 = arith.constant 3 : i32
          %parallel_loop3A_449 = vector.broadcast %parallel_loop3A_448 : i32 to vector<16xi32>
          %parallel_loop3A_450 = arith.addi %iota3A, %parallel_loop3A_449 : vector<16xi32>
          %parallel_loop3A_451 = arith.constant 15 : i32
          %parallel_loop3A_452 = vector.broadcast %parallel_loop3A_451 : i32 to vector<16xi32>
          %parallel_loop3A_453 = arith.andi %parallel_loop3A_450, %parallel_loop3A_452 : vector<16xi32>
          %parallel_loop3A_454 = arith.constant 16 : i32
          %parallel_loop3A_455 = vector.broadcast %parallel_loop3A_454 : i32 to vector<16xi32>
          %parallel_loop3A_456 = arith.addi %parallel_loop3A_453, %parallel_loop3A_455 : vector<16xi32>
          %parallel_loop3A_457 = tpu.vector_load_idx %arg6[%parallel_loop3A_456, %parallel_loop3A_160] : memref<32x896xf32, #tpu.memory_space<vmem>>[vector<16xi32>, vector<16xi32>], vector<16xf32>,
          %parallel_loop3A_458 = arith.addi %mul3A_3, %parallel_loop3A_453 : vector<16xi32>
          %parallel_loop3A_459 = arith.constant 16 : i32
          %parallel_loop3A_460 = arith.addi %parallel_loop3A_162, %parallel_loop3A_459 : i32
          %parallel_loop3A_461 = vector.broadcast %parallel_loop3A_460 : i32 to vector<16xi32>
          %parallel_loop3A_462 = arith.addi %parallel_loop3A_458, %parallel_loop3A_461 : vector<16xi32>
          tpu.vector_store_idx %arg8[%parallel_loop3A_417], %parallel_loop3A_412 : memref<28672xf32, #tpu.memory_space<vmem>>[vector<16xi32>], vector<16xf32>,
          tpu.vector_store_idx %arg8[%parallel_loop3A_432], %parallel_loop3A_427 : memref<28672xf32, #tpu.memory_space<vmem>>[vector<16xi32>], vector<16xf32>,
          tpu.vector_store_idx %arg8[%parallel_loop3A_447], %parallel_loop3A_442 : memref<28672xf32, #tpu.memory_space<vmem>>[vector<16xi32>], vector<16xf32>,
          tpu.vector_store_idx %arg8[%parallel_loop3A_462], %parallel_loop3A_457 : memref<28672xf32, #tpu.memory_space<vmem>>[vector<16xi32>], vector<16xf32>,
          %parallel_loop3A_463 = arith.constant 4 : i32
          %parallel_loop3A_464 = vector.broadcast %parallel_loop3A_463 : i32 to vector<16xi32>
          %parallel_loop3A_465 = arith.addi %iota3A, %parallel_loop3A_464 : vector<16xi32>
          %parallel_loop3A_466 = arith.constant 15 : i32
          %parallel_loop3A_467 = vector.broadcast %parallel_loop3A_466 : i32 to vector<16xi32>
          %parallel_loop3A_468 = arith.andi %parallel_loop3A_465, %parallel_loop3A_467 : vector<16xi32>
          %parallel_loop3A_469 = arith.constant 16 : i32
          %parallel_loop3A_470 = vector.broadcast %parallel_loop3A_469 : i32 to vector<16xi32>
          %parallel_loop3A_471 = arith.addi %parallel_loop3A_468, %parallel_loop3A_470 : vector<16xi32>
          %parallel_loop3A_472 = tpu.vector_load_idx %arg6[%parallel_loop3A_471, %parallel_loop3A_160] : memref<32x896xf32, #tpu.memory_space<vmem>>[vector<16xi32>, vector<16xi32>], vector<16xf32>,
          %parallel_loop3A_473 = arith.addi %mul3A_3, %parallel_loop3A_468 : vector<16xi32>
          %parallel_loop3A_474 = arith.constant 16 : i32
          %parallel_loop3A_475 = arith.addi %parallel_loop3A_162, %parallel_loop3A_474 : i32
          %parallel_loop3A_476 = vector.broadcast %parallel_loop3A_475 : i32 to vector<16xi32>
          %parallel_loop3A_477 = arith.addi %parallel_loop3A_473, %parallel_loop3A_476 : vector<16xi32>
          %parallel_loop3A_478 = arith.constant 5 : i32
          %parallel_loop3A_479 = vector.broadcast %parallel_loop3A_478 : i32 to vector<16xi32>
          %parallel_loop3A_480 = arith.addi %iota3A, %parallel_loop3A_479 : vector<16xi32>
          %parallel_loop3A_481 = arith.constant 15 : i32
          %parallel_loop3A_482 = vector.broadcast %parallel_loop3A_481 : i32 to vector<16xi32>
          %parallel_loop3A_483 = arith.andi %parallel_loop3A_480, %parallel_loop3A_482 : vector<16xi32>
          %parallel_loop3A_484 = arith.constant 16 : i32
          %parallel_loop3A_485 = vector.broadcast %parallel_loop3A_484 : i32 to vector<16xi32>
          %parallel_loop3A_486 = arith.addi %parallel_loop3A_483, %parallel_loop3A_485 : vector<16xi32>
          %parallel_loop3A_487 = tpu.vector_load_idx %arg6[%parallel_loop3A_486, %parallel_loop3A_160] : memref<32x896xf32, #tpu.memory_space<vmem>>[vector<16xi32>, vector<16xi32>], vector<16xf32>,
          %parallel_loop3A_488 = arith.addi %mul3A_3, %parallel_loop3A_483 : vector<16xi32>
          %parallel_loop3A_489 = arith.constant 16 : i32
          %parallel_loop3A_490 = arith.addi %parallel_loop3A_162, %parallel_loop3A_489 : i32
          %parallel_loop3A_491 = vector.broadcast %parallel_loop3A_490 : i32 to vector<16xi32>
          %parallel_loop3A_492 = arith.addi %parallel_loop3A_488, %parallel_loop3A_491 : vector<16xi32>
          %parallel_loop3A_493 = arith.constant 6 : i32
          %parallel_loop3A_494 = vector.broadcast %parallel_loop3A_493 : i32 to vector<16xi32>
          %parallel_loop3A_495 = arith.addi %iota3A, %parallel_loop3A_494 : vector<16xi32>
          %parallel_loop3A_496 = arith.constant 15 : i32
          %parallel_loop3A_497 = vector.broadcast %parallel_loop3A_496 : i32 to vector<16xi32>
          %parallel_loop3A_498 = arith.andi %parallel_loop3A_495, %parallel_loop3A_497 : vector<16xi32>
          %parallel_loop3A_499 = arith.constant 16 : i32
          %parallel_loop3A_500 = vector.broadcast %parallel_loop3A_499 : i32 to vector<16xi32>
          %parallel_loop3A_501 = arith.addi %parallel_loop3A_498, %parallel_loop3A_500 : vector<16xi32>
          %parallel_loop3A_502 = tpu.vector_load_idx %arg6[%parallel_loop3A_501, %parallel_loop3A_160] : memref<32x896xf32, #tpu.memory_space<vmem>>[vector<16xi32>, vector<16xi32>], vector<16xf32>,
          %parallel_loop3A_503 = arith.addi %mul3A_3, %parallel_loop3A_498 : vector<16xi32>
          %parallel_loop3A_504 = arith.constant 16 : i32
          %parallel_loop3A_505 = arith.addi %parallel_loop3A_162, %parallel_loop3A_504 : i32
          %parallel_loop3A_506 = vector.broadcast %parallel_loop3A_505 : i32 to vector<16xi32>
          %parallel_loop3A_507 = arith.addi %parallel_loop3A_503, %parallel_loop3A_506 : vector<16xi32>
          %parallel_loop3A_508 = arith.constant 7 : i32
          %parallel_loop3A_509 = vector.broadcast %parallel_loop3A_508 : i32 to vector<16xi32>
          %parallel_loop3A_510 = arith.addi %iota3A, %parallel_loop3A_509 : vector<16xi32>
          %parallel_loop3A_511 = arith.constant 15 : i32
          %parallel_loop3A_512 = vector.broadcast %parallel_loop3A_511 : i32 to vector<16xi32>
          %parallel_loop3A_513 = arith.andi %parallel_loop3A_510, %parallel_loop3A_512 : vector<16xi32>
          %parallel_loop3A_514 = arith.constant 16 : i32
          %parallel_loop3A_515 = vector.broadcast %parallel_loop3A_514 : i32 to vector<16xi32>
          %parallel_loop3A_516 = arith.addi %parallel_loop3A_513, %parallel_loop3A_515 : vector<16xi32>
          %parallel_loop3A_517 = tpu.vector_load_idx %arg6[%parallel_loop3A_516, %parallel_loop3A_160] : memref<32x896xf32, #tpu.memory_space<vmem>>[vector<16xi32>, vector<16xi32>], vector<16xf32>,
          %parallel_loop3A_518 = arith.addi %mul3A_3, %parallel_loop3A_513 : vector<16xi32>
          %parallel_loop3A_519 = arith.constant 16 : i32
          %parallel_loop3A_520 = arith.addi %parallel_loop3A_162, %parallel_loop3A_519 : i32
          %parallel_loop3A_521 = vector.broadcast %parallel_loop3A_520 : i32 to vector<16xi32>
          %parallel_loop3A_522 = arith.addi %parallel_loop3A_518, %parallel_loop3A_521 : vector<16xi32>
          tpu.vector_store_idx %arg8[%parallel_loop3A_477], %parallel_loop3A_472 : memref<28672xf32, #tpu.memory_space<vmem>>[vector<16xi32>], vector<16xf32>,
          tpu.vector_store_idx %arg8[%parallel_loop3A_492], %parallel_loop3A_487 : memref<28672xf32, #tpu.memory_space<vmem>>[vector<16xi32>], vector<16xf32>,
          tpu.vector_store_idx %arg8[%parallel_loop3A_507], %parallel_loop3A_502 : memref<28672xf32, #tpu.memory_space<vmem>>[vector<16xi32>], vector<16xf32>,
          tpu.vector_store_idx %arg8[%parallel_loop3A_522], %parallel_loop3A_517 : memref<28672xf32, #tpu.memory_space<vmem>>[vector<16xi32>], vector<16xf32>,
          %parallel_loop3A_523 = arith.constant 8 : i32
          %parallel_loop3A_524 = vector.broadcast %parallel_loop3A_523 : i32 to vector<16xi32>
          %parallel_loop3A_525 = arith.addi %iota3A, %parallel_loop3A_524 : vector<16xi32>
          %parallel_loop3A_526 = arith.constant 15 : i32
          %parallel_loop3A_527 = vector.broadcast %parallel_loop3A_526 : i32 to vector<16xi32>
          %parallel_loop3A_528 = arith.andi %parallel_loop3A_525, %parallel_loop3A_527 : vector<16xi32>
          %parallel_loop3A_529 = arith.constant 16 : i32
          %parallel_loop3A_530 = vector.broadcast %parallel_loop3A_529 : i32 to vector<16xi32>
          %parallel_loop3A_531 = arith.addi %parallel_loop3A_528, %parallel_loop3A_530 : vector<16xi32>
          %parallel_loop3A_532 = tpu.vector_load_idx %arg6[%parallel_loop3A_531, %parallel_loop3A_160] : memref<32x896xf32, #tpu.memory_space<vmem>>[vector<16xi32>, vector<16xi32>], vector<16xf32>,
          %parallel_loop3A_533 = arith.addi %mul3A_3, %parallel_loop3A_528 : vector<16xi32>
          %parallel_loop3A_534 = arith.constant 16 : i32
          %parallel_loop3A_535 = arith.addi %parallel_loop3A_162, %parallel_loop3A_534 : i32
          %parallel_loop3A_536 = vector.broadcast %parallel_loop3A_535 : i32 to vector<16xi32>
          %parallel_loop3A_537 = arith.addi %parallel_loop3A_533, %parallel_loop3A_536 : vector<16xi32>
          %parallel_loop3A_538 = arith.constant 9 : i32
          %parallel_loop3A_539 = vector.broadcast %parallel_loop3A_538 : i32 to vector<16xi32>
          %parallel_loop3A_540 = arith.addi %iota3A, %parallel_loop3A_539 : vector<16xi32>
          %parallel_loop3A_541 = arith.constant 15 : i32
          %parallel_loop3A_542 = vector.broadcast %parallel_loop3A_541 : i32 to vector<16xi32>
          %parallel_loop3A_543 = arith.andi %parallel_loop3A_540, %parallel_loop3A_542 : vector<16xi32>
          %parallel_loop3A_544 = arith.constant 16 : i32
          %parallel_loop3A_545 = vector.broadcast %parallel_loop3A_544 : i32 to vector<16xi32>
          %parallel_loop3A_546 = arith.addi %parallel_loop3A_543, %parallel_loop3A_545 : vector<16xi32>
          %parallel_loop3A_547 = tpu.vector_load_idx %arg6[%parallel_loop3A_546, %parallel_loop3A_160] : memref<32x896xf32, #tpu.memory_space<vmem>>[vector<16xi32>, vector<16xi32>], vector<16xf32>,
          %parallel_loop3A_548 = arith.addi %mul3A_3, %parallel_loop3A_543 : vector<16xi32>
          %parallel_loop3A_549 = arith.constant 16 : i32
          %parallel_loop3A_550 = arith.addi %parallel_loop3A_162, %parallel_loop3A_549 : i32
          %parallel_loop3A_551 = vector.broadcast %parallel_loop3A_550 : i32 to vector<16xi32>
          %parallel_loop3A_552 = arith.addi %parallel_loop3A_548, %parallel_loop3A_551 : vector<16xi32>
          %parallel_loop3A_553 = arith.constant 10 : i32
          %parallel_loop3A_554 = vector.broadcast %parallel_loop3A_553 : i32 to vector<16xi32>
          %parallel_loop3A_555 = arith.addi %iota3A, %parallel_loop3A_554 : vector<16xi32>
          %parallel_loop3A_556 = arith.constant 15 : i32
          %parallel_loop3A_557 = vector.broadcast %parallel_loop3A_556 : i32 to vector<16xi32>
          %parallel_loop3A_558 = arith.andi %parallel_loop3A_555, %parallel_loop3A_557 : vector<16xi32>
          %parallel_loop3A_559 = arith.constant 16 : i32
          %parallel_loop3A_560 = vector.broadcast %parallel_loop3A_559 : i32 to vector<16xi32>
          %parallel_loop3A_561 = arith.addi %parallel_loop3A_558, %parallel_loop3A_560 : vector<16xi32>
          %parallel_loop3A_562 = tpu.vector_load_idx %arg6[%parallel_loop3A_561, %parallel_loop3A_160] : memref<32x896xf32, #tpu.memory_space<vmem>>[vector<16xi32>, vector<16xi32>], vector<16xf32>,
          %parallel_loop3A_563 = arith.addi %mul3A_3, %parallel_loop3A_558 : vector<16xi32>
          %parallel_loop3A_564 = arith.constant 16 : i32
          %parallel_loop3A_565 = arith.addi %parallel_loop3A_162, %parallel_loop3A_564 : i32
          %parallel_loop3A_566 = vector.broadcast %parallel_loop3A_565 : i32 to vector<16xi32>
          %parallel_loop3A_567 = arith.addi %parallel_loop3A_563, %parallel_loop3A_566 : vector<16xi32>
          %parallel_loop3A_568 = arith.constant 11 : i32
          %parallel_loop3A_569 = vector.broadcast %parallel_loop3A_568 : i32 to vector<16xi32>
          %parallel_loop3A_570 = arith.addi %iota3A, %parallel_loop3A_569 : vector<16xi32>
          %parallel_loop3A_571 = arith.constant 15 : i32
          %parallel_loop3A_572 = vector.broadcast %parallel_loop3A_571 : i32 to vector<16xi32>
          %parallel_loop3A_573 = arith.andi %parallel_loop3A_570, %parallel_loop3A_572 : vector<16xi32>
          %parallel_loop3A_574 = arith.constant 16 : i32
          %parallel_loop3A_575 = vector.broadcast %parallel_loop3A_574 : i32 to vector<16xi32>
          %parallel_loop3A_576 = arith.addi %parallel_loop3A_573, %parallel_loop3A_575 : vector<16xi32>
          %parallel_loop3A_577 = tpu.vector_load_idx %arg6[%parallel_loop3A_576, %parallel_loop3A_160] : memref<32x896xf32, #tpu.memory_space<vmem>>[vector<16xi32>, vector<16xi32>], vector<16xf32>,
          %parallel_loop3A_578 = arith.addi %mul3A_3, %parallel_loop3A_573 : vector<16xi32>
          %parallel_loop3A_579 = arith.constant 16 : i32
          %parallel_loop3A_580 = arith.addi %parallel_loop3A_162, %parallel_loop3A_579 : i32
          %parallel_loop3A_581 = vector.broadcast %parallel_loop3A_580 : i32 to vector<16xi32>
          %parallel_loop3A_582 = arith.addi %parallel_loop3A_578, %parallel_loop3A_581 : vector<16xi32>
          tpu.vector_store_idx %arg8[%parallel_loop3A_537], %parallel_loop3A_532 : memref<28672xf32, #tpu.memory_space<vmem>>[vector<16xi32>], vector<16xf32>,
          tpu.vector_store_idx %arg8[%parallel_loop3A_552], %parallel_loop3A_547 : memref<28672xf32, #tpu.memory_space<vmem>>[vector<16xi32>], vector<16xf32>,
          tpu.vector_store_idx %arg8[%parallel_loop3A_567], %parallel_loop3A_562 : memref<28672xf32, #tpu.memory_space<vmem>>[vector<16xi32>], vector<16xf32>,
          tpu.vector_store_idx %arg8[%parallel_loop3A_582], %parallel_loop3A_577 : memref<28672xf32, #tpu.memory_space<vmem>>[vector<16xi32>], vector<16xf32>,
          %parallel_loop3A_583 = arith.constant 12 : i32
          %parallel_loop3A_584 = vector.broadcast %parallel_loop3A_583 : i32 to vector<16xi32>
          %parallel_loop3A_585 = arith.addi %iota3A, %parallel_loop3A_584 : vector<16xi32>
          %parallel_loop3A_586 = arith.constant 15 : i32
          %parallel_loop3A_587 = vector.broadcast %parallel_loop3A_586 : i32 to vector<16xi32>
          %parallel_loop3A_588 = arith.andi %parallel_loop3A_585, %parallel_loop3A_587 : vector<16xi32>
          %parallel_loop3A_589 = arith.constant 16 : i32
          %parallel_loop3A_590 = vector.broadcast %parallel_loop3A_589 : i32 to vector<16xi32>
          %parallel_loop3A_591 = arith.addi %parallel_loop3A_588, %parallel_loop3A_590 : vector<16xi32>
          %parallel_loop3A_592 = tpu.vector_load_idx %arg6[%parallel_loop3A_591, %parallel_loop3A_160] : memref<32x896xf32, #tpu.memory_space<vmem>>[vector<16xi32>, vector<16xi32>], vector<16xf32>,
          %parallel_loop3A_593 = arith.addi %mul3A_3, %parallel_loop3A_588 : vector<16xi32>
          %parallel_loop3A_594 = arith.constant 16 : i32
          %parallel_loop3A_595 = arith.addi %parallel_loop3A_162, %parallel_loop3A_594 : i32
          %parallel_loop3A_596 = vector.broadcast %parallel_loop3A_595 : i32 to vector<16xi32>
          %parallel_loop3A_597 = arith.addi %parallel_loop3A_593, %parallel_loop3A_596 : vector<16xi32>
          %parallel_loop3A_598 = arith.constant 13 : i32
          %parallel_loop3A_599 = vector.broadcast %parallel_loop3A_598 : i32 to vector<16xi32>
          %parallel_loop3A_600 = arith.addi %iota3A, %parallel_loop3A_599 : vector<16xi32>
          %parallel_loop3A_601 = arith.constant 15 : i32
          %parallel_loop3A_602 = vector.broadcast %parallel_loop3A_601 : i32 to vector<16xi32>
          %parallel_loop3A_603 = arith.andi %parallel_loop3A_600, %parallel_loop3A_602 : vector<16xi32>
          %parallel_loop3A_604 = arith.constant 16 : i32
          %parallel_loop3A_605 = vector.broadcast %parallel_loop3A_604 : i32 to vector<16xi32>
          %parallel_loop3A_606 = arith.addi %parallel_loop3A_603, %parallel_loop3A_605 : vector<16xi32>
          %parallel_loop3A_607 = tpu.vector_load_idx %arg6[%parallel_loop3A_606, %parallel_loop3A_160] : memref<32x896xf32, #tpu.memory_space<vmem>>[vector<16xi32>, vector<16xi32>], vector<16xf32>,
          %parallel_loop3A_608 = arith.addi %mul3A_3, %parallel_loop3A_603 : vector<16xi32>
          %parallel_loop3A_609 = arith.constant 16 : i32
          %parallel_loop3A_610 = arith.addi %parallel_loop3A_162, %parallel_loop3A_609 : i32
          %parallel_loop3A_611 = vector.broadcast %parallel_loop3A_610 : i32 to vector<16xi32>
          %parallel_loop3A_612 = arith.addi %parallel_loop3A_608, %parallel_loop3A_611 : vector<16xi32>
          %parallel_loop3A_613 = arith.constant 14 : i32
          %parallel_loop3A_614 = vector.broadcast %parallel_loop3A_613 : i32 to vector<16xi32>
          %parallel_loop3A_615 = arith.addi %iota3A, %parallel_loop3A_614 : vector<16xi32>
          %parallel_loop3A_616 = arith.constant 15 : i32
          %parallel_loop3A_617 = vector.broadcast %parallel_loop3A_616 : i32 to vector<16xi32>
          %parallel_loop3A_618 = arith.andi %parallel_loop3A_615, %parallel_loop3A_617 : vector<16xi32>
          %parallel_loop3A_619 = arith.constant 16 : i32
          %parallel_loop3A_620 = vector.broadcast %parallel_loop3A_619 : i32 to vector<16xi32>
          %parallel_loop3A_621 = arith.addi %parallel_loop3A_618, %parallel_loop3A_620 : vector<16xi32>
          %parallel_loop3A_622 = tpu.vector_load_idx %arg6[%parallel_loop3A_621, %parallel_loop3A_160] : memref<32x896xf32, #tpu.memory_space<vmem>>[vector<16xi32>, vector<16xi32>], vector<16xf32>,
          %parallel_loop3A_623 = arith.addi %mul3A_3, %parallel_loop3A_618 : vector<16xi32>
          %parallel_loop3A_624 = arith.constant 16 : i32
          %parallel_loop3A_625 = arith.addi %parallel_loop3A_162, %parallel_loop3A_624 : i32
          %parallel_loop3A_626 = vector.broadcast %parallel_loop3A_625 : i32 to vector<16xi32>
          %parallel_loop3A_627 = arith.addi %parallel_loop3A_623, %parallel_loop3A_626 : vector<16xi32>
          %parallel_loop3A_628 = arith.constant 15 : i32
          %parallel_loop3A_629 = vector.broadcast %parallel_loop3A_628 : i32 to vector<16xi32>
          %parallel_loop3A_630 = arith.addi %iota3A, %parallel_loop3A_629 : vector<16xi32>
          %parallel_loop3A_631 = arith.constant 15 : i32
          %parallel_loop3A_632 = vector.broadcast %parallel_loop3A_631 : i32 to vector<16xi32>
          %parallel_loop3A_633 = arith.andi %parallel_loop3A_630, %parallel_loop3A_632 : vector<16xi32>
          %parallel_loop3A_634 = arith.constant 16 : i32
          %parallel_loop3A_635 = vector.broadcast %parallel_loop3A_634 : i32 to vector<16xi32>
          %parallel_loop3A_636 = arith.addi %parallel_loop3A_633, %parallel_loop3A_635 : vector<16xi32>
          %parallel_loop3A_637 = tpu.vector_load_idx %arg6[%parallel_loop3A_636, %parallel_loop3A_160] : memref<32x896xf32, #tpu.memory_space<vmem>>[vector<16xi32>, vector<16xi32>], vector<16xf32>,
          %parallel_loop3A_638 = arith.addi %mul3A_3, %parallel_loop3A_633 : vector<16xi32>
          %parallel_loop3A_639 = arith.constant 16 : i32
          %parallel_loop3A_640 = arith.addi %parallel_loop3A_162, %parallel_loop3A_639 : i32
          %parallel_loop3A_641 = vector.broadcast %parallel_loop3A_640 : i32 to vector<16xi32>
          %parallel_loop3A_642 = arith.addi %parallel_loop3A_638, %parallel_loop3A_641 : vector<16xi32>
          tpu.vector_store_idx %arg8[%parallel_loop3A_597], %parallel_loop3A_592 : memref<28672xf32, #tpu.memory_space<vmem>>[vector<16xi32>], vector<16xf32>,
          tpu.vector_store_idx %arg8[%parallel_loop3A_612], %parallel_loop3A_607 : memref<28672xf32, #tpu.memory_space<vmem>>[vector<16xi32>], vector<16xf32>,
          tpu.vector_store_idx %arg8[%parallel_loop3A_627], %parallel_loop3A_622 : memref<28672xf32, #tpu.memory_space<vmem>>[vector<16xi32>], vector<16xf32>,
          tpu.vector_store_idx %arg8[%parallel_loop3A_642], %parallel_loop3A_637 : memref<28672xf32, #tpu.memory_space<vmem>>[vector<16xi32>], vector<16xf32>,
        } {sc.loop_unroll_factor = 1 : i64, sc.parallel_access}
        %mul3A_146 = arith.constant 32 : i32
        %mul3A_147 = arith.muli %add3A_93, %mul3A_146 : i32
        %add3A_148 = arith.addi %add3A, %mul3A_147 : i32
        %mul3A_149 = arith.constant 896 : i32
        %mul3A_150 = arith.muli %add3A_148, %mul3A_149 : i32
        %multiple_of3A_151 = tpu.assume_multiple %mul3A_150, 128 : i32
        %mul3A_152 = arith.constant 32 : i32
        %mul3A_153 = arith.muli %multiple_of3A_151, %mul3A_152 : i32
        %dma_start3A_154 = tpu.memref_slice %arg4[%mul3A_153] : memref<32000000xf32, #tpu.memory_space<hbm>> -> memref<28672xf32, #tpu.memory_space<hbm>>
        %dma_start3A_155 = tpu.memref_slice %arg4[%mul3A_153] : memref<32000000xf32, #tpu.memory_space<hbm>> -> memref<28672xf32, #tpu.memory_space<hbm>>
        tpu.enqueue_dma source(%arg8 : memref<28672xf32, #tpu.memory_space<vmem>>) target(%dma_start3A_155 : memref<28672xf32, #tpu.memory_space<hbm>>) target_semaphore(%arg12 : memref<!tpu.dma_semaphore, #tpu.memory_space<semaphore_mem>>)
      } else {
      }
    }
    %while3A_77 = arith.constant 1 : i32
    scf.for %while3A_87 = %while3A_75 to %while3A_71 step %while3A_77  : i32 {
      %mul3A_88 = arith.constant 2 : i32
      %mul3A_89 = arith.muli %mul3A_88, %while3A_87 : i32
      %mul3A_90 = arith.constant 2 : i32
      %mul3A_91 = arith.muli %mul3A_90, %while3A_87 : i32
      %add3A_92 = arith.constant 1 : i32
      %add3A_93 = arith.addi %mul3A_91, %add3A_92 : i32
      %mul3A_94 = arith.constant 2 : i32
      %mul3A_95 = arith.muli %mul3A_94, %while3A_87 : i32
      %add3A_96 = arith.constant 2 : i32
      %add3A_97 = arith.addi %mul3A_95, %add3A_96 : i32
      %lt3A_98 = arith.cmpi slt, %add3A_93, %select_n3A : i32
      %convert_element_type3A_99 = arith.extui %lt3A_98 : i1 to i32
      %cond3A_100 = arith.constant 0 : i32
      %cond3A_101 = arith.cmpi ne, %convert_element_type3A_99, %cond3A_100 : i32
      scf.if %cond3A_101 {
        %mul3A_132 = arith.constant 32 : i32
        %mul3A_133 = arith.muli %add3A_93, %mul3A_132 : i32
        %add3A_134 = arith.addi %add3A, %mul3A_133 : i32
        %mul3A_135 = arith.constant 896 : i32
        %mul3A_136 = arith.muli %add3A_134, %mul3A_135 : i32
        %multiple_of3A_137 = tpu.assume_multiple %mul3A_136, 128 : i32
        %dma_start3A_138 = arith.constant 0 : i32
        %dma_start3A_139 = arith.constant 0 : i32
        %dma_start3A_140 = tpu.memref_slice %arg6[%dma_start3A_138, %dma_start3A_139] : memref<32x896xf32, #tpu.memory_space<vmem>> -> memref<8x896xf32, #tpu.memory_space<vmem>>
        %dma_start3A_141 = arith.constant 0 : i32
        %dma_start3A_142 = tpu.memref_slice %arg2[%dma_start3A_141, %multiple_of3A_137] : memref<32x1000000xf32, #tpu.memory_space<hbm>> -> memref<8x896xf32, #tpu.memory_space<hbm>>
        %dma_start3A_143 = arith.constant 0 : i32
        %dma_start3A_144 = arith.constant 0 : i32
        %dma_start3A_145 = tpu.memref_slice %arg6[%dma_start3A_143, %dma_start3A_144] : memref<32x896xf32, #tpu.memory_space<vmem>> -> memref<8x896xf32, #tpu.memory_space<vmem>>
        %dma_start3A_146 = arith.constant 0 : i32
        %dma_start3A_147 = tpu.memref_slice %arg2[%dma_start3A_146, %multiple_of3A_137] : memref<32x1000000xf32, #tpu.memory_space<hbm>> -> memref<8x896xf32, #tpu.memory_space<hbm>>
        tpu.enqueue_dma source(%dma_start3A_147 : memref<8x896xf32, #tpu.memory_space<hbm>>) target(%dma_start3A_145 : memref<8x896xf32, #tpu.memory_space<vmem>>) target_semaphore(%arg10 : memref<!tpu.dma_semaphore, #tpu.memory_space<semaphore_mem>>)
        %dma_start3A_148 = arith.constant 8 : i32
        %dma_start3A_149 = arith.constant 0 : i32
        %dma_start3A_150 = tpu.memref_slice %arg6[%dma_start3A_148, %dma_start3A_149] : memref<32x896xf32, #tpu.memory_space<vmem>> -> memref<8x896xf32, #tpu.memory_space<vmem>>
        %dma_start3A_151 = arith.constant 8 : i32
        %dma_start3A_152 = tpu.memref_slice %arg2[%dma_start3A_151, %multiple_of3A_137] : memref<32x1000000xf32, #tpu.memory_space<hbm>> -> memref<8x896xf32, #tpu.memory_space<hbm>>
        %dma_start3A_153 = arith.constant 8 : i32
        %dma_start3A_154 = arith.constant 0 : i32
        %dma_start3A_155 = tpu.memref_slice %arg6[%dma_start3A_153, %dma_start3A_154] : memref<32x896xf32, #tpu.memory_space<vmem>> -> memref<8x896xf32, #tpu.memory_space<vmem>>
        %dma_start3A_156 = arith.constant 8 : i32
        %dma_start3A_157 = tpu.memref_slice %arg2[%dma_start3A_156, %multiple_of3A_137] : memref<32x1000000xf32, #tpu.memory_space<hbm>> -> memref<8x896xf32, #tpu.memory_space<hbm>>
        tpu.enqueue_dma source(%dma_start3A_157 : memref<8x896xf32, #tpu.memory_space<hbm>>) target(%dma_start3A_155 : memref<8x896xf32, #tpu.memory_space<vmem>>) target_semaphore(%arg10 : memref<!tpu.dma_semaphore, #tpu.memory_space<semaphore_mem>>)
        %dma_start3A_158 = arith.constant 16 : i32
        %dma_start3A_159 = arith.constant 0 : i32
        %dma_start3A_160 = tpu.memref_slice %arg6[%dma_start3A_158, %dma_start3A_159] : memref<32x896xf32, #tpu.memory_space<vmem>> -> memref<8x896xf32, #tpu.memory_space<vmem>>
        %dma_start3A_161 = arith.constant 16 : i32
        %dma_start3A_162 = tpu.memref_slice %arg2[%dma_start3A_161, %multiple_of3A_137] : memref<32x1000000xf32, #tpu.memory_space<hbm>> -> memref<8x896xf32, #tpu.memory_space<hbm>>
        %dma_start3A_163 = arith.constant 16 : i32
        %dma_start3A_164 = arith.constant 0 : i32
        %dma_start3A_165 = tpu.memref_slice %arg6[%dma_start3A_163, %dma_start3A_164] : memref<32x896xf32, #tpu.memory_space<vmem>> -> memref<8x896xf32, #tpu.memory_space<vmem>>
        %dma_start3A_166 = arith.constant 16 : i32
        %dma_start3A_167 = tpu.memref_slice %arg2[%dma_start3A_166, %multiple_of3A_137] : memref<32x1000000xf32, #tpu.memory_space<hbm>> -> memref<8x896xf32, #tpu.memory_space<hbm>>
        tpu.enqueue_dma source(%dma_start3A_167 : memref<8x896xf32, #tpu.memory_space<hbm>>) target(%dma_start3A_165 : memref<8x896xf32, #tpu.memory_space<vmem>>) target_semaphore(%arg10 : memref<!tpu.dma_semaphore, #tpu.memory_space<semaphore_mem>>)
        %dma_start3A_168 = arith.constant 24 : i32
        %dma_start3A_169 = arith.constant 0 : i32
        %dma_start3A_170 = tpu.memref_slice %arg6[%dma_start3A_168, %dma_start3A_169] : memref<32x896xf32, #tpu.memory_space<vmem>> -> memref<8x896xf32, #tpu.memory_space<vmem>>
        %dma_start3A_171 = arith.constant 24 : i32
        %dma_start3A_172 = tpu.memref_slice %arg2[%dma_start3A_171, %multiple_of3A_137] : memref<32x1000000xf32, #tpu.memory_space<hbm>> -> memref<8x896xf32, #tpu.memory_space<hbm>>
        %dma_start3A_173 = arith.constant 24 : i32
        %dma_start3A_174 = arith.constant 0 : i32
        %dma_start3A_175 = tpu.memref_slice %arg6[%dma_start3A_173, %dma_start3A_174] : memref<32x896xf32, #tpu.memory_space<vmem>> -> memref<8x896xf32, #tpu.memory_space<vmem>>
        %dma_start3A_176 = arith.constant 24 : i32
        %dma_start3A_177 = tpu.memref_slice %arg2[%dma_start3A_176, %multiple_of3A_137] : memref<32x1000000xf32, #tpu.memory_space<hbm>> -> memref<8x896xf32, #tpu.memory_space<hbm>>
        tpu.enqueue_dma source(%dma_start3A_177 : memref<8x896xf32, #tpu.memory_space<hbm>>) target(%dma_start3A_175 : memref<8x896xf32, #tpu.memory_space<vmem>>) target_semaphore(%arg10 : memref<!tpu.dma_semaphore, #tpu.memory_space<semaphore_mem>>)
      } else {
      }
      %dma_wait3A_102 = arith.constant 0 : i32
      %dma_wait3A_103 = arith.constant 0 : i32
      %dma_wait3A_104 = tpu.memref_slice %arg2[%dma_wait3A_102, %dma_wait3A_103] : memref<32x1000000xf32, #tpu.memory_space<hbm>> -> memref<32x896xf32, #tpu.memory_space<hbm>>
      %dma_wait3A_105 = arith.constant 0 : i32
      %dma_wait3A_106 = arith.constant 0 : i32
      %dma_wait3A_107 = tpu.memref_slice %arg2[%dma_wait3A_105, %dma_wait3A_106] : memref<32x1000000xf32, #tpu.memory_space<hbm>> -> memref<32x896xf32, #tpu.memory_space<hbm>>
      tpu.wait_dma2 semaphore(%arg9 : memref<!tpu.dma_semaphore, #tpu.memory_space<semaphore_mem>>) src(%dma_wait3A_107 : memref<32x896xf32, #tpu.memory_space<hbm>>) dst(%arg5 : memref<32x896xf32, #tpu.memory_space<vmem>>)
      %gt3A = arith.constant 0 : i32
      %gt3A_108 = arith.cmpi sgt, %while3A_87, %gt3A : i32
      %convert_element_type3A_109 = arith.extui %gt3A_108 : i1 to i32
      %cond3A_110 = arith.constant 0 : i32
      %cond3A_111 = arith.cmpi ne, %convert_element_type3A_109, %cond3A_110 : i32
      scf.if %cond3A_111 {
        %dma_wait3A_132 = arith.constant 0 : i32
        %dma_wait3A_133 = tpu.memref_slice %arg4[%dma_wait3A_132] : memref<32000000xf32, #tpu.memory_space<hbm>> -> memref<28672xf32, #tpu.memory_space<hbm>>
        %dma_wait3A_134 = arith.constant 0 : i32
        %dma_wait3A_135 = tpu.memref_slice %arg4[%dma_wait3A_134] : memref<32000000xf32, #tpu.memory_space<hbm>> -> memref<28672xf32, #tpu.memory_space<hbm>>
        tpu.wait_dma2 semaphore(%arg11 : memref<!tpu.dma_semaphore, #tpu.memory_space<semaphore_mem>>) src(%dma_wait3A_135 : memref<28672xf32, #tpu.memory_space<hbm>>) dst(%arg7 : memref<28672xf32, #tpu.memory_space<vmem>>)
      } else {
      }
      %parallel_loop3A = arith.constant 0 : i32
      %parallel_loop3A_112 = arith.constant 56 : i32
      %parallel_loop3A_113 = arith.constant 1 : i32
      scf.for %parallel_loop3A_132 = %parallel_loop3A to %parallel_loop3A_112 step %parallel_loop3A_113  : i32 {
        %parallel_loop3A_133 = arith.constant 16 : i32
        %parallel_loop3A_134 = arith.muli %parallel_loop3A_132, %parallel_loop3A_133 : i32
        %parallel_loop3A_135 = vector.broadcast %parallel_loop3A_134 : i32 to vector<16xi32>
        %parallel_loop3A_136 = arith.addi %iota3A, %parallel_loop3A_135 : vector<16xi32>
        %parallel_loop3A_137 = arith.constant 32 : i32
        %parallel_loop3A_138 = arith.muli %parallel_loop3A_134, %parallel_loop3A_137 : i32
        %parallel_loop3A_139 = arith.constant 0 : i32
        %parallel_loop3A_140 = vector.broadcast %parallel_loop3A_139 : i32 to vector<16xi32>
        %parallel_loop3A_141 = arith.addi %iota3A, %parallel_loop3A_140 : vector<16xi32>
        %parallel_loop3A_142 = arith.constant 15 : i32
        %parallel_loop3A_143 = vector.broadcast %parallel_loop3A_142 : i32 to vector<16xi32>
        %parallel_loop3A_144 = arith.andi %parallel_loop3A_141, %parallel_loop3A_143 : vector<16xi32>
        %parallel_loop3A_145 = arith.constant 0 : i32
        %parallel_loop3A_146 = vector.broadcast %parallel_loop3A_145 : i32 to vector<16xi32>
        %parallel_loop3A_147 = arith.addi %parallel_loop3A_144, %parallel_loop3A_146 : vector<16xi32>
        %parallel_loop3A_148 = tpu.vector_load_idx %arg5[%parallel_loop3A_147, %parallel_loop3A_136] : memref<32x896xf32, #tpu.memory_space<vmem>>[vector<16xi32>, vector<16xi32>], vector<16xf32>,
        %parallel_loop3A_149 = arith.addi %mul3A_3, %parallel_loop3A_144 : vector<16xi32>
        %parallel_loop3A_150 = arith.constant 0 : i32
        %parallel_loop3A_151 = arith.addi %parallel_loop3A_138, %parallel_loop3A_150 : i32
        %parallel_loop3A_152 = vector.broadcast %parallel_loop3A_151 : i32 to vector<16xi32>
        %parallel_loop3A_153 = arith.addi %parallel_loop3A_149, %parallel_loop3A_152 : vector<16xi32>
        %parallel_loop3A_154 = arith.constant 1 : i32
        %parallel_loop3A_155 = vector.broadcast %parallel_loop3A_154 : i32 to vector<16xi32>
        %parallel_loop3A_156 = arith.addi %iota3A, %parallel_loop3A_155 : vector<16xi32>
        %parallel_loop3A_157 = arith.constant 15 : i32
        %parallel_loop3A_158 = vector.broadcast %parallel_loop3A_157 : i32 to vector<16xi32>
        %parallel_loop3A_159 = arith.andi %parallel_loop3A_156, %parallel_loop3A_158 : vector<16xi32>
        %parallel_loop3A_160 = arith.constant 0 : i32
        %parallel_loop3A_161 = vector.broadcast %parallel_loop3A_160 : i32 to vector<16xi32>
        %parallel_loop3A_162 = arith.addi %parallel_loop3A_159, %parallel_loop3A_161 : vector<16xi32>
        %parallel_loop3A_163 = tpu.vector_load_idx %arg5[%parallel_loop3A_162, %parallel_loop3A_136] : memref<32x896xf32, #tpu.memory_space<vmem>>[vector<16xi32>, vector<16xi32>], vector<16xf32>,
        %parallel_loop3A_164 = arith.addi %mul3A_3, %parallel_loop3A_159 : vector<16xi32>
        %parallel_loop3A_165 = arith.constant 0 : i32
        %parallel_loop3A_166 = arith.addi %parallel_loop3A_138, %parallel_loop3A_165 : i32
        %parallel_loop3A_167 = vector.broadcast %parallel_loop3A_166 : i32 to vector<16xi32>
        %parallel_loop3A_168 = arith.addi %parallel_loop3A_164, %parallel_loop3A_167 : vector<16xi32>
        %parallel_loop3A_169 = arith.constant 2 : i32
        %parallel_loop3A_170 = vector.broadcast %parallel_loop3A_169 : i32 to vector<16xi32>
        %parallel_loop3A_171 = arith.addi %iota3A, %parallel_loop3A_170 : vector<16xi32>
        %parallel_loop3A_172 = arith.constant 15 : i32
        %parallel_loop3A_173 = vector.broadcast %parallel_loop3A_172 : i32 to vector<16xi32>
        %parallel_loop3A_174 = arith.andi %parallel_loop3A_171, %parallel_loop3A_173 : vector<16xi32>
        %parallel_loop3A_175 = arith.constant 0 : i32
        %parallel_loop3A_176 = vector.broadcast %parallel_loop3A_175 : i32 to vector<16xi32>
        %parallel_loop3A_177 = arith.addi %parallel_loop3A_174, %parallel_loop3A_176 : vector<16xi32>
        %parallel_loop3A_178 = tpu.vector_load_idx %arg5[%parallel_loop3A_177, %parallel_loop3A_136] : memref<32x896xf32, #tpu.memory_space<vmem>>[vector<16xi32>, vector<16xi32>], vector<16xf32>,
        %parallel_loop3A_179 = arith.addi %mul3A_3, %parallel_loop3A_174 : vector<16xi32>
        %parallel_loop3A_180 = arith.constant 0 : i32
        %parallel_loop3A_181 = arith.addi %parallel_loop3A_138, %parallel_loop3A_180 : i32
        %parallel_loop3A_182 = vector.broadcast %parallel_loop3A_181 : i32 to vector<16xi32>
        %parallel_loop3A_183 = arith.addi %parallel_loop3A_179, %parallel_loop3A_182 : vector<16xi32>
        %parallel_loop3A_184 = arith.constant 3 : i32
        %parallel_loop3A_185 = vector.broadcast %parallel_loop3A_184 : i32 to vector<16xi32>
        %parallel_loop3A_186 = arith.addi %iota3A, %parallel_loop3A_185 : vector<16xi32>
        %parallel_loop3A_187 = arith.constant 15 : i32
        %parallel_loop3A_188 = vector.broadcast %parallel_loop3A_187 : i32 to vector<16xi32>
        %parallel_loop3A_189 = arith.andi %parallel_loop3A_186, %parallel_loop3A_188 : vector<16xi32>
        %parallel_loop3A_190 = arith.constant 0 : i32
        %parallel_loop3A_191 = vector.broadcast %parallel_loop3A_190 : i32 to vector<16xi32>
        %parallel_loop3A_192 = arith.addi %parallel_loop3A_189, %parallel_loop3A_191 : vector<16xi32>
        %parallel_loop3A_193 = tpu.vector_load_idx %arg5[%parallel_loop3A_192, %parallel_loop3A_136] : memref<32x896xf32, #tpu.memory_space<vmem>>[vector<16xi32>, vector<16xi32>], vector<16xf32>,
        %parallel_loop3A_194 = arith.addi %mul3A_3, %parallel_loop3A_189 : vector<16xi32>
        %parallel_loop3A_195 = arith.constant 0 : i32
        %parallel_loop3A_196 = arith.addi %parallel_loop3A_138, %parallel_loop3A_195 : i32
        %parallel_loop3A_197 = vector.broadcast %parallel_loop3A_196 : i32 to vector<16xi32>
        %parallel_loop3A_198 = arith.addi %parallel_loop3A_194, %parallel_loop3A_197 : vector<16xi32>
        tpu.vector_store_idx %arg7[%parallel_loop3A_153], %parallel_loop3A_148 : memref<28672xf32, #tpu.memory_space<vmem>>[vector<16xi32>], vector<16xf32>,
        tpu.vector_store_idx %arg7[%parallel_loop3A_168], %parallel_loop3A_163 : memref<28672xf32, #tpu.memory_space<vmem>>[vector<16xi32>], vector<16xf32>,
        tpu.vector_store_idx %arg7[%parallel_loop3A_183], %parallel_loop3A_178 : memref<28672xf32, #tpu.memory_space<vmem>>[vector<16xi32>], vector<16xf32>,
        tpu.vector_store_idx %arg7[%parallel_loop3A_198], %parallel_loop3A_193 : memref<28672xf32, #tpu.memory_space<vmem>>[vector<16xi32>], vector<16xf32>,
        %parallel_loop3A_199 = arith.constant 4 : i32
        %parallel_loop3A_200 = vector.broadcast %parallel_loop3A_199 : i32 to vector<16xi32>
        %parallel_loop3A_201 = arith.addi %iota3A, %parallel_loop3A_200 : vector<16xi32>
        %parallel_loop3A_202 = arith.constant 15 : i32
        %parallel_loop3A_203 = vector.broadcast %parallel_loop3A_202 : i32 to vector<16xi32>
        %parallel_loop3A_204 = arith.andi %parallel_loop3A_201, %parallel_loop3A_203 : vector<16xi32>
        %parallel_loop3A_205 = arith.constant 0 : i32
        %parallel_loop3A_206 = vector.broadcast %parallel_loop3A_205 : i32 to vector<16xi32>
        %parallel_loop3A_207 = arith.addi %parallel_loop3A_204, %parallel_loop3A_206 : vector<16xi32>
        %parallel_loop3A_208 = tpu.vector_load_idx %arg5[%parallel_loop3A_207, %parallel_loop3A_136] : memref<32x896xf32, #tpu.memory_space<vmem>>[vector<16xi32>, vector<16xi32>], vector<16xf32>,
        %parallel_loop3A_209 = arith.addi %mul3A_3, %parallel_loop3A_204 : vector<16xi32>
        %parallel_loop3A_210 = arith.constant 0 : i32
        %parallel_loop3A_211 = arith.addi %parallel_loop3A_138, %parallel_loop3A_210 : i32
        %parallel_loop3A_212 = vector.broadcast %parallel_loop3A_211 : i32 to vector<16xi32>
        %parallel_loop3A_213 = arith.addi %parallel_loop3A_209, %parallel_loop3A_212 : vector<16xi32>
        %parallel_loop3A_214 = arith.constant 5 : i32
        %parallel_loop3A_215 = vector.broadcast %parallel_loop3A_214 : i32 to vector<16xi32>
        %parallel_loop3A_216 = arith.addi %iota3A, %parallel_loop3A_215 : vector<16xi32>
        %parallel_loop3A_217 = arith.constant 15 : i32
        %parallel_loop3A_218 = vector.broadcast %parallel_loop3A_217 : i32 to vector<16xi32>
        %parallel_loop3A_219 = arith.andi %parallel_loop3A_216, %parallel_loop3A_218 : vector<16xi32>
        %parallel_loop3A_220 = arith.constant 0 : i32
        %parallel_loop3A_221 = vector.broadcast %parallel_loop3A_220 : i32 to vector<16xi32>
        %parallel_loop3A_222 = arith.addi %parallel_loop3A_219, %parallel_loop3A_221 : vector<16xi32>
        %parallel_loop3A_223 = tpu.vector_load_idx %arg5[%parallel_loop3A_222, %parallel_loop3A_136] : memref<32x896xf32, #tpu.memory_space<vmem>>[vector<16xi32>, vector<16xi32>], vector<16xf32>,
        %parallel_loop3A_224 = arith.addi %mul3A_3, %parallel_loop3A_219 : vector<16xi32>
        %parallel_loop3A_225 = arith.constant 0 : i32
        %parallel_loop3A_226 = arith.addi %parallel_loop3A_138, %parallel_loop3A_225 : i32
        %parallel_loop3A_227 = vector.broadcast %parallel_loop3A_226 : i32 to vector<16xi32>
        %parallel_loop3A_228 = arith.addi %parallel_loop3A_224, %parallel_loop3A_227 : vector<16xi32>
        %parallel_loop3A_229 = arith.constant 6 : i32
        %parallel_loop3A_230 = vector.broadcast %parallel_loop3A_229 : i32 to vector<16xi32>
        %parallel_loop3A_231 = arith.addi %iota3A, %parallel_loop3A_230 : vector<16xi32>
        %parallel_loop3A_232 = arith.constant 15 : i32
        %parallel_loop3A_233 = vector.broadcast %parallel_loop3A_232 : i32 to vector<16xi32>
        %parallel_loop3A_234 = arith.andi %parallel_loop3A_231, %parallel_loop3A_233 : vector<16xi32>
        %parallel_loop3A_235 = arith.constant 0 : i32
        %parallel_loop3A_236 = vector.broadcast %parallel_loop3A_235 : i32 to vector<16xi32>
        %parallel_loop3A_237 = arith.addi %parallel_loop3A_234, %parallel_loop3A_236 : vector<16xi32>
        %parallel_loop3A_238 = tpu.vector_load_idx %arg5[%parallel_loop3A_237, %parallel_loop3A_136] : memref<32x896xf32, #tpu.memory_space<vmem>>[vector<16xi32>, vector<16xi32>], vector<16xf32>,
        %parallel_loop3A_239 = arith.addi %mul3A_3, %parallel_loop3A_234 : vector<16xi32>
        %parallel_loop3A_240 = arith.constant 0 : i32
        %parallel_loop3A_241 = arith.addi %parallel_loop3A_138, %parallel_loop3A_240 : i32
        %parallel_loop3A_242 = vector.broadcast %parallel_loop3A_241 : i32 to vector<16xi32>
        %parallel_loop3A_243 = arith.addi %parallel_loop3A_239, %parallel_loop3A_242 : vector<16xi32>
        %parallel_loop3A_244 = arith.constant 7 : i32
        %parallel_loop3A_245 = vector.broadcast %parallel_loop3A_244 : i32 to vector<16xi32>
        %parallel_loop3A_246 = arith.addi %iota3A, %parallel_loop3A_245 : vector<16xi32>
        %parallel_loop3A_247 = arith.constant 15 : i32
        %parallel_loop3A_248 = vector.broadcast %parallel_loop3A_247 : i32 to vector<16xi32>
        %parallel_loop3A_249 = arith.andi %parallel_loop3A_246, %parallel_loop3A_248 : vector<16xi32>
        %parallel_loop3A_250 = arith.constant 0 : i32
        %parallel_loop3A_251 = vector.broadcast %parallel_loop3A_250 : i32 to vector<16xi32>
        %parallel_loop3A_252 = arith.addi %parallel_loop3A_249, %parallel_loop3A_251 : vector<16xi32>
        %parallel_loop3A_253 = tpu.vector_load_idx %arg5[%parallel_loop3A_252, %parallel_loop3A_136] : memref<32x896xf32, #tpu.memory_space<vmem>>[vector<16xi32>, vector<16xi32>], vector<16xf32>,
        %parallel_loop3A_254 = arith.addi %mul3A_3, %parallel_loop3A_249 : vector<16xi32>
        %parallel_loop3A_255 = arith.constant 0 : i32
        %parallel_loop3A_256 = arith.addi %parallel_loop3A_138, %parallel_loop3A_255 : i32
        %parallel_loop3A_257 = vector.broadcast %parallel_loop3A_256 : i32 to vector<16xi32>
        %parallel_loop3A_258 = arith.addi %parallel_loop3A_254, %parallel_loop3A_257 : vector<16xi32>
        tpu.vector_store_idx %arg7[%parallel_loop3A_213], %parallel_loop3A_208 : memref<28672xf32, #tpu.memory_space<vmem>>[vector<16xi32>], vector<16xf32>,
        tpu.vector_store_idx %arg7[%parallel_loop3A_228], %parallel_loop3A_223 : memref<28672xf32, #tpu.memory_space<vmem>>[vector<16xi32>], vector<16xf32>,
        tpu.vector_store_idx %arg7[%parallel_loop3A_243], %parallel_loop3A_238 : memref<28672xf32, #tpu.memory_space<vmem>>[vector<16xi32>], vector<16xf32>,
        tpu.vector_store_idx %arg7[%parallel_loop3A_258], %parallel_loop3A_253 : memref<28672xf32, #tpu.memory_space<vmem>>[vector<16xi32>], vector<16xf32>,
        %parallel_loop3A_259 = arith.constant 8 : i32
        %parallel_loop3A_260 = vector.broadcast %parallel_loop3A_259 : i32 to vector<16xi32>
        %parallel_loop3A_261 = arith.addi %iota3A, %parallel_loop3A_260 : vector<16xi32>
        %parallel_loop3A_262 = arith.constant 15 : i32
        %parallel_loop3A_263 = vector.broadcast %parallel_loop3A_262 : i32 to vector<16xi32>
        %parallel_loop3A_264 = arith.andi %parallel_loop3A_261, %parallel_loop3A_263 : vector<16xi32>
        %parallel_loop3A_265 = arith.constant 0 : i32
        %parallel_loop3A_266 = vector.broadcast %parallel_loop3A_265 : i32 to vector<16xi32>
        %parallel_loop3A_267 = arith.addi %parallel_loop3A_264, %parallel_loop3A_266 : vector<16xi32>
        %parallel_loop3A_268 = tpu.vector_load_idx %arg5[%parallel_loop3A_267, %parallel_loop3A_136] : memref<32x896xf32, #tpu.memory_space<vmem>>[vector<16xi32>, vector<16xi32>], vector<16xf32>,
        %parallel_loop3A_269 = arith.addi %mul3A_3, %parallel_loop3A_264 : vector<16xi32>
        %parallel_loop3A_270 = arith.constant 0 : i32
        %parallel_loop3A_271 = arith.addi %parallel_loop3A_138, %parallel_loop3A_270 : i32
        %parallel_loop3A_272 = vector.broadcast %parallel_loop3A_271 : i32 to vector<16xi32>
        %parallel_loop3A_273 = arith.addi %parallel_loop3A_269, %parallel_loop3A_272 : vector<16xi32>
        %parallel_loop3A_274 = arith.constant 9 : i32
        %parallel_loop3A_275 = vector.broadcast %parallel_loop3A_274 : i32 to vector<16xi32>
        %parallel_loop3A_276 = arith.addi %iota3A, %parallel_loop3A_275 : vector<16xi32>
        %parallel_loop3A_277 = arith.constant 15 : i32
        %parallel_loop3A_278 = vector.broadcast %parallel_loop3A_277 : i32 to vector<16xi32>
        %parallel_loop3A_279 = arith.andi %parallel_loop3A_276, %parallel_loop3A_278 : vector<16xi32>
        %parallel_loop3A_280 = arith.constant 0 : i32
        %parallel_loop3A_281 = vector.broadcast %parallel_loop3A_280 : i32 to vector<16xi32>
        %parallel_loop3A_282 = arith.addi %parallel_loop3A_279, %parallel_loop3A_281 : vector<16xi32>
        %parallel_loop3A_283 = tpu.vector_load_idx %arg5[%parallel_loop3A_282, %parallel_loop3A_136] : memref<32x896xf32, #tpu.memory_space<vmem>>[vector<16xi32>, vector<16xi32>], vector<16xf32>,
        %parallel_loop3A_284 = arith.addi %mul3A_3, %parallel_loop3A_279 : vector<16xi32>
        %parallel_loop3A_285 = arith.constant 0 : i32
        %parallel_loop3A_286 = arith.addi %parallel_loop3A_138, %parallel_loop3A_285 : i32
        %parallel_loop3A_287 = vector.broadcast %parallel_loop3A_286 : i32 to vector<16xi32>
        %parallel_loop3A_288 = arith.addi %parallel_loop3A_284, %parallel_loop3A_287 : vector<16xi32>
        %parallel_loop3A_289 = arith.constant 10 : i32
        %parallel_loop3A_290 = vector.broadcast %parallel_loop3A_289 : i32 to vector<16xi32>
        %parallel_loop3A_291 = arith.addi %iota3A, %parallel_loop3A_290 : vector<16xi32>
        %parallel_loop3A_292 = arith.constant 15 : i32
        %parallel_loop3A_293 = vector.broadcast %parallel_loop3A_292 : i32 to vector<16xi32>
        %parallel_loop3A_294 = arith.andi %parallel_loop3A_291, %parallel_loop3A_293 : vector<16xi32>
        %parallel_loop3A_295 = arith.constant 0 : i32
        %parallel_loop3A_296 = vector.broadcast %parallel_loop3A_295 : i32 to vector<16xi32>
        %parallel_loop3A_297 = arith.addi %parallel_loop3A_294, %parallel_loop3A_296 : vector<16xi32>
        %parallel_loop3A_298 = tpu.vector_load_idx %arg5[%parallel_loop3A_297, %parallel_loop3A_136] : memref<32x896xf32, #tpu.memory_space<vmem>>[vector<16xi32>, vector<16xi32>], vector<16xf32>,
        %parallel_loop3A_299 = arith.addi %mul3A_3, %parallel_loop3A_294 : vector<16xi32>
        %parallel_loop3A_300 = arith.constant 0 : i32
        %parallel_loop3A_301 = arith.addi %parallel_loop3A_138, %parallel_loop3A_300 : i32
        %parallel_loop3A_302 = vector.broadcast %parallel_loop3A_301 : i32 to vector<16xi32>
        %parallel_loop3A_303 = arith.addi %parallel_loop3A_299, %parallel_loop3A_302 : vector<16xi32>
        %parallel_loop3A_304 = arith.constant 11 : i32
        %parallel_loop3A_305 = vector.broadcast %parallel_loop3A_304 : i32 to vector<16xi32>
        %parallel_loop3A_306 = arith.addi %iota3A, %parallel_loop3A_305 : vector<16xi32>
        %parallel_loop3A_307 = arith.constant 15 : i32
        %parallel_loop3A_308 = vector.broadcast %parallel_loop3A_307 : i32 to vector<16xi32>
        %parallel_loop3A_309 = arith.andi %parallel_loop3A_306, %parallel_loop3A_308 : vector<16xi32>
        %parallel_loop3A_310 = arith.constant 0 : i32
        %parallel_loop3A_311 = vector.broadcast %parallel_loop3A_310 : i32 to vector<16xi32>
        %parallel_loop3A_312 = arith.addi %parallel_loop3A_309, %parallel_loop3A_311 : vector<16xi32>
        %parallel_loop3A_313 = tpu.vector_load_idx %arg5[%parallel_loop3A_312, %parallel_loop3A_136] : memref<32x896xf32, #tpu.memory_space<vmem>>[vector<16xi32>, vector<16xi32>], vector<16xf32>,
        %parallel_loop3A_314 = arith.addi %mul3A_3, %parallel_loop3A_309 : vector<16xi32>
        %parallel_loop3A_315 = arith.constant 0 : i32
        %parallel_loop3A_316 = arith.addi %parallel_loop3A_138, %parallel_loop3A_315 : i32
        %parallel_loop3A_317 = vector.broadcast %parallel_loop3A_316 : i32 to vector<16xi32>
        %parallel_loop3A_318 = arith.addi %parallel_loop3A_314, %parallel_loop3A_317 : vector<16xi32>
        tpu.vector_store_idx %arg7[%parallel_loop3A_273], %parallel_loop3A_268 : memref<28672xf32, #tpu.memory_space<vmem>>[vector<16xi32>], vector<16xf32>,
        tpu.vector_store_idx %arg7[%parallel_loop3A_288], %parallel_loop3A_283 : memref<28672xf32, #tpu.memory_space<vmem>>[vector<16xi32>], vector<16xf32>,
        tpu.vector_store_idx %arg7[%parallel_loop3A_303], %parallel_loop3A_298 : memref<28672xf32, #tpu.memory_space<vmem>>[vector<16xi32>], vector<16xf32>,
        tpu.vector_store_idx %arg7[%parallel_loop3A_318], %parallel_loop3A_313 : memref<28672xf32, #tpu.memory_space<vmem>>[vector<16xi32>], vector<16xf32>,
        %parallel_loop3A_319 = arith.constant 12 : i32
        %parallel_loop3A_320 = vector.broadcast %parallel_loop3A_319 : i32 to vector<16xi32>
        %parallel_loop3A_321 = arith.addi %iota3A, %parallel_loop3A_320 : vector<16xi32>
        %parallel_loop3A_322 = arith.constant 15 : i32
        %parallel_loop3A_323 = vector.broadcast %parallel_loop3A_322 : i32 to vector<16xi32>
        %parallel_loop3A_324 = arith.andi %parallel_loop3A_321, %parallel_loop3A_323 : vector<16xi32>
        %parallel_loop3A_325 = arith.constant 0 : i32
        %parallel_loop3A_326 = vector.broadcast %parallel_loop3A_325 : i32 to vector<16xi32>
        %parallel_loop3A_327 = arith.addi %parallel_loop3A_324, %parallel_loop3A_326 : vector<16xi32>
        %parallel_loop3A_328 = tpu.vector_load_idx %arg5[%parallel_loop3A_327, %parallel_loop3A_136] : memref<32x896xf32, #tpu.memory_space<vmem>>[vector<16xi32>, vector<16xi32>], vector<16xf32>,
        %parallel_loop3A_329 = arith.addi %mul3A_3, %parallel_loop3A_324 : vector<16xi32>
        %parallel_loop3A_330 = arith.constant 0 : i32
        %parallel_loop3A_331 = arith.addi %parallel_loop3A_138, %parallel_loop3A_330 : i32
        %parallel_loop3A_332 = vector.broadcast %parallel_loop3A_331 : i32 to vector<16xi32>
        %parallel_loop3A_333 = arith.addi %parallel_loop3A_329, %parallel_loop3A_332 : vector<16xi32>
        %parallel_loop3A_334 = arith.constant 13 : i32
        %parallel_loop3A_335 = vector.broadcast %parallel_loop3A_334 : i32 to vector<16xi32>
        %parallel_loop3A_336 = arith.addi %iota3A, %parallel_loop3A_335 : vector<16xi32>
        %parallel_loop3A_337 = arith.constant 15 : i32
        %parallel_loop3A_338 = vector.broadcast %parallel_loop3A_337 : i32 to vector<16xi32>
        %parallel_loop3A_339 = arith.andi %parallel_loop3A_336, %parallel_loop3A_338 : vector<16xi32>
        %parallel_loop3A_340 = arith.constant 0 : i32
        %parallel_loop3A_341 = vector.broadcast %parallel_loop3A_340 : i32 to vector<16xi32>
        %parallel_loop3A_342 = arith.addi %parallel_loop3A_339, %parallel_loop3A_341 : vector<16xi32>
        %parallel_loop3A_343 = tpu.vector_load_idx %arg5[%parallel_loop3A_342, %parallel_loop3A_136] : memref<32x896xf32, #tpu.memory_space<vmem>>[vector<16xi32>, vector<16xi32>], vector<16xf32>,
        %parallel_loop3A_344 = arith.addi %mul3A_3, %parallel_loop3A_339 : vector<16xi32>
        %parallel_loop3A_345 = arith.constant 0 : i32
        %parallel_loop3A_346 = arith.addi %parallel_loop3A_138, %parallel_loop3A_345 : i32
        %parallel_loop3A_347 = vector.broadcast %parallel_loop3A_346 : i32 to vector<16xi32>
        %parallel_loop3A_348 = arith.addi %parallel_loop3A_344, %parallel_loop3A_347 : vector<16xi32>
        %parallel_loop3A_349 = arith.constant 14 : i32
        %parallel_loop3A_350 = vector.broadcast %parallel_loop3A_349 : i32 to vector<16xi32>
        %parallel_loop3A_351 = arith.addi %iota3A, %parallel_loop3A_350 : vector<16xi32>
        %parallel_loop3A_352 = arith.constant 15 : i32
        %parallel_loop3A_353 = vector.broadcast %parallel_loop3A_352 : i32 to vector<16xi32>
        %parallel_loop3A_354 = arith.andi %parallel_loop3A_351, %parallel_loop3A_353 : vector<16xi32>
        %parallel_loop3A_355 = arith.constant 0 : i32
        %parallel_loop3A_356 = vector.broadcast %parallel_loop3A_355 : i32 to vector<16xi32>
        %parallel_loop3A_357 = arith.addi %parallel_loop3A_354, %parallel_loop3A_356 : vector<16xi32>
        %parallel_loop3A_358 = tpu.vector_load_idx %arg5[%parallel_loop3A_357, %parallel_loop3A_136] : memref<32x896xf32, #tpu.memory_space<vmem>>[vector<16xi32>, vector<16xi32>], vector<16xf32>,
        %parallel_loop3A_359 = arith.addi %mul3A_3, %parallel_loop3A_354 : vector<16xi32>
        %parallel_loop3A_360 = arith.constant 0 : i32
        %parallel_loop3A_361 = arith.addi %parallel_loop3A_138, %parallel_loop3A_360 : i32
        %parallel_loop3A_362 = vector.broadcast %parallel_loop3A_361 : i32 to vector<16xi32>
        %parallel_loop3A_363 = arith.addi %parallel_loop3A_359, %parallel_loop3A_362 : vector<16xi32>
        %parallel_loop3A_364 = arith.constant 15 : i32
        %parallel_loop3A_365 = vector.broadcast %parallel_loop3A_364 : i32 to vector<16xi32>
        %parallel_loop3A_366 = arith.addi %iota3A, %parallel_loop3A_365 : vector<16xi32>
        %parallel_loop3A_367 = arith.constant 15 : i32
        %parallel_loop3A_368 = vector.broadcast %parallel_loop3A_367 : i32 to vector<16xi32>
        %parallel_loop3A_369 = arith.andi %parallel_loop3A_366, %parallel_loop3A_368 : vector<16xi32>
        %parallel_loop3A_370 = arith.constant 0 : i32
        %parallel_loop3A_371 = vector.broadcast %parallel_loop3A_370 : i32 to vector<16xi32>
        %parallel_loop3A_372 = arith.addi %parallel_loop3A_369, %parallel_loop3A_371 : vector<16xi32>
        %parallel_loop3A_373 = tpu.vector_load_idx %arg5[%parallel_loop3A_372, %parallel_loop3A_136] : memref<32x896xf32, #tpu.memory_space<vmem>>[vector<16xi32>, vector<16xi32>], vector<16xf32>,
        %parallel_loop3A_374 = arith.addi %mul3A_3, %parallel_loop3A_369 : vector<16xi32>
        %parallel_loop3A_375 = arith.constant 0 : i32
        %parallel_loop3A_376 = arith.addi %parallel_loop3A_138, %parallel_loop3A_375 : i32
        %parallel_loop3A_377 = vector.broadcast %parallel_loop3A_376 : i32 to vector<16xi32>
        %parallel_loop3A_378 = arith.addi %parallel_loop3A_374, %parallel_loop3A_377 : vector<16xi32>
        tpu.vector_store_idx %arg7[%parallel_loop3A_333], %parallel_loop3A_328 : memref<28672xf32, #tpu.memory_space<vmem>>[vector<16xi32>], vector<16xf32>,
        tpu.vector_store_idx %arg7[%parallel_loop3A_348], %parallel_loop3A_343 : memref<28672xf32, #tpu.memory_space<vmem>>[vector<16xi32>], vector<16xf32>,
        tpu.vector_store_idx %arg7[%parallel_loop3A_363], %parallel_loop3A_358 : memref<28672xf32, #tpu.memory_space<vmem>>[vector<16xi32>], vector<16xf32>,
        tpu.vector_store_idx %arg7[%parallel_loop3A_378], %parallel_loop3A_373 : memref<28672xf32, #tpu.memory_space<vmem>>[vector<16xi32>], vector<16xf32>,
        %parallel_loop3A_379 = arith.constant 0 : i32
        %parallel_loop3A_380 = vector.broadcast %parallel_loop3A_379 : i32 to vector<16xi32>
        %parallel_loop3A_381 = arith.addi %iota3A, %parallel_loop3A_380 : vector<16xi32>
        %parallel_loop3A_382 = arith.constant 15 : i32
        %parallel_loop3A_383 = vector.broadcast %parallel_loop3A_382 : i32 to vector<16xi32>
        %parallel_loop3A_384 = arith.andi %parallel_loop3A_381, %parallel_loop3A_383 : vector<16xi32>
        %parallel_loop3A_385 = arith.constant 16 : i32
        %parallel_loop3A_386 = vector.broadcast %parallel_loop3A_385 : i32 to vector<16xi32>
        %parallel_loop3A_387 = arith.addi %parallel_loop3A_384, %parallel_loop3A_386 : vector<16xi32>
        %parallel_loop3A_388 = tpu.vector_load_idx %arg5[%parallel_loop3A_387, %parallel_loop3A_136] : memref<32x896xf32, #tpu.memory_space<vmem>>[vector<16xi32>, vector<16xi32>], vector<16xf32>,
        %parallel_loop3A_389 = arith.addi %mul3A_3, %parallel_loop3A_384 : vector<16xi32>
        %parallel_loop3A_390 = arith.constant 16 : i32
        %parallel_loop3A_391 = arith.addi %parallel_loop3A_138, %parallel_loop3A_390 : i32
        %parallel_loop3A_392 = vector.broadcast %parallel_loop3A_391 : i32 to vector<16xi32>
        %parallel_loop3A_393 = arith.addi %parallel_loop3A_389, %parallel_loop3A_392 : vector<16xi32>
        %parallel_loop3A_394 = arith.constant 1 : i32
        %parallel_loop3A_395 = vector.broadcast %parallel_loop3A_394 : i32 to vector<16xi32>
        %parallel_loop3A_396 = arith.addi %iota3A, %parallel_loop3A_395 : vector<16xi32>
        %parallel_loop3A_397 = arith.constant 15 : i32
        %parallel_loop3A_398 = vector.broadcast %parallel_loop3A_397 : i32 to vector<16xi32>
        %parallel_loop3A_399 = arith.andi %parallel_loop3A_396, %parallel_loop3A_398 : vector<16xi32>
        %parallel_loop3A_400 = arith.constant 16 : i32
        %parallel_loop3A_401 = vector.broadcast %parallel_loop3A_400 : i32 to vector<16xi32>
        %parallel_loop3A_402 = arith.addi %parallel_loop3A_399, %parallel_loop3A_401 : vector<16xi32>
        %parallel_loop3A_403 = tpu.vector_load_idx %arg5[%parallel_loop3A_402, %parallel_loop3A_136] : memref<32x896xf32, #tpu.memory_space<vmem>>[vector<16xi32>, vector<16xi32>], vector<16xf32>,
        %parallel_loop3A_404 = arith.addi %mul3A_3, %parallel_loop3A_399 : vector<16xi32>
        %parallel_loop3A_405 = arith.constant 16 : i32
        %parallel_loop3A_406 = arith.addi %parallel_loop3A_138, %parallel_loop3A_405 : i32
        %parallel_loop3A_407 = vector.broadcast %parallel_loop3A_406 : i32 to vector<16xi32>
        %parallel_loop3A_408 = arith.addi %parallel_loop3A_404, %parallel_loop3A_407 : vector<16xi32>
        %parallel_loop3A_409 = arith.constant 2 : i32
        %parallel_loop3A_410 = vector.broadcast %parallel_loop3A_409 : i32 to vector<16xi32>
        %parallel_loop3A_411 = arith.addi %iota3A, %parallel_loop3A_410 : vector<16xi32>
        %parallel_loop3A_412 = arith.constant 15 : i32
        %parallel_loop3A_413 = vector.broadcast %parallel_loop3A_412 : i32 to vector<16xi32>
        %parallel_loop3A_414 = arith.andi %parallel_loop3A_411, %parallel_loop3A_413 : vector<16xi32>
        %parallel_loop3A_415 = arith.constant 16 : i32
        %parallel_loop3A_416 = vector.broadcast %parallel_loop3A_415 : i32 to vector<16xi32>
        %parallel_loop3A_417 = arith.addi %parallel_loop3A_414, %parallel_loop3A_416 : vector<16xi32>
        %parallel_loop3A_418 = tpu.vector_load_idx %arg5[%parallel_loop3A_417, %parallel_loop3A_136] : memref<32x896xf32, #tpu.memory_space<vmem>>[vector<16xi32>, vector<16xi32>], vector<16xf32>,
        %parallel_loop3A_419 = arith.addi %mul3A_3, %parallel_loop3A_414 : vector<16xi32>
        %parallel_loop3A_420 = arith.constant 16 : i32
        %parallel_loop3A_421 = arith.addi %parallel_loop3A_138, %parallel_loop3A_420 : i32
        %parallel_loop3A_422 = vector.broadcast %parallel_loop3A_421 : i32 to vector<16xi32>
        %parallel_loop3A_423 = arith.addi %parallel_loop3A_419, %parallel_loop3A_422 : vector<16xi32>
        %parallel_loop3A_424 = arith.constant 3 : i32
        %parallel_loop3A_425 = vector.broadcast %parallel_loop3A_424 : i32 to vector<16xi32>
        %parallel_loop3A_426 = arith.addi %iota3A, %parallel_loop3A_425 : vector<16xi32>
        %parallel_loop3A_427 = arith.constant 15 : i32
        %parallel_loop3A_428 = vector.broadcast %parallel_loop3A_427 : i32 to vector<16xi32>
        %parallel_loop3A_429 = arith.andi %parallel_loop3A_426, %parallel_loop3A_428 : vector<16xi32>
        %parallel_loop3A_430 = arith.constant 16 : i32
        %parallel_loop3A_431 = vector.broadcast %parallel_loop3A_430 : i32 to vector<16xi32>
        %parallel_loop3A_432 = arith.addi %parallel_loop3A_429, %parallel_loop3A_431 : vector<16xi32>
        %parallel_loop3A_433 = tpu.vector_load_idx %arg5[%parallel_loop3A_432, %parallel_loop3A_136] : memref<32x896xf32, #tpu.memory_space<vmem>>[vector<16xi32>, vector<16xi32>], vector<16xf32>,
        %parallel_loop3A_434 = arith.addi %mul3A_3, %parallel_loop3A_429 : vector<16xi32>
        %parallel_loop3A_435 = arith.constant 16 : i32
        %parallel_loop3A_436 = arith.addi %parallel_loop3A_138, %parallel_loop3A_435 : i32
        %parallel_loop3A_437 = vector.broadcast %parallel_loop3A_436 : i32 to vector<16xi32>
        %parallel_loop3A_438 = arith.addi %parallel_loop3A_434, %parallel_loop3A_437 : vector<16xi32>
        tpu.vector_store_idx %arg7[%parallel_loop3A_393], %parallel_loop3A_388 : memref<28672xf32, #tpu.memory_space<vmem>>[vector<16xi32>], vector<16xf32>,
        tpu.vector_store_idx %arg7[%parallel_loop3A_408], %parallel_loop3A_403 : memref<28672xf32, #tpu.memory_space<vmem>>[vector<16xi32>], vector<16xf32>,
        tpu.vector_store_idx %arg7[%parallel_loop3A_423], %parallel_loop3A_418 : memref<28672xf32, #tpu.memory_space<vmem>>[vector<16xi32>], vector<16xf32>,
        tpu.vector_store_idx %arg7[%parallel_loop3A_438], %parallel_loop3A_433 : memref<28672xf32, #tpu.memory_space<vmem>>[vector<16xi32>], vector<16xf32>,
        %parallel_loop3A_439 = arith.constant 4 : i32
        %parallel_loop3A_440 = vector.broadcast %parallel_loop3A_439 : i32 to vector<16xi32>
        %parallel_loop3A_441 = arith.addi %iota3A, %parallel_loop3A_440 : vector<16xi32>
        %parallel_loop3A_442 = arith.constant 15 : i32
        %parallel_loop3A_443 = vector.broadcast %parallel_loop3A_442 : i32 to vector<16xi32>
        %parallel_loop3A_444 = arith.andi %parallel_loop3A_441, %parallel_loop3A_443 : vector<16xi32>
        %parallel_loop3A_445 = arith.constant 16 : i32
        %parallel_loop3A_446 = vector.broadcast %parallel_loop3A_445 : i32 to vector<16xi32>
        %parallel_loop3A_447 = arith.addi %parallel_loop3A_444, %parallel_loop3A_446 : vector<16xi32>
        %parallel_loop3A_448 = tpu.vector_load_idx %arg5[%parallel_loop3A_447, %parallel_loop3A_136] : memref<32x896xf32, #tpu.memory_space<vmem>>[vector<16xi32>, vector<16xi32>], vector<16xf32>,
        %parallel_loop3A_449 = arith.addi %mul3A_3, %parallel_loop3A_444 : vector<16xi32>
        %parallel_loop3A_450 = arith.constant 16 : i32
        %parallel_loop3A_451 = arith.addi %parallel_loop3A_138, %parallel_loop3A_450 : i32
        %parallel_loop3A_452 = vector.broadcast %parallel_loop3A_451 : i32 to vector<16xi32>
        %parallel_loop3A_453 = arith.addi %parallel_loop3A_449, %parallel_loop3A_452 : vector<16xi32>
        %parallel_loop3A_454 = arith.constant 5 : i32
        %parallel_loop3A_455 = vector.broadcast %parallel_loop3A_454 : i32 to vector<16xi32>
        %parallel_loop3A_456 = arith.addi %iota3A, %parallel_loop3A_455 : vector<16xi32>
        %parallel_loop3A_457 = arith.constant 15 : i32
        %parallel_loop3A_458 = vector.broadcast %parallel_loop3A_457 : i32 to vector<16xi32>
        %parallel_loop3A_459 = arith.andi %parallel_loop3A_456, %parallel_loop3A_458 : vector<16xi32>
        %parallel_loop3A_460 = arith.constant 16 : i32
        %parallel_loop3A_461 = vector.broadcast %parallel_loop3A_460 : i32 to vector<16xi32>
        %parallel_loop3A_462 = arith.addi %parallel_loop3A_459, %parallel_loop3A_461 : vector<16xi32>
        %parallel_loop3A_463 = tpu.vector_load_idx %arg5[%parallel_loop3A_462, %parallel_loop3A_136] : memref<32x896xf32, #tpu.memory_space<vmem>>[vector<16xi32>, vector<16xi32>], vector<16xf32>,
        %parallel_loop3A_464 = arith.addi %mul3A_3, %parallel_loop3A_459 : vector<16xi32>
        %parallel_loop3A_465 = arith.constant 16 : i32
        %parallel_loop3A_466 = arith.addi %parallel_loop3A_138, %parallel_loop3A_465 : i32
        %parallel_loop3A_467 = vector.broadcast %parallel_loop3A_466 : i32 to vector<16xi32>
        %parallel_loop3A_468 = arith.addi %parallel_loop3A_464, %parallel_loop3A_467 : vector<16xi32>
        %parallel_loop3A_469 = arith.constant 6 : i32
        %parallel_loop3A_470 = vector.broadcast %parallel_loop3A_469 : i32 to vector<16xi32>
        %parallel_loop3A_471 = arith.addi %iota3A, %parallel_loop3A_470 : vector<16xi32>
        %parallel_loop3A_472 = arith.constant 15 : i32
        %parallel_loop3A_473 = vector.broadcast %parallel_loop3A_472 : i32 to vector<16xi32>
        %parallel_loop3A_474 = arith.andi %parallel_loop3A_471, %parallel_loop3A_473 : vector<16xi32>
        %parallel_loop3A_475 = arith.constant 16 : i32
        %parallel_loop3A_476 = vector.broadcast %parallel_loop3A_475 : i32 to vector<16xi32>
        %parallel_loop3A_477 = arith.addi %parallel_loop3A_474, %parallel_loop3A_476 : vector<16xi32>
        %parallel_loop3A_478 = tpu.vector_load_idx %arg5[%parallel_loop3A_477, %parallel_loop3A_136] : memref<32x896xf32, #tpu.memory_space<vmem>>[vector<16xi32>, vector<16xi32>], vector<16xf32>,
        %parallel_loop3A_479 = arith.addi %mul3A_3, %parallel_loop3A_474 : vector<16xi32>
        %parallel_loop3A_480 = arith.constant 16 : i32
        %parallel_loop3A_481 = arith.addi %parallel_loop3A_138, %parallel_loop3A_480 : i32
        %parallel_loop3A_482 = vector.broadcast %parallel_loop3A_481 : i32 to vector<16xi32>
        %parallel_loop3A_483 = arith.addi %parallel_loop3A_479, %parallel_loop3A_482 : vector<16xi32>
        %parallel_loop3A_484 = arith.constant 7 : i32
        %parallel_loop3A_485 = vector.broadcast %parallel_loop3A_484 : i32 to vector<16xi32>
        %parallel_loop3A_486 = arith.addi %iota3A, %parallel_loop3A_485 : vector<16xi32>
        %parallel_loop3A_487 = arith.constant 15 : i32
        %parallel_loop3A_488 = vector.broadcast %parallel_loop3A_487 : i32 to vector<16xi32>
        %parallel_loop3A_489 = arith.andi %parallel_loop3A_486, %parallel_loop3A_488 : vector<16xi32>
        %parallel_loop3A_490 = arith.constant 16 : i32
        %parallel_loop3A_491 = vector.broadcast %parallel_loop3A_490 : i32 to vector<16xi32>
        %parallel_loop3A_492 = arith.addi %parallel_loop3A_489, %parallel_loop3A_491 : vector<16xi32>
        %parallel_loop3A_493 = tpu.vector_load_idx %arg5[%parallel_loop3A_492, %parallel_loop3A_136] : memref<32x896xf32, #tpu.memory_space<vmem>>[vector<16xi32>, vector<16xi32>], vector<16xf32>,
        %parallel_loop3A_494 = arith.addi %mul3A_3, %parallel_loop3A_489 : vector<16xi32>
        %parallel_loop3A_495 = arith.constant 16 : i32
        %parallel_loop3A_496 = arith.addi %parallel_loop3A_138, %parallel_loop3A_495 : i32
        %parallel_loop3A_497 = vector.broadcast %parallel_loop3A_496 : i32 to vector<16xi32>
        %parallel_loop3A_498 = arith.addi %parallel_loop3A_494, %parallel_loop3A_497 : vector<16xi32>
        tpu.vector_store_idx %arg7[%parallel_loop3A_453], %parallel_loop3A_448 : memref<28672xf32, #tpu.memory_space<vmem>>[vector<16xi32>], vector<16xf32>,
        tpu.vector_store_idx %arg7[%parallel_loop3A_468], %parallel_loop3A_463 : memref<28672xf32, #tpu.memory_space<vmem>>[vector<16xi32>], vector<16xf32>,
        tpu.vector_store_idx %arg7[%parallel_loop3A_483], %parallel_loop3A_478 : memref<28672xf32, #tpu.memory_space<vmem>>[vector<16xi32>], vector<16xf32>,
        tpu.vector_store_idx %arg7[%parallel_loop3A_498], %parallel_loop3A_493 : memref<28672xf32, #tpu.memory_space<vmem>>[vector<16xi32>], vector<16xf32>,
        %parallel_loop3A_499 = arith.constant 8 : i32
        %parallel_loop3A_500 = vector.broadcast %parallel_loop3A_499 : i32 to vector<16xi32>
        %parallel_loop3A_501 = arith.addi %iota3A, %parallel_loop3A_500 : vector<16xi32>
        %parallel_loop3A_502 = arith.constant 15 : i32
        %parallel_loop3A_503 = vector.broadcast %parallel_loop3A_502 : i32 to vector<16xi32>
        %parallel_loop3A_504 = arith.andi %parallel_loop3A_501, %parallel_loop3A_503 : vector<16xi32>
        %parallel_loop3A_505 = arith.constant 16 : i32
        %parallel_loop3A_506 = vector.broadcast %parallel_loop3A_505 : i32 to vector<16xi32>
        %parallel_loop3A_507 = arith.addi %parallel_loop3A_504, %parallel_loop3A_506 : vector<16xi32>
        %parallel_loop3A_508 = tpu.vector_load_idx %arg5[%parallel_loop3A_507, %parallel_loop3A_136] : memref<32x896xf32, #tpu.memory_space<vmem>>[vector<16xi32>, vector<16xi32>], vector<16xf32>,
        %parallel_loop3A_509 = arith.addi %mul3A_3, %parallel_loop3A_504 : vector<16xi32>
        %parallel_loop3A_510 = arith.constant 16 : i32
        %parallel_loop3A_511 = arith.addi %parallel_loop3A_138, %parallel_loop3A_510 : i32
        %parallel_loop3A_512 = vector.broadcast %parallel_loop3A_511 : i32 to vector<16xi32>
        %parallel_loop3A_513 = arith.addi %parallel_loop3A_509, %parallel_loop3A_512 : vector<16xi32>
        %parallel_loop3A_514 = arith.constant 9 : i32
        %parallel_loop3A_515 = vector.broadcast %parallel_loop3A_514 : i32 to vector<16xi32>
        %parallel_loop3A_516 = arith.addi %iota3A, %parallel_loop3A_515 : vector<16xi32>
        %parallel_loop3A_517 = arith.constant 15 : i32
        %parallel_loop3A_518 = vector.broadcast %parallel_loop3A_517 : i32 to vector<16xi32>
        %parallel_loop3A_519 = arith.andi %parallel_loop3A_516, %parallel_loop3A_518 : vector<16xi32>
        %parallel_loop3A_520 = arith.constant 16 : i32
        %parallel_loop3A_521 = vector.broadcast %parallel_loop3A_520 : i32 to vector<16xi32>
        %parallel_loop3A_522 = arith.addi %parallel_loop3A_519, %parallel_loop3A_521 : vector<16xi32>
        %parallel_loop3A_523 = tpu.vector_load_idx %arg5[%parallel_loop3A_522, %parallel_loop3A_136] : memref<32x896xf32, #tpu.memory_space<vmem>>[vector<16xi32>, vector<16xi32>], vector<16xf32>,
        %parallel_loop3A_524 = arith.addi %mul3A_3, %parallel_loop3A_519 : vector<16xi32>
        %parallel_loop3A_525 = arith.constant 16 : i32
        %parallel_loop3A_526 = arith.addi %parallel_loop3A_138, %parallel_loop3A_525 : i32
        %parallel_loop3A_527 = vector.broadcast %parallel_loop3A_526 : i32 to vector<16xi32>
        %parallel_loop3A_528 = arith.addi %parallel_loop3A_524, %parallel_loop3A_527 : vector<16xi32>
        %parallel_loop3A_529 = arith.constant 10 : i32
        %parallel_loop3A_530 = vector.broadcast %parallel_loop3A_529 : i32 to vector<16xi32>
        %parallel_loop3A_531 = arith.addi %iota3A, %parallel_loop3A_530 : vector<16xi32>
        %parallel_loop3A_532 = arith.constant 15 : i32
        %parallel_loop3A_533 = vector.broadcast %parallel_loop3A_532 : i32 to vector<16xi32>
        %parallel_loop3A_534 = arith.andi %parallel_loop3A_531, %parallel_loop3A_533 : vector<16xi32>
        %parallel_loop3A_535 = arith.constant 16 : i32
        %parallel_loop3A_536 = vector.broadcast %parallel_loop3A_535 : i32 to vector<16xi32>
        %parallel_loop3A_537 = arith.addi %parallel_loop3A_534, %parallel_loop3A_536 : vector<16xi32>
        %parallel_loop3A_538 = tpu.vector_load_idx %arg5[%parallel_loop3A_537, %parallel_loop3A_136] : memref<32x896xf32, #tpu.memory_space<vmem>>[vector<16xi32>, vector<16xi32>], vector<16xf32>,
        %parallel_loop3A_539 = arith.addi %mul3A_3, %parallel_loop3A_534 : vector<16xi32>
        %parallel_loop3A_540 = arith.constant 16 : i32
        %parallel_loop3A_541 = arith.addi %parallel_loop3A_138, %parallel_loop3A_540 : i32
        %parallel_loop3A_542 = vector.broadcast %parallel_loop3A_541 : i32 to vector<16xi32>
        %parallel_loop3A_543 = arith.addi %parallel_loop3A_539, %parallel_loop3A_542 : vector<16xi32>
        %parallel_loop3A_544 = arith.constant 11 : i32
        %parallel_loop3A_545 = vector.broadcast %parallel_loop3A_544 : i32 to vector<16xi32>
        %parallel_loop3A_546 = arith.addi %iota3A, %parallel_loop3A_545 : vector<16xi32>
        %parallel_loop3A_547 = arith.constant 15 : i32
        %parallel_loop3A_548 = vector.broadcast %parallel_loop3A_547 : i32 to vector<16xi32>
        %parallel_loop3A_549 = arith.andi %parallel_loop3A_546, %parallel_loop3A_548 : vector<16xi32>
        %parallel_loop3A_550 = arith.constant 16 : i32
        %parallel_loop3A_551 = vector.broadcast %parallel_loop3A_550 : i32 to vector<16xi32>
        %parallel_loop3A_552 = arith.addi %parallel_loop3A_549, %parallel_loop3A_551 : vector<16xi32>
        %parallel_loop3A_553 = tpu.vector_load_idx %arg5[%parallel_loop3A_552, %parallel_loop3A_136] : memref<32x896xf32, #tpu.memory_space<vmem>>[vector<16xi32>, vector<16xi32>], vector<16xf32>,
        %parallel_loop3A_554 = arith.addi %mul3A_3, %parallel_loop3A_549 : vector<16xi32>
        %parallel_loop3A_555 = arith.constant 16 : i32
        %parallel_loop3A_556 = arith.addi %parallel_loop3A_138, %parallel_loop3A_555 : i32
        %parallel_loop3A_557 = vector.broadcast %parallel_loop3A_556 : i32 to vector<16xi32>
        %parallel_loop3A_558 = arith.addi %parallel_loop3A_554, %parallel_loop3A_557 : vector<16xi32>
        tpu.vector_store_idx %arg7[%parallel_loop3A_513], %parallel_loop3A_508 : memref<28672xf32, #tpu.memory_space<vmem>>[vector<16xi32>], vector<16xf32>,
        tpu.vector_store_idx %arg7[%parallel_loop3A_528], %parallel_loop3A_523 : memref<28672xf32, #tpu.memory_space<vmem>>[vector<16xi32>], vector<16xf32>,
        tpu.vector_store_idx %arg7[%parallel_loop3A_543], %parallel_loop3A_538 : memref<28672xf32, #tpu.memory_space<vmem>>[vector<16xi32>], vector<16xf32>,
        tpu.vector_store_idx %arg7[%parallel_loop3A_558], %parallel_loop3A_553 : memref<28672xf32, #tpu.memory_space<vmem>>[vector<16xi32>], vector<16xf32>,
        %parallel_loop3A_559 = arith.constant 12 : i32
        %parallel_loop3A_560 = vector.broadcast %parallel_loop3A_559 : i32 to vector<16xi32>
        %parallel_loop3A_561 = arith.addi %iota3A, %parallel_loop3A_560 : vector<16xi32>
        %parallel_loop3A_562 = arith.constant 15 : i32
        %parallel_loop3A_563 = vector.broadcast %parallel_loop3A_562 : i32 to vector<16xi32>
        %parallel_loop3A_564 = arith.andi %parallel_loop3A_561, %parallel_loop3A_563 : vector<16xi32>
        %parallel_loop3A_565 = arith.constant 16 : i32
        %parallel_loop3A_566 = vector.broadcast %parallel_loop3A_565 : i32 to vector<16xi32>
        %parallel_loop3A_567 = arith.addi %parallel_loop3A_564, %parallel_loop3A_566 : vector<16xi32>
        %parallel_loop3A_568 = tpu.vector_load_idx %arg5[%parallel_loop3A_567, %parallel_loop3A_136] : memref<32x896xf32, #tpu.memory_space<vmem>>[vector<16xi32>, vector<16xi32>], vector<16xf32>,
        %parallel_loop3A_569 = arith.addi %mul3A_3, %parallel_loop3A_564 : vector<16xi32>
        %parallel_loop3A_570 = arith.constant 16 : i32
        %parallel_loop3A_571 = arith.addi %parallel_loop3A_138, %parallel_loop3A_570 : i32
        %parallel_loop3A_572 = vector.broadcast %parallel_loop3A_571 : i32 to vector<16xi32>
        %parallel_loop3A_573 = arith.addi %parallel_loop3A_569, %parallel_loop3A_572 : vector<16xi32>
        %parallel_loop3A_574 = arith.constant 13 : i32
        %parallel_loop3A_575 = vector.broadcast %parallel_loop3A_574 : i32 to vector<16xi32>
        %parallel_loop3A_576 = arith.addi %iota3A, %parallel_loop3A_575 : vector<16xi32>
        %parallel_loop3A_577 = arith.constant 15 : i32
        %parallel_loop3A_578 = vector.broadcast %parallel_loop3A_577 : i32 to vector<16xi32>
        %parallel_loop3A_579 = arith.andi %parallel_loop3A_576, %parallel_loop3A_578 : vector<16xi32>
        %parallel_loop3A_580 = arith.constant 16 : i32
        %parallel_loop3A_581 = vector.broadcast %parallel_loop3A_580 : i32 to vector<16xi32>
        %parallel_loop3A_582 = arith.addi %parallel_loop3A_579, %parallel_loop3A_581 : vector<16xi32>
        %parallel_loop3A_583 = tpu.vector_load_idx %arg5[%parallel_loop3A_582, %parallel_loop3A_136] : memref<32x896xf32, #tpu.memory_space<vmem>>[vector<16xi32>, vector<16xi32>], vector<16xf32>,
        %parallel_loop3A_584 = arith.addi %mul3A_3, %parallel_loop3A_579 : vector<16xi32>
        %parallel_loop3A_585 = arith.constant 16 : i32
        %parallel_loop3A_586 = arith.addi %parallel_loop3A_138, %parallel_loop3A_585 : i32
        %parallel_loop3A_587 = vector.broadcast %parallel_loop3A_586 : i32 to vector<16xi32>
        %parallel_loop3A_588 = arith.addi %parallel_loop3A_584, %parallel_loop3A_587 : vector<16xi32>
        %parallel_loop3A_589 = arith.constant 14 : i32
        %parallel_loop3A_590 = vector.broadcast %parallel_loop3A_589 : i32 to vector<16xi32>
        %parallel_loop3A_591 = arith.addi %iota3A, %parallel_loop3A_590 : vector<16xi32>
        %parallel_loop3A_592 = arith.constant 15 : i32
        %parallel_loop3A_593 = vector.broadcast %parallel_loop3A_592 : i32 to vector<16xi32>
        %parallel_loop3A_594 = arith.andi %parallel_loop3A_591, %parallel_loop3A_593 : vector<16xi32>
        %parallel_loop3A_595 = arith.constant 16 : i32
        %parallel_loop3A_596 = vector.broadcast %parallel_loop3A_595 : i32 to vector<16xi32>
        %parallel_loop3A_597 = arith.addi %parallel_loop3A_594, %parallel_loop3A_596 : vector<16xi32>
        %parallel_loop3A_598 = tpu.vector_load_idx %arg5[%parallel_loop3A_597, %parallel_loop3A_136] : memref<32x896xf32, #tpu.memory_space<vmem>>[vector<16xi32>, vector<16xi32>], vector<16xf32>,
        %parallel_loop3A_599 = arith.addi %mul3A_3, %parallel_loop3A_594 : vector<16xi32>
        %parallel_loop3A_600 = arith.constant 16 : i32
        %parallel_loop3A_601 = arith.addi %parallel_loop3A_138, %parallel_loop3A_600 : i32
        %parallel_loop3A_602 = vector.broadcast %parallel_loop3A_601 : i32 to vector<16xi32>
        %parallel_loop3A_603 = arith.addi %parallel_loop3A_599, %parallel_loop3A_602 : vector<16xi32>
        %parallel_loop3A_604 = arith.constant 15 : i32
        %parallel_loop3A_605 = vector.broadcast %parallel_loop3A_604 : i32 to vector<16xi32>
        %parallel_loop3A_606 = arith.addi %iota3A, %parallel_loop3A_605 : vector<16xi32>
        %parallel_loop3A_607 = arith.constant 15 : i32
        %parallel_loop3A_608 = vector.broadcast %parallel_loop3A_607 : i32 to vector<16xi32>
        %parallel_loop3A_609 = arith.andi %parallel_loop3A_606, %parallel_loop3A_608 : vector<16xi32>
        %parallel_loop3A_610 = arith.constant 16 : i32
        %parallel_loop3A_611 = vector.broadcast %parallel_loop3A_610 : i32 to vector<16xi32>
        %parallel_loop3A_612 = arith.addi %parallel_loop3A_609, %parallel_loop3A_611 : vector<16xi32>
        %parallel_loop3A_613 = tpu.vector_load_idx %arg5[%parallel_loop3A_612, %parallel_loop3A_136] : memref<32x896xf32, #tpu.memory_space<vmem>>[vector<16xi32>, vector<16xi32>], vector<16xf32>,
        %parallel_loop3A_614 = arith.addi %mul3A_3, %parallel_loop3A_609 : vector<16xi32>
        %parallel_loop3A_615 = arith.constant 16 : i32
        %parallel_loop3A_616 = arith.addi %parallel_loop3A_138, %parallel_loop3A_615 : i32
        %parallel_loop3A_617 = vector.broadcast %parallel_loop3A_616 : i32 to vector<16xi32>
        %parallel_loop3A_618 = arith.addi %parallel_loop3A_614, %parallel_loop3A_617 : vector<16xi32>
        tpu.vector_store_idx %arg7[%parallel_loop3A_573], %parallel_loop3A_568 : memref<28672xf32, #tpu.memory_space<vmem>>[vector<16xi32>], vector<16xf32>,
        tpu.vector_store_idx %arg7[%parallel_loop3A_588], %parallel_loop3A_583 : memref<28672xf32, #tpu.memory_space<vmem>>[vector<16xi32>], vector<16xf32>,
        tpu.vector_store_idx %arg7[%parallel_loop3A_603], %parallel_loop3A_598 : memref<28672xf32, #tpu.memory_space<vmem>>[vector<16xi32>], vector<16xf32>,
        tpu.vector_store_idx %arg7[%parallel_loop3A_618], %parallel_loop3A_613 : memref<28672xf32, #tpu.memory_space<vmem>>[vector<16xi32>], vector<16xf32>,
      } {sc.loop_unroll_factor = 1 : i64, sc.parallel_access}
      %mul3A_114 = arith.constant 32 : i32
      %mul3A_115 = arith.muli %mul3A_89, %mul3A_114 : i32
      %add3A_116 = arith.addi %add3A, %mul3A_115 : i32
      %mul3A_117 = arith.constant 896 : i32
      %mul3A_118 = arith.muli %add3A_116, %mul3A_117 : i32
      %multiple_of3A_119 = tpu.assume_multiple %mul3A_118, 128 : i32
      %mul3A_120 = arith.constant 32 : i32
      %mul3A_121 = arith.muli %multiple_of3A_119, %mul3A_120 : i32
      %dma_start3A_122 = tpu.memref_slice %arg4[%mul3A_121] : memref<32000000xf32, #tpu.memory_space<hbm>> -> memref<28672xf32, #tpu.memory_space<hbm>>
      %dma_start3A_123 = tpu.memref_slice %arg4[%mul3A_121] : memref<32000000xf32, #tpu.memory_space<hbm>> -> memref<28672xf32, #tpu.memory_space<hbm>>
      tpu.enqueue_dma source(%arg7 : memref<28672xf32, #tpu.memory_space<vmem>>) target(%dma_start3A_123 : memref<28672xf32, #tpu.memory_space<hbm>>) target_semaphore(%arg11 : memref<!tpu.dma_semaphore, #tpu.memory_space<semaphore_mem>>)
      %lt3A_124 = arith.cmpi slt, %add3A_97, %select_n3A : i32
      %convert_element_type3A_125 = arith.extui %lt3A_124 : i1 to i32
      %cond3A_126 = arith.constant 0 : i32
      %cond3A_127 = arith.cmpi ne, %convert_element_type3A_125, %cond3A_126 : i32
      scf.if %cond3A_127 {
        %mul3A_132 = arith.constant 32 : i32
        %mul3A_133 = arith.muli %add3A_97, %mul3A_132 : i32
        %add3A_134 = arith.addi %add3A, %mul3A_133 : i32
        %mul3A_135 = arith.constant 896 : i32
        %mul3A_136 = arith.muli %add3A_134, %mul3A_135 : i32
        %multiple_of3A_137 = tpu.assume_multiple %mul3A_136, 128 : i32
        %dma_start3A_138 = arith.constant 0 : i32
        %dma_start3A_139 = arith.constant 0 : i32
        %dma_start3A_140 = tpu.memref_slice %arg5[%dma_start3A_138, %dma_start3A_139] : memref<32x896xf32, #tpu.memory_space<vmem>> -> memref<8x896xf32, #tpu.memory_space<vmem>>
        %dma_start3A_141 = arith.constant 0 : i32
        %dma_start3A_142 = tpu.memref_slice %arg2[%dma_start3A_141, %multiple_of3A_137] : memref<32x1000000xf32, #tpu.memory_space<hbm>> -> memref<8x896xf32, #tpu.memory_space<hbm>>
        %dma_start3A_143 = arith.constant 0 : i32
        %dma_start3A_144 = arith.constant 0 : i32
        %dma_start3A_145 = tpu.memref_slice %arg5[%dma_start3A_143, %dma_start3A_144] : memref<32x896xf32, #tpu.memory_space<vmem>> -> memref<8x896xf32, #tpu.memory_space<vmem>>
        %dma_start3A_146 = arith.constant 0 : i32
        %dma_start3A_147 = tpu.memref_slice %arg2[%dma_start3A_146, %multiple_of3A_137] : memref<32x1000000xf32, #tpu.memory_space<hbm>> -> memref<8x896xf32, #tpu.memory_space<hbm>>
        tpu.enqueue_dma source(%dma_start3A_147 : memref<8x896xf32, #tpu.memory_space<hbm>>) target(%dma_start3A_145 : memref<8x896xf32, #tpu.memory_space<vmem>>) target_semaphore(%arg9 : memref<!tpu.dma_semaphore, #tpu.memory_space<semaphore_mem>>)
        %dma_start3A_148 = arith.constant 8 : i32
        %dma_start3A_149 = arith.constant 0 : i32
        %dma_start3A_150 = tpu.memref_slice %arg5[%dma_start3A_148, %dma_start3A_149] : memref<32x896xf32, #tpu.memory_space<vmem>> -> memref<8x896xf32, #tpu.memory_space<vmem>>
        %dma_start3A_151 = arith.constant 8 : i32
        %dma_start3A_152 = tpu.memref_slice %arg2[%dma_start3A_151, %multiple_of3A_137] : memref<32x1000000xf32, #tpu.memory_space<hbm>> -> memref<8x896xf32, #tpu.memory_space<hbm>>
        %dma_start3A_153 = arith.constant 8 : i32
        %dma_start3A_154 = arith.constant 0 : i32
        %dma_start3A_155 = tpu.memref_slice %arg5[%dma_start3A_153, %dma_start3A_154] : memref<32x896xf32, #tpu.memory_space<vmem>> -> memref<8x896xf32, #tpu.memory_space<vmem>>
        %dma_start3A_156 = arith.constant 8 : i32
        %dma_start3A_157 = tpu.memref_slice %arg2[%dma_start3A_156, %multiple_of3A_137] : memref<32x1000000xf32, #tpu.memory_space<hbm>> -> memref<8x896xf32, #tpu.memory_space<hbm>>
        tpu.enqueue_dma source(%dma_start3A_157 : memref<8x896xf32, #tpu.memory_space<hbm>>) target(%dma_start3A_155 : memref<8x896xf32, #tpu.memory_space<vmem>>) target_semaphore(%arg9 : memref<!tpu.dma_semaphore, #tpu.memory_space<semaphore_mem>>)
        %dma_start3A_158 = arith.constant 16 : i32
        %dma_start3A_159 = arith.constant 0 : i32
        %dma_start3A_160 = tpu.memref_slice %arg5[%dma_start3A_158, %dma_start3A_159] : memref<32x896xf32, #tpu.memory_space<vmem>> -> memref<8x896xf32, #tpu.memory_space<vmem>>
        %dma_start3A_161 = arith.constant 16 : i32
        %dma_start3A_162 = tpu.memref_slice %arg2[%dma_start3A_161, %multiple_of3A_137] : memref<32x1000000xf32, #tpu.memory_space<hbm>> -> memref<8x896xf32, #tpu.memory_space<hbm>>
        %dma_start3A_163 = arith.constant 16 : i32
        %dma_start3A_164 = arith.constant 0 : i32
        %dma_start3A_165 = tpu.memref_slice %arg5[%dma_start3A_163, %dma_start3A_164] : memref<32x896xf32, #tpu.memory_space<vmem>> -> memref<8x896xf32, #tpu.memory_space<vmem>>
        %dma_start3A_166 = arith.constant 16 : i32
        %dma_start3A_167 = tpu.memref_slice %arg2[%dma_start3A_166, %multiple_of3A_137] : memref<32x1000000xf32, #tpu.memory_space<hbm>> -> memref<8x896xf32, #tpu.memory_space<hbm>>
        tpu.enqueue_dma source(%dma_start3A_167 : memref<8x896xf32, #tpu.memory_space<hbm>>) target(%dma_start3A_165 : memref<8x896xf32, #tpu.memory_space<vmem>>) target_semaphore(%arg9 : memref<!tpu.dma_semaphore, #tpu.memory_space<semaphore_mem>>)
        %dma_start3A_168 = arith.constant 24 : i32
        %dma_start3A_169 = arith.constant 0 : i32
        %dma_start3A_170 = tpu.memref_slice %arg5[%dma_start3A_168, %dma_start3A_169] : memref<32x896xf32, #tpu.memory_space<vmem>> -> memref<8x896xf32, #tpu.memory_space<vmem>>
        %dma_start3A_171 = arith.constant 24 : i32
        %dma_start3A_172 = tpu.memref_slice %arg2[%dma_start3A_171, %multiple_of3A_137] : memref<32x1000000xf32, #tpu.memory_space<hbm>> -> memref<8x896xf32, #tpu.memory_space<hbm>>
        %dma_start3A_173 = arith.constant 24 : i32
        %dma_start3A_174 = arith.constant 0 : i32
        %dma_start3A_175 = tpu.memref_slice %arg5[%dma_start3A_173, %dma_start3A_174] : memref<32x896xf32, #tpu.memory_space<vmem>> -> memref<8x896xf32, #tpu.memory_space<vmem>>
        %dma_start3A_176 = arith.constant 24 : i32
        %dma_start3A_177 = tpu.memref_slice %arg2[%dma_start3A_176, %multiple_of3A_137] : memref<32x1000000xf32, #tpu.memory_space<hbm>> -> memref<8x896xf32, #tpu.memory_space<hbm>>
        tpu.enqueue_dma source(%dma_start3A_177 : memref<8x896xf32, #tpu.memory_space<hbm>>) target(%dma_start3A_175 : memref<8x896xf32, #tpu.memory_space<vmem>>) target_semaphore(%arg9 : memref<!tpu.dma_semaphore, #tpu.memory_space<semaphore_mem>>)
      } else {
      }
      %lt3A_128 = arith.cmpi slt, %add3A_93, %select_n3A : i32
      %convert_element_type3A_129 = arith.extui %lt3A_128 : i1 to i32
      %cond3A_130 = arith.constant 0 : i32
      %cond3A_131 = arith.cmpi ne, %convert_element_type3A_129, %cond3A_130 : i32
      scf.if %cond3A_131 {
        %dma_wait3A_132 = arith.constant 0 : i32
        %dma_wait3A_133 = arith.constant 0 : i32
        %dma_wait3A_134 = tpu.memref_slice %arg2[%dma_wait3A_132, %dma_wait3A_133] : memref<32x1000000xf32, #tpu.memory_space<hbm>> -> memref<32x896xf32, #tpu.memory_space<hbm>>
        %dma_wait3A_135 = arith.constant 0 : i32
        %dma_wait3A_136 = arith.constant 0 : i32
        %dma_wait3A_137 = tpu.memref_slice %arg2[%dma_wait3A_135, %dma_wait3A_136] : memref<32x1000000xf32, #tpu.memory_space<hbm>> -> memref<32x896xf32, #tpu.memory_space<hbm>>
        tpu.wait_dma2 semaphore(%arg10 : memref<!tpu.dma_semaphore, #tpu.memory_space<semaphore_mem>>) src(%dma_wait3A_137 : memref<32x896xf32, #tpu.memory_space<hbm>>) dst(%arg6 : memref<32x896xf32, #tpu.memory_space<vmem>>)
        %gt3A_138 = arith.constant 0 : i32
        %gt3A_139 = arith.cmpi sgt, %while3A_87, %gt3A_138 : i32
        %convert_element_type3A_140 = arith.extui %gt3A_139 : i1 to i32
        %cond3A_141 = arith.constant 0 : i32
        %cond3A_142 = arith.cmpi ne, %convert_element_type3A_140, %cond3A_141 : i32
        scf.if %cond3A_142 {
          %dma_wait3A_156 = arith.constant 0 : i32
          %dma_wait3A_157 = tpu.memref_slice %arg4[%dma_wait3A_156] : memref<32000000xf32, #tpu.memory_space<hbm>> -> memref<28672xf32, #tpu.memory_space<hbm>>
          %dma_wait3A_158 = arith.constant 0 : i32
          %dma_wait3A_159 = tpu.memref_slice %arg4[%dma_wait3A_158] : memref<32000000xf32, #tpu.memory_space<hbm>> -> memref<28672xf32, #tpu.memory_space<hbm>>
          tpu.wait_dma2 semaphore(%arg12 : memref<!tpu.dma_semaphore, #tpu.memory_space<semaphore_mem>>) src(%dma_wait3A_159 : memref<28672xf32, #tpu.memory_space<hbm>>) dst(%arg8 : memref<28672xf32, #tpu.memory_space<vmem>>)
        } else {
        }
        %parallel_loop3A_143 = arith.constant 0 : i32
        %parallel_loop3A_144 = arith.constant 56 : i32
        %parallel_loop3A_145 = arith.constant 1 : i32
        scf.for %parallel_loop3A_156 = %parallel_loop3A_143 to %parallel_loop3A_144 step %parallel_loop3A_145  : i32 {
          %parallel_loop3A_157 = arith.constant 16 : i32
          %parallel_loop3A_158 = arith.muli %parallel_loop3A_156, %parallel_loop3A_157 : i32
          %parallel_loop3A_159 = vector.broadcast %parallel_loop3A_158 : i32 to vector<16xi32>
          %parallel_loop3A_160 = arith.addi %iota3A, %parallel_loop3A_159 : vector<16xi32>
          %parallel_loop3A_161 = arith.constant 32 : i32
          %parallel_loop3A_162 = arith.muli %parallel_loop3A_158, %parallel_loop3A_161 : i32
          %parallel_loop3A_163 = arith.constant 0 : i32
          %parallel_loop3A_164 = vector.broadcast %parallel_loop3A_163 : i32 to vector<16xi32>
          %parallel_loop3A_165 = arith.addi %iota3A, %parallel_loop3A_164 : vector<16xi32>
          %parallel_loop3A_166 = arith.constant 15 : i32
          %parallel_loop3A_167 = vector.broadcast %parallel_loop3A_166 : i32 to vector<16xi32>
          %parallel_loop3A_168 = arith.andi %parallel_loop3A_165, %parallel_loop3A_167 : vector<16xi32>
          %parallel_loop3A_169 = arith.constant 0 : i32
          %parallel_loop3A_170 = vector.broadcast %parallel_loop3A_169 : i32 to vector<16xi32>
          %parallel_loop3A_171 = arith.addi %parallel_loop3A_168, %parallel_loop3A_170 : vector<16xi32>
          %parallel_loop3A_172 = tpu.vector_load_idx %arg6[%parallel_loop3A_171, %parallel_loop3A_160] : memref<32x896xf32, #tpu.memory_space<vmem>>[vector<16xi32>, vector<16xi32>], vector<16xf32>,
          %parallel_loop3A_173 = arith.addi %mul3A_3, %parallel_loop3A_168 : vector<16xi32>
          %parallel_loop3A_174 = arith.constant 0 : i32
          %parallel_loop3A_175 = arith.addi %parallel_loop3A_162, %parallel_loop3A_174 : i32
          %parallel_loop3A_176 = vector.broadcast %parallel_loop3A_175 : i32 to vector<16xi32>
          %parallel_loop3A_177 = arith.addi %parallel_loop3A_173, %parallel_loop3A_176 : vector<16xi32>
          %parallel_loop3A_178 = arith.constant 1 : i32
          %parallel_loop3A_179 = vector.broadcast %parallel_loop3A_178 : i32 to vector<16xi32>
          %parallel_loop3A_180 = arith.addi %iota3A, %parallel_loop3A_179 : vector<16xi32>
          %parallel_loop3A_181 = arith.constant 15 : i32
          %parallel_loop3A_182 = vector.broadcast %parallel_loop3A_181 : i32 to vector<16xi32>
          %parallel_loop3A_183 = arith.andi %parallel_loop3A_180, %parallel_loop3A_182 : vector<16xi32>
          %parallel_loop3A_184 = arith.constant 0 : i32
          %parallel_loop3A_185 = vector.broadcast %parallel_loop3A_184 : i32 to vector<16xi32>
          %parallel_loop3A_186 = arith.addi %parallel_loop3A_183, %parallel_loop3A_185 : vector<16xi32>
          %parallel_loop3A_187 = tpu.vector_load_idx %arg6[%parallel_loop3A_186, %parallel_loop3A_160] : memref<32x896xf32, #tpu.memory_space<vmem>>[vector<16xi32>, vector<16xi32>], vector<16xf32>,
          %parallel_loop3A_188 = arith.addi %mul3A_3, %parallel_loop3A_183 : vector<16xi32>
          %parallel_loop3A_189 = arith.constant 0 : i32
          %parallel_loop3A_190 = arith.addi %parallel_loop3A_162, %parallel_loop3A_189 : i32
          %parallel_loop3A_191 = vector.broadcast %parallel_loop3A_190 : i32 to vector<16xi32>
          %parallel_loop3A_192 = arith.addi %parallel_loop3A_188, %parallel_loop3A_191 : vector<16xi32>
          %parallel_loop3A_193 = arith.constant 2 : i32
          %parallel_loop3A_194 = vector.broadcast %parallel_loop3A_193 : i32 to vector<16xi32>
          %parallel_loop3A_195 = arith.addi %iota3A, %parallel_loop3A_194 : vector<16xi32>
          %parallel_loop3A_196 = arith.constant 15 : i32
          %parallel_loop3A_197 = vector.broadcast %parallel_loop3A_196 : i32 to vector<16xi32>
          %parallel_loop3A_198 = arith.andi %parallel_loop3A_195, %parallel_loop3A_197 : vector<16xi32>
          %parallel_loop3A_199 = arith.constant 0 : i32
          %parallel_loop3A_200 = vector.broadcast %parallel_loop3A_199 : i32 to vector<16xi32>
          %parallel_loop3A_201 = arith.addi %parallel_loop3A_198, %parallel_loop3A_200 : vector<16xi32>
          %parallel_loop3A_202 = tpu.vector_load_idx %arg6[%parallel_loop3A_201, %parallel_loop3A_160] : memref<32x896xf32, #tpu.memory_space<vmem>>[vector<16xi32>, vector<16xi32>], vector<16xf32>,
          %parallel_loop3A_203 = arith.addi %mul3A_3, %parallel_loop3A_198 : vector<16xi32>
          %parallel_loop3A_204 = arith.constant 0 : i32
          %parallel_loop3A_205 = arith.addi %parallel_loop3A_162, %parallel_loop3A_204 : i32
          %parallel_loop3A_206 = vector.broadcast %parallel_loop3A_205 : i32 to vector<16xi32>
          %parallel_loop3A_207 = arith.addi %parallel_loop3A_203, %parallel_loop3A_206 : vector<16xi32>
          %parallel_loop3A_208 = arith.constant 3 : i32
          %parallel_loop3A_209 = vector.broadcast %parallel_loop3A_208 : i32 to vector<16xi32>
          %parallel_loop3A_210 = arith.addi %iota3A, %parallel_loop3A_209 : vector<16xi32>
          %parallel_loop3A_211 = arith.constant 15 : i32
          %parallel_loop3A_212 = vector.broadcast %parallel_loop3A_211 : i32 to vector<16xi32>
          %parallel_loop3A_213 = arith.andi %parallel_loop3A_210, %parallel_loop3A_212 : vector<16xi32>
          %parallel_loop3A_214 = arith.constant 0 : i32
          %parallel_loop3A_215 = vector.broadcast %parallel_loop3A_214 : i32 to vector<16xi32>
          %parallel_loop3A_216 = arith.addi %parallel_loop3A_213, %parallel_loop3A_215 : vector<16xi32>
          %parallel_loop3A_217 = tpu.vector_load_idx %arg6[%parallel_loop3A_216, %parallel_loop3A_160] : memref<32x896xf32, #tpu.memory_space<vmem>>[vector<16xi32>, vector<16xi32>], vector<16xf32>,
          %parallel_loop3A_218 = arith.addi %mul3A_3, %parallel_loop3A_213 : vector<16xi32>
          %parallel_loop3A_219 = arith.constant 0 : i32
          %parallel_loop3A_220 = arith.addi %parallel_loop3A_162, %parallel_loop3A_219 : i32
          %parallel_loop3A_221 = vector.broadcast %parallel_loop3A_220 : i32 to vector<16xi32>
          %parallel_loop3A_222 = arith.addi %parallel_loop3A_218, %parallel_loop3A_221 : vector<16xi32>
          tpu.vector_store_idx %arg8[%parallel_loop3A_177], %parallel_loop3A_172 : memref<28672xf32, #tpu.memory_space<vmem>>[vector<16xi32>], vector<16xf32>,
          tpu.vector_store_idx %arg8[%parallel_loop3A_192], %parallel_loop3A_187 : memref<28672xf32, #tpu.memory_space<vmem>>[vector<16xi32>], vector<16xf32>,
          tpu.vector_store_idx %arg8[%parallel_loop3A_207], %parallel_loop3A_202 : memref<28672xf32, #tpu.memory_space<vmem>>[vector<16xi32>], vector<16xf32>,
          tpu.vector_store_idx %arg8[%parallel_loop3A_222], %parallel_loop3A_217 : memref<28672xf32, #tpu.memory_space<vmem>>[vector<16xi32>], vector<16xf32>,
          %parallel_loop3A_223 = arith.constant 4 : i32
          %parallel_loop3A_224 = vector.broadcast %parallel_loop3A_223 : i32 to vector<16xi32>
          %parallel_loop3A_225 = arith.addi %iota3A, %parallel_loop3A_224 : vector<16xi32>
          %parallel_loop3A_226 = arith.constant 15 : i32
          %parallel_loop3A_227 = vector.broadcast %parallel_loop3A_226 : i32 to vector<16xi32>
          %parallel_loop3A_228 = arith.andi %parallel_loop3A_225, %parallel_loop3A_227 : vector<16xi32>
          %parallel_loop3A_229 = arith.constant 0 : i32
          %parallel_loop3A_230 = vector.broadcast %parallel_loop3A_229 : i32 to vector<16xi32>
          %parallel_loop3A_231 = arith.addi %parallel_loop3A_228, %parallel_loop3A_230 : vector<16xi32>
          %parallel_loop3A_232 = tpu.vector_load_idx %arg6[%parallel_loop3A_231, %parallel_loop3A_160] : memref<32x896xf32, #tpu.memory_space<vmem>>[vector<16xi32>, vector<16xi32>], vector<16xf32>,
          %parallel_loop3A_233 = arith.addi %mul3A_3, %parallel_loop3A_228 : vector<16xi32>
          %parallel_loop3A_234 = arith.constant 0 : i32
          %parallel_loop3A_235 = arith.addi %parallel_loop3A_162, %parallel_loop3A_234 : i32
          %parallel_loop3A_236 = vector.broadcast %parallel_loop3A_235 : i32 to vector<16xi32>
          %parallel_loop3A_237 = arith.addi %parallel_loop3A_233, %parallel_loop3A_236 : vector<16xi32>
          %parallel_loop3A_238 = arith.constant 5 : i32
          %parallel_loop3A_239 = vector.broadcast %parallel_loop3A_238 : i32 to vector<16xi32>
          %parallel_loop3A_240 = arith.addi %iota3A, %parallel_loop3A_239 : vector<16xi32>
          %parallel_loop3A_241 = arith.constant 15 : i32
          %parallel_loop3A_242 = vector.broadcast %parallel_loop3A_241 : i32 to vector<16xi32>
          %parallel_loop3A_243 = arith.andi %parallel_loop3A_240, %parallel_loop3A_242 : vector<16xi32>
          %parallel_loop3A_244 = arith.constant 0 : i32
          %parallel_loop3A_245 = vector.broadcast %parallel_loop3A_244 : i32 to vector<16xi32>
          %parallel_loop3A_246 = arith.addi %parallel_loop3A_243, %parallel_loop3A_245 : vector<16xi32>
          %parallel_loop3A_247 = tpu.vector_load_idx %arg6[%parallel_loop3A_246, %parallel_loop3A_160] : memref<32x896xf32, #tpu.memory_space<vmem>>[vector<16xi32>, vector<16xi32>], vector<16xf32>,
          %parallel_loop3A_248 = arith.addi %mul3A_3, %parallel_loop3A_243 : vector<16xi32>
          %parallel_loop3A_249 = arith.constant 0 : i32
          %parallel_loop3A_250 = arith.addi %parallel_loop3A_162, %parallel_loop3A_249 : i32
          %parallel_loop3A_251 = vector.broadcast %parallel_loop3A_250 : i32 to vector<16xi32>
          %parallel_loop3A_252 = arith.addi %parallel_loop3A_248, %parallel_loop3A_251 : vector<16xi32>
          %parallel_loop3A_253 = arith.constant 6 : i32
          %parallel_loop3A_254 = vector.broadcast %parallel_loop3A_253 : i32 to vector<16xi32>
          %parallel_loop3A_255 = arith.addi %iota3A, %parallel_loop3A_254 : vector<16xi32>
          %parallel_loop3A_256 = arith.constant 15 : i32
          %parallel_loop3A_257 = vector.broadcast %parallel_loop3A_256 : i32 to vector<16xi32>
          %parallel_loop3A_258 = arith.andi %parallel_loop3A_255, %parallel_loop3A_257 : vector<16xi32>
          %parallel_loop3A_259 = arith.constant 0 : i32
          %parallel_loop3A_260 = vector.broadcast %parallel_loop3A_259 : i32 to vector<16xi32>
          %parallel_loop3A_261 = arith.addi %parallel_loop3A_258, %parallel_loop3A_260 : vector<16xi32>
          %parallel_loop3A_262 = tpu.vector_load_idx %arg6[%parallel_loop3A_261, %parallel_loop3A_160] : memref<32x896xf32, #tpu.memory_space<vmem>>[vector<16xi32>, vector<16xi32>], vector<16xf32>,
          %parallel_loop3A_263 = arith.addi %mul3A_3, %parallel_loop3A_258 : vector<16xi32>
          %parallel_loop3A_264 = arith.constant 0 : i32
          %parallel_loop3A_265 = arith.addi %parallel_loop3A_162, %parallel_loop3A_264 : i32
          %parallel_loop3A_266 = vector.broadcast %parallel_loop3A_265 : i32 to vector<16xi32>
          %parallel_loop3A_267 = arith.addi %parallel_loop3A_263, %parallel_loop3A_266 : vector<16xi32>
          %parallel_loop3A_268 = arith.constant 7 : i32
          %parallel_loop3A_269 = vector.broadcast %parallel_loop3A_268 : i32 to vector<16xi32>
          %parallel_loop3A_270 = arith.addi %iota3A, %parallel_loop3A_269 : vector<16xi32>
          %parallel_loop3A_271 = arith.constant 15 : i32
          %parallel_loop3A_272 = vector.broadcast %parallel_loop3A_271 : i32 to vector<16xi32>
          %parallel_loop3A_273 = arith.andi %parallel_loop3A_270, %parallel_loop3A_272 : vector<16xi32>
          %parallel_loop3A_274 = arith.constant 0 : i32
          %parallel_loop3A_275 = vector.broadcast %parallel_loop3A_274 : i32 to vector<16xi32>
          %parallel_loop3A_276 = arith.addi %parallel_loop3A_273, %parallel_loop3A_275 : vector<16xi32>
          %parallel_loop3A_277 = tpu.vector_load_idx %arg6[%parallel_loop3A_276, %parallel_loop3A_160] : memref<32x896xf32, #tpu.memory_space<vmem>>[vector<16xi32>, vector<16xi32>], vector<16xf32>,
          %parallel_loop3A_278 = arith.addi %mul3A_3, %parallel_loop3A_273 : vector<16xi32>
          %parallel_loop3A_279 = arith.constant 0 : i32
          %parallel_loop3A_280 = arith.addi %parallel_loop3A_162, %parallel_loop3A_279 : i32
          %parallel_loop3A_281 = vector.broadcast %parallel_loop3A_280 : i32 to vector<16xi32>
          %parallel_loop3A_282 = arith.addi %parallel_loop3A_278, %parallel_loop3A_281 : vector<16xi32>
          tpu.vector_store_idx %arg8[%parallel_loop3A_237], %parallel_loop3A_232 : memref<28672xf32, #tpu.memory_space<vmem>>[vector<16xi32>], vector<16xf32>,
          tpu.vector_store_idx %arg8[%parallel_loop3A_252], %parallel_loop3A_247 : memref<28672xf32, #tpu.memory_space<vmem>>[vector<16xi32>], vector<16xf32>,
          tpu.vector_store_idx %arg8[%parallel_loop3A_267], %parallel_loop3A_262 : memref<28672xf32, #tpu.memory_space<vmem>>[vector<16xi32>], vector<16xf32>,
          tpu.vector_store_idx %arg8[%parallel_loop3A_282], %parallel_loop3A_277 : memref<28672xf32, #tpu.memory_space<vmem>>[vector<16xi32>], vector<16xf32>,
          %parallel_loop3A_283 = arith.constant 8 : i32
          %parallel_loop3A_284 = vector.broadcast %parallel_loop3A_283 : i32 to vector<16xi32>
          %parallel_loop3A_285 = arith.addi %iota3A, %parallel_loop3A_284 : vector<16xi32>
          %parallel_loop3A_286 = arith.constant 15 : i32
          %parallel_loop3A_287 = vector.broadcast %parallel_loop3A_286 : i32 to vector<16xi32>
          %parallel_loop3A_288 = arith.andi %parallel_loop3A_285, %parallel_loop3A_287 : vector<16xi32>
          %parallel_loop3A_289 = arith.constant 0 : i32
          %parallel_loop3A_290 = vector.broadcast %parallel_loop3A_289 : i32 to vector<16xi32>
          %parallel_loop3A_291 = arith.addi %parallel_loop3A_288, %parallel_loop3A_290 : vector<16xi32>
          %parallel_loop3A_292 = tpu.vector_load_idx %arg6[%parallel_loop3A_291, %parallel_loop3A_160] : memref<32x896xf32, #tpu.memory_space<vmem>>[vector<16xi32>, vector<16xi32>], vector<16xf32>,
          %parallel_loop3A_293 = arith.addi %mul3A_3, %parallel_loop3A_288 : vector<16xi32>
          %parallel_loop3A_294 = arith.constant 0 : i32
          %parallel_loop3A_295 = arith.addi %parallel_loop3A_162, %parallel_loop3A_294 : i32
          %parallel_loop3A_296 = vector.broadcast %parallel_loop3A_295 : i32 to vector<16xi32>
          %parallel_loop3A_297 = arith.addi %parallel_loop3A_293, %parallel_loop3A_296 : vector<16xi32>
          %parallel_loop3A_298 = arith.constant 9 : i32
          %parallel_loop3A_299 = vector.broadcast %parallel_loop3A_298 : i32 to vector<16xi32>
          %parallel_loop3A_300 = arith.addi %iota3A, %parallel_loop3A_299 : vector<16xi32>
          %parallel_loop3A_301 = arith.constant 15 : i32
          %parallel_loop3A_302 = vector.broadcast %parallel_loop3A_301 : i32 to vector<16xi32>
          %parallel_loop3A_303 = arith.andi %parallel_loop3A_300, %parallel_loop3A_302 : vector<16xi32>
          %parallel_loop3A_304 = arith.constant 0 : i32
          %parallel_loop3A_305 = vector.broadcast %parallel_loop3A_304 : i32 to vector<16xi32>
          %parallel_loop3A_306 = arith.addi %parallel_loop3A_303, %parallel_loop3A_305 : vector<16xi32>
          %parallel_loop3A_307 = tpu.vector_load_idx %arg6[%parallel_loop3A_306, %parallel_loop3A_160] : memref<32x896xf32, #tpu.memory_space<vmem>>[vector<16xi32>, vector<16xi32>], vector<16xf32>,
          %parallel_loop3A_308 = arith.addi %mul3A_3, %parallel_loop3A_303 : vector<16xi32>
          %parallel_loop3A_309 = arith.constant 0 : i32
          %parallel_loop3A_310 = arith.addi %parallel_loop3A_162, %parallel_loop3A_309 : i32
          %parallel_loop3A_311 = vector.broadcast %parallel_loop3A_310 : i32 to vector<16xi32>
          %parallel_loop3A_312 = arith.addi %parallel_loop3A_308, %parallel_loop3A_311 : vector<16xi32>
          %parallel_loop3A_313 = arith.constant 10 : i32
          %parallel_loop3A_314 = vector.broadcast %parallel_loop3A_313 : i32 to vector<16xi32>
          %parallel_loop3A_315 = arith.addi %iota3A, %parallel_loop3A_314 : vector<16xi32>
          %parallel_loop3A_316 = arith.constant 15 : i32
          %parallel_loop3A_317 = vector.broadcast %parallel_loop3A_316 : i32 to vector<16xi32>
          %parallel_loop3A_318 = arith.andi %parallel_loop3A_315, %parallel_loop3A_317 : vector<16xi32>
          %parallel_loop3A_319 = arith.constant 0 : i32
          %parallel_loop3A_320 = vector.broadcast %parallel_loop3A_319 : i32 to vector<16xi32>
          %parallel_loop3A_321 = arith.addi %parallel_loop3A_318, %parallel_loop3A_320 : vector<16xi32>
          %parallel_loop3A_322 = tpu.vector_load_idx %arg6[%parallel_loop3A_321, %parallel_loop3A_160] : memref<32x896xf32, #tpu.memory_space<vmem>>[vector<16xi32>, vector<16xi32>], vector<16xf32>,
          %parallel_loop3A_323 = arith.addi %mul3A_3, %parallel_loop3A_318 : vector<16xi32>
          %parallel_loop3A_324 = arith.constant 0 : i32
          %parallel_loop3A_325 = arith.addi %parallel_loop3A_162, %parallel_loop3A_324 : i32
          %parallel_loop3A_326 = vector.broadcast %parallel_loop3A_325 : i32 to vector<16xi32>
          %parallel_loop3A_327 = arith.addi %parallel_loop3A_323, %parallel_loop3A_326 : vector<16xi32>
          %parallel_loop3A_328 = arith.constant 11 : i32
          %parallel_loop3A_329 = vector.broadcast %parallel_loop3A_328 : i32 to vector<16xi32>
          %parallel_loop3A_330 = arith.addi %iota3A, %parallel_loop3A_329 : vector<16xi32>
          %parallel_loop3A_331 = arith.constant 15 : i32
          %parallel_loop3A_332 = vector.broadcast %parallel_loop3A_331 : i32 to vector<16xi32>
          %parallel_loop3A_333 = arith.andi %parallel_loop3A_330, %parallel_loop3A_332 : vector<16xi32>
          %parallel_loop3A_334 = arith.constant 0 : i32
          %parallel_loop3A_335 = vector.broadcast %parallel_loop3A_334 : i32 to vector<16xi32>
          %parallel_loop3A_336 = arith.addi %parallel_loop3A_333, %parallel_loop3A_335 : vector<16xi32>
          %parallel_loop3A_337 = tpu.vector_load_idx %arg6[%parallel_loop3A_336, %parallel_loop3A_160] : memref<32x896xf32, #tpu.memory_space<vmem>>[vector<16xi32>, vector<16xi32>], vector<16xf32>,
          %parallel_loop3A_338 = arith.addi %mul3A_3, %parallel_loop3A_333 : vector<16xi32>
          %parallel_loop3A_339 = arith.constant 0 : i32
          %parallel_loop3A_340 = arith.addi %parallel_loop3A_162, %parallel_loop3A_339 : i32
          %parallel_loop3A_341 = vector.broadcast %parallel_loop3A_340 : i32 to vector<16xi32>
          %parallel_loop3A_342 = arith.addi %parallel_loop3A_338, %parallel_loop3A_341 : vector<16xi32>
          tpu.vector_store_idx %arg8[%parallel_loop3A_297], %parallel_loop3A_292 : memref<28672xf32, #tpu.memory_space<vmem>>[vector<16xi32>], vector<16xf32>,
          tpu.vector_store_idx %arg8[%parallel_loop3A_312], %parallel_loop3A_307 : memref<28672xf32, #tpu.memory_space<vmem>>[vector<16xi32>], vector<16xf32>,
          tpu.vector_store_idx %arg8[%parallel_loop3A_327], %parallel_loop3A_322 : memref<28672xf32, #tpu.memory_space<vmem>>[vector<16xi32>], vector<16xf32>,
          tpu.vector_store_idx %arg8[%parallel_loop3A_342], %parallel_loop3A_337 : memref<28672xf32, #tpu.memory_space<vmem>>[vector<16xi32>], vector<16xf32>,
          %parallel_loop3A_343 = arith.constant 12 : i32
          %parallel_loop3A_344 = vector.broadcast %parallel_loop3A_343 : i32 to vector<16xi32>
          %parallel_loop3A_345 = arith.addi %iota3A, %parallel_loop3A_344 : vector<16xi32>
          %parallel_loop3A_346 = arith.constant 15 : i32
          %parallel_loop3A_347 = vector.broadcast %parallel_loop3A_346 : i32 to vector<16xi32>
          %parallel_loop3A_348 = arith.andi %parallel_loop3A_345, %parallel_loop3A_347 : vector<16xi32>
          %parallel_loop3A_349 = arith.constant 0 : i32
          %parallel_loop3A_350 = vector.broadcast %parallel_loop3A_349 : i32 to vector<16xi32>
          %parallel_loop3A_351 = arith.addi %parallel_loop3A_348, %parallel_loop3A_350 : vector<16xi32>
          %parallel_loop3A_352 = tpu.vector_load_idx %arg6[%parallel_loop3A_351, %parallel_loop3A_160] : memref<32x896xf32, #tpu.memory_space<vmem>>[vector<16xi32>, vector<16xi32>], vector<16xf32>,
          %parallel_loop3A_353 = arith.addi %mul3A_3, %parallel_loop3A_348 : vector<16xi32>
          %parallel_loop3A_354 = arith.constant 0 : i32
          %parallel_loop3A_355 = arith.addi %parallel_loop3A_162, %parallel_loop3A_354 : i32
          %parallel_loop3A_356 = vector.broadcast %parallel_loop3A_355 : i32 to vector<16xi32>
          %parallel_loop3A_357 = arith.addi %parallel_loop3A_353, %parallel_loop3A_356 : vector<16xi32>
          %parallel_loop3A_358 = arith.constant 13 : i32
          %parallel_loop3A_359 = vector.broadcast %parallel_loop3A_358 : i32 to vector<16xi32>
          %parallel_loop3A_360 = arith.addi %iota3A, %parallel_loop3A_359 : vector<16xi32>
          %parallel_loop3A_361 = arith.constant 15 : i32
          %parallel_loop3A_362 = vector.broadcast %parallel_loop3A_361 : i32 to vector<16xi32>
          %parallel_loop3A_363 = arith.andi %parallel_loop3A_360, %parallel_loop3A_362 : vector<16xi32>
          %parallel_loop3A_364 = arith.constant 0 : i32
          %parallel_loop3A_365 = vector.broadcast %parallel_loop3A_364 : i32 to vector<16xi32>
          %parallel_loop3A_366 = arith.addi %parallel_loop3A_363, %parallel_loop3A_365 : vector<16xi32>
          %parallel_loop3A_367 = tpu.vector_load_idx %arg6[%parallel_loop3A_366, %parallel_loop3A_160] : memref<32x896xf32, #tpu.memory_space<vmem>>[vector<16xi32>, vector<16xi32>], vector<16xf32>,
          %parallel_loop3A_368 = arith.addi %mul3A_3, %parallel_loop3A_363 : vector<16xi32>
          %parallel_loop3A_369 = arith.constant 0 : i32
          %parallel_loop3A_370 = arith.addi %parallel_loop3A_162, %parallel_loop3A_369 : i32
          %parallel_loop3A_371 = vector.broadcast %parallel_loop3A_370 : i32 to vector<16xi32>
          %parallel_loop3A_372 = arith.addi %parallel_loop3A_368, %parallel_loop3A_371 : vector<16xi32>
          %parallel_loop3A_373 = arith.constant 14 : i32
          %parallel_loop3A_374 = vector.broadcast %parallel_loop3A_373 : i32 to vector<16xi32>
          %parallel_loop3A_375 = arith.addi %iota3A, %parallel_loop3A_374 : vector<16xi32>
          %parallel_loop3A_376 = arith.constant 15 : i32
          %parallel_loop3A_377 = vector.broadcast %parallel_loop3A_376 : i32 to vector<16xi32>
          %parallel_loop3A_378 = arith.andi %parallel_loop3A_375, %parallel_loop3A_377 : vector<16xi32>
          %parallel_loop3A_379 = arith.constant 0 : i32
          %parallel_loop3A_380 = vector.broadcast %parallel_loop3A_379 : i32 to vector<16xi32>
          %parallel_loop3A_381 = arith.addi %parallel_loop3A_378, %parallel_loop3A_380 : vector<16xi32>
          %parallel_loop3A_382 = tpu.vector_load_idx %arg6[%parallel_loop3A_381, %parallel_loop3A_160] : memref<32x896xf32, #tpu.memory_space<vmem>>[vector<16xi32>, vector<16xi32>], vector<16xf32>,
          %parallel_loop3A_383 = arith.addi %mul3A_3, %parallel_loop3A_378 : vector<16xi32>
          %parallel_loop3A_384 = arith.constant 0 : i32
          %parallel_loop3A_385 = arith.addi %parallel_loop3A_162, %parallel_loop3A_384 : i32
          %parallel_loop3A_386 = vector.broadcast %parallel_loop3A_385 : i32 to vector<16xi32>
          %parallel_loop3A_387 = arith.addi %parallel_loop3A_383, %parallel_loop3A_386 : vector<16xi32>
          %parallel_loop3A_388 = arith.constant 15 : i32
          %parallel_loop3A_389 = vector.broadcast %parallel_loop3A_388 : i32 to vector<16xi32>
          %parallel_loop3A_390 = arith.addi %iota3A, %parallel_loop3A_389 : vector<16xi32>
          %parallel_loop3A_391 = arith.constant 15 : i32
          %parallel_loop3A_392 = vector.broadcast %parallel_loop3A_391 : i32 to vector<16xi32>
          %parallel_loop3A_393 = arith.andi %parallel_loop3A_390, %parallel_loop3A_392 : vector<16xi32>
          %parallel_loop3A_394 = arith.constant 0 : i32
          %parallel_loop3A_395 = vector.broadcast %parallel_loop3A_394 : i32 to vector<16xi32>
          %parallel_loop3A_396 = arith.addi %parallel_loop3A_393, %parallel_loop3A_395 : vector<16xi32>
          %parallel_loop3A_397 = tpu.vector_load_idx %arg6[%parallel_loop3A_396, %parallel_loop3A_160] : memref<32x896xf32, #tpu.memory_space<vmem>>[vector<16xi32>, vector<16xi32>], vector<16xf32>,
          %parallel_loop3A_398 = arith.addi %mul3A_3, %parallel_loop3A_393 : vector<16xi32>
          %parallel_loop3A_399 = arith.constant 0 : i32
          %parallel_loop3A_400 = arith.addi %parallel_loop3A_162, %parallel_loop3A_399 : i32
          %parallel_loop3A_401 = vector.broadcast %parallel_loop3A_400 : i32 to vector<16xi32>
          %parallel_loop3A_402 = arith.addi %parallel_loop3A_398, %parallel_loop3A_401 : vector<16xi32>
          tpu.vector_store_idx %arg8[%parallel_loop3A_357], %parallel_loop3A_352 : memref<28672xf32, #tpu.memory_space<vmem>>[vector<16xi32>], vector<16xf32>,
          tpu.vector_store_idx %arg8[%parallel_loop3A_372], %parallel_loop3A_367 : memref<28672xf32, #tpu.memory_space<vmem>>[vector<16xi32>], vector<16xf32>,
          tpu.vector_store_idx %arg8[%parallel_loop3A_387], %parallel_loop3A_382 : memref<28672xf32, #tpu.memory_space<vmem>>[vector<16xi32>], vector<16xf32>,
          tpu.vector_store_idx %arg8[%parallel_loop3A_402], %parallel_loop3A_397 : memref<28672xf32, #tpu.memory_space<vmem>>[vector<16xi32>], vector<16xf32>,
          %parallel_loop3A_403 = arith.constant 0 : i32
          %parallel_loop3A_404 = vector.broadcast %parallel_loop3A_403 : i32 to vector<16xi32>
          %parallel_loop3A_405 = arith.addi %iota3A, %parallel_loop3A_404 : vector<16xi32>
          %parallel_loop3A_406 = arith.constant 15 : i32
          %parallel_loop3A_407 = vector.broadcast %parallel_loop3A_406 : i32 to vector<16xi32>
          %parallel_loop3A_408 = arith.andi %parallel_loop3A_405, %parallel_loop3A_407 : vector<16xi32>
          %parallel_loop3A_409 = arith.constant 16 : i32
          %parallel_loop3A_410 = vector.broadcast %parallel_loop3A_409 : i32 to vector<16xi32>
          %parallel_loop3A_411 = arith.addi %parallel_loop3A_408, %parallel_loop3A_410 : vector<16xi32>
          %parallel_loop3A_412 = tpu.vector_load_idx %arg6[%parallel_loop3A_411, %parallel_loop3A_160] : memref<32x896xf32, #tpu.memory_space<vmem>>[vector<16xi32>, vector<16xi32>], vector<16xf32>,
          %parallel_loop3A_413 = arith.addi %mul3A_3, %parallel_loop3A_408 : vector<16xi32>
          %parallel_loop3A_414 = arith.constant 16 : i32
          %parallel_loop3A_415 = arith.addi %parallel_loop3A_162, %parallel_loop3A_414 : i32
          %parallel_loop3A_416 = vector.broadcast %parallel_loop3A_415 : i32 to vector<16xi32>
          %parallel_loop3A_417 = arith.addi %parallel_loop3A_413, %parallel_loop3A_416 : vector<16xi32>
          %parallel_loop3A_418 = arith.constant 1 : i32
          %parallel_loop3A_419 = vector.broadcast %parallel_loop3A_418 : i32 to vector<16xi32>
          %parallel_loop3A_420 = arith.addi %iota3A, %parallel_loop3A_419 : vector<16xi32>
          %parallel_loop3A_421 = arith.constant 15 : i32
          %parallel_loop3A_422 = vector.broadcast %parallel_loop3A_421 : i32 to vector<16xi32>
          %parallel_loop3A_423 = arith.andi %parallel_loop3A_420, %parallel_loop3A_422 : vector<16xi32>
          %parallel_loop3A_424 = arith.constant 16 : i32
          %parallel_loop3A_425 = vector.broadcast %parallel_loop3A_424 : i32 to vector<16xi32>
          %parallel_loop3A_426 = arith.addi %parallel_loop3A_423, %parallel_loop3A_425 : vector<16xi32>
          %parallel_loop3A_427 = tpu.vector_load_idx %arg6[%parallel_loop3A_426, %parallel_loop3A_160] : memref<32x896xf32, #tpu.memory_space<vmem>>[vector<16xi32>, vector<16xi32>], vector<16xf32>,
          %parallel_loop3A_428 = arith.addi %mul3A_3, %parallel_loop3A_423 : vector<16xi32>
          %parallel_loop3A_429 = arith.constant 16 : i32
          %parallel_loop3A_430 = arith.addi %parallel_loop3A_162, %parallel_loop3A_429 : i32
          %parallel_loop3A_431 = vector.broadcast %parallel_loop3A_430 : i32 to vector<16xi32>
          %parallel_loop3A_432 = arith.addi %parallel_loop3A_428, %parallel_loop3A_431 : vector<16xi32>
          %parallel_loop3A_433 = arith.constant 2 : i32
          %parallel_loop3A_434 = vector.broadcast %parallel_loop3A_433 : i32 to vector<16xi32>
          %parallel_loop3A_435 = arith.addi %iota3A, %parallel_loop3A_434 : vector<16xi32>
          %parallel_loop3A_436 = arith.constant 15 : i32
          %parallel_loop3A_437 = vector.broadcast %parallel_loop3A_436 : i32 to vector<16xi32>
          %parallel_loop3A_438 = arith.andi %parallel_loop3A_435, %parallel_loop3A_437 : vector<16xi32>
          %parallel_loop3A_439 = arith.constant 16 : i32
          %parallel_loop3A_440 = vector.broadcast %parallel_loop3A_439 : i32 to vector<16xi32>
          %parallel_loop3A_441 = arith.addi %parallel_loop3A_438, %parallel_loop3A_440 : vector<16xi32>
          %parallel_loop3A_442 = tpu.vector_load_idx %arg6[%parallel_loop3A_441, %parallel_loop3A_160] : memref<32x896xf32, #tpu.memory_space<vmem>>[vector<16xi32>, vector<16xi32>], vector<16xf32>,
          %parallel_loop3A_443 = arith.addi %mul3A_3, %parallel_loop3A_438 : vector<16xi32>
          %parallel_loop3A_444 = arith.constant 16 : i32
          %parallel_loop3A_445 = arith.addi %parallel_loop3A_162, %parallel_loop3A_444 : i32
          %parallel_loop3A_446 = vector.broadcast %parallel_loop3A_445 : i32 to vector<16xi32>
          %parallel_loop3A_447 = arith.addi %parallel_loop3A_443, %parallel_loop3A_446 : vector<16xi32>
          %parallel_loop3A_448 = arith.constant 3 : i32
          %parallel_loop3A_449 = vector.broadcast %parallel_loop3A_448 : i32 to vector<16xi32>
          %parallel_loop3A_450 = arith.addi %iota3A, %parallel_loop3A_449 : vector<16xi32>
          %parallel_loop3A_451 = arith.constant 15 : i32
          %parallel_loop3A_452 = vector.broadcast %parallel_loop3A_451 : i32 to vector<16xi32>
          %parallel_loop3A_453 = arith.andi %parallel_loop3A_450, %parallel_loop3A_452 : vector<16xi32>
          %parallel_loop3A_454 = arith.constant 16 : i32
          %parallel_loop3A_455 = vector.broadcast %parallel_loop3A_454 : i32 to vector<16xi32>
          %parallel_loop3A_456 = arith.addi %parallel_loop3A_453, %parallel_loop3A_455 : vector<16xi32>
          %parallel_loop3A_457 = tpu.vector_load_idx %arg6[%parallel_loop3A_456, %parallel_loop3A_160] : memref<32x896xf32, #tpu.memory_space<vmem>>[vector<16xi32>, vector<16xi32>], vector<16xf32>,
          %parallel_loop3A_458 = arith.addi %mul3A_3, %parallel_loop3A_453 : vector<16xi32>
          %parallel_loop3A_459 = arith.constant 16 : i32
          %parallel_loop3A_460 = arith.addi %parallel_loop3A_162, %parallel_loop3A_459 : i32
          %parallel_loop3A_461 = vector.broadcast %parallel_loop3A_460 : i32 to vector<16xi32>
          %parallel_loop3A_462 = arith.addi %parallel_loop3A_458, %parallel_loop3A_461 : vector<16xi32>
          tpu.vector_store_idx %arg8[%parallel_loop3A_417], %parallel_loop3A_412 : memref<28672xf32, #tpu.memory_space<vmem>>[vector<16xi32>], vector<16xf32>,
          tpu.vector_store_idx %arg8[%parallel_loop3A_432], %parallel_loop3A_427 : memref<28672xf32, #tpu.memory_space<vmem>>[vector<16xi32>], vector<16xf32>,
          tpu.vector_store_idx %arg8[%parallel_loop3A_447], %parallel_loop3A_442 : memref<28672xf32, #tpu.memory_space<vmem>>[vector<16xi32>], vector<16xf32>,
          tpu.vector_store_idx %arg8[%parallel_loop3A_462], %parallel_loop3A_457 : memref<28672xf32, #tpu.memory_space<vmem>>[vector<16xi32>], vector<16xf32>,
          %parallel_loop3A_463 = arith.constant 4 : i32
          %parallel_loop3A_464 = vector.broadcast %parallel_loop3A_463 : i32 to vector<16xi32>
          %parallel_loop3A_465 = arith.addi %iota3A, %parallel_loop3A_464 : vector<16xi32>
          %parallel_loop3A_466 = arith.constant 15 : i32
          %parallel_loop3A_467 = vector.broadcast %parallel_loop3A_466 : i32 to vector<16xi32>
          %parallel_loop3A_468 = arith.andi %parallel_loop3A_465, %parallel_loop3A_467 : vector<16xi32>
          %parallel_loop3A_469 = arith.constant 16 : i32
          %parallel_loop3A_470 = vector.broadcast %parallel_loop3A_469 : i32 to vector<16xi32>
          %parallel_loop3A_471 = arith.addi %parallel_loop3A_468, %parallel_loop3A_470 : vector<16xi32>
          %parallel_loop3A_472 = tpu.vector_load_idx %arg6[%parallel_loop3A_471, %parallel_loop3A_160] : memref<32x896xf32, #tpu.memory_space<vmem>>[vector<16xi32>, vector<16xi32>], vector<16xf32>,
          %parallel_loop3A_473 = arith.addi %mul3A_3, %parallel_loop3A_468 : vector<16xi32>
          %parallel_loop3A_474 = arith.constant 16 : i32
          %parallel_loop3A_475 = arith.addi %parallel_loop3A_162, %parallel_loop3A_474 : i32
          %parallel_loop3A_476 = vector.broadcast %parallel_loop3A_475 : i32 to vector<16xi32>
          %parallel_loop3A_477 = arith.addi %parallel_loop3A_473, %parallel_loop3A_476 : vector<16xi32>
          %parallel_loop3A_478 = arith.constant 5 : i32
          %parallel_loop3A_479 = vector.broadcast %parallel_loop3A_478 : i32 to vector<16xi32>
          %parallel_loop3A_480 = arith.addi %iota3A, %parallel_loop3A_479 : vector<16xi32>
          %parallel_loop3A_481 = arith.constant 15 : i32
          %parallel_loop3A_482 = vector.broadcast %parallel_loop3A_481 : i32 to vector<16xi32>
          %parallel_loop3A_483 = arith.andi %parallel_loop3A_480, %parallel_loop3A_482 : vector<16xi32>
          %parallel_loop3A_484 = arith.constant 16 : i32
          %parallel_loop3A_485 = vector.broadcast %parallel_loop3A_484 : i32 to vector<16xi32>
          %parallel_loop3A_486 = arith.addi %parallel_loop3A_483, %parallel_loop3A_485 : vector<16xi32>
          %parallel_loop3A_487 = tpu.vector_load_idx %arg6[%parallel_loop3A_486, %parallel_loop3A_160] : memref<32x896xf32, #tpu.memory_space<vmem>>[vector<16xi32>, vector<16xi32>], vector<16xf32>,
          %parallel_loop3A_488 = arith.addi %mul3A_3, %parallel_loop3A_483 : vector<16xi32>
          %parallel_loop3A_489 = arith.constant 16 : i32
          %parallel_loop3A_490 = arith.addi %parallel_loop3A_162, %parallel_loop3A_489 : i32
          %parallel_loop3A_491 = vector.broadcast %parallel_loop3A_490 : i32 to vector<16xi32>
          %parallel_loop3A_492 = arith.addi %parallel_loop3A_488, %parallel_loop3A_491 : vector<16xi32>
          %parallel_loop3A_493 = arith.constant 6 : i32
          %parallel_loop3A_494 = vector.broadcast %parallel_loop3A_493 : i32 to vector<16xi32>
          %parallel_loop3A_495 = arith.addi %iota3A, %parallel_loop3A_494 : vector<16xi32>
          %parallel_loop3A_496 = arith.constant 15 : i32
          %parallel_loop3A_497 = vector.broadcast %parallel_loop3A_496 : i32 to vector<16xi32>
          %parallel_loop3A_498 = arith.andi %parallel_loop3A_495, %parallel_loop3A_497 : vector<16xi32>
          %parallel_loop3A_499 = arith.constant 16 : i32
          %parallel_loop3A_500 = vector.broadcast %parallel_loop3A_499 : i32 to vector<16xi32>
          %parallel_loop3A_501 = arith.addi %parallel_loop3A_498, %parallel_loop3A_500 : vector<16xi32>
          %parallel_loop3A_502 = tpu.vector_load_idx %arg6[%parallel_loop3A_501, %parallel_loop3A_160] : memref<32x896xf32, #tpu.memory_space<vmem>>[vector<16xi32>, vector<16xi32>], vector<16xf32>,
          %parallel_loop3A_503 = arith.addi %mul3A_3, %parallel_loop3A_498 : vector<16xi32>
          %parallel_loop3A_504 = arith.constant 16 : i32
          %parallel_loop3A_505 = arith.addi %parallel_loop3A_162, %parallel_loop3A_504 : i32
          %parallel_loop3A_506 = vector.broadcast %parallel_loop3A_505 : i32 to vector<16xi32>
          %parallel_loop3A_507 = arith.addi %parallel_loop3A_503, %parallel_loop3A_506 : vector<16xi32>
          %parallel_loop3A_508 = arith.constant 7 : i32
          %parallel_loop3A_509 = vector.broadcast %parallel_loop3A_508 : i32 to vector<16xi32>
          %parallel_loop3A_510 = arith.addi %iota3A, %parallel_loop3A_509 : vector<16xi32>
          %parallel_loop3A_511 = arith.constant 15 : i32
          %parallel_loop3A_512 = vector.broadcast %parallel_loop3A_511 : i32 to vector<16xi32>
          %parallel_loop3A_513 = arith.andi %parallel_loop3A_510, %parallel_loop3A_512 : vector<16xi32>
          %parallel_loop3A_514 = arith.constant 16 : i32
          %parallel_loop3A_515 = vector.broadcast %parallel_loop3A_514 : i32 to vector<16xi32>
          %parallel_loop3A_516 = arith.addi %parallel_loop3A_513, %parallel_loop3A_515 : vector<16xi32>
          %parallel_loop3A_517 = tpu.vector_load_idx %arg6[%parallel_loop3A_516, %parallel_loop3A_160] : memref<32x896xf32, #tpu.memory_space<vmem>>[vector<16xi32>, vector<16xi32>], vector<16xf32>,
          %parallel_loop3A_518 = arith.addi %mul3A_3, %parallel_loop3A_513 : vector<16xi32>
          %parallel_loop3A_519 = arith.constant 16 : i32
          %parallel_loop3A_520 = arith.addi %parallel_loop3A_162, %parallel_loop3A_519 : i32
          %parallel_loop3A_521 = vector.broadcast %parallel_loop3A_520 : i32 to vector<16xi32>
          %parallel_loop3A_522 = arith.addi %parallel_loop3A_518, %parallel_loop3A_521 : vector<16xi32>
          tpu.vector_store_idx %arg8[%parallel_loop3A_477], %parallel_loop3A_472 : memref<28672xf32, #tpu.memory_space<vmem>>[vector<16xi32>], vector<16xf32>,
          tpu.vector_store_idx %arg8[%parallel_loop3A_492], %parallel_loop3A_487 : memref<28672xf32, #tpu.memory_space<vmem>>[vector<16xi32>], vector<16xf32>,
          tpu.vector_store_idx %arg8[%parallel_loop3A_507], %parallel_loop3A_502 : memref<28672xf32, #tpu.memory_space<vmem>>[vector<16xi32>], vector<16xf32>,
          tpu.vector_store_idx %arg8[%parallel_loop3A_522], %parallel_loop3A_517 : memref<28672xf32, #tpu.memory_space<vmem>>[vector<16xi32>], vector<16xf32>,
          %parallel_loop3A_523 = arith.constant 8 : i32
          %parallel_loop3A_524 = vector.broadcast %parallel_loop3A_523 : i32 to vector<16xi32>
          %parallel_loop3A_525 = arith.addi %iota3A, %parallel_loop3A_524 : vector<16xi32>
          %parallel_loop3A_526 = arith.constant 15 : i32
          %parallel_loop3A_527 = vector.broadcast %parallel_loop3A_526 : i32 to vector<16xi32>
          %parallel_loop3A_528 = arith.andi %parallel_loop3A_525, %parallel_loop3A_527 : vector<16xi32>
          %parallel_loop3A_529 = arith.constant 16 : i32
          %parallel_loop3A_530 = vector.broadcast %parallel_loop3A_529 : i32 to vector<16xi32>
          %parallel_loop3A_531 = arith.addi %parallel_loop3A_528, %parallel_loop3A_530 : vector<16xi32>
          %parallel_loop3A_532 = tpu.vector_load_idx %arg6[%parallel_loop3A_531, %parallel_loop3A_160] : memref<32x896xf32, #tpu.memory_space<vmem>>[vector<16xi32>, vector<16xi32>], vector<16xf32>,
          %parallel_loop3A_533 = arith.addi %mul3A_3, %parallel_loop3A_528 : vector<16xi32>
          %parallel_loop3A_534 = arith.constant 16 : i32
          %parallel_loop3A_535 = arith.addi %parallel_loop3A_162, %parallel_loop3A_534 : i32
          %parallel_loop3A_536 = vector.broadcast %parallel_loop3A_535 : i32 to vector<16xi32>
          %parallel_loop3A_537 = arith.addi %parallel_loop3A_533, %parallel_loop3A_536 : vector<16xi32>
          %parallel_loop3A_538 = arith.constant 9 : i32
          %parallel_loop3A_539 = vector.broadcast %parallel_loop3A_538 : i32 to vector<16xi32>
          %parallel_loop3A_540 = arith.addi %iota3A, %parallel_loop3A_539 : vector<16xi32>
          %parallel_loop3A_541 = arith.constant 15 : i32
          %parallel_loop3A_542 = vector.broadcast %parallel_loop3A_541 : i32 to vector<16xi32>
          %parallel_loop3A_543 = arith.andi %parallel_loop3A_540, %parallel_loop3A_542 : vector<16xi32>
          %parallel_loop3A_544 = arith.constant 16 : i32
          %parallel_loop3A_545 = vector.broadcast %parallel_loop3A_544 : i32 to vector<16xi32>
          %parallel_loop3A_546 = arith.addi %parallel_loop3A_543, %parallel_loop3A_545 : vector<16xi32>
          %parallel_loop3A_547 = tpu.vector_load_idx %arg6[%parallel_loop3A_546, %parallel_loop3A_160] : memref<32x896xf32, #tpu.memory_space<vmem>>[vector<16xi32>, vector<16xi32>], vector<16xf32>,
          %parallel_loop3A_548 = arith.addi %mul3A_3, %parallel_loop3A_543 : vector<16xi32>
          %parallel_loop3A_549 = arith.constant 16 : i32
          %parallel_loop3A_550 = arith.addi %parallel_loop3A_162, %parallel_loop3A_549 : i32
          %parallel_loop3A_551 = vector.broadcast %parallel_loop3A_550 : i32 to vector<16xi32>
          %parallel_loop3A_552 = arith.addi %parallel_loop3A_548, %parallel_loop3A_551 : vector<16xi32>
          %parallel_loop3A_553 = arith.constant 10 : i32
          %parallel_loop3A_554 = vector.broadcast %parallel_loop3A_553 : i32 to vector<16xi32>
          %parallel_loop3A_555 = arith.addi %iota3A, %parallel_loop3A_554 : vector<16xi32>
          %parallel_loop3A_556 = arith.constant 15 : i32
          %parallel_loop3A_557 = vector.broadcast %parallel_loop3A_556 : i32 to vector<16xi32>
          %parallel_loop3A_558 = arith.andi %parallel_loop3A_555, %parallel_loop3A_557 : vector<16xi32>
          %parallel_loop3A_559 = arith.constant 16 : i32
          %parallel_loop3A_560 = vector.broadcast %parallel_loop3A_559 : i32 to vector<16xi32>
          %parallel_loop3A_561 = arith.addi %parallel_loop3A_558, %parallel_loop3A_560 : vector<16xi32>
          %parallel_loop3A_562 = tpu.vector_load_idx %arg6[%parallel_loop3A_561, %parallel_loop3A_160] : memref<32x896xf32, #tpu.memory_space<vmem>>[vector<16xi32>, vector<16xi32>], vector<16xf32>,
          %parallel_loop3A_563 = arith.addi %mul3A_3, %parallel_loop3A_558 : vector<16xi32>
          %parallel_loop3A_564 = arith.constant 16 : i32
          %parallel_loop3A_565 = arith.addi %parallel_loop3A_162, %parallel_loop3A_564 : i32
          %parallel_loop3A_566 = vector.broadcast %parallel_loop3A_565 : i32 to vector<16xi32>
          %parallel_loop3A_567 = arith.addi %parallel_loop3A_563, %parallel_loop3A_566 : vector<16xi32>
          %parallel_loop3A_568 = arith.constant 11 : i32
          %parallel_loop3A_569 = vector.broadcast %parallel_loop3A_568 : i32 to vector<16xi32>
          %parallel_loop3A_570 = arith.addi %iota3A, %parallel_loop3A_569 : vector<16xi32>
          %parallel_loop3A_571 = arith.constant 15 : i32
          %parallel_loop3A_572 = vector.broadcast %parallel_loop3A_571 : i32 to vector<16xi32>
          %parallel_loop3A_573 = arith.andi %parallel_loop3A_570, %parallel_loop3A_572 : vector<16xi32>
          %parallel_loop3A_574 = arith.constant 16 : i32
          %parallel_loop3A_575 = vector.broadcast %parallel_loop3A_574 : i32 to vector<16xi32>
          %parallel_loop3A_576 = arith.addi %parallel_loop3A_573, %parallel_loop3A_575 : vector<16xi32>
          %parallel_loop3A_577 = tpu.vector_load_idx %arg6[%parallel_loop3A_576, %parallel_loop3A_160] : memref<32x896xf32, #tpu.memory_space<vmem>>[vector<16xi32>, vector<16xi32>], vector<16xf32>,
          %parallel_loop3A_578 = arith.addi %mul3A_3, %parallel_loop3A_573 : vector<16xi32>
          %parallel_loop3A_579 = arith.constant 16 : i32
          %parallel_loop3A_580 = arith.addi %parallel_loop3A_162, %parallel_loop3A_579 : i32
          %parallel_loop3A_581 = vector.broadcast %parallel_loop3A_580 : i32 to vector<16xi32>
          %parallel_loop3A_582 = arith.addi %parallel_loop3A_578, %parallel_loop3A_581 : vector<16xi32>
          tpu.vector_store_idx %arg8[%parallel_loop3A_537], %parallel_loop3A_532 : memref<28672xf32, #tpu.memory_space<vmem>>[vector<16xi32>], vector<16xf32>,
          tpu.vector_store_idx %arg8[%parallel_loop3A_552], %parallel_loop3A_547 : memref<28672xf32, #tpu.memory_space<vmem>>[vector<16xi32>], vector<16xf32>,
          tpu.vector_store_idx %arg8[%parallel_loop3A_567], %parallel_loop3A_562 : memref<28672xf32, #tpu.memory_space<vmem>>[vector<16xi32>], vector<16xf32>,
          tpu.vector_store_idx %arg8[%parallel_loop3A_582], %parallel_loop3A_577 : memref<28672xf32, #tpu.memory_space<vmem>>[vector<16xi32>], vector<16xf32>,
          %parallel_loop3A_583 = arith.constant 12 : i32
          %parallel_loop3A_584 = vector.broadcast %parallel_loop3A_583 : i32 to vector<16xi32>
          %parallel_loop3A_585 = arith.addi %iota3A, %parallel_loop3A_584 : vector<16xi32>
          %parallel_loop3A_586 = arith.constant 15 : i32
          %parallel_loop3A_587 = vector.broadcast %parallel_loop3A_586 : i32 to vector<16xi32>
          %parallel_loop3A_588 = arith.andi %parallel_loop3A_585, %parallel_loop3A_587 : vector<16xi32>
          %parallel_loop3A_589 = arith.constant 16 : i32
          %parallel_loop3A_590 = vector.broadcast %parallel_loop3A_589 : i32 to vector<16xi32>
          %parallel_loop3A_591 = arith.addi %parallel_loop3A_588, %parallel_loop3A_590 : vector<16xi32>
          %parallel_loop3A_592 = tpu.vector_load_idx %arg6[%parallel_loop3A_591, %parallel_loop3A_160] : memref<32x896xf32, #tpu.memory_space<vmem>>[vector<16xi32>, vector<16xi32>], vector<16xf32>,
          %parallel_loop3A_593 = arith.addi %mul3A_3, %parallel_loop3A_588 : vector<16xi32>
          %parallel_loop3A_594 = arith.constant 16 : i32
          %parallel_loop3A_595 = arith.addi %parallel_loop3A_162, %parallel_loop3A_594 : i32
          %parallel_loop3A_596 = vector.broadcast %parallel_loop3A_595 : i32 to vector<16xi32>
          %parallel_loop3A_597 = arith.addi %parallel_loop3A_593, %parallel_loop3A_596 : vector<16xi32>
          %parallel_loop3A_598 = arith.constant 13 : i32
          %parallel_loop3A_599 = vector.broadcast %parallel_loop3A_598 : i32 to vector<16xi32>
          %parallel_loop3A_600 = arith.addi %iota3A, %parallel_loop3A_599 : vector<16xi32>
          %parallel_loop3A_601 = arith.constant 15 : i32
          %parallel_loop3A_602 = vector.broadcast %parallel_loop3A_601 : i32 to vector<16xi32>
          %parallel_loop3A_603 = arith.andi %parallel_loop3A_600, %parallel_loop3A_602 : vector<16xi32>
          %parallel_loop3A_604 = arith.constant 16 : i32
          %parallel_loop3A_605 = vector.broadcast %parallel_loop3A_604 : i32 to vector<16xi32>
          %parallel_loop3A_606 = arith.addi %parallel_loop3A_603, %parallel_loop3A_605 : vector<16xi32>
          %parallel_loop3A_607 = tpu.vector_load_idx %arg6[%parallel_loop3A_606, %parallel_loop3A_160] : memref<32x896xf32, #tpu.memory_space<vmem>>[vector<16xi32>, vector<16xi32>], vector<16xf32>,
          %parallel_loop3A_608 = arith.addi %mul3A_3, %parallel_loop3A_603 : vector<16xi32>
          %parallel_loop3A_609 = arith.constant 16 : i32
          %parallel_loop3A_610 = arith.addi %parallel_loop3A_162, %parallel_loop3A_609 : i32
          %parallel_loop3A_611 = vector.broadcast %parallel_loop3A_610 : i32 to vector<16xi32>
          %parallel_loop3A_612 = arith.addi %parallel_loop3A_608, %parallel_loop3A_611 : vector<16xi32>
          %parallel_loop3A_613 = arith.constant 14 : i32
          %parallel_loop3A_614 = vector.broadcast %parallel_loop3A_613 : i32 to vector<16xi32>
          %parallel_loop3A_615 = arith.addi %iota3A, %parallel_loop3A_614 : vector<16xi32>
          %parallel_loop3A_616 = arith.constant 15 : i32
          %parallel_loop3A_617 = vector.broadcast %parallel_loop3A_616 : i32 to vector<16xi32>
          %parallel_loop3A_618 = arith.andi %parallel_loop3A_615, %parallel_loop3A_617 : vector<16xi32>
          %parallel_loop3A_619 = arith.constant 16 : i32
          %parallel_loop3A_620 = vector.broadcast %parallel_loop3A_619 : i32 to vector<16xi32>
          %parallel_loop3A_621 = arith.addi %parallel_loop3A_618, %parallel_loop3A_620 : vector<16xi32>
          %parallel_loop3A_622 = tpu.vector_load_idx %arg6[%parallel_loop3A_621, %parallel_loop3A_160] : memref<32x896xf32, #tpu.memory_space<vmem>>[vector<16xi32>, vector<16xi32>], vector<16xf32>,
          %parallel_loop3A_623 = arith.addi %mul3A_3, %parallel_loop3A_618 : vector<16xi32>
          %parallel_loop3A_624 = arith.constant 16 : i32
          %parallel_loop3A_625 = arith.addi %parallel_loop3A_162, %parallel_loop3A_624 : i32
          %parallel_loop3A_626 = vector.broadcast %parallel_loop3A_625 : i32 to vector<16xi32>
          %parallel_loop3A_627 = arith.addi %parallel_loop3A_623, %parallel_loop3A_626 : vector<16xi32>
          %parallel_loop3A_628 = arith.constant 15 : i32
          %parallel_loop3A_629 = vector.broadcast %parallel_loop3A_628 : i32 to vector<16xi32>
          %parallel_loop3A_630 = arith.addi %iota3A, %parallel_loop3A_629 : vector<16xi32>
          %parallel_loop3A_631 = arith.constant 15 : i32
          %parallel_loop3A_632 = vector.broadcast %parallel_loop3A_631 : i32 to vector<16xi32>
          %parallel_loop3A_633 = arith.andi %parallel_loop3A_630, %parallel_loop3A_632 : vector<16xi32>
          %parallel_loop3A_634 = arith.constant 16 : i32
          %parallel_loop3A_635 = vector.broadcast %parallel_loop3A_634 : i32 to vector<16xi32>
          %parallel_loop3A_636 = arith.addi %parallel_loop3A_633, %parallel_loop3A_635 : vector<16xi32>
          %parallel_loop3A_637 = tpu.vector_load_idx %arg6[%parallel_loop3A_636, %parallel_loop3A_160] : memref<32x896xf32, #tpu.memory_space<vmem>>[vector<16xi32>, vector<16xi32>], vector<16xf32>,
          %parallel_loop3A_638 = arith.addi %mul3A_3, %parallel_loop3A_633 : vector<16xi32>
          %parallel_loop3A_639 = arith.constant 16 : i32
          %parallel_loop3A_640 = arith.addi %parallel_loop3A_162, %parallel_loop3A_639 : i32
          %parallel_loop3A_641 = vector.broadcast %parallel_loop3A_640 : i32 to vector<16xi32>
          %parallel_loop3A_642 = arith.addi %parallel_loop3A_638, %parallel_loop3A_641 : vector<16xi32>
          tpu.vector_store_idx %arg8[%parallel_loop3A_597], %parallel_loop3A_592 : memref<28672xf32, #tpu.memory_space<vmem>>[vector<16xi32>], vector<16xf32>,
          tpu.vector_store_idx %arg8[%parallel_loop3A_612], %parallel_loop3A_607 : memref<28672xf32, #tpu.memory_space<vmem>>[vector<16xi32>], vector<16xf32>,
          tpu.vector_store_idx %arg8[%parallel_loop3A_627], %parallel_loop3A_622 : memref<28672xf32, #tpu.memory_space<vmem>>[vector<16xi32>], vector<16xf32>,
          tpu.vector_store_idx %arg8[%parallel_loop3A_642], %parallel_loop3A_637 : memref<28672xf32, #tpu.memory_space<vmem>>[vector<16xi32>], vector<16xf32>,
        } {sc.loop_unroll_factor = 1 : i64, sc.parallel_access}
        %mul3A_146 = arith.constant 32 : i32
        %mul3A_147 = arith.muli %add3A_93, %mul3A_146 : i32
        %add3A_148 = arith.addi %add3A, %mul3A_147 : i32
        %mul3A_149 = arith.constant 896 : i32
        %mul3A_150 = arith.muli %add3A_148, %mul3A_149 : i32
        %multiple_of3A_151 = tpu.assume_multiple %mul3A_150, 128 : i32
        %mul3A_152 = arith.constant 32 : i32
        %mul3A_153 = arith.muli %multiple_of3A_151, %mul3A_152 : i32
        %dma_start3A_154 = tpu.memref_slice %arg4[%mul3A_153] : memref<32000000xf32, #tpu.memory_space<hbm>> -> memref<28672xf32, #tpu.memory_space<hbm>>
        %dma_start3A_155 = tpu.memref_slice %arg4[%mul3A_153] : memref<32000000xf32, #tpu.memory_space<hbm>> -> memref<28672xf32, #tpu.memory_space<hbm>>
        tpu.enqueue_dma source(%arg8 : memref<28672xf32, #tpu.memory_space<vmem>>) target(%dma_start3A_155 : memref<28672xf32, #tpu.memory_space<hbm>>) target_semaphore(%arg12 : memref<!tpu.dma_semaphore, #tpu.memory_space<semaphore_mem>>)
      } else {
      }
    }
    %dma_wait3A = arith.constant 0 : i32
    %dma_wait3A_78 = tpu.memref_slice %arg4[%dma_wait3A] : memref<32000000xf32, #tpu.memory_space<hbm>> -> memref<28672xf32, #tpu.memory_space<hbm>>
    %dma_wait3A_79 = arith.constant 0 : i32
    %dma_wait3A_80 = tpu.memref_slice %arg4[%dma_wait3A_79] : memref<32000000xf32, #tpu.memory_space<hbm>> -> memref<28672xf32, #tpu.memory_space<hbm>>
    tpu.wait_dma2 semaphore(%arg11 : memref<!tpu.dma_semaphore, #tpu.memory_space<semaphore_mem>>) src(%dma_wait3A_80 : memref<28672xf32, #tpu.memory_space<hbm>>) dst(%arg7 : memref<28672xf32, #tpu.memory_space<vmem>>)
    %dma_wait3A_81 = arith.constant 0 : i32
    %dma_wait3A_82 = tpu.memref_slice %arg4[%dma_wait3A_81] : memref<32000000xf32, #tpu.memory_space<hbm>> -> memref<28672xf32, #tpu.memory_space<hbm>>
    %dma_wait3A_83 = arith.constant 0 : i32
    %dma_wait3A_84 = tpu.memref_slice %arg4[%dma_wait3A_83] : memref<32000000xf32, #tpu.memory_space<hbm>> -> memref<28672xf32, #tpu.memory_space<hbm>>
    tpu.wait_dma2 semaphore(%arg12 : memref<!tpu.dma_semaphore, #tpu.memory_space<semaphore_mem>>) src(%dma_wait3A_84 : memref<28672xf32, #tpu.memory_space<hbm>>) dst(%arg8 : memref<28672xf32, #tpu.memory_space<vmem>>)
    %eq3A = arith.constant 31 : i32
    %eq3A_85 = arith.cmpi eq, %add3A, %eq3A : i32
    %convert_element_type3A = arith.extui %eq3A_85 : i1 to i32
    %cond3A = arith.constant 0 : i32
    %cond3A_86 = arith.cmpi ne, %convert_element_type3A, %cond3A : i32
    scf.if %cond3A_86 {
      "tpu.region"() ({
        %run_scoped3A = tpu.sem_alloc : memref<!tpu.dma_semaphore, #tpu.memory_space<semaphore_mem>>
        %dma_start3A_87 = arith.constant 0 : i32
        %dma_start3A_88 = tpu.memref_slice %arg7[%dma_start3A_87] : memref<28672xf32, #tpu.memory_space<vmem>> -> memref<2048xf32, #tpu.memory_space<vmem>>
        %dma_start3A_89 = arith.constant 0 : i32
        %dma_start3A_90 = tpu.memref_slice %arg7[%dma_start3A_89] : memref<28672xf32, #tpu.memory_space<vmem>> -> memref<2048xf32, #tpu.memory_space<vmem>>
        tpu.enqueue_dma source(%arg3 : memref<2048xf32, #tpu.memory_space<hbm>>) target(%dma_start3A_90 : memref<2048xf32, #tpu.memory_space<vmem>>) target_semaphore(%run_scoped3A : memref<!tpu.dma_semaphore, #tpu.memory_space<semaphore_mem>>)
        %dma_wait3A_91 = arith.constant 0 : i32
        %dma_wait3A_92 = tpu.memref_slice %arg7[%dma_wait3A_91] : memref<28672xf32, #tpu.memory_space<vmem>> -> memref<2048xf32, #tpu.memory_space<vmem>>
        %dma_wait3A_93 = arith.constant 0 : i32
        %dma_wait3A_94 = tpu.memref_slice %arg7[%dma_wait3A_93] : memref<28672xf32, #tpu.memory_space<vmem>> -> memref<2048xf32, #tpu.memory_space<vmem>>
        tpu.wait_dma2 semaphore(%run_scoped3A : memref<!tpu.dma_semaphore, #tpu.memory_space<semaphore_mem>>) src(%arg3 : memref<2048xf32, #tpu.memory_space<hbm>>) dst(%dma_wait3A_94 : memref<2048xf32, #tpu.memory_space<vmem>>)
        tpu.yield
      }) : () -> ()
      "tpu.region"() ({
        %run_scoped3A = tpu.sem_alloc : memref<!tpu.dma_semaphore, #tpu.memory_space<semaphore_mem>>
        %dma_start3A_87 = arith.constant 0 : i32
        %dma_start3A_88 = tpu.memref_slice %arg7[%dma_start3A_87] : memref<28672xf32, #tpu.memory_space<vmem>> -> memref<2048xf32, #tpu.memory_space<vmem>>
        %dma_start3A_89 = arith.constant 31997952 : i32
        %dma_start3A_90 = tpu.memref_slice %arg4[%dma_start3A_89] : memref<32000000xf32, #tpu.memory_space<hbm>> -> memref<2048xf32, #tpu.memory_space<hbm>>
        %dma_start3A_91 = arith.constant 31997952 : i32
        %dma_start3A_92 = tpu.memref_slice %arg4[%dma_start3A_91] : memref<32000000xf32, #tpu.memory_space<hbm>> -> memref<2048xf32, #tpu.memory_space<hbm>>
        %dma_start3A_93 = arith.constant 0 : i32
        %dma_start3A_94 = tpu.memref_slice %arg7[%dma_start3A_93] : memref<28672xf32, #tpu.memory_space<vmem>> -> memref<2048xf32, #tpu.memory_space<vmem>>
        tpu.enqueue_dma source(%dma_start3A_94 : memref<2048xf32, #tpu.memory_space<vmem>>) target(%dma_start3A_92 : memref<2048xf32, #tpu.memory_space<hbm>>) target_semaphore(%run_scoped3A : memref<!tpu.dma_semaphore, #tpu.memory_space<semaphore_mem>>)
        %dma_wait3A_95 = arith.constant 0 : i32
        %dma_wait3A_96 = tpu.memref_slice %arg7[%dma_wait3A_95] : memref<28672xf32, #tpu.memory_space<vmem>> -> memref<2048xf32, #tpu.memory_space<vmem>>
        %dma_wait3A_97 = arith.constant 31997952 : i32
        %dma_wait3A_98 = tpu.memref_slice %arg4[%dma_wait3A_97] : memref<32000000xf32, #tpu.memory_space<hbm>> -> memref<2048xf32, #tpu.memory_space<hbm>>
        %dma_wait3A_99 = arith.constant 31997952 : i32
        %dma_wait3A_100 = tpu.memref_slice %arg4[%dma_wait3A_99] : memref<32000000xf32, #tpu.memory_space<hbm>> -> memref<2048xf32, #tpu.memory_space<hbm>>
        %dma_wait3A_101 = arith.constant 0 : i32
        %dma_wait3A_102 = tpu.memref_slice %arg7[%dma_wait3A_101] : memref<28672xf32, #tpu.memory_space<vmem>> -> memref<2048xf32, #tpu.memory_space<vmem>>
        tpu.wait_dma2 semaphore(%run_scoped3A : memref<!tpu.dma_semaphore, #tpu.memory_space<semaphore_mem>>) src(%dma_wait3A_102 : memref<2048xf32, #tpu.memory_space<vmem>>) dst(%dma_wait3A_100 : memref<2048xf32, #tpu.memory_space<hbm>>)
        tpu.yield
      }) : () -> ()
    } else {
    }
    return
  }
}

</mosaic_0001>

<sc_bundles>
// kernel: _relayout.3.cloned.1.call-start
scs
__scs_entry_jumppad:
0x0: {  	(pc) =	sbr.rel $0x88, $3  }
0x1: {  	(tag) =	ssettag $0x0;
	lr =	simm.s32 $0x1  }
0x2: {  	[smem:$0x3FA0] =	sst lr;
	_ =	strace $0xD0000000  }
0x3: {  	_ = 	snop  }
0x4: {  	_ = 	snop  }
0x5: {  	_ = 	snop  }
0x6: {  	_ = 	snop  }
0x7: {  	_ = 	snop  }
__scs_overlays_trampoline_lowered:
0x8: {  	[smem:$0x3FAF] =	sst s0  }
0x9: {  	[smem:$0x3FB0] =	sst s1  }
0xa: {  	[smem:$0x3FB1] =	sst s2  }
0xb: {  	[smem:$0x3FB2] =	sst s3  }
0xc: {  	[smem:$0x3FB3] =	sst s4  }
0xd: {  	[smem:$0x3FB4] =	sst s5  }
0xe: {  	[smem:$0x3FB5] =	sst s6  }
0xf: {  	[smem:$0x3FB6] =	sst s7  }
0x10: {  	[smem:$0x3FB7] =	sst s8  }
0x11: {  	[smem:$0x3FB8] =	sst s9;
	s0 =	simm.s32 @!p0 $0x0  }
0x12: {  	s1 =	sld [smem:$0x3F9E];
	s0 =	simm.s32 @p0 $0x1  }
0x13: {  	[smem:$0x3FB9] =	sst s0;
	s0 =	simm.s32 @!p1 $0x0  }
0x14: {  	s2 =	sld [smem:$0x3F9D];
	s0 =	simm.s32 @p1 $0x1  }
0x15: {  	[smem:$0x3FBA] =	sst s0;
	s0 =	simm.s32 @!p2 $0x0  }
0x16: {  	s3 =	sld [smem:$0x3FDB];
	s0 =	simm.s32 @p2 $0x1  }
0x17: {  	s4 =	simm.s32 $0x1BF5;
	[smem:$0x3FBC] =	sst s0  }
0x18: {  	s0 =	sld [smem:$0x3F9F];
	_ =	swait.ge [sflag:s4], $0x0  }
0x19: {  	s7 =	sld [smem:$0x3FA0]  }
0x1a: {  	s8 =	sadd.s32 $0xFFFFE003, lr  }
0x1b: {  	s9 =	sadd.s32 $0xFFFFFEF7, lr;
	s5 =	simm.s32 $0xFFFFFFFF;
	p2 =	slt.u32 s8, $0xFFFFF086  }
0x1c: {  	p1 =	slt.u32 s9, $0xF7A;
	s5 =	simm.s32 @!p2 $0x0  }
0x1d: {  	s5 =	simm.s32 @p1 $0x1;
	p0 =	seq.s32 s7, s2  }
0x1e: {  	s7 =	smul.u32 @!p0 $0xF7A, s2;
	p2 =	seq.s32 @!p0 s5, $0x0  }
0x1f: {  	s9 =	smul.u32 $0xF7A, s1;
	s8 =	simm.s32 @!p0 $0x1BF5;
	p2 =	por !p2, p0  }
0x20: {  	[sflag:s8] =	ssyncset.s32 @!p0 $0xFFFFF086;
	s6 =	sadd.s32 @!p0 s3, s7;
	s7 =	simm.s32 @!p0 $0x108  }
0x21: {  	s3 =	sadd.s32 s3, s9;
	s6 =	sadd.s32 @!p0 $0x88, s6;
	s7 =	simm.s32 @p2 $0x1082  }
0x22: {  	[simem:s7], [sflag:s8] =	dma.local @!p0 [hbm:s6], $0xF7A  }
0x23: {  	s9 =	sor.u32 $0xD0000000, s2;
	s6 =	simm.s32 $0x108;
	_ =	swait.ge @!p0 [sflag:s8], $0x0  }
0x24: {  	s3 =	sadd.s32 $0x88, s3;
	s6 =	simm.s32 @!p1 $0x1082;
	[sflag:s4] =	ssyncset.s32 $0xFFFFF086  }
0x25: {  	[simem:s6], [sflag:s4] =	dma.local [hbm:s3], $0xF7A  }
0x26: {  	[smem:$0x3FA0] =	sst s1;
	(tag) =	ssettag s2;
	_ =	strace s9  }
0x27: {  	s1 =	sld [smem:$0x3FB0]  }
0x28: {  	s2 =	sld [smem:$0x3FB1]  }
0x29: {  	s4 =	sld [smem:$0x3FB3]  }
0x2a: {  	p0 =	seq.s32 s5, $0x0;
	s5 =	sld [smem:$0x3FB4]  }
0x2b: {  	s6 =	sld [smem:$0x3FB5]  }
0x2c: {  	s7 =	sld [smem:$0x3FB6]  }
0x2d: {  	s3 =	simm.s32 $0x108;
	s8 =	sld [smem:$0x3FB7]  }
0x2e: {  	s3 =	simm.s32 @!p0 $0x1082;
	s9 =	sld [smem:$0x3FB8]  }
0x2f: {  	lr =	sadd.s32 s0, s3;
	s0 =	sld [smem:$0x3FAF]  }
0x30: {  	s3 =	sld [smem:$0x3FB2]  }
0x31: {  	[smem:$0x3FBB] =	sst s10  }
0x32: {  	s10 =	sld [smem:$0x3FB9];
	_ =	sdelay $0x3  }
0x33: {  	p0 =	seq.s32 s10, $0x1;
	s10 =	sld [smem:$0x3FBB];
	_ =	sdelay $0x3  }
0x34: {  	[smem:$0x3FBB] =	sst s10  }
0x35: {  	s10 =	sld [smem:$0x3FBA];
	_ =	sdelay $0x3  }
0x36: {  	p1 =	seq.s32 s10, $0x1;
	s10 =	sld [smem:$0x3FBB];
	_ =	sdelay $0x3  }
0x37: {  	[smem:$0x3FBB] =	sst s10  }
0x38: {  	s10 =	sld [smem:$0x3FBC]  }
0x39: {  	_ = 	snop;
	(pc) =	sbr.ind lr, $3  }
0x3a: {  	_ = 	snop  }
0x3b: {  	_ = 	snop  }
0x3c: {  	p2 =	seq.s32 s10, $0x1;
	s10 =	sld [smem:$0x3FBB]  }
0x3d: {  	_ =	shalt  }
0x3e: {  	_ =	shalt  }
0x3f: {  	_ =	shalt  }
0x40: {  	_ =	shalt  }
0x41: {  	_ =	shalt  }
0x42: {  	_ =	shalt  }
0x43: {  	_ =	shalt  }
0x44: {  	_ =	shalt  }
0x45: {  	_ =	shalt  }
0x46: {  	_ =	shalt  }
0x47: {  	_ =	shalt  }
0x48: {  	_ =	shalt  }
0x49: {  	_ =	shalt  }
0x4a: {  	_ =	shalt  }
0x4b: {  	_ =	shalt  }
0x4c: {  	_ =	shalt  }
0x4d: {  	_ =	shalt  }
0x4e: {  	_ =	shalt  }
0x4f: {  	_ =	shalt  }
0x50: {  	_ =	shalt  }
0x51: {  	_ =	shalt  }
0x52: {  	_ =	shalt  }
0x53: {  	_ =	shalt  }
0x54: {  	_ =	shalt  }
0x55: {  	_ =	shalt  }
0x56: {  	_ =	shalt  }
0x57: {  	_ =	shalt  }
0x58: {  	_ =	shalt  }
0x59: {  	_ =	shalt  }
0x5a: {  	_ =	shalt  }
0x5b: {  	_ =	shalt  }
0x5c: {  	_ =	shalt  }
0x5d: {  	_ =	shalt  }
0x5e: {  	_ =	shalt  }
0x5f: {  	_ =	shalt  }
0x60: {  	_ =	shalt  }
0x61: {  	_ =	shalt  }
0x62: {  	_ =	shalt  }
0x63: {  	_ =	shalt  }
0x64: {  	_ =	shalt  }
0x65: {  	_ =	shalt  }
0x66: {  	_ =	shalt  }
0x67: {  	_ =	shalt  }
0x68: {  	_ =	shalt  }
0x69: {  	_ =	shalt  }
0x6a: {  	_ =	shalt  }
0x6b: {  	_ =	shalt  }
0x6c: {  	_ =	shalt  }
0x6d: {  	_ =	shalt  }
0x6e: {  	_ =	shalt  }
0x6f: {  	_ =	shalt  }
0x70: {  	_ =	shalt  }
0x71: {  	_ =	shalt  }
0x72: {  	_ =	shalt  }
0x73: {  	_ =	shalt  }
0x74: {  	_ =	shalt  }
0x75: {  	_ =	shalt  }
0x76: {  	_ =	shalt  }
0x77: {  	_ =	shalt  }
0x78: {  	_ =	shalt  }
0x79: {  	_ =	shalt  }
0x7a: {  	_ =	shalt  }
0x7b: {  	_ =	shalt  }
0x7c: {  	_ =	shalt  }
0x7d: {  	_ =	shalt  }
0x7e: {  	_ =	shalt  }
0x7f: {  	_ =	shalt  }
0x80: {  	_ =	shalt  }
0x81: {  	_ =	shalt  }
0x82: {  	_ =	shalt  }
0x83: {  	_ =	shalt  }
0x84: {  	_ =	shalt  }
0x85: {  	_ =	shalt  }
0x86: {  	_ =	shalt  }
0x87: {  	_ =	shalt  }
.Lfunc_end0:
.L_simem_size_0:
called_computation.1_lowered:
.L_overlay_start_0:
0x88: {  	s2 =	sld [smem:$0x3FD9]  }
0x89: {  	s3 =	sld [smem:$0x3FFE];
	_ =	sdelay $0x1  }
0x8a: {  	s1 =	srdreg.scid  }
0x8b: {  	s0 =	sand.u32 $0x1, s1  }
0x8c: {  	s17 =	sshll.u32 s0, $0xA;
	s2 =	sadd.s32 s3, s2  }
0x8d: {  	s2 =	sadd.s32 s2, s17  }
0x8e: {  	[smem:$0x3FC7] =	sst s2  }
0x8f: {  	_ = 	snop  }
0x90: {  	s2 =	sld [smem:$0x3FC9]  }
0x91: {  	s18 =	sld [smem:$0x3FD0];
	(tm) =	ssettm $0x1  }
0x92: {  	s4 =	sld [smem:$0x3FFB];
	_ =	sdelay $0x3  }
0x93: {  	_ =	strace s4  }
0x94: {  	s4 =	sld [smem:$0x3FFC];
	_ =	sdelay $0x3  }
0x95: {  	_ =	strace s4  }
0x96: {  	s4 =	sld [smem:$0x3FFD];
	_ =	sdelay $0x3  }
0x97: {  	_ =	strace s4  }
0x98: {  	_ =	strace $0x8FFFFFFF  }
0x99: {  	s19 =	sld [smem:$0x3FDB];
	_ =	sdelay $0x1  }
0x9a: {  	s5 =	simm.s32 $_scs_section_size  }
0x9b: {  	s6 =	simm.s32 $_size__tile_overlayer_lowered;
	s7 =	simm.s32 $_tile_overlayer_lowered  }
0x9c: {  	s22 =	simm.s32 $0x1BFF;
	s21 =	sshll.u32 s7, $0x1;
	s4 =	sadd.s32 s5, s19  }
0x9d: {  	s8 =	simm.s32 $0x0;
	s20 =	sshll.u32 s6, $0x1;
	s6 =	sadd.s32 s21, s4  }
0x9e: {  	[timem:s8], [sflag:s22] =	dma.local [hbm:s6], s20  }
0x9f: {  	_ =	swait.ge [sflag:s22], s20  }
0xa0: {  	s5 =	ssub.s32 $0x0, s20;
	[sflag:s22] =	ssyncset.done $0x0  }
0xa1: {  	[sflag:s22] =	ssyncadd.s32 s5;
	_ =	sdelay $0x1  }
0xa2: {  	s23 =	simm.s32 $0x1B8B  }
0xa3: {  	_ =	swait.ge [sflag:s23], $0x1  }
0xa4: {  	[sflag:s23] =	ssyncset.done $0x0  }
0xa5: {  	s25 =	simm.s32 $0x1B8E;
	s24 =	sld [smem:$0x3FFE];
	[sflag:s23] =	ssyncadd.s32 $0xFFFFFFFF  }
0xa6: {  	s26 =	simm.s32 $execute0_lowered;
	[smem:$0x3FD2] =	sst s25  }
0xa7: {  	s6 =	sshll.u32 s26, $0x1;
	_ =	strace $0x80000046;
	[dreg:$0x1] =	wrdreg $0xFFFFFFFF  }
0xa8: {  	s28 =	simm.s32 $_size_execute0_lowered;
	s4 =	sadd.s32 s4, s6;
	[dreg:$0x0] =	wrdreg $0x0  }
0xa9: {  	s6 =	sshll.u32 s28, $0x1;
	[dreg:$0x2] =	wrdreg s4  }
0xaa: {  	[dreg:$0x3] =	wrdreg s6  }
0xab: {  	[dreg:$0x4] =	wrdreg $0xC0  }
0xac: {  	_ =	task [dreg:s8], $0x5FFFF  }
0xad: {  	[dreg:$0x1] =	wrdreg $0xFFFFFFFF  }
0xae: {  	[dreg:$0x0] =	wrdreg $0x60  }
0xaf: {  	[dreg:$0x2] =	wrdreg s2  }
0xb0: {  	[dreg:$0x3] =	wrdreg s24  }
0xb1: {  	[dreg:$0x4] =	wrdreg s18  }
0xb2: {  	[dreg:$0x5] =	wrdreg $0x9  }
0xb3: {  	_ =	task.clear_ibuf [dreg:s8], $0x6FFFF;
	_ =	strace $0x90000046  }
0xb4: {  	s29 =	simm.s32 $0x9;
	_ =	strace $0x80000048  }
0xb5: {  	_ =	swait.ge [sflag:s29], $0x1  }
0xb6: {  	[sflag:s29] =	ssyncadd.s32 $0xFFFFFFFF  }
0xb7: {  	_ =	strace $0x90000048  }
0xb8: {  	_ =	sfence  }
0xb9: {  	s30 =	sld [smem:$0x0];
	_ =	sdelay $0x2  }
0xba: {  	s31 =	sshll.u32 s1, $0xD;
	s1 =	sshrl.u32 s1, $0x2  }
0xbb: {  	s3 =	sand.u32 $0x4000, s31;
	s1 =	sadd.s32 s1, s30  }
0xbc: {  	s0 =	sor.u32 s3, s0;
	s1 =	sshll.u32 s1, $0x11  }
0xbd: {  	s0 =	sor.u32 s1, s0  }
0xbe: {  	s0 =	sadd.s32 $0x8F2B, s0  }
0xbf: {  	[sflag:s0] =	ssyncadd.remote.s32 $0x1  }
0xc0: {  	_ =	sfence.sel $0xFFFF  }
0xc1: {  	[dreg:$0x0] =	wrdreg $0xFFFFFFFF;
	(pc) =	sbr.abs _section_cstart, $3  }
0xc2: {  	[dreg:$0x1] =	wrdreg $0xFFFFFFFF  }
0xc3: {  	_ =	task.clear_ibuf [dreg:s8], $0x2FFFF;
	_ =	strace $0x9FFFFFFF  }
0xc4: {  	(tm) =	ssettm $0x7FFFFFFF  }
0xc5: {  	_ =	shalt  }
tec
execute0_lowered:
.L_overlay_start_1:
0x0: {  	(tag) =	ssettag $0x1  }
0x1: {  	v0 =	vimm.s32 $0x64432201;
	v1 =	vimm.s32 $0x65442302;
	v2 =	vimm.s32 $0xE8C7A685  }
0x2: {  	v3 =	vimm.s32 $0x66452403;
	vm0 =	vcmask $0xF00;
	v60 =	vimm.s32 $0xE9C8A786  }
0x3: {  	v5 =	vimm.s32 $0xEAC9A887;
	v6 =	vimm.s32 $0x67462504;
	v7 =	vimm.s32 $0x68472605  }
0x4: {  	v8 =	vimm.s32 $0x69482706;
	v9 =	vimm.s32 $0x6A492807;
	v10 =	vimm.s32 $0x6B4A2908  }
0x5: {  	v11 =	vimm.s32 $0x6C4B2A09;
	v12 =	vimm.s32 $0x6D4C2B0A;
	v13 =	vimm.s32 $0x6E4D2C0B  }
0x6: {  	v14 =	vimm.s32 $0x6F4E2D0C;
	v15 =	vimm.s32 $0x604F2E0D;
	v16 =	vimm.s32 $0x61402F0E  }
0x7: {  	v17 =	vimm.s32 $0x6241200F;
	vm12 =	vcmask $0x1F10;
	v61 =	vimm.s32 $0xEBCAA988  }
0x8: {  	v20 =	vimm.s32 $0xEDCCAB8A;
	vm13 =	vcmask $0x300;
	v40 =	vimm.s32 $0x1F80  }
0x9: {  	v23 =	vimm.s32 $0x380;
	v24 =	vimm.s32 $0x1C00;
	v25 =	vimm.s32 $0x1C80  }
0xa: {  	v26 =	vimm.s32 $0x1D00;
	v27 =	vimm.s32 $0x1D80;
	v28 =	vimm.s32 $0x1E00  }
0xb: {  	v29 =	vimm.s32 $0x1E80;
	v30 =	vimm.s32 $0x1F00;
	v31 =	vimm.s32 $0x5780  }
0xc: {  	v32 =	vimm.s32 $0x3800;
	v33 =	vimm.s32 $0x3880;
	v34 =	vimm.s32 $0x3900  }
0xd: {  	v35 =	vimm.s32 $0x3980;
	v41 =	vimm.s32 $0x5480;
	v42 =	vimm.s32 $0x5500  }
0xe: {  	v43 =	vimm.s32 $0x5580;
	v44 =	vimm.s32 $0x5600;
	v45 =	vimm.s32 $0x5680  }
0xf: {  	v46 =	vimm.s32 $0x5700;
	vm14 =	vcmask $0x704;
	vm15 =	vcmask $0xB08  }
0x10: {  	vm4 =	vcmask $0xF0C;
	vm5 =	vcmask $0x1310;
	vm6 =	vcmask $0x1714  }
0x11: {  	vm7 =	vcmask $0x1B18;
	vm8 =	vcmask $0x1F1C;
	vm9 =	vcmask $0x2320  }
0x12: {  	vm10 =	vcmask $0x2724;
	vm11 =	vcmask $0x2B28;
	v0 =	vunpack.c.0.s8.s32 v0  }
0x13: {  	v1 =	vunpack.c.0.s8.s32 v1;
	v2 =	vunpack.c.0.s8.s32 v2;
	v3 =	vunpack.c.0.s8.s32 v3  }
0x14: {  	v6 =	vunpack.c.0.s8.s32 v6;
	v7 =	vunpack.c.0.s8.s32 v7;
	v8 =	vunpack.c.0.s8.s32 v8  }
0x15: {  	v5 =	vunpack.c.0.s8.s32 v5;
	v9 =	vunpack.c.0.s8.s32 v9;
	v10 =	vunpack.c.0.s8.s32 v10  }
0x16: {  	v11 =	vunpack.c.0.s8.s32 v11;
	v12 =	vunpack.c.0.s8.s32 v12;
	v13 =	vunpack.c.0.s8.s32 v13  }
0x17: {  	v14 =	vunpack.c.0.s8.s32 v14;
	v15 =	vunpack.c.0.s8.s32 v15;
	v16 =	vunpack.c.0.s8.s32 v16  }
0x18: {  	v17 =	vunpack.c.0.s8.s32 v17;
	v21 =	vunpack.c.0.s8.s32 v61;
	v20 =	vunpack.c.0.s8.s32 v20  }
0x19: {  	v23 =	vsel vm13, $0x1C00, v23;
	v24 =	vsel vm13, $0x1C80, v24;
	v25 =	vsel vm13, $0x1D00, v25  }
0x1a: {  	v26 =	vsel vm13, $0x1D80, v26;
	v27 =	vsel vm13, $0x1E00, v27;
	v28 =	vsel vm13, $0x1E80, v28  }
0x1b: {  	v29 =	vsel vm13, $0x1F00, v29;
	v30 =	vsel vm13, $0x1F80, v30;
	v31 =	vsel vm13, $0x3800, v31  }
0x1c: {  	v32 =	vsel vm13, $0x3880, v32;
	v33 =	vsel vm13, $0x3900, v33;
	v34 =	vsel vm13, $0x3980, v34  }
0x1d: {  	v35 =	vsel vm13, $0x3A00, v35;
	v41 =	vsel vm13, $0x5500, v41;
	v42 =	vsel vm13, $0x5580, v42  }
0x1e: {  	v43 =	vsel vm13, $0x5600, v43;
	v44 =	vsel vm13, $0x5680, v44;
	v45 =	vsel vm13, $0x5700, v45  }
0x1f: {  	v46 =	vsel vm13, $0x5780, v46;
	v23 =	vsel vm14, $0x1C80, v23;
	v24 =	vsel vm14, $0x1D00, v24  }
0x20: {  	v25 =	vsel vm14, $0x1D80, v25;
	v26 =	vsel vm14, $0x1E00, v26;
	v27 =	vsel vm14, $0x1E80, v27  }
0x21: {  	v28 =	vsel vm14, $0x1F00, v28;
	v29 =	vsel vm14, $0x1F80, v29;
	v30 =	vsel vm14, $0x0, v30  }
0x22: {  	v31 =	vsel vm14, $0x3880, v31;
	v32 =	vsel vm14, $0x3900, v32;
	v33 =	vsel vm14, $0x3980, v33  }
0x23: {  	v34 =	vsel vm14, $0x3A00, v34;
	v35 =	vsel vm14, $0x3A80, v35;
	v41 =	vsel vm14, $0x5580, v41  }
0x24: {  	v42 =	vsel vm14, $0x5600, v42;
	v43 =	vsel vm14, $0x5680, v43;
	v44 =	vsel vm14, $0x5700, v44  }
0x25: {  	v45 =	vsel vm14, $0x5780, v45;
	v46 =	vsel vm14, $0x3800, v46;
	v0 =	vand.u32 $0xFF, v0  }
0x26: {  	v1 =	vand.u32 $0xFF, v1;
	v2 =	vand.u32 $0xFF, v2;
	v3 =	vand.u32 $0xFF, v3  }
0x27: {  	v6 =	vand.u32 $0xFF, v6;
	v7 =	vand.u32 $0xFF, v7;
	v8 =	vand.u32 $0xFF, v8  }
0x28: {  	v9 =	vand.u32 $0xFF, v9;
	v10 =	vand.u32 $0xFF, v10;
	v11 =	vand.u32 $0xFF, v11  }
0x29: {  	v12 =	vand.u32 $0xFF, v12;
	v13 =	vand.u32 $0xFF, v13;
	v14 =	vand.u32 $0xFF, v14  }
0x2a: {  	v5 =	vand.u32 $0xFF, v5;
	v36 =	vand.u32 $0xFF, v21;
	v23 =	vsel vm15, $0x1D00, v23  }
0x2b: {  	v24 =	vsel vm15, $0x1D80, v24;
	v25 =	vsel vm15, $0x1E00, v25;
	v26 =	vsel vm15, $0x1E80, v26  }
0x2c: {  	v27 =	vsel vm15, $0x1F00, v27;
	v28 =	vsel vm15, $0x1F80, v28;
	v29 =	vsel vm15, $0x0, v29  }
0x2d: {  	v30 =	vsel vm15, $0x80, v30;
	v31 =	vsel vm15, $0x3900, v31;
	v32 =	vsel vm15, $0x3980, v32  }
0x2e: {  	v33 =	vsel vm15, $0x3A00, v33;
	v34 =	vsel vm15, $0x3A80, v34;
	v35 =	vsel vm15, $0x3B00, v35  }
0x2f: {  	v41 =	vsel vm15, $0x5600, v41;
	v42 =	vsel vm15, $0x5680, v42;
	v43 =	vsel vm15, $0x5700, v43  }
0x30: {  	v44 =	vsel vm15, $0x5780, v44;
	v45 =	vsel vm15, $0x3800, v45;
	v46 =	vsel vm15, $0x3880, v46  }
0x31: {  	v0 =	vnsel vm0, $0x1E0, v0;
	v4 =	vnsel vm0, $0x1E1, v1;
	v1 =	vunpack.c.0.s8.s32 v60  }
0x32: {  	v3 =	vnsel vm0, $0x1E2, v3;
	v6 =	vnsel vm0, $0x1E3, v6;
	v7 =	vnsel vm0, $0x1E4, v7  }
0x33: {  	v8 =	vnsel vm0, $0x1E5, v8;
	v9 =	vnsel vm0, $0x1E6, v9;
	v10 =	vnsel vm0, $0x1E7, v10  }
0x34: {  	v11 =	vnsel vm0, $0x1E8, v11;
	v12 =	vnsel vm0, $0x1E9, v12;
	v13 =	vnsel vm0, $0x1EA, v13  }
0x35: {  	v18 =	vnsel vm0, $0x1EB, v14;
	v14 =	vand.u32 $0xFF, v15;
	v15 =	vand.u32 $0xFF, v16  }
0x36: {  	v16 =	vand.u32 $0xFF, v17;
	v23 =	vsel vm4, $0x1D80, v23;
	v24 =	vsel vm4, $0x1E00, v24  }
0x37: {  	v25 =	vsel vm4, $0x1E80, v25;
	v26 =	vsel vm4, $0x1F00, v26;
	v27 =	vsel vm4, $0x1F80, v27  }
0x38: {  	v28 =	vsel vm4, $0x0, v28;
	v29 =	vsel vm4, $0x80, v29;
	v30 =	vsel vm4, $0x100, v30  }
0x39: {  	v31 =	vsel vm4, $0x3980, v31;
	v32 =	vsel vm4, $0x3A00, v32;
	v33 =	vsel vm4, $0x3A80, v33  }
0x3a: {  	v34 =	vsel vm4, $0x3B00, v34;
	v35 =	vsel vm4, $0x3B80, v35;
	v41 =	vsel vm4, $0x5680, v41  }
0x3b: {  	v42 =	vsel vm4, $0x5700, v42;
	v43 =	vsel vm4, $0x5780, v43;
	v44 =	vsel vm4, $0x3800, v44  }
0x3c: {  	v45 =	vsel vm4, $0x3880, v45;
	v46 =	vsel vm4, $0x3900, v46;
	v60 =	vlaneseq.u32  }
0x3d: {  	v17 =	vnsel vm0, $0x1EC, v14;
	v19 =	vnsel vm0, $0x1ED, v15;
	v16 =	vnsel vm0, $0x1EE, v16  }
0x3e: {  	v15 =	vimm.s32 $0xECCBAA89;
	v62 =	vsel vm12, v2, v0;
	v3 =	vsel vm12, v5, v3  }
0x3f: {  	v0 =	vsel vm13, $0x0, v40;
	v40 =	vimm.s32 $0x5400;
	v23 =	vsel vm5, $0x1E00, v23  }
0x40: {  	v24 =	vsel vm5, $0x1E80, v24;
	v25 =	vsel vm5, $0x1F00, v25;
	v26 =	vsel vm5, $0x1F80, v26  }
0x41: {  	v27 =	vsel vm5, $0x0, v27;
	v28 =	vsel vm5, $0x80, v28;
	v29 =	vsel vm5, $0x100, v29  }
0x42: {  	v30 =	vsel vm5, $0x180, v30;
	v31 =	vsel vm5, $0x3A00, v31;
	v32 =	vsel vm5, $0x3A80, v32  }
0x43: {  	v33 =	vsel vm5, $0x3B00, v33;
	v34 =	vsel vm5, $0x3B80, v34;
	v35 =	vsel vm5, $0x5400, v35  }
0x44: {  	v41 =	vsel vm5, $0x5700, v41;
	v42 =	vsel vm5, $0x5780, v42;
	v43 =	vsel vm5, $0x3800, v43  }
0x45: {  	v44 =	vsel vm5, $0x3880, v44;
	v45 =	vsel vm5, $0x3900, v45;
	v46 =	vsel vm5, $0x3980, v46  }
0x46: {  	v14 =	vand.u32 $0xFF, v1;
	v15 =	vunpack.c.0.s8.s32 v15;
	v40 =	vsel vm13, $0x5480, v40  }
0x47: {  	v0 =	vsel vm14, $0x80, v0;
	v23 =	vsel vm6, $0x1E80, v23;
	v24 =	vsel vm6, $0x1F00, v24  }
0x48: {  	v25 =	vsel vm6, $0x1F80, v25;
	v26 =	vsel vm6, $0x0, v26;
	v27 =	vsel vm6, $0x80, v27  }
0x49: {  	v28 =	vsel vm6, $0x100, v28;
	v29 =	vsel vm6, $0x180, v29;
	v30 =	vsel vm6, $0x200, v30  }
0x4a: {  	v31 =	vsel vm6, $0x3A80, v31;
	v32 =	vsel vm6, $0x3B00, v32;
	v33 =	vsel vm6, $0x3B80, v33  }
0x4b: {  	v34 =	vsel vm6, $0x5400, v34;
	v35 =	vsel vm6, $0x5480, v35;
	v41 =	vsel vm6, $0x5780, v41  }
0x4c: {  	v42 =	vsel vm6, $0x3800, v42;
	v43 =	vsel vm6, $0x3880, v43;
	v44 =	vsel vm6, $0x3900, v44  }
0x4d: {  	v45 =	vsel vm6, $0x3980, v45;
	v46 =	vsel vm6, $0x3A00, v46;
	v1 =	vsel vm9, $0x109, v62  }
0x4e: {  	v3 =	vsel vm9, $0x10B, v3;
	v63 =	vsel vm12, v14, v4;
	v14 =	vand.u32 $0xFF, v20  }
0x4f: {  	v4 =	vimm.s32 $0xEECDAC8B;
	v20 =	vimm.s32 $0xE0CFAE8D;
	v40 =	vsel vm14, $0x5500, v40  }
0x50: {  	v0 =	vsel vm15, $0x100, v0;
	v23 =	vsel vm7, $0x1F00, v23;
	v24 =	vsel vm7, $0x1F80, v24  }
0x51: {  	v25 =	vsel vm7, $0x0, v25;
	v26 =	vsel vm7, $0x80, v26;
	v27 =	vsel vm7, $0x100, v27  }
0x52: {  	v28 =	vsel vm7, $0x180, v28;
	v29 =	vsel vm7, $0x200, v29;
	v30 =	vsel vm7, $0x280, v30  }
0x53: {  	v31 =	vsel vm7, $0x3B00, v31;
	v32 =	vsel vm7, $0x3B80, v32;
	v33 =	vsel vm7, $0x5400, v33  }
0x54: {  	v34 =	vsel vm7, $0x5480, v34;
	v35 =	vsel vm7, $0x5500, v35;
	v41 =	vsel vm7, $0x3800, v41  }
0x55: {  	v42 =	vsel vm7, $0x3880, v42;
	v43 =	vsel vm7, $0x3900, v43;
	v44 =	vsel vm7, $0x3980, v44  }
0x56: {  	v45 =	vsel vm7, $0x3A00, v45;
	v46 =	vsel vm7, $0x3A80, v46;
	v1 =	vsel vm10, $0x12A, v1  }
0x57: {  	v3 =	vsel vm10, $0x12C, v3;
	v5 =	vand.u32 $0xFF, v15;
	v15 =	vimm.s32 $0xEFCEAD8C  }
0x58: {  	v21 =	vunpack.c.0.s8.s32 v4;
	v20 =	vunpack.c.0.s8.s32 v20;
	v4 =	vsel vm12, v36, v6  }
0x59: {  	v6 =	vsel vm12, v14, v8;
	v14 =	vimm.s32 $0xE1C0AF8E;
	v36 =	vimm.s32 $0x3A00  }
0x5a: {  	v40 =	vsel vm15, $0x5580, v40;
	v0 =	vsel vm4, $0x180, v0;
	v23 =	vsel vm8, $0x1F80, v23  }
0x5b: {  	v24 =	vsel vm8, $0x0, v24;
	v25 =	vsel vm8, $0x80, v25;
	v26 =	vsel vm8, $0x100, v26  }
0x5c: {  	v27 =	vsel vm8, $0x180, v27;
	v28 =	vsel vm8, $0x200, v28;
	v29 =	vsel vm8, $0x280, v29  }
0x5d: {  	v30 =	vsel vm8, $0x300, v30;
	v31 =	vsel vm8, $0x3B80, v31;
	v32 =	vsel vm8, $0x5400, v32  }
0x5e: {  	v33 =	vsel vm8, $0x5480, v33;
	v34 =	vsel vm8, $0x5500, v34;
	v35 =	vsel vm8, $0x5580, v35  }
0x5f: {  	v41 =	vsel vm8, $0x3880, v41;
	v42 =	vsel vm8, $0x3900, v42;
	v43 =	vsel vm8, $0x3980, v43  }
0x60: {  	v44 =	vsel vm8, $0x3A00, v44;
	v45 =	vsel vm8, $0x3A80, v45;
	v46 =	vsel vm8, $0x3B00, v46  }
0x61: {  	v2 =	vsel vm9, $0x10A, v63;
	v1 =	vsel vm11, $0x14B, v1;
	v3 =	vsel vm11, $0x14D, v3  }
0x62: {  	v15 =	vunpack.c.0.s8.s32 v15;
	v5 =	vsel vm12, v5, v7;
	v14 =	vunpack.c.0.s8.s32 v14  }
0x63: {  	v36 =	vsel vm13, $0x3A80, v36;
	v40 =	vsel vm4, $0x5600, v40;
	v0 =	vsel vm5, $0x200, v0  }
0x64: {  	v4 =	vsel vm9, $0x10C, v4;
	v6 =	vsel vm9, $0x10E, v6;
	v23 =	vsel vm9, $0x0, v23  }
0x65: {  	v24 =	vsel vm9, $0x80, v24;
	v25 =	vsel vm9, $0x100, v25;
	v26 =	vsel vm9, $0x180, v26  }
0x66: {  	v27 =	vsel vm9, $0x200, v27;
	v28 =	vsel vm9, $0x280, v28;
	v29 =	vsel vm9, $0x300, v29  }
0x67: {  	v30 =	vsel vm9, $0x380, v30;
	v31 =	vsel vm9, $0x5400, v31;
	v32 =	vsel vm9, $0x5480, v32  }
0x68: {  	v33 =	vsel vm9, $0x5500, v33;
	v34 =	vsel vm9, $0x5580, v34;
	v35 =	vsel vm9, $0x5600, v35  }
0x69: {  	v41 =	vsel vm9, $0x3900, v41;
	v42 =	vsel vm9, $0x3980, v42;
	v43 =	vsel vm9, $0x3A00, v43  }
0x6a: {  	v44 =	vsel vm9, $0x3A80, v44;
	v45 =	vsel vm9, $0x3B00, v45;
	v46 =	vsel vm9, $0x3B80, v46  }
0x6b: {  	v2 =	vsel vm10, $0x12B, v2;
	v37 =	vand.u32 $0xFF, v21;
	v8 =	vand.u32 $0xFF, v20  }
0x6c: {  	v20 =	vimm.s32 $0xE3C2A180;
	v36 =	vsel vm14, $0x3B00, v36;
	v40 =	vsel vm5, $0x5680, v40  }
0x6d: {  	v0 =	vsel vm6, $0x280, v0;
	v5 =	vsel vm9, $0x10D, v5;
	v4 =	vsel vm10, $0x12D, v4  }
0x6e: {  	v6 =	vsel vm10, $0x12F, v6;
	v23 =	vsel vm10, $0x80, v23;
	v24 =	vsel vm10, $0x100, v24  }
0x6f: {  	v25 =	vsel vm10, $0x180, v25;
	v26 =	vsel vm10, $0x200, v26;
	v27 =	vsel vm10, $0x280, v27  }
0x70: {  	v28 =	vsel vm10, $0x300, v28;
	v29 =	vsel vm10, $0x380, v29;
	v30 =	vsel vm10, $0x1C00, v30  }
0x71: {  	v31 =	vsel vm10, $0x5480, v31;
	v32 =	vsel vm10, $0x5500, v32;
	v33 =	vsel vm10, $0x5580, v33  }
0x72: {  	v34 =	vsel vm10, $0x5600, v34;
	v35 =	vsel vm10, $0x5680, v35;
	v41 =	vsel vm10, $0x3980, v41  }
0x73: {  	v42 =	vsel vm10, $0x3A00, v42;
	v43 =	vsel vm10, $0x3A80, v43;
	v44 =	vsel vm10, $0x3B00, v44  }
0x74: {  	v45 =	vsel vm10, $0x3B80, v45;
	v46 =	vsel vm10, $0x5400, v46;
	v2 =	vsel vm11, $0x14C, v2  }
0x75: {  	v7 =	vand.u32 $0xFF, v15;
	v15 =	vimm.s32 $0xE2C1A08F;
	v20 =	vunpack.c.0.s8.s32 v20  }
0x76: {  	v9 =	vsel vm12, v37, v9;
	v8 =	vsel vm12, v8, v11;
	v38 =	vand.u32 $0xFF, v14  }
0x77: {  	v14 =	vimm.s32 $0xE4C3A281;
	v37 =	vimm.s32 $0x3A80;
	v36 =	vsel vm15, $0x3B80, v36  }
0x78: {  	v40 =	vsel vm6, $0x5700, v40;
	v0 =	vsel vm7, $0x300, v0;
	v5 =	vsel vm10, $0x12E, v5  }
0x79: {  	v4 =	vsel vm11, $0x14E, v4;
	v6 =	vsel vm11, $0x140, v6;
	v23 =	vsel vm11, $0x100, v23  }
0x7a: {  	v24 =	vsel vm11, $0x180, v24;
	v25 =	vsel vm11, $0x200, v25;
	v26 =	vsel vm11, $0x280, v26  }
0x7b: {  	v27 =	vsel vm11, $0x300, v27;
	v28 =	vsel vm11, $0x380, v28;
	v29 =	vsel vm11, $0x1C00, v29  }
0x7c: {  	v30 =	vsel vm11, $0x1C80, v30;
	v31 =	vsel vm11, $0x5500, v31;
	v32 =	vsel vm11, $0x5580, v32  }
0x7d: {  	v33 =	vsel vm11, $0x5600, v33;
	v34 =	vsel vm11, $0x5680, v34;
	v35 =	vsel vm11, $0x5700, v35  }
0x7e: {  	v41 =	vsel vm11, $0x3A00, v41;
	v42 =	vsel vm11, $0x3A80, v42;
	v43 =	vsel vm11, $0x3B00, v43  }
0x7f: {  	v44 =	vsel vm11, $0x3B80, v44;
	v45 =	vsel vm11, $0x5400, v45;
	v46 =	vsel vm11, $0x5480, v46  }
0x80: {  	v15 =	vunpack.c.0.s8.s32 v15;
	v7 =	vsel vm12, v7, v10;
	v21 =	vunpack.c.0.s8.s32 v14  }
0x81: {  	v14 =	vsel vm12, v38, v12;
	v37 =	vsel vm13, $0x3B00, v37;
	v38 =	vimm.s32 $0x3B00  }
0x82: {  	v36 =	vsel vm4, $0x5400, v36;
	v40 =	vsel vm7, $0x5780, v40;
	v0 =	vsel vm8, $0x380, v0  }
0x83: {  	v9 =	vsel vm9, $0x10F, v9;
	v8 =	vsel vm9, $0x101, v8;
	v5 =	vsel vm11, $0x14F, v5  }
0x84: {  	v11 =	vand.u32 $0xFF, v20;
	v20 =	vimm.s32 $0xE6C5A483;
	v38 =	vsel vm13, $0x3B80, v38  }
0x85: {  	v37 =	vsel vm14, $0x3B80, v37;
	v36 =	vsel vm5, $0x5480, v36;
	v40 =	vsel vm8, $0x3800, v40  }
0x86: {  	v0 =	vsel vm9, $0x1C00, v0;
	v7 =	vsel vm9, $0x100, v7;
	v14 =	vsel vm9, $0x102, v14  }
0x87: {  	v9 =	vsel vm10, $0x120, v9;
	v8 =	vsel vm10, $0x122, v8;
	v10 =	vand.u32 $0xFF, v15  }
0x88: {  	v15 =	vimm.s32 $0xE5C4A382;
	v20 =	vunpack.c.0.s8.s32 v20;
	v39 =	vand.u32 $0xFF, v21  }
0x89: {  	v21 =	vimm.s32 $0x280;
	v38 =	vsel vm14, $0x5400, v38;
	v37 =	vsel vm15, $0x5400, v37  }
0x8a: {  	v36 =	vsel vm6, $0x5500, v36;
	v40 =	vsel vm9, $0x3880, v40;
	v0 =	vsel vm10, $0x1C80, v0  }
0x8b: {  	v7 =	vsel vm10, $0x121, v7;
	v14 =	vsel vm10, $0x123, v14;
	v9 =	vsel vm11, $0x141, v9  }
0x8c: {  	v8 =	vsel vm11, $0x143, v8;
	v22 =	vunpack.c.0.s8.s32 v15;
	v15 =	vsel vm12, v10, v13  }
0x8d: {  	v10 =	vsel vm12, v11, v18;
	v11 =	vsel vm12, v39, v17;
	v17 =	vimm.s32 $0x80  }
0x8e: {  	v18 =	vimm.s32 $0x100;
	v21 =	vsel vm13, $0x300, v21;
	v39 =	vimm.s32 $0x3B80  }
0x8f: {  	v38 =	vsel vm15, $0x5480, v38;
	v37 =	vsel vm4, $0x5480, v37;
	v36 =	vsel vm7, $0x5580, v36  }
0x90: {  	v40 =	vsel vm10, $0x3900, v40;
	v0 =	vsel vm11, $0x1D00, v0;
	v7 =	vsel vm11, $0x142, v7  }
0x91: {  	v14 =	vsel vm11, $0x144, v14;
	v13 =	vand.u32 $0xFF, v20;
	v17 =	vsel vm13, $0x100, v17  }
0x92: {  	v18 =	vsel vm13, $0x180, v18;
	v20 =	vimm.s32 $0x200;
	v39 =	vsel vm13, $0x5400, v39  }
0x93: {  	v21 =	vsel vm14, $0x380, v21;
	v38 =	vsel vm4, $0x5500, v38;
	v37 =	vsel vm5, $0x5500, v37  }
0x94: {  	v36 =	vsel vm8, $0x5600, v36;
	v15 =	vsel vm9, $0x103, v15;
	v10 =	vsel vm9, $0x104, v10  }
0x95: {  	v11 =	vsel vm9, $0x105, v11;
	v40 =	vsel vm11, $0x3980, v40;
	v12 =	vand.u32 $0xFF, v22  }
0x96: {  	v13 =	vsel vm12, v13, v16;
	v16 =	vimm.s32 $0x0;
	v20 =	vsel vm13, $0x280, v20  }
0x97: {  	v22 =	vimm.s32 $0x300;
	v17 =	vsel vm14, $0x180, v17;
	v18 =	vsel vm14, $0x200, v18  }
0x98: {  	v39 =	vsel vm14, $0x5480, v39;
	v21 =	vsel vm15, $0x1C00, v21;
	v38 =	vsel vm5, $0x5580, v38  }
0x99: {  	v37 =	vsel vm6, $0x5580, v37;
	v36 =	vsel vm9, $0x5680, v36;
	v15 =	vsel vm10, $0x124, v15  }
0x9a: {  	v10 =	vsel vm10, $0x125, v10;
	v11 =	vsel vm10, $0x126, v11;
	v12 =	vsel vm12, v12, v19  }
0x9b: {  	v16 =	vsel vm13, $0x80, v16;
	v19 =	vimm.s32 $0x180;
	v22 =	vsel vm13, $0x380, v22  }
0x9c: {  	v20 =	vsel vm14, $0x300, v20;
	v17 =	vsel vm15, $0x200, v17;
	v18 =	vsel vm15, $0x280, v18  }
0x9d: {  	v39 =	vsel vm15, $0x5500, v39;
	v21 =	vsel vm4, $0x1C80, v21;
	v38 =	vsel vm6, $0x5600, v38  }
0x9e: {  	v37 =	vsel vm7, $0x5600, v37;
	v13 =	vsel vm9, $0x107, v13;
	v36 =	vsel vm10, $0x5700, v36  }
0x9f: {  	v15 =	vsel vm11, $0x145, v15;
	v10 =	vsel vm11, $0x146, v10;
	v11 =	vsel vm11, $0x147, v11  }
0xa0: {  	vm12 =	vcmask $0x2F2C;
	v19 =	vsel vm13, $0x200, v19;
	v16 =	vsel vm14, $0x100, v16  }
0xa1: {  	v22 =	vsel vm14, $0x1C00, v22;
	v20 =	vsel vm15, $0x380, v20;
	v17 =	vsel vm4, $0x280, v17  }
0xa2: {  	v18 =	vsel vm4, $0x300, v18;
	v39 =	vsel vm4, $0x5580, v39;
	v21 =	vsel vm5, $0x1D00, v21  }
0xa3: {  	v38 =	vsel vm7, $0x5680, v38;
	v37 =	vsel vm8, $0x5680, v37;
	v12 =	vsel vm9, $0x106, v12  }
0xa4: {  	v13 =	vsel vm10, $0x128, v13;
	v36 =	vsel vm11, $0x5780, v36;
	v0 =	vsel vm12, $0x1D80, v0  }
0xa5: {  	v1 =	vsel vm12, $0x16C, v1;
	v2 =	vsel vm12, $0x16D, v2;
	v3 =	vsel vm12, $0x16E, v3  }
0xa6: {  	v4 =	vsel vm12, $0x16F, v4;
	v5 =	vsel vm12, $0x160, v5;
	v6 =	vsel vm12, $0x161, v6  }
0xa7: {  	v9 =	vsel vm12, $0x162, v9;
	v23 =	vsel vm12, $0x180, v23;
	v24 =	vsel vm12, $0x200, v24  }
0xa8: {  	v25 =	vsel vm12, $0x280, v25;
	v26 =	vsel vm12, $0x300, v26;
	v7 =	vsel vm12, $0x163, v7  }
0xa9: {  	v8 =	vsel vm12, $0x164, v8;
	v14 =	vsel vm12, $0x165, v14;
	v15 =	vsel vm12, $0x166, v15  }
0xaa: {  	v27 =	vsel vm12, $0x380, v27;
	v28 =	vsel vm12, $0x1C00, v28;
	v29 =	vsel vm12, $0x1C80, v29  }
0xab: {  	v30 =	vsel vm12, $0x1D00, v30;
	v10 =	vsel vm12, $0x167, v10;
	v11 =	vsel vm12, $0x168, v11  }
0xac: {  	v31 =	vsel vm12, $0x5580, v31;
	v32 =	vsel vm12, $0x5600, v32;
	v33 =	vsel vm12, $0x5680, v33  }
0xad: {  	v34 =	vsel vm12, $0x5700, v34;
	v35 =	vsel vm12, $0x5780, v35;
	v40 =	vsel vm12, $0x3A00, v40  }
0xae: {  	v41 =	vsel vm12, $0x3A80, v41;
	v42 =	vsel vm12, $0x3B00, v42;
	v43 =	vsel vm12, $0x3B80, v43  }
0xaf: {  	v44 =	vsel vm12, $0x5400, v44;
	v45 =	vsel vm12, $0x5480, v45;
	v46 =	vsel vm12, $0x5500, v46  }
0xb0: {  	vm13 =	vcmask $0x3330;
	v19 =	vsel vm14, $0x280, v19;
	v16 =	vsel vm15, $0x180, v16  }
0xb1: {  	v22 =	vsel vm15, $0x1C80, v22;
	v20 =	vsel vm4, $0x1C00, v20;
	v17 =	vsel vm5, $0x300, v17  }
0xb2: {  	v18 =	vsel vm5, $0x380, v18;
	v39 =	vsel vm5, $0x5600, v39;
	v21 =	vsel vm6, $0x1D80, v21  }
0xb3: {  	v38 =	vsel vm8, $0x5700, v38;
	v37 =	vsel vm9, $0x5700, v37;
	v12 =	vsel vm10, $0x127, v12  }
0xb4: {  	v13 =	vsel vm11, $0x149, v13;
	v36 =	vsel vm12, $0x3800, v36;
	v0 =	vsel vm13, $0x1E00, v0  }
0xb5: {  	v1 =	vsel vm13, $0x18D, v1;
	v2 =	vsel vm13, $0x18E, v2;
	v3 =	vsel vm13, $0x18F, v3  }
0xb6: {  	v4 =	vsel vm13, $0x180, v4;
	v5 =	vsel vm13, $0x181, v5;
	v6 =	vsel vm13, $0x182, v6  }
0xb7: {  	v9 =	vsel vm13, $0x183, v9;
	v23 =	vsel vm13, $0x200, v23;
	v24 =	vsel vm13, $0x280, v24  }
0xb8: {  	v25 =	vsel vm13, $0x300, v25;
	v26 =	vsel vm13, $0x380, v26;
	v7 =	vsel vm13, $0x184, v7  }
0xb9: {  	v8 =	vsel vm13, $0x185, v8;
	v14 =	vsel vm13, $0x186, v14;
	v15 =	vsel vm13, $0x187, v15  }
0xba: {  	v27 =	vsel vm13, $0x1C00, v27;
	v28 =	vsel vm13, $0x1C80, v28;
	v29 =	vsel vm13, $0x1D00, v29  }
0xbb: {  	v30 =	vsel vm13, $0x1D80, v30;
	v10 =	vsel vm13, $0x188, v10;
	v11 =	vsel vm13, $0x189, v11  }
0xbc: {  	v31 =	vsel vm13, $0x5600, v31;
	v32 =	vsel vm13, $0x5680, v32;
	v33 =	vsel vm13, $0x5700, v33  }
0xbd: {  	v34 =	vsel vm13, $0x5780, v34;
	v35 =	vsel vm13, $0x3800, v35;
	v40 =	vsel vm13, $0x3A80, v40  }
0xbe: {  	v41 =	vsel vm13, $0x3B00, v41;
	v42 =	vsel vm13, $0x3B80, v42;
	v43 =	vsel vm13, $0x5400, v43  }
0xbf: {  	v44 =	vsel vm13, $0x5480, v44;
	v45 =	vsel vm13, $0x5500, v45;
	v46 =	vsel vm13, $0x5580, v46  }
0xc0: {  	vm14 =	vcmask $0x3734;
	v19 =	vsel vm15, $0x300, v19;
	v16 =	vsel vm4, $0x200, v16  }
0xc1: {  	v22 =	vsel vm4, $0x1D00, v22;
	v20 =	vsel vm5, $0x1C80, v20;
	v17 =	vsel vm6, $0x380, v17  }
0xc2: {  	v18 =	vsel vm6, $0x1C00, v18;
	v39 =	vsel vm6, $0x5680, v39;
	v21 =	vsel vm7, $0x1E00, v21  }
0xc3: {  	v38 =	vsel vm9, $0x5780, v38;
	v37 =	vsel vm10, $0x5780, v37;
	v12 =	vsel vm11, $0x148, v12  }
0xc4: {  	v13 =	vsel vm12, $0x16A, v13;
	v36 =	vsel vm13, $0x3880, v36;
	v0 =	vsel vm14, $0x1E80, v0  }
0xc5: {  	v1 =	vsel vm14, $0x1AE, v1;
	v2 =	vsel vm14, $0x1AF, v2;
	v3 =	vsel vm14, $0x1A0, v3  }
0xc6: {  	v4 =	vsel vm14, $0x1A1, v4;
	v47 =	vsel vm14, $0x1A2, v5;
	v48 =	vsel vm14, $0x1A3, v6  }
0xc7: {  	v23 =	vsel vm14, $0x280, v23;
	v24 =	vsel vm14, $0x300, v24;
	v25 =	vsel vm14, $0x380, v25  }
0xc8: {  	v50 =	vsel vm14, $0x1C00, v26;
	v49 =	vsel vm14, $0x1A5, v7;
	v52 =	vsel vm14, $0x1A7, v14  }
0xc9: {  	v51 =	vsel vm14, $0x1A8, v15;
	v15 =	vsel vm14, $0x1C80, v27;
	v28 =	vsel vm14, $0x1D00, v28  }
0xca: {  	v29 =	vsel vm14, $0x1D80, v29;
	v30 =	vsel vm14, $0x1E00, v30;
	v54 =	vsel vm14, $0x1AA, v11  }
0xcb: {  	v56 =	vsel vm14, $0x5700, v32;
	v26 =	vsel vm14, $0x5780, v33;
	v58 =	vsel vm14, $0x3800, v34  }
0xcc: {  	v33 =	vsel vm14, $0x3880, v35;
	v5 =	vsel vm14, $0x3B00, v40;
	v40 =	vsel vm14, $0x5400, v42  }
0xcd: {  	v42 =	vsel vm14, $0x5480, v43;
	v43 =	vsel vm14, $0x5500, v44;
	v35 =	vsel vm14, $0x5580, v45  }
0xce: {  	vm15 =	vcmask $0x3B38;
	v19 =	vsel vm4, $0x380, v19;
	v16 =	vsel vm5, $0x280, v16  }
0xcf: {  	v22 =	vsel vm5, $0x1D80, v22;
	v20 =	vsel vm6, $0x1D00, v20;
	v17 =	vsel vm7, $0x1C00, v17  }
0xd0: {  	v18 =	vsel vm7, $0x1C80, v18;
	v39 =	vsel vm7, $0x5700, v39;
	v21 =	vsel vm8, $0x1E80, v21  }
0xd1: {  	v38 =	vsel vm10, $0x3800, v38;
	v37 =	vsel vm11, $0x3800, v37;
	v12 =	vsel vm12, $0x169, v12  }
0xd2: {  	v13 =	vsel vm13, $0x18B, v13;
	v32 =	vsel vm14, $0x3900, v36;
	[tilespmem:$0x1FE70] =	vst v5;
	v5 =	vsel vm14, $0x3B80, v41  }
0xd3: {  	v0 =	vsel vm15, $0x1F00, v0;
	v45 =	vsel vm15, $0x1CF, v1;
	v6 =	vsel vm15, $0x1C1, v3  }
0xd4: {  	v63 =	vsel vm15, $0x300, v23;
	v59 =	vsel vm15, $0x380, v24;
	v23 =	vsel vm15, $0x1C9, v51  }
0xd5: {  	v36 =	vsel vm15, $0x1D00, v15;
	v15 =	vsel vm15, $0x1D80, v28;
	v24 =	vsel vm15, $0x5500, v42  }
0xd6: {  	v19 =	vsel vm5, $0x1C00, v19;
	v16 =	vsel vm6, $0x300, v16;
	v22 =	vsel vm6, $0x1E00, v22  }
0xd7: {  	v20 =	vsel vm7, $0x1D80, v20;
	v17 =	vsel vm8, $0x1C80, v17;
	v18 =	vsel vm8, $0x1D00, v18  }
0xd8: {  	v39 =	vsel vm8, $0x5780, v39;
	v21 =	vsel vm9, $0x1F00, v21;
	v38 =	vsel vm11, $0x3880, v38  }
0xd9: {  	v37 =	vsel vm12, $0x3880, v37;
	v12 =	vsel vm13, $0x18A, v12;
	v57 =	vsel vm14, $0x1AC, v13  }
0xda: {  	v13 =	vsel vm15, $0x1C4, v48;
	v48 =	vsel vm15, $0x3880, v58;
	v58 =	vsel vm15, $0x5480, v40  }
0xdb: {  	v19 =	vsel vm6, $0x1C80, v19;
	v16 =	vsel vm7, $0x380, v16;
	v22 =	vsel vm7, $0x1E80, v22  }
0xdc: {  	v20 =	vsel vm8, $0x1E00, v20;
	v17 =	vsel vm9, $0x1D00, v17;
	v18 =	vsel vm9, $0x1D80, v18  }
0xdd: {  	v39 =	vsel vm9, $0x3800, v39;
	v21 =	vsel vm10, $0x1F80, v21;
	v38 =	vsel vm12, $0x3900, v38  }
0xde: {  	v37 =	vsel vm13, $0x3900, v37;
	v53 =	vsel vm14, $0x1AB, v12;
	v12 =	vsel vm15, $0x1C2, v4  }
0xdf: {  	v4 =	vsel vm15, $0x1C80, v50;
	v19 =	vsel vm7, $0x1D00, v19;
	v16 =	vsel vm8, $0x1C00, v16  }
0xe0: {  	v22 =	vsel vm8, $0x1F00, v22;
	v20 =	vsel vm9, $0x1E80, v20;
	v17 =	vsel vm10, $0x1D80, v17  }
0xe1: {  	s0 =	rddreg [dreg:$0x0];
	v18 =	vsel vm10, $0x1E00, v18;
	v39 =	vsel vm10, $0x3880, v39;
	v21 =	vsel vm11, $0x0, v21  }
0xe2: {  	s1 =	rddreg [dreg:$0x1];
	s4 =	simm.s32 $0x0;
	v38 =	vsel vm13, $0x3980, v38;
	v61 =	vsel vm14, $0x3980, v37;
	v37 =	vsel vm15, $0x1C3, v47  }
0xe3: {  	[smem:$0x7FF] =	sst s4;
	[tilespmem:$0x1FE80] =	vst v5;
	v47 =	vsel vm15, $0x1C00, v25;
	v19 =	vsel vm8, $0x1D80, v19;
	v16 =	vsel vm9, $0x1C80, v16  }
0xe4: {  	s3 =	rddreg [dreg:$0x2];
	_ =	strace $0x80000047;
	[tilespmem:$0x1FE50] =	vst v48;
	v22 =	vsel vm9, $0x1F80, v22;
	v20 =	vsel vm10, $0x1F00, v20;
	v17 =	vsel vm11, $0x1E00, v17  }
0xe5: {  	[tilespmem:$0x1FEB0] =	vst v15;
	v18 =	vsel vm11, $0x1E80, v18;
	v39 =	vsel vm11, $0x3900, v39;
	v21 =	vsel vm12, $0x80, v21  }
0xe6: {  	[tilespmem:$0x1FEE0] =	vst v58;
	v62 =	vsel vm14, $0x3A00, v38;
	v38 =	vsel vm14, $0x5600, v46;
	v46 =	vsel vm15, $0x5580, v43  }
0xe7: {  	[tilespmem:$0x1FF10] =	vst v24;
	v43 =	vsel vm15, $0x5600, v35;
	v19 =	vsel vm9, $0x1E00, v19;
	v16 =	vsel vm10, $0x1D00, v16  }
0xe8: {  	[tilespmem:$0x1FF80] =	vst v63;
	v22 =	vsel vm10, $0x0, v22;
	v20 =	vsel vm11, $0x1F80, v20;
	v17 =	vsel vm12, $0x1E80, v17  }
0xe9: {  	[tilespmem:$0x1FFC0] =	vst v59;
	v18 =	vsel vm12, $0x1F00, v18;
	v39 =	vsel vm12, $0x3980, v39;
	v51 =	vsel vm15, $0x3A80, v62  }
0xea: {  	[tilespmem:$0x1FFB0] =	vst v12;
	v19 =	vsel vm10, $0x1E80, v19;
	v16 =	vsel vm11, $0x1D80, v16;
	v22 =	vsel vm11, $0x80, v22  }
0xeb: {  	[tilespmem:$0x1FFF0] =	vst v4;
	v20 =	vsel vm12, $0x0, v20;
	v17 =	vsel vm13, $0x1F00, v17;
	v18 =	vsel vm13, $0x1F80, v18  }
0xec: {  	[tilespmem:$0x1FFD0] =	vst v47;
	v39 =	vsel vm13, $0x3A00, v39;
	v19 =	vsel vm11, $0x1F00, v19;
	v16 =	vsel vm12, $0x1E00, v16  }
0xed: {  	[tilespmem:$0x1FF00] =	vst v46;
	v22 =	vsel vm12, $0x100, v22;
	v20 =	vsel vm13, $0x80, v20;
	v17 =	vsel vm14, $0x1F80, v17  }
0xee: {  	[tilespmem:$0x1FF60] =	vst v43;
	v18 =	vsel vm14, $0x0, v18;
	v34 =	vsel vm14, $0x3A80, v39;
	v39 =	vsel vm15, $0x1C6, v49  }
0xef: {  	[tilespmem:$0x1FE60] =	vst v51;
	v16 =	vsel vm13, $0x1E80, v16;
	v20 =	vsel vm14, $0x100, v20;
	v28 =	vsel vm15, $0x3B00, v34  }
0xf0: {  	v22 =	vsel vm13, $0x180, v22;
	v16 =	vsel vm14, $0x1F00, v16;
	v1 =	vsel vm15, $0x180, v20;
	[tilespmem:$0x1FF30] =	vst v28  }
0xf1: {  	v19 =	vsel vm12, $0x1F80, v19;
	v22 =	vsel vm14, $0x200, v22;
	v7 =	vsel vm15, $0x1F80, v16;
	[tilespmem:$0x1FF70] =	vst v1  }
0xf2: {  	s2 =	srdreg.scid;
	s9 =	stileid.u32;
	s17 =	simm.s32 $0x5400;
	v16 =	vsel vm15, $0x0, v17;
	v17 =	vsel vm15, $0x80, v18;
	v11 =	vsel vm15, $0x280, v22;
	[tilespmem:$0x1FEA0] =	vst v7  }
0xf3: {  	s18 =	simm.s32 $0x1;
	s19 =	simm.s32 $0xE000;
	s21 =	simm.s32 $0x7000;
	v19 =	vsel vm13, $0x0, v19;
	v49 =	vmovc v17;
	v17 =	vsel vm15, $0x3980, v32;
	v32 =	vsel vm15, $0x3A00, v61;
	v61 =	vmovc v0;
	[tilespmem:$0x1FFA0] =	vst v11  }
0xf4: {  	s22 =	simm.s32 $0x15000;
	s2 =	sand.u32 $0x1, s2;
	s5 =	sshll.u32 s9, $0x1;
	v21 =	vsel vm13, $0x100, v21;
	v19 =	vsel vm14, $0x80, v19;
	v22 =	vsel vm15, $0x1C8, v52;
	v3 =	vmovc v16;
	[tilespmem:$0x1FEC0] =	vst v61  }
0xf5: {  	s20 =	simm.s32 $0x2;
	p0 =	slt.u32 s9, $0xE;
	s5 =	sor.u32 s2, s5;
	v52 =	vsel vm15, $0x1E00, v29;
	v29 =	vsel vm15, $0x1CB, v54;
	v54 =	vld [tilespmem:$0x1FE80];
	v18 =	vsel vm15, $0x100, v19;
	[tilespmem:$0x1FED0] =	vst v3  }
0xf6: {  	s23 =	simm.s32 $0x3;
	s24 =	simm.s32 $0x4;
	s7 =	smul.u32 $0x1C00, s5;
	v21 =	vsel vm14, $0x180, v21;
	v50 =	vmovc v18;
	v18 =	vsel vm15, $0x1E80, v30;
	v30 =	vsel vm15, $0x1CC, v53;
	v53 =	vld [tilespmem:$0x1FE70];
	[tilespmem:$0x1FF40] =	vst v49  }
0xf7: {  	s6 =	sadd.s32 $0x800, s1;
	s13 =	sadd.s32 $0x3D0800, s3;
	s2 =	ssub.s32 $0x2, s2;
	v9 =	vsel vm14, $0x1A4, v9;
	v8 =	vsel vm14, $0x1A6, v8;
	v41 =	vsel vm15, $0x200, v21;
	[tilespmem:$0x1FF50] =	vst v50  }
.Ltmp0:
0xf8: {  	s8 =	sshrl.u32 s7, $0x3;
	s7 =	simm.s32 $0x23;
	v10 =	vsel vm14, $0x1A9, v10;
	v16 =	vmovc v41;
	v41 =	vsel vm15, $0x5780, v56;
	v56 =	vsel vm15, $0x5680, v38;
	[tilespmem:$0x1FFE0] =	vst v18;
	(pc) =	sbr.rel .LBB2_1-.Ltmp0, $4  }
0xf9: {  	s30 =	sshrl.u32 s2, $0x1;
	s8 =	sadd.s32 s0, s8;
	s7 =	simm.s32 @!p0 $0x22;
	v55 =	vsel vm14, $0x5680, v31;
	v14 =	vsel vm15, $0x1C5, v9;
	v27 =	vsel vm15, $0x1C7, v8;
	[tilespmem:$0x1FE90] =	vst v56  }
0xfa: {  	s25 =	simm.s32 $0x0;
	s1 =	ssub.s32 s2, s30;
	s9 =	sadd.s32 $0x1E8500, s8;
	v55 =	vsel vm15, $0x5700, v55;
	v19 =	vsel vm15, $0x3900, v33;
	[tilespmem:$0x1FF90] =	vst v16;
	v33 =	vsel vm15, $0x5400, v54  }
0xfb: {  	p0 =	sne.s32 s5, $0x1F;
	s10 =	sadd.s32 $0xF4280, s8;
	s31 =	sadd.s32 $0x1, s7;
	v5 =	vsel vm15, $0x1C0, v2;
	v31 =	vsel vm15, $0x1CD, v57;
	[tilespmem:$0x1FEF0] =	vst v33;
	v34 =	vsel vm15, $0x3B80, v53  }
0xfc: {  	s14 =	smax.u32 s1, $0x1;
	s11 =	sadd.s32 $0x2DC780, s8;
	s12 =	sshrl.u32 s31, $0x1;
	v57 =	vsel vm15, $0x3800, v26;
	v48 =	vmul.u32 $0x21, v60;
	v25 =	vsel vm15, $0x1CA, v10;
	v51 =	vmovc v1;
	v62 =	vmovc v3;
	[tilespmem:$0x1FF20] =	vst v34  }
.LBB2_9:
0xfd: {  	_ =	swait.ge [sflag:s23], $0x7000  }
0xfe: {  	[sflag:s23] =	ssyncset.done $0x0  }
0xff: {  	[sflag:s23] =	ssyncadd.s32 $0xFFFF9000  }
0x100: {  	_ =	swait.ge [sflag:s24], $0x7000  }
0x101: {  	s1 =	simm.s32 @!p0 $0x0;
	[sflag:s24] =	ssyncset.done $0x0  }
0x102: {  	s2 =	simm.s32 @!p0 $0xE000;
	s15 =	simm.s32 @!p0 $0x5;
	[sflag:s24] =	ssyncadd.s32 $0xFFFF9000  }
0x103: {  	[tilespmem:s2], [sflag:$0x5] =	stream.linear.gather @!p0 [hbm4b:s6+s1], $0x800, $0x38;
	[tilespmem:$0x1C000] =	vst v63  }
0x104: {  	s25 =	sadd.s32 $0x1, s25;
	_ =	swait.ge @!p0 [sflag:s15], $0x800  }
0x105: {  	p1 =	sne.s32 s25, s14;
	[sflag:s15] =	ssyncset.done @!p0 $0x0  }
.Ltmp1:
0x106: {  	[sflag:s15] =	ssyncadd.s32 @!p0 $0xFFFFF800;
	(pc) =	sbr.rel @!p1 .LBB2_10-.Ltmp1, $4  }
0x107: {  	[hbm4b:s13+s1] =	stream.linear.scatter @!p0 [tilespmem:s2], [sflag:$0x5], $0x800, $0x38;
	[tilespmem:$0x1C000] =	vst v63  }
0x108: {  	_ =	swait.ge @!p0 [sflag:s15], $0x800  }
0x109: {  	[sflag:s15] =	ssyncset.done @!p0 $0x0  }
0x10a: {  	[sflag:s15] =	ssyncadd.s32 @!p0 $0xFFFFF800  }
.LBB2_1:
0x10b: {  	[tilespmem:s4], [sflag:$0x1] =	stream.linear.gather [hbm4b:s8+s4], $0x1C00, $0x38;
	[tilespmem:$0x1C000] =	vst v63  }
0x10c: {  	s1 =	simm.s32 $0x1C00  }
0x10d: {  	[tilespmem:s1], [sflag:$0x1] =	stream.linear.gather [hbm4b:s10+s4], $0x1C00, $0x38;
	[tilespmem:$0x1C000] =	vst v63  }
.Ltmp2:
0x10e: {  	_ = 	snop;
	(pc) =	sbr.rel .LBB2_2-.Ltmp2, $4  }
0x10f: {  	s31 =	simm.s32 $0x3800  }
0x110: {  	[tilespmem:s31], [sflag:$0x1] =	stream.linear.gather [hbm4b:s9+s4], $0x1C00, $0x38;
	[tilespmem:$0x1C000] =	vst v63  }
0x111: {  	s26 =	simm.s32 $0x0  }
0x112: {  	[tilespmem:s17], [sflag:$0x1] =	stream.linear.gather [hbm4b:s11+s4], $0x1C00, $0x38;
	[tilespmem:$0x1C000] =	vst v63  }
.LBB2_8:
0x113: {  	s26 =	sadd.s32 $0x1, s26  }
0x114: {  	p1 =	sne.s32 s26, s12  }
.Ltmp3:
0x115: {  	_ = 	snop;
	(pc) =	sbr.rel @!p1 .LBB2_9-.Ltmp3, $4  }
0x116: {  	_ = 	snop  }
0x117: {  	v7 =	vld [tilespmem:$0x1FEA0]  }
0x118: {  	v15 =	vld [tilespmem:$0x1FEB0]  }
0x119: {  	v11 =	vmovc v44;
	v60 =	vlaneseq.u32;
	v43 =	vld [tilespmem:$0x1FF60];
	v24 =	vmov v38;
	v46 =	vmov v35  }
.LBB2_2:
0x11a: {  	s28 =	sshllo.u32 s26, $0x1  }
0x11b: {  	p1 =	sge.u32 s28, s7  }
0x11c: {  	s1 =	sshll.u32 @!p1 s28, $0x5  }
0x11d: {  	s1 =	sor.u32 @!p1 s5, s1  }
0x11e: {  	s1 =	smul.u32 @!p1 $0x1C00, s1;
	_ =	sdelay $0x1  }
0x11f: {  	s1 =	sshrl.u32 @!p1 s1, $0x3  }
0x120: {  	s15 =	simm.s32 @!p1 $0x0;
	s2 =	sadd.s32 @!p1 s0, s1;
	s1 =	simm.s32 @!p1 $0x7000  }
0x121: {  	[tilespmem:s1], [sflag:$0x2] =	stream.linear.gather @!p1 [hbm4b:s2+s15], $0x1C00, $0x38;
	[tilespmem:$0x1C000] =	vst v63  }
0x122: {  	s16 =	simm.s32 @!p1 $0x8C00;
	s1 =	sadd.s32 @!p1 $0xF4280, s2  }
0x123: {  	[tilespmem:s16], [sflag:$0x2] =	stream.linear.gather @!p1 [hbm4b:s1+s15], $0x1C00, $0x38;
	[tilespmem:$0x1C000] =	vst v63  }
0x124: {  	s29 =	simm.s32 @!p1 $0xA800;
	s16 =	sadd.s32 @!p1 $0x1E8500, s2;
	s1 =	simm.s32 $0x0  }
0x125: {  	v0 =	vmov s1;
	[tilespmem:s29], [sflag:$0x2] =	stream.linear.gather @!p1 [hbm4b:s16+s15], $0x1C00, $0x38;
	[tilespmem:$0x1C000] =	vst v63  }
0x126: {  	s2 =	sadd.s32 @!p1 $0x2DC780, s2;
	v1 =	vor.u32 s1, v60;
	s16 =	simm.s32 @!p1 $0xC400;
	v0 =	vshll.u32 v0, $0x3  }
0x127: {  	v1 =	vand.u32 $0x7F, v1;
	v0 =	vand.u32 $0x1C00, v0;
	[tilespmem:s16], [sflag:$0x2] =	stream.linear.gather @!p1 [hbm4b:s2+s15], $0x1C00, $0x38;
	[tilespmem:$0x1C000] =	vst v63  }
0x128: {  	v53 =	vor.u32 v1, v0;
	_ =	swait.ge [sflag:s18], $0x7000  }
0x129: {  	p2 =	seq.s32 s26, $0x0;
	v0 =	vadd.s32 v61, v53;
	[sflag:s18] =	ssyncset.done $0x0  }
0x12a: {  	s2 =	simm.s32 @!p2 $0x3;
	v1 =	vadd.s32 v7, v53;
	[sflag:s18] =	ssyncadd.s32 $0xFFFF9000  }
0x12b: {  	v2 =	vadd.s32 v62, v53;
	_ =	swait.ge @!p2 [sflag:s2], $0x7000  }
0x12c: {  	v3 =	vadd.s32 v49, v53;
	[sflag:s2] =	ssyncset.done @!p2 $0x0  }
0x12d: {  	[sflag:s2] =	ssyncadd.s32 @!p2 $0xFFFF9000  }
0x12e: {  	v21 =	vmov v4;
	v4 =	vor.u32 s1, v48;
	v0 =	vld.idx.msk [tilespmem:v0+s4+$0x0], $0xffff  }
0x12f: {  	v8 =	vor.u32 s1, v45;
	v1 =	vld.idx.msk [tilespmem:v1+s4+$0x0], $0xffff  }
0x130: {  	v9 =	vor.u32 s1, v5;
	v2 =	vld.idx.msk [tilespmem:v2+s4+$0x0], $0xffff  }
0x131: {  	v10 =	vor.u32 s1, v6;
	v3 =	vld.idx.msk [tilespmem:v3+s4+$0x0], $0xffff  }
0x132: {  	v44 =	vadd.s32 v50, v53  }
0x133: {  	[tilespmem:v4+s19+$0x0] =	vst.idx.msk $0xffff, v0;
	v0 =	vadd.s32 v51, v53  }
0x134: {  	[tilespmem:v8+s19+$0x0] =	vst.idx.msk $0xffff, v1;
	v1 =	vadd.s32 v16, v53  }
0x135: {  	[tilespmem:v9+s19+$0x0] =	vst.idx.msk $0xffff, v2;
	v2 =	vadd.s32 v11, v53  }
0x136: {  	[tilespmem:v10+s19+$0x0] =	vst.idx.msk $0xffff, v3  }
0x137: {  	v4 =	vor.u32 s1, v12;
	v3 =	vld.idx.msk [tilespmem:v44+s4+$0x0], $0xffff  }
0x138: {  	v8 =	vor.u32 s1, v37;
	v0 =	vld.idx.msk [tilespmem:v0+s4+$0x0], $0xffff  }
0x139: {  	v9 =	vor.u32 s1, v13;
	v1 =	vld.idx.msk [tilespmem:v1+s4+$0x0], $0xffff  }
0x13a: {  	v10 =	vor.u32 s1, v14;
	v2 =	vld.idx.msk [tilespmem:v2+s4+$0x0], $0xffff  }
0x13b: {  	v54 =	vadd.s32 v63, v53  }
0x13c: {  	[tilespmem:v4+s19+$0x0] =	vst.idx.msk $0xffff, v3;
	v3 =	vadd.s32 v59, v53  }
0x13d: {  	[tilespmem:v8+s19+$0x0] =	vst.idx.msk $0xffff, v0;
	v0 =	vadd.s32 v47, v53  }
0x13e: {  	[tilespmem:v9+s19+$0x0] =	vst.idx.msk $0xffff, v1;
	v1 =	vadd.s32 v21, v53  }
0x13f: {  	[tilespmem:v10+s19+$0x0] =	vst.idx.msk $0xffff, v2  }
0x140: {  	v4 =	vor.u32 s1, v39;
	v2 =	vld.idx.msk [tilespmem:v54+s4+$0x0], $0xffff  }
0x141: {  	v8 =	vor.u32 s1, v27;
	v3 =	vld.idx.msk [tilespmem:v3+s4+$0x0], $0xffff  }
0x142: {  	v9 =	vor.u32 s1, v22;
	v0 =	vld.idx.msk [tilespmem:v0+s4+$0x0], $0xffff  }
0x143: {  	v10 =	vor.u32 s1, v23;
	v1 =	vld.idx.msk [tilespmem:v1+s4+$0x0], $0xffff  }
0x144: {  	v35 =	vadd.s32 v36, v53  }
0x145: {  	[tilespmem:v4+s19+$0x0] =	vst.idx.msk $0xffff, v2;
	v2 =	vadd.s32 v15, v53  }
0x146: {  	[tilespmem:v8+s19+$0x0] =	vst.idx.msk $0xffff, v3;
	v3 =	vadd.s32 v52, v53  }
0x147: {  	[tilespmem:v9+s19+$0x0] =	vst.idx.msk $0xffff, v0  }
0x148: {  	s29 =	simm.s32 $0x10;
	[tilespmem:v10+s19+$0x0] =	vst.idx.msk $0xffff, v1  }
0x149: {  	v40 =	vmovc v49;
	v42 =	vmovc v36;
	v56 =	vmov s29;
	v0 =	vadd.s32 v18, v53;
	v9 =	vor.u32 s1, v25;
	v8 =	vld.idx.msk [tilespmem:v35+s4+$0x0], $0xffff  }
0x14a: {  	v26 =	vmovc v12;
	v36 =	vor.u32 s29, v60;
	v49 =	vshll.u32 v56, $0x3;
	v12 =	vmovc v50;
	v50 =	vor.u32 s1, v29;
	v2 =	vld.idx.msk [tilespmem:v2+s4+$0x0], $0xffff  }
0x14b: {  	v49 =	vand.u32 $0x1C00, v49;
	v4 =	vand.u32 $0x7F, v36;
	v36 =	vor.u32 s1, v30;
	v3 =	vld.idx.msk [tilespmem:v3+s4+$0x0], $0xffff  }
0x14c: {  	v49 =	vor.u32 v4, v49  }
0x14d: {  	v20 =	vmov v28;
	v28 =	vmov v7;
	v4 =	vadd.s32 v61, v49  }
0x14e: {  	v1 =	vadd.s32 v28, v49;
	v0 =	vld.idx.msk [tilespmem:v0+s4+$0x0], $0xffff;
	[tilespmem:v9+s19+$0x0] =	vst.idx.msk $0xffff, v8  }
0x14f: {  	v10 =	vadd.s32 v62, v49;
	[tilespmem:v50+s19+$0x0] =	vst.idx.msk $0xffff, v2  }
0x150: {  	v54 =	vor.u32 s1, v31;
	v38 =	vadd.s32 v40, v49;
	[tilespmem:v36+s19+$0x0] =	vst.idx.msk $0xffff, v3  }
0x151: {  	s16 =	simm.s32 $0x200;
	v28 =	vmov v18;
	v18 =	vmov v55;
	v55 =	vadd.s32 v55, v53;
	v36 =	vld [tilespmem:$0x1FE50]  }
0x152: {  	v7 =	vmovc v6;
	v6 =	vmovc v5;
	v5 =	vmov v45;
	v56 =	vor.u32 s16, v48;
	v4 =	vld.idx.msk [tilespmem:v4+s4+$0x0], $0xffff;
	v8 =	vadd.s32 v41, v53  }
0x153: {  	v1 =	vld.idx.msk [tilespmem:v1+s4+$0x0], $0xffff;
	v9 =	vor.u32 s16, v5;
	v2 =	vadd.s32 v57, v53  }
0x154: {  	v10 =	vld.idx.msk [tilespmem:v10+s4+$0x0], $0xffff;
	v50 =	vor.u32 s16, v6  }
0x155: {  	v45 =	vmov v51;
	v44 =	vmov v52;
	v52 =	vor.u32 s16, v7;
	v51 =	vld.idx.msk [tilespmem:v38+s4+$0x0], $0xffff;
	[tilespmem:v54+s19+$0x0] =	vst.idx.msk $0xffff, v0  }
0x156: {  	v0 =	vor.u32 s29, v48;
	v54 =	vld.idx.msk [tilespmem:v55+s4+$0x0], $0xffff;
	v3 =	vadd.s32 v36, v53  }
0x157: {  	[tilespmem:v56+s19+$0x0] =	vst.idx.msk $0xffff, v4;
	v55 =	vor.u32 s29, v5;
	v8 =	vld.idx.msk [tilespmem:v8+s4+$0x0], $0xffff  }
0x158: {  	v38 =	vadd.s32 v12, v49;
	[tilespmem:v9+s19+$0x0] =	vst.idx.msk $0xffff, v1;
	v9 =	vor.u32 s29, v6;
	v2 =	vld.idx.msk [tilespmem:v2+s4+$0x0], $0xffff  }
0x159: {  	[tilespmem:v50+s19+$0x0] =	vst.idx.msk $0xffff, v10  }
0x15a: {  	v4 =	vadd.s32 v45, v49;
	[tilespmem:v52+s19+$0x0] =	vst.idx.msk $0xffff, v51  }
0x15b: {  	v1 =	vadd.s32 v16, v49;
	v3 =	vld.idx.msk [tilespmem:v3+s4+$0x0], $0xffff;
	[tilespmem:v0+s19+$0x0] =	vst.idx.msk $0xffff, v54  }
0x15c: {  	v10 =	vadd.s32 v11, v49;
	[tilespmem:v55+s19+$0x0] =	vst.idx.msk $0xffff, v8  }
0x15d: {  	v50 =	vor.u32 s29, v7;
	v52 =	vld.idx.msk [tilespmem:v38+s4+$0x0], $0xffff;
	[tilespmem:v9+s19+$0x0] =	vst.idx.msk $0xffff, v2  }
0x15e: {  	v56 =	vor.u32 s16, v26;
	v38 =	vmov v26;
	v26 =	vld [tilespmem:$0x1FE60]  }
0x15f: {  	v51 =	vadd.s32 v19, v53;
	v4 =	vld.idx.msk [tilespmem:v4+s4+$0x0], $0xffff;
	v54 =	vor.u32 s16, v37  }
0x160: {  	v1 =	vld.idx.msk [tilespmem:v1+s4+$0x0], $0xffff;
	v0 =	vadd.s32 v17, v53;
	v55 =	vor.u32 s16, v13  }
0x161: {  	v8 =	vadd.s32 v32, v53;
	v9 =	vld.idx.msk [tilespmem:v10+s4+$0x0], $0xffff;
	v10 =	vor.u32 s16, v14  }
0x162: {  	[tilespmem:v50+s19+$0x0] =	vst.idx.msk $0xffff, v3;
	v3 =	vadd.s32 v63, v49  }
0x163: {  	[tilespmem:v56+s19+$0x0] =	vst.idx.msk $0xffff, v52;
	v2 =	vadd.s32 v26, v53  }
0x164: {  	v52 =	vadd.s32 v59, v49;
	[tilespmem:v54+s19+$0x0] =	vst.idx.msk $0xffff, v4;
	v50 =	vld.idx.msk [tilespmem:v51+s4+$0x0], $0xffff;
	v51 =	vor.u32 s29, v38  }
0x165: {  	v56 =	vor.u32 s29, v37;
	v4 =	vadd.s32 v47, v49;
	v0 =	vld.idx.msk [tilespmem:v0+s4+$0x0], $0xffff;
	[tilespmem:v55+s19+$0x0] =	vst.idx.msk $0xffff, v1  }
0x166: {  	v54 =	vor.u32 s29, v13;
	v8 =	vld.idx.msk [tilespmem:v8+s4+$0x0], $0xffff;
	[tilespmem:v10+s19+$0x0] =	vst.idx.msk $0xffff, v9  }
0x167: {  	v1 =	vadd.s32 v21, v49;
	v10 =	vor.u32 s16, v39;
	v3 =	vld.idx.msk [tilespmem:v3+s4+$0x0], $0xffff  }
0x168: {  	v38 =	vor.u32 s29, v14;
	v2 =	vld.idx.msk [tilespmem:v2+s4+$0x0], $0xffff  }
0x169: {  	[tilespmem:v51+s19+$0x0] =	vst.idx.msk $0xffff, v50;
	v51 =	vld.idx.msk [tilespmem:v52+s4+$0x0], $0xffff;
	v52 =	vor.u32 s16, v27  }
0x16a: {  	v4 =	vld.idx.msk [tilespmem:v4+s4+$0x0], $0xffff;
	[tilespmem:v56+s19+$0x0] =	vst.idx.msk $0xffff, v0;
	v56 =	vor.u32 s16, v22  }
0x16b: {  	[tilespmem:v54+s19+$0x0] =	vst.idx.msk $0xffff, v8  }
0x16c: {  	v1 =	vld.idx.msk [tilespmem:v1+s4+$0x0], $0xffff;
	[tilespmem:v10+s19+$0x0] =	vst.idx.msk $0xffff, v3  }
0x16d: {  	v9 =	vadd.s32 v20, v53;
	[tilespmem:v38+s19+$0x0] =	vst.idx.msk $0xffff, v2  }
0x16e: {  	s15 =	simm.s32 $0x20;
	v50 =	vadd.s32 v34, v53;
	[tilespmem:v52+s19+$0x0] =	vst.idx.msk $0xffff, v51  }
0x16f: {  	v60 =	vor.u32 s15, v60;
	v35 =	vmovc v41;
	v41 =	vmov v43;
	v0 =	vadd.s32 v33, v53;
	[tilespmem:v56+s19+$0x0] =	vst.idx.msk $0xffff, v4  }
0x170: {  	v43 =	vmovc v57;
	v21 =	vmovc v27;
	v8 =	vadd.s32 v58, v53;
	v54 =	vor.u32 s16, v23;
	v2 =	vor.u32 s29, v27;
	v27 =	vld [tilespmem:$0x1FEA0]  }
0x171: {  	v57 =	vor.u32 s29, v39;
	v55 =	vmov s15;
	v20 =	vmovc v39;
	v33 =	vmovc v15;
	v58 =	vadd.s32 v42, v49  }
0x172: {  	v39 =	vmovc v36;
	v36 =	vmovc v17;
	v17 =	vmov v35;
	v55 =	vshll.u32 v55, $0x3;
	v3 =	vadd.s32 v33, v49;
	v9 =	vld.idx.msk [tilespmem:v9+s4+$0x0], $0xffff  }
0x173: {  	v35 =	vmovc v24;
	v24 =	vmovc v63;
	v63 =	vand.u32 $0x7F, v60;
	v55 =	vand.u32 $0x1C00, v55;
	v38 =	vadd.s32 v44, v49;
	v10 =	vld.idx.msk [tilespmem:v50+s4+$0x0], $0xffff  }
0x174: {  	v0 =	vld.idx.msk [tilespmem:v0+s4+$0x0], $0xffff;
	v50 =	vor.u32 v63, v55;
	v4 =	vadd.s32 v28, v49  }
0x175: {  	v52 =	vor.u32 s29, v22;
	v8 =	vld.idx.msk [tilespmem:v8+s4+$0x0], $0xffff;
	[tilespmem:v54+s19+$0x0] =	vst.idx.msk $0xffff, v1;
	v55 =	vadd.s32 v27, v50  }
0x176: {  	v60 =	vor.u32 s16, v25;
	v15 =	vmov v14;
	v14 =	vmov v13;
	v56 =	vld.idx.msk [tilespmem:v58+s4+$0x0], $0xffff  }
0x177: {  	v13 =	vmovc v37;
	v37 =	vmovc v46;
	v46 =	vmov v59;
	v1 =	vor.u32 s29, v23;
	v59 =	vadd.s32 v61, v50;
	v61 =	vld.idx.msk [tilespmem:v3+s4+$0x0], $0xffff  }
0x178: {  	v34 =	vmov v26;
	v63 =	vor.u32 s16, v30;
	v38 =	vld.idx.msk [tilespmem:v38+s4+$0x0], $0xffff;
	[tilespmem:v57+s19+$0x0] =	vst.idx.msk $0xffff, v9;
	v57 =	vor.u32 s16, v29  }
0x179: {  	v54 =	vadd.s32 v62, v50;
	v62 =	vadd.s32 v40, v50;
	v26 =	vld.idx.msk [tilespmem:v4+s4+$0x0], $0xffff;
	[tilespmem:v2+s19+$0x0] =	vst.idx.msk $0xffff, v10  }
0x17a: {  	[tilespmem:v52+s19+$0x0] =	vst.idx.msk $0xffff, v0;
	v0 =	vld.idx.msk [tilespmem:v55+s4+$0x0], $0xffff;
	v55 =	vor.u32 s16, v31  }
0x17b: {  	[tilespmem:v60+s19+$0x0] =	vst.idx.msk $0xffff, v56  }
0x17c: {  	v9 =	vadd.s32 v35, v53;
	[tilespmem:v1+s19+$0x0] =	vst.idx.msk $0xffff, v8  }
0x17d: {  	v10 =	vadd.s32 v37, v53;
	v3 =	vld.idx.msk [tilespmem:v59+s4+$0x0], $0xffff;
	[tilespmem:v57+s19+$0x0] =	vst.idx.msk $0xffff, v61  }
0x17e: {  	v40 =	vadd.s32 v18, v49;
	v2 =	vld.idx.msk [tilespmem:v62+s4+$0x0], $0xffff;
	[tilespmem:v63+s19+$0x0] =	vst.idx.msk $0xffff, v38  }
0x17f: {  	v1 =	vld.idx.msk [tilespmem:v54+s4+$0x0], $0xffff;
	[tilespmem:v55+s19+$0x0] =	vst.idx.msk $0xffff, v26  }
0x180: {  	s1 =	simm.s32 $0x400;
	v58 =	vadd.s32 v12, v50;
	v12 =	vld [tilespmem:$0x1FE90]  }
0x181: {  	s30 =	simm.s32 $0x210;
	v51 =	vor.u32 s29, v31;
	v4 =	vor.u32 s1, v5;
	v62 =	vadd.s32 v39, v49;
	v57 =	vld.idx.msk [tilespmem:v9+s4+$0x0], $0xffff  }
0x182: {  	s2 =	simm.s32 $0x410;
	v35 =	vmovc v33;
	v52 =	vor.u32 s30, v48;
	v60 =	vadd.s32 v17, v49;
	v8 =	vor.u32 s1, v48;
	v54 =	vld.idx.msk [tilespmem:v10+s4+$0x0], $0xffff  }
0x183: {  	v33 =	vmovc v17;
	v37 =	vmovc v41;
	v56 =	vor.u32 s2, v48;
	v61 =	vadd.s32 v43, v49;
	v9 =	vor.u32 s1, v6;
	v59 =	vld.idx.msk [tilespmem:v40+s4+$0x0], $0xffff  }
0x184: {  	s16 =	sshll.u32 s26, $0x1;
	v63 =	vadd.s32 v41, v53;
	v10 =	vor.u32 s1, v7;
	v41 =	vmovc v45;
	v45 =	vmovc v39;
	v38 =	vmov v18;
	v40 =	vld [tilespmem:$0x1FFF0]  }
0x185: {  	s15 =	simm.s32 $0x30;
	v39 =	vmovc v28;
	v28 =	vmovc v44;
	s31 =	sadd.s32 $0x2, s16;
	v55 =	vor.u32 s29, v29;
	v26 =	vmov v43;
	v53 =	vadd.s32 v12, v53;
	v12 =	vld [tilespmem:$0x1FFB0]  }
.LBB2_3:
0x186: {  	_ = 	snop  }
0x187: {  	v60 =	vld.idx.msk [tilespmem:v60+s4+$0x0], $0xffff;
	[tilespmem:v8+s19+$0x0] =	vst.idx.msk $0xffff, v3  }
0x188: {  	v3 =	vadd.s32 v41, v50;
	v8 =	vor.u32 s30, v5;
	v61 =	vld.idx.msk [tilespmem:v61+s4+$0x0], $0xffff;
	[tilespmem:v4+s19+$0x0] =	vst.idx.msk $0xffff, v0  }
0x189: {  	v0 =	vadd.s32 v16, v50;
	v4 =	vor.u32 s30, v6;
	v62 =	vld.idx.msk [tilespmem:v62+s4+$0x0], $0xffff;
	[tilespmem:v9+s19+$0x0] =	vst.idx.msk $0xffff, v1  }
0x18a: {  	v1 =	vadd.s32 v11, v50;
	v9 =	vor.u32 s30, v7;
	v63 =	vld.idx.msk [tilespmem:v63+s4+$0x0], $0xffff;
	[tilespmem:v10+s19+$0x0] =	vst.idx.msk $0xffff, v2  }
0x18b: {  	v44 =	vmov v11;
	v11 =	vor.u32 s29, v25;
	v2 =	vadd.s32 v19, v49;
	v10 =	vld.idx.msk [tilespmem:v53+s4+$0x0], $0xffff  }
0x18c: {  	v53 =	vld.idx.msk [tilespmem:v58+s4+$0x0], $0xffff;
	[tilespmem:v52+s19+$0x0] =	vst.idx.msk $0xffff, v59;
	v58 =	vadd.s32 v36, v49  }
0x18d: {  	v52 =	vmov v56;
	v56 =	vor.u32 s1, v12;
	v3 =	vld.idx.msk [tilespmem:v3+s4+$0x0], $0xffff;
	[tilespmem:v8+s19+$0x0] =	vst.idx.msk $0xffff, v60  }
0x18e: {  	v59 =	vor.u32 s1, v13;
	v8 =	vadd.s32 v32, v49;
	v0 =	vld.idx.msk [tilespmem:v0+s4+$0x0], $0xffff;
	[tilespmem:v4+s19+$0x0] =	vst.idx.msk $0xffff, v61  }
0x18f: {  	v43 =	vor.u32 s1, v14;
	v4 =	vadd.s32 v34, v49;
	v1 =	vld.idx.msk [tilespmem:v1+s4+$0x0], $0xffff;
	[tilespmem:v9+s19+$0x0] =	vst.idx.msk $0xffff, v62  }
0x190: {  	v9 =	vor.u32 s1, v15;
	v2 =	vld.idx.msk [tilespmem:v2+s4+$0x0], $0xffff;
	[tilespmem:v11+s19+$0x0] =	vst.idx.msk $0xffff, v57  }
0x191: {  	v11 =	vadd.s32 v24, v50;
	v58 =	vld.idx.msk [tilespmem:v58+s4+$0x0], $0xffff;
	[tilespmem:v55+s19+$0x0] =	vst.idx.msk $0xffff, v54  }
0x192: {  	v17 =	vld [tilespmem:$0x1FEF0];
	v57 =	vor.u32 s30, v12;
	[tilespmem:v56+s19+$0x0] =	vst.idx.msk $0xffff, v53  }
0x193: {  	v54 =	vor.u32 s30, v13;
	v53 =	vadd.s32 v46, v50;
	v8 =	vld.idx.msk [tilespmem:v8+s4+$0x0], $0xffff;
	[tilespmem:v59+s19+$0x0] =	vst.idx.msk $0xffff, v3  }
0x194: {  	v3 =	vadd.s32 v47, v50;
	v4 =	vld.idx.msk [tilespmem:v4+s4+$0x0], $0xffff;
	[tilespmem:v43+s19+$0x0] =	vst.idx.msk $0xffff, v0  }
0x195: {  	v61 =	vor.u32 s30, v14;
	[tilespmem:v9+s19+$0x0] =	vst.idx.msk $0xffff, v1;
	v1 =	vld [tilespmem:$0x1FF30]  }
0x196: {  	v9 =	vld.idx.msk [tilespmem:v11+s4+$0x0], $0xffff  }
0x197: {  	[tilespmem:v57+s19+$0x0] =	vst.idx.msk $0xffff, v2;
	v2 =	vld [tilespmem:$0x1FF20]  }
0x198: {  	v11 =	vld.idx.msk [tilespmem:v53+s4+$0x0], $0xffff;
	[tilespmem:v54+s19+$0x0] =	vst.idx.msk $0xffff, v58  }
0x199: {  	v3 =	vld.idx.msk [tilespmem:v3+s4+$0x0], $0xffff  }
0x19a: {  	v62 =	vor.u32 s30, v15;
	v0 =	vadd.s32 v40, v50;
	[tilespmem:v61+s19+$0x0] =	vst.idx.msk $0xffff, v8;
	v8 =	vld [tilespmem:$0x1FEE0]  }
0x19b: {  	v43 =	vor.u32 s29, v30;
	v1 =	vadd.s32 v1, v49  }
0x19c: {  	v2 =	vadd.s32 v2, v49  }
0x19d: {  	v53 =	vor.u32 s1, v20  }
0x19e: {  	v57 =	vor.u32 s1, v21;
	v54 =	vadd.s32 v17, v49  }
0x19f: {  	v55 =	vor.u32 s1, v22;
	v0 =	vld.idx.msk [tilespmem:v0+s4+$0x0], $0xffff;
	[tilespmem:v62+s19+$0x0] =	vst.idx.msk $0xffff, v4;
	v8 =	vadd.s32 v8, v49  }
0x1a0: {  	v4 =	vor.u32 s1, v23;
	v1 =	vld.idx.msk [tilespmem:v1+s4+$0x0], $0xffff;
	[tilespmem:v43+s19+$0x0] =	vst.idx.msk $0xffff, v63  }
0x1a1: {  	v2 =	vld.idx.msk [tilespmem:v2+s4+$0x0], $0xffff;
	[tilespmem:v51+s19+$0x0] =	vst.idx.msk $0xffff, v10  }
0x1a2: {  	[tilespmem:v53+s19+$0x0] =	vst.idx.msk $0xffff, v9  }
0x1a3: {  	v53 =	vld.idx.msk [tilespmem:v54+s4+$0x0], $0xffff;
	[tilespmem:v57+s19+$0x0] =	vst.idx.msk $0xffff, v11  }
0x1a4: {  	v8 =	vld.idx.msk [tilespmem:v8+s4+$0x0], $0xffff;
	[tilespmem:v55+s19+$0x0] =	vst.idx.msk $0xffff, v3  }
0x1a5: {  	s16 =	smov.u32 s15;
	[tilespmem:v4+s19+$0x0] =	vst.idx.msk $0xffff, v0;
	v0 =	vld [tilespmem:$0x1FED0]  }
0x1a6: {  	v43 =	vmov s16;
	v10 =	vlaneseq.u32  }
0x1a7: {  	v63 =	vshll.u32 v43, $0x3;
	v10 =	vor.u32 s16, v10  }
0x1a8: {  	v51 =	vand.u32 $0x1C00, v63;
	v10 =	vand.u32 $0x7F, v10  }
0x1a9: {  	v43 =	vmov v16;
	v16 =	vor.u32 v10, v51  }
0x1aa: {  	v4 =	vadd.s32 v0, v16;
	v0 =	vld [tilespmem:$0x1FF40];
	_ =	sdelay $0x3  }
0x1ab: {  	v59 =	vadd.s32 v42, v50  }
0x1ac: {  	s29 =	smov.u32 s30;
	v55 =	vadd.s32 v0, v16;
	v0 =	vld [tilespmem:$0x1FF50]  }
0x1ad: {  	v56 =	vor.u32 s29, v20;
	v17 =	vld [tilespmem:$0x1FEC0]  }
0x1ae: {  	v60 =	vor.u32 s29, v21;
	v9 =	vadd.s32 v35, v50  }
0x1af: {  	v61 =	vor.u32 s29, v22;
	v11 =	vadd.s32 v28, v50  }
0x1b0: {  	v3 =	vadd.s32 v39, v50;
	v10 =	vor.u32 s29, v23;
	v57 =	vld.idx.msk [tilespmem:v59+s4+$0x0], $0xffff  }
0x1b1: {  	v54 =	vadd.s32 v27, v16;
	v58 =	vadd.s32 v0, v16;
	v0 =	vld [tilespmem:$0x1FF10]  }
0x1b2: {  	v51 =	vadd.s32 v17, v16;
	[tilespmem:v56+s19+$0x0] =	vst.idx.msk $0xffff, v1;
	v1 =	vld [tilespmem:$0x1FF00]  }
0x1b3: {  	v59 =	vor.u32 s1, v25;
	v9 =	vld.idx.msk [tilespmem:v9+s4+$0x0], $0xffff;
	[tilespmem:v60+s19+$0x0] =	vst.idx.msk $0xffff, v2  }
0x1b4: {  	v62 =	vor.u32 s1, v29;
	v11 =	vld.idx.msk [tilespmem:v11+s4+$0x0], $0xffff;
	[tilespmem:v61+s19+$0x0] =	vst.idx.msk $0xffff, v53  }
0x1b5: {  	v63 =	vor.u32 s1, v30;
	v53 =	vld.idx.msk [tilespmem:v3+s4+$0x0], $0xffff;
	[tilespmem:v10+s19+$0x0] =	vst.idx.msk $0xffff, v8  }
0x1b6: {  	v10 =	vadd.s32 v0, v49;
	v0 =	vld.idx.msk [tilespmem:v54+s4+$0x0], $0xffff;
	v54 =	vor.u32 s1, v31  }
0x1b7: {  	v3 =	vld.idx.msk [tilespmem:v51+s4+$0x0], $0xffff;
	v17 =	vadd.s32 v1, v49  }
0x1b8: {  	v1 =	vld.idx.msk [tilespmem:v4+s4+$0x0], $0xffff;
	[tilespmem:v59+s19+$0x0] =	vst.idx.msk $0xffff, v57  }
0x1b9: {  	v2 =	vld.idx.msk [tilespmem:v55+s4+$0x0], $0xffff;
	[tilespmem:v62+s19+$0x0] =	vst.idx.msk $0xffff, v9  }
0x1ba: {  	[tilespmem:v63+s19+$0x0] =	vst.idx.msk $0xffff, v11  }
0x1bb: {  	v57 =	vld.idx.msk [tilespmem:v10+s4+$0x0], $0xffff;
	[tilespmem:v54+s19+$0x0] =	vst.idx.msk $0xffff, v53  }
0x1bc: {  	v54 =	vld.idx.msk [tilespmem:v17+s4+$0x0], $0xffff  }
0x1bd: {  	p3 =	sne.s32 s15, $0x370;
	v18 =	vadd.s32 v38, v50;
	v17 =	vld [tilespmem:$0x1FE90]  }
.Ltmp4:
0x1be: {  	v60 =	vadd.s32 v33, v50;
	s1 =	sadd.s32 $0x200, s1;
	(pc) =	sbr.rel @p3 .LBB2_3-.Ltmp4, $4  }
0x1bf: {  	v61 =	vadd.s32 v26, v50;
	v51 =	vor.u32 s29, v31;
	v8 =	vor.u32 s1, v48  }
0x1c0: {  	s30 =	smov.u32 s2;
	s2 =	sadd.s32 $0x10, s1;
	v4 =	vor.u32 s1, v5;
	v62 =	vadd.s32 v45, v50;
	v9 =	vor.u32 s1, v6  }
0x1c1: {  	v55 =	vor.u32 s29, v29;
	v56 =	vor.u32 s2, v48;
	v11 =	vmovc v44;
	v63 =	vadd.s32 v37, v49  }
0x1c2: {  	s15 =	sadd.s32 $0x10, s15;
	v10 =	vor.u32 s1, v7;
	v59 =	vld.idx.msk [tilespmem:v18+s4+$0x0], $0xffff;
	v53 =	vadd.s32 v17, v49;
	v49 =	vmovc v50;
	v50 =	vmovc v16;
	v16 =	vmov v43  }
0x1c3: {  	_ =	sdelay $0x3  }
0x1c4: {  	[tilespmem:v8+s19+$0x0] =	vst.idx.msk $0xffff, v3;
	v3 =	vadd.s32 v41, v50  }
0x1c5: {  	v41 =	vadd.s32 v16, v50;
	[tilespmem:v4+s19+$0x0] =	vst.idx.msk $0xffff, v0  }
0x1c6: {  	[tilespmem:v9+s19+$0x0] =	vst.idx.msk $0xffff, v1;
	v1 =	vadd.s32 v11, v50  }
0x1c7: {  	[tilespmem:v10+s19+$0x0] =	vst.idx.msk $0xffff, v2  }
0x1c8: {  	v4 =	vor.u32 s1, v12;
	v2 =	vld.idx.msk [tilespmem:v58+s4+$0x0], $0xffff  }
0x1c9: {  	v8 =	vor.u32 s1, v13;
	v3 =	vld.idx.msk [tilespmem:v3+s4+$0x0], $0xffff  }
0x1ca: {  	v0 =	vld.idx.msk [tilespmem:v41+s4+$0x0], $0xffff;
	v41 =	vor.u32 s1, v14  }
0x1cb: {  	v10 =	vor.u32 s1, v15;
	v1 =	vld.idx.msk [tilespmem:v1+s4+$0x0], $0xffff  }
0x1cc: {  	v11 =	vadd.s32 v24, v50  }
0x1cd: {  	v58 =	vadd.s32 v46, v50;
	[tilespmem:v4+s19+$0x0] =	vst.idx.msk $0xffff, v2  }
0x1ce: {  	[tilespmem:v8+s19+$0x0] =	vst.idx.msk $0xffff, v3;
	v3 =	vadd.s32 v47, v50  }
0x1cf: {  	[tilespmem:v41+s19+$0x0] =	vst.idx.msk $0xffff, v0;
	v41 =	vadd.s32 v40, v50  }
0x1d0: {  	[tilespmem:v10+s19+$0x0] =	vst.idx.msk $0xffff, v1  }
0x1d1: {  	v4 =	vor.u32 s1, v20;
	v1 =	vld.idx.msk [tilespmem:v11+s4+$0x0], $0xffff  }
0x1d2: {  	v8 =	vor.u32 s1, v21;
	v2 =	vld.idx.msk [tilespmem:v58+s4+$0x0], $0xffff  }
0x1d3: {  	v9 =	vor.u32 s1, v22;
	v3 =	vld.idx.msk [tilespmem:v3+s4+$0x0], $0xffff  }
0x1d4: {  	v10 =	vor.u32 s1, v23;
	v0 =	vld.idx.msk [tilespmem:v41+s4+$0x0], $0xffff  }
0x1d5: {  	v58 =	vadd.s32 v42, v50  }
0x1d6: {  	v35 =	vadd.s32 v35, v50;
	[tilespmem:v4+s19+$0x0] =	vst.idx.msk $0xffff, v1  }
0x1d7: {  	v41 =	vadd.s32 v28, v50;
	[tilespmem:v8+s19+$0x0] =	vst.idx.msk $0xffff, v2  }
0x1d8: {  	[tilespmem:v9+s19+$0x0] =	vst.idx.msk $0xffff, v3;
	v3 =	vadd.s32 v39, v50  }
0x1d9: {  	[tilespmem:v10+s19+$0x0] =	vst.idx.msk $0xffff, v0  }
0x1da: {  	v4 =	vor.u32 s1, v25;
	v0 =	vld.idx.msk [tilespmem:v58+s4+$0x0], $0xffff  }
0x1db: {  	v8 =	vor.u32 s1, v29;
	v1 =	vld.idx.msk [tilespmem:v35+s4+$0x0], $0xffff  }
0x1dc: {  	v2 =	vld.idx.msk [tilespmem:v41+s4+$0x0], $0xffff;
	v58 =	vor.u32 s1, v30  }
0x1dd: {  	v10 =	vor.u32 s1, v31;
	v3 =	vld.idx.msk [tilespmem:v3+s4+$0x0], $0xffff  }
0x1de: {  	v16 =	vadd.s32 v38, v50  }
0x1df: {  	v11 =	vld.idx.msk [tilespmem:v60+s4+$0x0], $0xffff;
	v35 =	vor.u32 s30, v5;
	[tilespmem:v4+s19+$0x0] =	vst.idx.msk $0xffff, v0  }
0x1e0: {  	v17 =	vadd.s32 v33, v50;
	v60 =	vmov v38;
	v38 =	vor.u32 s30, v6;
	v4 =	vld.idx.msk [tilespmem:v61+s4+$0x0], $0xffff;
	[tilespmem:v8+s19+$0x0] =	vst.idx.msk $0xffff, v1  }
0x1e1: {  	v18 =	vadd.s32 v26, v50;
	v24 =	vmov v39;
	v39 =	vor.u32 s30, v7;
	v8 =	vld.idx.msk [tilespmem:v62+s4+$0x0], $0xffff;
	[tilespmem:v58+s19+$0x0] =	vst.idx.msk $0xffff, v2  }
0x1e2: {  	v9 =	vld.idx.msk [tilespmem:v63+s4+$0x0], $0xffff;
	v61 =	vadd.s32 v45, v50;
	[tilespmem:v10+s19+$0x0] =	vst.idx.msk $0xffff, v3;
	v3 =	vor.u32 s29, v25  }
0x1e3: {  	[tilespmem:v52+s19+$0x0] =	vst.idx.msk $0xffff, v59;
	v16 =	vld.idx.msk [tilespmem:v16+s4+$0x0], $0xffff  }
0x1e4: {  	v62 =	vadd.s32 v19, v49;
	[tilespmem:v35+s19+$0x0] =	vst.idx.msk $0xffff, v11;
	v10 =	vld.idx.msk [tilespmem:v53+s4+$0x0], $0xffff  }
0x1e5: {  	v63 =	vadd.s32 v36, v49;
	v41 =	vmov v33;
	v33 =	vld.idx.msk [tilespmem:v17+s4+$0x0], $0xffff;
	v17 =	vor.u32 s2, v5;
	[tilespmem:v38+s19+$0x0] =	vst.idx.msk $0xffff, v4  }
0x1e6: {  	v35 =	vadd.s32 v32, v49;
	v4 =	vld.idx.msk [tilespmem:v18+s4+$0x0], $0xffff;
	v18 =	vor.u32 s2, v6;
	[tilespmem:v39+s19+$0x0] =	vst.idx.msk $0xffff, v8  }
0x1e7: {  	v38 =	vadd.s32 v34, v49;
	v8 =	vld.idx.msk [tilespmem:v61+s4+$0x0], $0xffff;
	v39 =	vor.u32 s2, v7;
	[tilespmem:v3+s19+$0x0] =	vst.idx.msk $0xffff, v57  }
0x1e8: {  	[tilespmem:v56+s19+$0x0] =	vst.idx.msk $0xffff, v16  }
0x1e9: {  	v52 =	vld.idx.msk [tilespmem:v62+s4+$0x0], $0xffff;
	v3 =	vadd.s32 v19, v50;
	v16 =	vor.u32 s30, v12;
	[tilespmem:v55+s19+$0x0] =	vst.idx.msk $0xffff, v54  }
0x1ea: {  	v59 =	vor.u32 s30, v13;
	v0 =	vld.idx.msk [tilespmem:v63+s4+$0x0], $0xffff;
	[tilespmem:v17+s19+$0x0] =	vst.idx.msk $0xffff, v33  }
0x1eb: {  	v1 =	vld.idx.msk [tilespmem:v35+s4+$0x0], $0xffff;
	[tilespmem:v18+s19+$0x0] =	vst.idx.msk $0xffff, v4  }
0x1ec: {  	v45 =	vadd.s32 v36, v50;
	v2 =	vld.idx.msk [tilespmem:v38+s4+$0x0], $0xffff;
	v4 =	vor.u32 s30, v14;
	[tilespmem:v39+s19+$0x0] =	vst.idx.msk $0xffff, v8  }
0x1ed: {  	v27 =	vmov v28;
	v28 =	vld [tilespmem:$0x1FF30]  }
0x1ee: {  	v17 =	vadd.s32 v32, v50;
	v3 =	vld.idx.msk [tilespmem:v3+s4+$0x0], $0xffff;
	[tilespmem:v16+s19+$0x0] =	vst.idx.msk $0xffff, v52  }
0x1ef: {  	v39 =	vld [tilespmem:$0x1FF20];
	[tilespmem:v59+s19+$0x0] =	vst.idx.msk $0xffff, v0  }
0x1f0: {  	v18 =	vadd.s32 v34, v50;
	v8 =	vor.u32 s30, v15;
	v33 =	vld [tilespmem:$0x1FEF0]  }
0x1f1: {  	v61 =	vor.u32 s2, v12;
	v62 =	vld.idx.msk [tilespmem:v45+s4+$0x0], $0xffff;
	[tilespmem:v4+s19+$0x0] =	vst.idx.msk $0xffff, v1  }
0x1f2: {  	v63 =	vor.u32 s2, v13;
	v58 =	vld [tilespmem:$0x1FEE0];
	v53 =	vadd.s32 v28, v49  }
0x1f3: {  	v45 =	vld.idx.msk [tilespmem:v17+s4+$0x0], $0xffff;
	v17 =	vor.u32 s2, v14  }
0x1f4: {  	v59 =	vor.u32 s29, v30;
	v16 =	vadd.s32 v39, v49  }
0x1f5: {  	v4 =	vld.idx.msk [tilespmem:v18+s4+$0x0], $0xffff;
	v18 =	vor.u32 s2, v15;
	[tilespmem:v8+s19+$0x0] =	vst.idx.msk $0xffff, v2;
	v38 =	vadd.s32 v33, v49  }
0x1f6: {  	[tilespmem:v61+s19+$0x0] =	vst.idx.msk $0xffff, v3  }
0x1f7: {  	v3 =	vor.u32 s30, v20;
	[tilespmem:v63+s19+$0x0] =	vst.idx.msk $0xffff, v62;
	v57 =	vadd.s32 v58, v49;
	v53 =	vld.idx.msk [tilespmem:v53+s4+$0x0], $0xffff  }
0x1f8: {  	[tilespmem:v17+s19+$0x0] =	vst.idx.msk $0xffff, v45  }
0x1f9: {  	v8 =	vadd.s32 v28, v50;
	v62 =	vor.u32 s30, v21;
	[tilespmem:v59+s19+$0x0] =	vst.idx.msk $0xffff, v9;
	v16 =	vld.idx.msk [tilespmem:v16+s4+$0x0], $0xffff  }
0x1fa: {  	v61 =	vadd.s32 v39, v50;
	v45 =	vor.u32 s30, v22;
	[tilespmem:v18+s19+$0x0] =	vst.idx.msk $0xffff, v4;
	v0 =	vld.idx.msk [tilespmem:v38+s4+$0x0], $0xffff  }
0x1fb: {  	v38 =	vld [tilespmem:$0x1FF10]  }
0x1fc: {  	v1 =	vld.idx.msk [tilespmem:v57+s4+$0x0], $0xffff;
	[tilespmem:v3+s19+$0x0] =	vst.idx.msk $0xffff, v53  }
0x1fd: {  	v63 =	vadd.s32 v33, v50;
	v35 =	vld [tilespmem:$0x1FF00]  }
0x1fe: {  	v17 =	vadd.s32 v58, v50;
	v8 =	vld.idx.msk [tilespmem:v8+s4+$0x0], $0xffff;
	[tilespmem:v62+s19+$0x0] =	vst.idx.msk $0xffff, v16  }
0x1ff: {  	v4 =	vor.u32 s30, v23;
	v53 =	vld.idx.msk [tilespmem:v61+s4+$0x0], $0xffff;
	[tilespmem:v45+s19+$0x0] =	vst.idx.msk $0xffff, v0  }
0x200: {  	v9 =	vor.u32 s2, v20;
	v61 =	vld [tilespmem:$0x1FE90]  }
0x201: {  	v18 =	vor.u32 s2, v21;
	v2 =	vadd.s32 v38, v49  }
0x202: {  	v59 =	vld.idx.msk [tilespmem:v63+s4+$0x0], $0xffff;
	v57 =	vor.u32 s2, v22;
	v3 =	vadd.s32 v35, v49  }
0x203: {  	v63 =	vld.idx.msk [tilespmem:v17+s4+$0x0], $0xffff;
	v17 =	vor.u32 s2, v23;
	v16 =	vadd.s32 v37, v49  }
0x204: {  	v45 =	vadd.s32 v38, v50;
	[tilespmem:v4+s19+$0x0] =	vst.idx.msk $0xffff, v1  }
0x205: {  	[tilespmem:v9+s19+$0x0] =	vst.idx.msk $0xffff, v8;
	v62 =	vadd.s32 v61, v49  }
0x206: {  	v4 =	vor.u32 s30, v25;
	[tilespmem:v18+s19+$0x0] =	vst.idx.msk $0xffff, v53;
	v8 =	vadd.s32 v35, v50;
	v2 =	vld.idx.msk [tilespmem:v2+s4+$0x0], $0xffff  }
0x207: {  	v55 =	vor.u32 s30, v29;
	v18 =	vadd.s32 v37, v50;
	[tilespmem:v57+s19+$0x0] =	vst.idx.msk $0xffff, v59;
	v3 =	vld.idx.msk [tilespmem:v3+s4+$0x0], $0xffff  }
0x208: {  	v56 =	vor.u32 s30, v30;
	v16 =	vld.idx.msk [tilespmem:v16+s4+$0x0], $0xffff;
	[tilespmem:v17+s19+$0x0] =	vst.idx.msk $0xffff, v63;
	v57 =	vadd.s32 v61, v50  }
0x209: {  	v1 =	vld.idx.msk [tilespmem:v45+s4+$0x0], $0xffff;
	v61 =	vor.u32 s2, v25  }
0x20a: {  	[tilespmem:v51+s19+$0x0] =	vst.idx.msk $0xffff, v10;
	v59 =	vor.u32 s30, v31;
	v0 =	vld.idx.msk [tilespmem:v62+s4+$0x0], $0xffff  }
0x20b: {  	[tilespmem:v4+s19+$0x0] =	vst.idx.msk $0xffff, v2;
	v62 =	vld.idx.msk [tilespmem:v8+s4+$0x0], $0xffff;
	v4 =	vor.u32 s2, v29  }
0x20c: {  	v8 =	vor.u32 s2, v30;
	[tilespmem:v55+s19+$0x0] =	vst.idx.msk $0xffff, v3;
	v3 =	vld.idx.msk [tilespmem:v18+s4+$0x0], $0xffff  }
0x20d: {  	s30 =	sshll.u32 s26, $0x6;
	v63 =	vor.u32 s2, v31;
	[tilespmem:v56+s19+$0x0] =	vst.idx.msk $0xffff, v16;
	v16 =	vld.idx.msk [tilespmem:v57+s4+$0x0], $0xffff  }
0x20e: {  	s1 =	sor.u32 s5, s30;
	[tilespmem:v61+s19+$0x0] =	vst.idx.msk $0xffff, v1  }
0x20f: {  	p3 =	sge.u32 s31, s7;
	s1 =	smul.u32 $0x7000, s1;
	[tilespmem:v59+s19+$0x0] =	vst.idx.msk $0xffff, v0  }
0x210: {  	s2 =	sshll.u32 @!p3 s31, $0x5;
	[tilespmem:v4+s19+$0x0] =	vst.idx.msk $0xffff, v62  }
0x211: {  	s1 =	sshrl.u32 s1, $0x3;
	s2 =	sor.u32 @!p3 s5, s2;
	[tilespmem:v8+s19+$0x0] =	vst.idx.msk $0xffff, v3  }
0x212: {  	s1 =	sadd.s32 s3, s1;
	s2 =	smul.u32 @!p3 $0x1C00, s2;
	[tilespmem:v63+s19+$0x0] =	vst.idx.msk $0xffff, v16  }
0x213: {  	[hbm4b:s1+s4] =	stream.linear.scatter [tilespmem:s19], [sflag:$0x3], $0x7000, $0x38;
	[tilespmem:$0x1C000] =	vst v63  }
0x214: {  	s1 =	sshrl.u32 @!p3 s2, $0x3  }
0x215: {  	s2 =	simm.s32 @!p3 $0x0;
	s1 =	sadd.s32 @!p3 s0, s1  }
0x216: {  	[tilespmem:s2], [sflag:$0x1] =	stream.linear.gather @!p3 [hbm4b:s1+s2], $0x1C00, $0x38;
	[tilespmem:$0x1C000] =	vst v63  }
0x217: {  	s16 =	simm.s32 @!p3 $0x1C00;
	s15 =	sadd.s32 @!p3 $0xF4280, s1  }
0x218: {  	v49 =	vld [tilespmem:$0x1FF40];
	[tilespmem:s16], [sflag:$0x1] =	stream.linear.gather @!p3 [hbm4b:s15+s2], $0x1C00, $0x38  }
.Ltmp5:
0x219: {  	v50 =	vld [tilespmem:$0x1FF50];
	(pc) =	sbr.rel @p1 .LBB2_8-.Ltmp5, $4  }
0x21a: {  	v52 =	vmov v27;
	v27 =	vmov v21;
	v34 =	vmov v39;
	v61 =	vld [tilespmem:$0x1FEC0];
	s15 =	sadd.s32 @!p3 $0x1E8500, s1;
	s16 =	simm.s32 @!p3 $0x3800  }
0x21b: {  	v39 =	vmovc v20;
	v37 =	vmovc v13;
	v13 =	vmov v14;
	v14 =	vmov v15;
	v17 =	vmov v36;
	v62 =	vld [tilespmem:$0x1FED0];
	[tilespmem:s16], [sflag:$0x1] =	stream.linear.gather @!p3 [hbm4b:s15+s2], $0x1C00, $0x38  }
0x21c: {  	v36 =	vmovc v42;
	v45 =	vmovc v5;
	v5 =	vmov v6;
	v6 =	vmov v7;
	v18 =	vmov v24;
	v63 =	vld [tilespmem:$0x1FF80];
	s1 =	sadd.s32 @!p3 $0x2DC780, s1;
	s15 =	simm.s32 @!p3 $0x5400  }
0x21d: {  	v55 =	vmovc v60;
	v57 =	vmovc v26;
	v59 =	vmov v46;
	v4 =	vmov v40;
	v16 =	vmov v43;
	v51 =	vld [tilespmem:$0x1FF70];
	[tilespmem:s15], [sflag:$0x1] =	stream.linear.gather @!p3 [hbm4b:s1+s2], $0x1C00, $0x38  }
0x21e: {  	s1 =	simm.s32 $0x0;
	_ =	swait.ge [sflag:s20], $0x7000  }
0x21f: {  	v1 =	vlaneseq.u32;
	v0 =	vmov s1;
	v21 =	vld [tilespmem:$0x1FEA0]  }
0x220: {  	v1 =	vor.u32 s1, v1;
	v0 =	vshll.u32 v0, $0x3  }
0x221: {  	v1 =	vand.u32 $0x7F, v1;
	v0 =	vand.u32 $0x1C00, v0  }
0x222: {  	v53 =	vor.u32 v1, v0  }
0x223: {  	[sflag:s20] =	ssyncset.done $0x0;
	v0 =	vadd.s32 v61, v53  }
0x224: {  	s2 =	simm.s32 @!p2 $0x4;
	[sflag:s20] =	ssyncadd.s32 $0xFFFF9000;
	v1 =	vadd.s32 v21, v53  }
0x225: {  	_ =	swait.ge @!p2 [sflag:s2], $0x7000;
	v2 =	vadd.s32 v62, v53  }
0x226: {  	[sflag:s2] =	ssyncset.done @!p2 $0x0;
	v3 =	vadd.s32 v49, v53  }
0x227: {  	[sflag:s2] =	ssyncadd.s32 @!p2 $0xFFFF9000  }
0x228: {  	v7 =	vmov v5;
	v5 =	vmov v4;
	v4 =	vor.u32 s1, v48;
	v0 =	vld.idx.msk [tilespmem:v0+s21+$0x0], $0xffff  }
0x229: {  	v8 =	vor.u32 s1, v45;
	v1 =	vld.idx.msk [tilespmem:v1+s21+$0x0], $0xffff  }
0x22a: {  	v15 =	vmovc v13;
	v13 =	vmov v12;
	v12 =	vmov v6;
	v9 =	vor.u32 s1, v7;
	v2 =	vld.idx.msk [tilespmem:v2+s21+$0x0], $0xffff  }
0x22b: {  	v10 =	vor.u32 s1, v12;
	v3 =	vld.idx.msk [tilespmem:v3+s21+$0x0], $0xffff  }
0x22c: {  	v11 =	vadd.s32 v50, v53  }
0x22d: {  	[tilespmem:v4+s22+$0x0] =	vst.idx.msk $0xffff, v0;
	v0 =	vadd.s32 v51, v53  }
0x22e: {  	[tilespmem:v8+s22+$0x0] =	vst.idx.msk $0xffff, v1;
	v1 =	vadd.s32 v16, v53  }
0x22f: {  	[tilespmem:v9+s22+$0x0] =	vst.idx.msk $0xffff, v2;
	v2 =	vadd.s32 v44, v53  }
0x230: {  	[tilespmem:v10+s22+$0x0] =	vst.idx.msk $0xffff, v3  }
0x231: {  	v4 =	vor.u32 s1, v13;
	v3 =	vld.idx.msk [tilespmem:v11+s21+$0x0], $0xffff  }
0x232: {  	v8 =	vor.u32 s1, v37;
	v0 =	vld.idx.msk [tilespmem:v0+s21+$0x0], $0xffff  }
0x233: {  	v24 =	vmov v14;
	v9 =	vor.u32 s1, v15;
	v1 =	vld.idx.msk [tilespmem:v1+s21+$0x0], $0xffff  }
0x234: {  	v10 =	vor.u32 s1, v24;
	v2 =	vld.idx.msk [tilespmem:v2+s21+$0x0], $0xffff  }
0x235: {  	v11 =	vadd.s32 v63, v53  }
0x236: {  	[tilespmem:v4+s22+$0x0] =	vst.idx.msk $0xffff, v3  }
0x237: {  	[tilespmem:v8+s22+$0x0] =	vst.idx.msk $0xffff, v0  }
0x238: {  	v3 =	vadd.s32 v59, v53;
	[tilespmem:v9+s22+$0x0] =	vst.idx.msk $0xffff, v1  }
0x239: {  	v0 =	vadd.s32 v47, v53;
	[tilespmem:v10+s22+$0x0] =	vst.idx.msk $0xffff, v2  }
0x23a: {  	v4 =	vor.u32 s1, v39;
	v1 =	vadd.s32 v5, v53;
	v2 =	vld.idx.msk [tilespmem:v11+s21+$0x0], $0xffff;
	_ =	sdelay $0x2  }
0x23b: {  	v3 =	vld.idx.msk [tilespmem:v3+s21+$0x0], $0xffff  }
0x23c: {  	v0 =	vld.idx.msk [tilespmem:v0+s21+$0x0], $0xffff  }
0x23d: {  	v1 =	vld.idx.msk [tilespmem:v1+s21+$0x0], $0xffff;
	[tilespmem:v4+s22+$0x0] =	vst.idx.msk $0xffff, v2  }
0x23e: {  	v56 =	vld [tilespmem:$0x1FEB0]  }
0x23f: {  	v8 =	vor.u32 s1, v27  }
0x240: {  	v9 =	vor.u32 s1, v22  }
0x241: {  	v10 =	vor.u32 s1, v23  }
0x242: {  	v54 =	vmov v16;
	v16 =	vadd.s32 v36, v53  }
0x243: {  	s29 =	simm.s32 $0x10;
	v2 =	vadd.s32 v56, v53  }
0x244: {  	v11 =	vmov s29;
	[tilespmem:v8+s22+$0x0] =	vst.idx.msk $0xffff, v3;
	v3 =	vadd.s32 v52, v53  }
0x245: {  	v26 =	vlaneseq.u32;
	v11 =	vshll.u32 v11, $0x3;
	[tilespmem:v9+s22+$0x0] =	vst.idx.msk $0xffff, v0  }
0x246: {  	v60 =	vmov v17;
	v17 =	vor.u32 s29, v26;
	v11 =	vand.u32 $0x1C00, v11;
	[tilespmem:v10+s22+$0x0] =	vst.idx.msk $0xffff, v1  }
0x247: {  	v4 =	vand.u32 $0x7F, v17;
	v0 =	vadd.s32 v18, v53;
	v9 =	vor.u32 s1, v25;
	v8 =	vld.idx.msk [tilespmem:v16+s21+$0x0], $0xffff  }
0x248: {  	v34 =	vmovc v49;
	v40 =	vmov v30;
	v49 =	vor.u32 v4, v11;
	v11 =	vor.u32 s1, v29;
	v2 =	vld.idx.msk [tilespmem:v2+s21+$0x0], $0xffff  }
0x249: {  	v17 =	vor.u32 s1, v40;
	v3 =	vld.idx.msk [tilespmem:v3+s21+$0x0], $0xffff;
	_ =	sdelay $0x1  }
0x24a: {  	v26 =	vld [tilespmem:$0x1FE60]  }
0x24b: {  	v0 =	vld.idx.msk [tilespmem:v0+s21+$0x0], $0xffff;
	[tilespmem:v9+s22+$0x0] =	vst.idx.msk $0xffff, v8  }
0x24c: {  	v4 =	vadd.s32 v61, v49;
	[tilespmem:v11+s22+$0x0] =	vst.idx.msk $0xffff, v2  }
0x24d: {  	v1 =	vadd.s32 v21, v49;
	[tilespmem:v17+s22+$0x0] =	vst.idx.msk $0xffff, v3  }
0x24e: {  	v20 =	vmov v32;
	v10 =	vadd.s32 v62, v49;
	v32 =	vld [tilespmem:$0x1FE50]  }
0x24f: {  	v18 =	vor.u32 s1, v31;
	v16 =	vadd.s32 v34, v49  }
0x250: {  	v14 =	vmovc v37;
	s16 =	simm.s32 $0x200;
	v37 =	vmov v33;
	v33 =	vmov v50;
	v50 =	vadd.s32 v55, v53  }
0x251: {  	v6 =	vmovc v45;
	v58 =	vmov v51;
	v51 =	vor.u32 s16, v48;
	v4 =	vld.idx.msk [tilespmem:v4+s21+$0x0], $0xffff;
	v8 =	vadd.s32 v41, v53  }
0x252: {  	v1 =	vld.idx.msk [tilespmem:v1+s21+$0x0], $0xffff;
	v9 =	vor.u32 s16, v6;
	v2 =	vadd.s32 v57, v53  }
0x253: {  	v10 =	vld.idx.msk [tilespmem:v10+s21+$0x0], $0xffff;
	v11 =	vor.u32 s16, v7;
	v3 =	vadd.s32 v32, v53  }
0x254: {  	v16 =	vld.idx.msk [tilespmem:v16+s21+$0x0], $0xffff;
	v17 =	vor.u32 s16, v12;
	[tilespmem:v18+s22+$0x0] =	vst.idx.msk $0xffff, v0  }
0x255: {  	v43 =	vmov v57;
	v57 =	vadd.s32 v33, v49;
	v0 =	vor.u32 s29, v48;
	v18 =	vld.idx.msk [tilespmem:v50+s21+$0x0], $0xffff  }
0x256: {  	v46 =	vmov v41;
	v41 =	vor.u32 s29, v6;
	[tilespmem:v51+s22+$0x0] =	vst.idx.msk $0xffff, v4;
	v4 =	vadd.s32 v58, v49;
	v8 =	vld.idx.msk [tilespmem:v8+s21+$0x0], $0xffff  }
0x257: {  	[tilespmem:v9+s22+$0x0] =	vst.idx.msk $0xffff, v1;
	v1 =	vadd.s32 v54, v49;
	v9 =	vor.u32 s29, v7;
	v2 =	vld.idx.msk [tilespmem:v2+s21+$0x0], $0xffff  }
0x258: {  	v45 =	vmov v19;
	[tilespmem:v11+s22+$0x0] =	vst.idx.msk $0xffff, v10;
	v10 =	vadd.s32 v44, v49;
	v11 =	vor.u32 s29, v12;
	v3 =	vld.idx.msk [tilespmem:v3+s21+$0x0], $0xffff  }
0x259: {  	[tilespmem:v17+s22+$0x0] =	vst.idx.msk $0xffff, v16;
	v16 =	vadd.s32 v45, v53  }
0x25a: {  	v19 =	vmov v55;
	v55 =	vor.u32 s16, v13;
	v17 =	vld.idx.msk [tilespmem:v57+s21+$0x0], $0xffff;
	[tilespmem:v0+s22+$0x0] =	vst.idx.msk $0xffff, v18  }
0x25b: {  	v4 =	vld.idx.msk [tilespmem:v4+s21+$0x0], $0xffff;
	v18 =	vor.u32 s16, v14;
	[tilespmem:v41+s22+$0x0] =	vst.idx.msk $0xffff, v8  }
0x25c: {  	v57 =	vor.u32 s16, v15;
	v1 =	vld.idx.msk [tilespmem:v1+s21+$0x0], $0xffff;
	v0 =	vadd.s32 v60, v53;
	[tilespmem:v9+s22+$0x0] =	vst.idx.msk $0xffff, v2  }
0x25d: {  	v8 =	vadd.s32 v20, v53;
	v9 =	vld.idx.msk [tilespmem:v10+s21+$0x0], $0xffff;
	v10 =	vor.u32 s16, v24;
	[tilespmem:v11+s22+$0x0] =	vst.idx.msk $0xffff, v3  }
0x25e: {  	v2 =	vadd.s32 v26, v53;
	v11 =	vld.idx.msk [tilespmem:v16+s21+$0x0], $0xffff;
	v16 =	vor.u32 s29, v13  }
0x25f: {  	[tilespmem:v55+s22+$0x0] =	vst.idx.msk $0xffff, v17  }
0x260: {  	v3 =	vadd.s32 v63, v49;
	[tilespmem:v18+s22+$0x0] =	vst.idx.msk $0xffff, v4  }
0x261: {  	v17 =	vadd.s32 v59, v49;
	v0 =	vld.idx.msk [tilespmem:v0+s21+$0x0], $0xffff;
	[tilespmem:v57+s22+$0x0] =	vst.idx.msk $0xffff, v1  }
0x262: {  	v59 =	vor.u32 s29, v14;
	v4 =	vadd.s32 v47, v49;
	v8 =	vld.idx.msk [tilespmem:v8+s21+$0x0], $0xffff;
	[tilespmem:v10+s22+$0x0] =	vst.idx.msk $0xffff, v9  }
0x263: {  	v18 =	vor.u32 s29, v15;
	v2 =	vld.idx.msk [tilespmem:v2+s21+$0x0], $0xffff;
	[tilespmem:v16+s22+$0x0] =	vst.idx.msk $0xffff, v11  }
0x264: {  	v41 =	vmov v5;
	v63 =	vor.u32 s29, v24;
	v1 =	vadd.s32 v5, v49;
	v5 =	vld [tilespmem:$0x1FF20]  }
0x265: {  	v10 =	vor.u32 s16, v39;
	v3 =	vld.idx.msk [tilespmem:v3+s21+$0x0], $0xffff  }
0x266: {  	v16 =	vld.idx.msk [tilespmem:v17+s21+$0x0], $0xffff;
	v17 =	vor.u32 s16, v27  }
0x267: {  	v51 =	vor.u32 s16, v22;
	v4 =	vld.idx.msk [tilespmem:v4+s21+$0x0], $0xffff;
	[tilespmem:v59+s22+$0x0] =	vst.idx.msk $0xffff, v0  }
0x268: {  	[tilespmem:v18+s22+$0x0] =	vst.idx.msk $0xffff, v8  }
0x269: {  	v9 =	vadd.s32 v28, v53;
	v11 =	vadd.s32 v5, v53;
	v5 =	vld [tilespmem:$0x1FEE0];
	[tilespmem:v63+s22+$0x0] =	vst.idx.msk $0xffff, v2  }
0x26a: {  	v1 =	vld.idx.msk [tilespmem:v1+s21+$0x0], $0xffff;
	[tilespmem:v10+s22+$0x0] =	vst.idx.msk $0xffff, v3  }
0x26b: {  	[tilespmem:v17+s22+$0x0] =	vst.idx.msk $0xffff, v16  }
0x26c: {  	s31 =	simm.s32 $0x20;
	v58 =	vmovc v20;
	v20 =	vlaneseq.u32;
	v0 =	vadd.s32 v37, v53;
	v18 =	vor.u32 s16, v23;
	[tilespmem:v51+s22+$0x0] =	vst.idx.msk $0xffff, v4  }
0x26d: {  	v47 =	vor.u32 s29, v39;
	v57 =	vmov s31;
	v59 =	vadd.s32 v36, v49;
	v28 =	vld [tilespmem:$0x1FFE0]  }
0x26e: {  	v50 =	vshll.u32 v57, $0x3;
	v63 =	vor.u32 s31, v20;
	v3 =	vadd.s32 v56, v49;
	v9 =	vld.idx.msk [tilespmem:v9+s21+$0x0], $0xffff  }
0x26f: {  	v30 =	vmovc v52;
	v50 =	vand.u32 $0x1C00, v50;
	v8 =	vadd.s32 v5, v53;
	v10 =	vld.idx.msk [tilespmem:v11+s21+$0x0], $0xffff;
	v11 =	vand.u32 $0x7F, v63  }
0x270: {  	v2 =	vor.u32 s29, v27;
	v16 =	vadd.s32 v30, v49;
	v50 =	vor.u32 v11, v50  }
0x271: {  	v0 =	vld.idx.msk [tilespmem:v0+s21+$0x0], $0xffff;
	[tilespmem:v18+s22+$0x0] =	vst.idx.msk $0xffff, v1;
	v11 =	vor.u32 s29, v22;
	v17 =	vadd.s32 v21, v50  }
0x272: {  	v51 =	vld.idx.msk [tilespmem:v59+s21+$0x0], $0xffff;
	v4 =	vadd.s32 v28, v49  }
0x273: {  	v37 =	vmov v56;
	v56 =	vor.u32 s16, v25;
	v55 =	vld.idx.msk [tilespmem:v3+s21+$0x0], $0xffff;
	v54 =	vadd.s32 v61, v50  }
0x274: {  	v1 =	vor.u32 s29, v23;
	v57 =	vadd.s32 v34, v50;
	v8 =	vld.idx.msk [tilespmem:v8+s21+$0x0], $0xffff;
	[tilespmem:v47+s22+$0x0] =	vst.idx.msk $0xffff, v9  }
0x275: {  	v18 =	vadd.s32 v62, v50;
	v9 =	vld.idx.msk [tilespmem:v16+s21+$0x0], $0xffff;
	v16 =	vor.u32 s16, v29;
	[tilespmem:v2+s22+$0x0] =	vst.idx.msk $0xffff, v10  }
0x276: {  	v34 =	vor.u32 s16, v40;
	v47 =	vadd.s32 v38, v53;
	[tilespmem:v11+s22+$0x0] =	vst.idx.msk $0xffff, v0;
	v0 =	vld.idx.msk [tilespmem:v17+s21+$0x0], $0xffff  }
0x277: {  	v11 =	vor.u32 s16, v31;
	v17 =	vadd.s32 v35, v53;
	v10 =	vld.idx.msk [tilespmem:v4+s21+$0x0], $0xffff  }
0x278: {  	v3 =	vld.idx.msk [tilespmem:v54+s21+$0x0], $0xffff;
	[tilespmem:v56+s22+$0x0] =	vst.idx.msk $0xffff, v51  }
0x279: {  	v2 =	vld.idx.msk [tilespmem:v57+s21+$0x0], $0xffff;
	[tilespmem:v1+s22+$0x0] =	vst.idx.msk $0xffff, v8  }
0x27a: {  	v1 =	vld.idx.msk [tilespmem:v18+s21+$0x0], $0xffff;
	[tilespmem:v16+s22+$0x0] =	vst.idx.msk $0xffff, v55  }
0x27b: {  	[tilespmem:v34+s22+$0x0] =	vst.idx.msk $0xffff, v9;
	v57 =	vld.idx.msk [tilespmem:v47+s21+$0x0], $0xffff  }
0x27c: {  	v54 =	vld.idx.msk [tilespmem:v17+s21+$0x0], $0xffff;
	[tilespmem:v11+s22+$0x0] =	vst.idx.msk $0xffff, v10  }
0x27d: {  	s30 =	simm.s32 $0x210;
	v18 =	vadd.s32 v19, v49;
	v10 =	vld [tilespmem:$0x1FF60]  }
0x27e: {  	v42 =	vmov v27;
	v52 =	vor.u32 s30, v48;
	v20 =	vmov v24;
	v5 =	vld [tilespmem:$0x1FE90]  }
0x27f: {  	v27 =	vmovc v45;
	v45 =	vmovc v60;
	v60 =	vadd.s32 v32, v49;
	v21 =	vmov v58;
	v58 =	vadd.s32 v33, v50;
	v33 =	vld [tilespmem:$0x1FF70]  }
0x280: {  	s2 =	simm.s32 $0x410;
	s1 =	simm.s32 $0x400;
	v24 =	vmovc v30;
	v30 =	vmovc v40;
	v61 =	vadd.s32 v46, v49;
	v62 =	vadd.s32 v43, v49;
	v38 =	vmov v37;
	v34 =	vld [tilespmem:$0x1FF90]  }
0x281: {  	v35 =	vmovc v36;
	v56 =	vor.u32 s2, v48;
	v51 =	vor.u32 s29, v31;
	v4 =	vor.u32 s1, v6;
	v47 =	vmovc v32;
	v32 =	vld [tilespmem:$0x1FF80]  }
0x282: {  	v36 =	vmovc v19;
	v8 =	vor.u32 s1, v48;
	v55 =	vor.u32 s29, v29;
	v9 =	vor.u32 s1, v7;
	v17 =	vmovc v43;
	v59 =	vld.idx.msk [tilespmem:v18+s21+$0x0], $0xffff  }
0x283: {  	v43 =	vmovc v41;
	v41 =	vmovc v24;
	v18 =	vmov v46;
	v46 =	vmov v44;
	v44 =	vmov v45;
	v45 =	vld [tilespmem:$0x1FFC0]  }
0x284: {  	s15 =	simm.s32 $0x30;
	v40 =	vmovc v17;
	v37 =	vmovc v18;
	v63 =	vadd.s32 v10, v53;
	v10 =	vor.u32 s1, v12;
	v53 =	vadd.s32 v5, v53;
	v5 =	vld [tilespmem:$0x1FFD0]  }
.LBB2_6:
0x285: {  	_ =	sdelay $0x1  }
0x286: {  	v11 =	vld.idx.msk [tilespmem:v61+s21+$0x0], $0xffff;
	[tilespmem:v8+s22+$0x0] =	vst.idx.msk $0xffff, v3  }
0x287: {  	v3 =	vadd.s32 v33, v50;
	v8 =	vor.u32 s30, v6;
	v16 =	vld.idx.msk [tilespmem:v62+s21+$0x0], $0xffff;
	[tilespmem:v4+s22+$0x0] =	vst.idx.msk $0xffff, v0  }
0x288: {  	v0 =	vadd.s32 v34, v50;
	v4 =	vor.u32 s30, v7;
	v17 =	vld.idx.msk [tilespmem:v60+s21+$0x0], $0xffff;
	[tilespmem:v9+s22+$0x0] =	vst.idx.msk $0xffff, v1  }
0x289: {  	v1 =	vadd.s32 v46, v50;
	v9 =	vor.u32 s30, v12;
	v60 =	vld.idx.msk [tilespmem:v63+s21+$0x0], $0xffff;
	[tilespmem:v10+s22+$0x0] =	vst.idx.msk $0xffff, v2  }
0x28a: {  	v18 =	vor.u32 s29, v25;
	v2 =	vadd.s32 v27, v49;
	v10 =	vld.idx.msk [tilespmem:v53+s21+$0x0], $0xffff  }
0x28b: {  	v62 =	vadd.s32 v44, v49;
	v61 =	vld.idx.msk [tilespmem:v58+s21+$0x0], $0xffff;
	[tilespmem:v52+s22+$0x0] =	vst.idx.msk $0xffff, v59  }
0x28c: {  	v63 =	vor.u32 s1, v13;
	v3 =	vld.idx.msk [tilespmem:v3+s21+$0x0], $0xffff;
	[tilespmem:v8+s22+$0x0] =	vst.idx.msk $0xffff, v11  }
0x28d: {  	v8 =	vadd.s32 v21, v49;
	v11 =	vor.u32 s1, v14;
	v0 =	vld.idx.msk [tilespmem:v0+s21+$0x0], $0xffff;
	[tilespmem:v4+s22+$0x0] =	vst.idx.msk $0xffff, v16  }
0x28e: {  	v4 =	vadd.s32 v26, v49;
	v16 =	vor.u32 s1, v15;
	v1 =	vld.idx.msk [tilespmem:v1+s21+$0x0], $0xffff;
	[tilespmem:v9+s22+$0x0] =	vst.idx.msk $0xffff, v17  }
0x28f: {  	v9 =	vor.u32 s1, v20;
	v2 =	vld.idx.msk [tilespmem:v2+s21+$0x0], $0xffff;
	[tilespmem:v18+s22+$0x0] =	vst.idx.msk $0xffff, v57  }
0x290: {  	v17 =	vadd.s32 v32, v50;
	v57 =	vld.idx.msk [tilespmem:v62+s21+$0x0], $0xffff;
	[tilespmem:v55+s22+$0x0] =	vst.idx.msk $0xffff, v54  }
0x291: {  	v19 =	vld [tilespmem:$0x1FEF0];
	v18 =	vor.u32 s30, v13;
	[tilespmem:v63+s22+$0x0] =	vst.idx.msk $0xffff, v61  }
0x292: {  	v62 =	vor.u32 s30, v14;
	v61 =	vadd.s32 v45, v50;
	v8 =	vld.idx.msk [tilespmem:v8+s21+$0x0], $0xffff;
	[tilespmem:v11+s22+$0x0] =	vst.idx.msk $0xffff, v3  }
0x293: {  	v3 =	vadd.s32 v5, v50;
	v4 =	vld.idx.msk [tilespmem:v4+s21+$0x0], $0xffff;
	[tilespmem:v16+s22+$0x0] =	vst.idx.msk $0xffff, v0  }
0x294: {  	v11 =	vor.u32 s30, v15;
	[tilespmem:v9+s22+$0x0] =	vst.idx.msk $0xffff, v1;
	v1 =	vld [tilespmem:$0x1FF30]  }
0x295: {  	v9 =	vld.idx.msk [tilespmem:v17+s21+$0x0], $0xffff  }
0x296: {  	[tilespmem:v18+s22+$0x0] =	vst.idx.msk $0xffff, v2;
	v2 =	vld [tilespmem:$0x1FF20]  }
0x297: {  	v17 =	vld.idx.msk [tilespmem:v61+s21+$0x0], $0xffff;
	[tilespmem:v62+s22+$0x0] =	vst.idx.msk $0xffff, v57  }
0x298: {  	v3 =	vld.idx.msk [tilespmem:v3+s21+$0x0], $0xffff  }
0x299: {  	v0 =	vadd.s32 v43, v50;
	v16 =	vor.u32 s30, v20;
	[tilespmem:v11+s22+$0x0] =	vst.idx.msk $0xffff, v8;
	v8 =	vld [tilespmem:$0x1FEE0]  }
0x29a: {  	v63 =	vor.u32 s29, v30;
	v1 =	vadd.s32 v1, v49  }
0x29b: {  	v2 =	vadd.s32 v2, v49  }
0x29c: {  	v18 =	vor.u32 s1, v39  }
0x29d: {  	v53 =	vadd.s32 v19, v49;
	v54 =	vor.u32 s1, v42  }
0x29e: {  	v11 =	vor.u32 s1, v22;
	v0 =	vld.idx.msk [tilespmem:v0+s21+$0x0], $0xffff;
	[tilespmem:v16+s22+$0x0] =	vst.idx.msk $0xffff, v4;
	v8 =	vadd.s32 v8, v49  }
0x29f: {  	v4 =	vor.u32 s1, v23;
	v1 =	vld.idx.msk [tilespmem:v1+s21+$0x0], $0xffff;
	[tilespmem:v63+s22+$0x0] =	vst.idx.msk $0xffff, v60  }
0x2a0: {  	v2 =	vld.idx.msk [tilespmem:v2+s21+$0x0], $0xffff;
	[tilespmem:v51+s22+$0x0] =	vst.idx.msk $0xffff, v10  }
0x2a1: {  	[tilespmem:v18+s22+$0x0] =	vst.idx.msk $0xffff, v9  }
0x2a2: {  	v18 =	vld.idx.msk [tilespmem:v53+s21+$0x0], $0xffff;
	[tilespmem:v54+s22+$0x0] =	vst.idx.msk $0xffff, v17  }
0x2a3: {  	v8 =	vld.idx.msk [tilespmem:v8+s21+$0x0], $0xffff;
	[tilespmem:v11+s22+$0x0] =	vst.idx.msk $0xffff, v3  }
0x2a4: {  	s16 =	smov.u32 s15;
	[tilespmem:v4+s22+$0x0] =	vst.idx.msk $0xffff, v0;
	v0 =	vld [tilespmem:$0x1FED0]  }
0x2a5: {  	v60 =	vmov s16;
	v10 =	vlaneseq.u32  }
0x2a6: {  	v63 =	vshll.u32 v60, $0x3;
	v10 =	vor.u32 s16, v10  }
0x2a7: {  	v51 =	vand.u32 $0x1C00, v63;
	v10 =	vand.u32 $0x7F, v10  }
0x2a8: {  	v19 =	vor.u32 v10, v51  }
0x2a9: {  	v4 =	vadd.s32 v0, v19;
	v0 =	vld [tilespmem:$0x1FF40];
	_ =	sdelay $0x3  }
0x2aa: {  	v61 =	vadd.s32 v35, v50;
	v11 =	vld [tilespmem:$0x1FEC0]  }
0x2ab: {  	s29 =	smov.u32 s30;
	v53 =	vadd.s32 v0, v19;
	v0 =	vld [tilespmem:$0x1FF50]  }
0x2ac: {  	v16 =	vor.u32 s29, v39  }
0x2ad: {  	v24 =	vld [tilespmem:$0x1FEA0];
	v52 =	vmov v56;
	v56 =	vor.u32 s29, v42;
	v9 =	vadd.s32 v38, v50  }
0x2ae: {  	v62 =	vor.u32 s29, v22;
	v17 =	vadd.s32 v41, v50  }
0x2af: {  	v3 =	vadd.s32 v28, v50;
	v10 =	vor.u32 s29, v23;
	v54 =	vld.idx.msk [tilespmem:v61+s21+$0x0], $0xffff  }
0x2b0: {  	v11 =	vadd.s32 v11, v19;
	v58 =	vadd.s32 v0, v19;
	v0 =	vld [tilespmem:$0x1FF10]  }
0x2b1: {  	[tilespmem:v16+s22+$0x0] =	vst.idx.msk $0xffff, v1;
	v1 =	vld [tilespmem:$0x1FF00]  }
0x2b2: {  	v51 =	vadd.s32 v24, v19;
	v16 =	vor.u32 s1, v25;
	v9 =	vld.idx.msk [tilespmem:v9+s21+$0x0], $0xffff;
	[tilespmem:v56+s22+$0x0] =	vst.idx.msk $0xffff, v2  }
0x2b3: {  	v55 =	vor.u32 s1, v29;
	v17 =	vld.idx.msk [tilespmem:v17+s21+$0x0], $0xffff;
	[tilespmem:v62+s22+$0x0] =	vst.idx.msk $0xffff, v18  }
0x2b4: {  	v57 =	vor.u32 s1, v30;
	v18 =	vld.idx.msk [tilespmem:v3+s21+$0x0], $0xffff;
	[tilespmem:v10+s22+$0x0] =	vst.idx.msk $0xffff, v8  }
0x2b5: {  	v3 =	vld.idx.msk [tilespmem:v11+s21+$0x0], $0xffff;
	v10 =	vadd.s32 v0, v49  }
0x2b6: {  	v63 =	vadd.s32 v1, v49;
	v1 =	vld.idx.msk [tilespmem:v4+s21+$0x0], $0xffff  }
0x2b7: {  	v0 =	vld.idx.msk [tilespmem:v51+s21+$0x0], $0xffff;
	[tilespmem:v16+s22+$0x0] =	vst.idx.msk $0xffff, v54  }
0x2b8: {  	v2 =	vld.idx.msk [tilespmem:v53+s21+$0x0], $0xffff;
	[tilespmem:v55+s22+$0x0] =	vst.idx.msk $0xffff, v9  }
0x2b9: {  	v59 =	vor.u32 s1, v31;
	v11 =	vld [tilespmem:$0x1FE90];
	[tilespmem:v57+s22+$0x0] =	vst.idx.msk $0xffff, v17  }
0x2ba: {  	v57 =	vld.idx.msk [tilespmem:v10+s21+$0x0], $0xffff  }
0x2bb: {  	p1 =	sne.s32 s15, $0x370;
	v24 =	vadd.s32 v36, v50;
	s1 =	sadd.s32 $0x200, s1;
	v10 =	vld [tilespmem:$0x1FF60]  }
.Ltmp6:
0x2bc: {  	s30 =	smov.u32 s2;
	s2 =	sadd.s32 $0x10, s1;
	(pc) =	sbr.rel @p1 .LBB2_6-.Ltmp6, $4  }
0x2bd: {  	v60 =	vadd.s32 v47, v50;
	v61 =	vadd.s32 v37, v50;
	v56 =	vor.u32 s2, v48  }
0x2be: {  	v62 =	vadd.s32 v40, v50;
	v8 =	vor.u32 s1, v48;
	v4 =	vor.u32 s1, v6;
	[tilespmem:v59+s22+$0x0] =	vst.idx.msk $0xffff, v18  }
0x2bf: {  	v51 =	vor.u32 s29, v31;
	v9 =	vor.u32 s1, v7;
	v53 =	vadd.s32 v11, v49;
	v54 =	vld.idx.msk [tilespmem:v63+s21+$0x0], $0xffff  }
0x2c0: {  	s15 =	sadd.s32 $0x10, s15;
	v55 =	vor.u32 s29, v29;
	v59 =	vld.idx.msk [tilespmem:v24+s21+$0x0], $0xffff;
	v63 =	vadd.s32 v10, v49;
	v10 =	vor.u32 s1, v12;
	v49 =	vmovc v50;
	v50 =	vmovc v19  }
0x2c1: {  	_ =	sdelay $0x3  }
0x2c2: {  	[tilespmem:v8+s22+$0x0] =	vst.idx.msk $0xffff, v3;
	v3 =	vadd.s32 v33, v50  }
0x2c3: {  	v33 =	vadd.s32 v34, v50;
	[tilespmem:v4+s22+$0x0] =	vst.idx.msk $0xffff, v0  }
0x2c4: {  	v34 =	vadd.s32 v46, v50;
	[tilespmem:v9+s22+$0x0] =	vst.idx.msk $0xffff, v1  }
0x2c5: {  	[tilespmem:v10+s22+$0x0] =	vst.idx.msk $0xffff, v2  }
0x2c6: {  	v4 =	vor.u32 s1, v13;
	v2 =	vld.idx.msk [tilespmem:v58+s21+$0x0], $0xffff  }
0x2c7: {  	v8 =	vor.u32 s1, v14;
	v3 =	vld.idx.msk [tilespmem:v3+s21+$0x0], $0xffff  }
0x2c8: {  	v46 =	vor.u32 s1, v15;
	v0 =	vld.idx.msk [tilespmem:v33+s21+$0x0], $0xffff  }
0x2c9: {  	v10 =	vor.u32 s1, v20;
	v1 =	vld.idx.msk [tilespmem:v34+s21+$0x0], $0xffff  }
0x2ca: {  	v11 =	vadd.s32 v32, v50  }
0x2cb: {  	v58 =	vadd.s32 v45, v50;
	[tilespmem:v4+s22+$0x0] =	vst.idx.msk $0xffff, v2  }
0x2cc: {  	[tilespmem:v8+s22+$0x0] =	vst.idx.msk $0xffff, v3;
	v3 =	vadd.s32 v5, v50  }
0x2cd: {  	v34 =	vmov v45;
	v45 =	vmov v43;
	v43 =	vadd.s32 v43, v50;
	[tilespmem:v46+s22+$0x0] =	vst.idx.msk $0xffff, v0  }
0x2ce: {  	[tilespmem:v10+s22+$0x0] =	vst.idx.msk $0xffff, v1  }
0x2cf: {  	v4 =	vor.u32 s1, v39;
	v1 =	vld.idx.msk [tilespmem:v11+s21+$0x0], $0xffff  }
0x2d0: {  	v8 =	vor.u32 s1, v42;
	v2 =	vld.idx.msk [tilespmem:v58+s21+$0x0], $0xffff  }
0x2d1: {  	v46 =	vor.u32 s1, v22;
	v3 =	vld.idx.msk [tilespmem:v3+s21+$0x0], $0xffff  }
0x2d2: {  	v0 =	vld.idx.msk [tilespmem:v43+s21+$0x0], $0xffff;
	v43 =	vor.u32 s1, v23  }
0x2d3: {  	v58 =	vadd.s32 v35, v50  }
0x2d4: {  	v33 =	vadd.s32 v38, v50;
	[tilespmem:v4+s22+$0x0] =	vst.idx.msk $0xffff, v1  }
0x2d5: {  	v38 =	vadd.s32 v41, v50;
	[tilespmem:v8+s22+$0x0] =	vst.idx.msk $0xffff, v2  }
0x2d6: {  	[tilespmem:v46+s22+$0x0] =	vst.idx.msk $0xffff, v3;
	v3 =	vadd.s32 v28, v50  }
0x2d7: {  	[tilespmem:v43+s22+$0x0] =	vst.idx.msk $0xffff, v0  }
0x2d8: {  	v4 =	vor.u32 s1, v25;
	v0 =	vld.idx.msk [tilespmem:v58+s21+$0x0], $0xffff  }
0x2d9: {  	v8 =	vor.u32 s1, v29;
	v1 =	vld.idx.msk [tilespmem:v33+s21+$0x0], $0xffff  }
0x2da: {  	v43 =	vor.u32 s1, v30;
	v2 =	vld.idx.msk [tilespmem:v38+s21+$0x0], $0xffff  }
0x2db: {  	v58 =	vor.u32 s1, v31;
	v3 =	vld.idx.msk [tilespmem:v3+s21+$0x0], $0xffff  }
0x2dc: {  	v32 =	vmov v5;
	v16 =	vadd.s32 v36, v50  }
0x2dd: {  	v17 =	vadd.s32 v37, v50;
	v5 =	vmov v36;
	v36 =	vor.u32 s30, v6;
	v33 =	vld.idx.msk [tilespmem:v61+s21+$0x0], $0xffff;
	[tilespmem:v4+s22+$0x0] =	vst.idx.msk $0xffff, v0  }
0x2de: {  	v46 =	vmov v28;
	v28 =	vmov v37;
	v37 =	vor.u32 s30, v7;
	v4 =	vld.idx.msk [tilespmem:v62+s21+$0x0], $0xffff;
	[tilespmem:v8+s22+$0x0] =	vst.idx.msk $0xffff, v1  }
0x2df: {  	v18 =	vadd.s32 v40, v50;
	v38 =	vor.u32 s30, v12;
	v8 =	vld.idx.msk [tilespmem:v60+s21+$0x0], $0xffff;
	[tilespmem:v43+s22+$0x0] =	vst.idx.msk $0xffff, v2  }
0x2e0: {  	v19 =	vadd.s32 v47, v50;
	v9 =	vld.idx.msk [tilespmem:v63+s21+$0x0], $0xffff;
	[tilespmem:v58+s22+$0x0] =	vst.idx.msk $0xffff, v3;
	v3 =	vor.u32 s29, v25  }
0x2e1: {  	v24 =	vadd.s32 v27, v49;
	[tilespmem:v52+s22+$0x0] =	vst.idx.msk $0xffff, v59;
	v16 =	vld.idx.msk [tilespmem:v16+s21+$0x0], $0xffff  }
0x2e2: {  	v10 =	vld.idx.msk [tilespmem:v53+s21+$0x0], $0xffff;
	[tilespmem:v36+s22+$0x0] =	vst.idx.msk $0xffff, v33  }
0x2e3: {  	v60 =	vmov v40;
	v40 =	vadd.s32 v44, v49;
	v43 =	vld.idx.msk [tilespmem:v17+s21+$0x0], $0xffff;
	v17 =	vor.u32 s2, v6;
	[tilespmem:v37+s22+$0x0] =	vst.idx.msk $0xffff, v4  }
0x2e4: {  	v47 =	vadd.s32 v21, v49;
	v4 =	vld.idx.msk [tilespmem:v18+s21+$0x0], $0xffff;
	v18 =	vor.u32 s2, v7;
	[tilespmem:v38+s22+$0x0] =	vst.idx.msk $0xffff, v8  }
0x2e5: {  	v59 =	vadd.s32 v26, v49;
	v8 =	vld.idx.msk [tilespmem:v19+s21+$0x0], $0xffff;
	v19 =	vor.u32 s2, v12;
	[tilespmem:v3+s22+$0x0] =	vst.idx.msk $0xffff, v57  }
0x2e6: {  	v24 =	vld.idx.msk [tilespmem:v24+s21+$0x0], $0xffff;
	[tilespmem:v56+s22+$0x0] =	vst.idx.msk $0xffff, v16;
	v16 =	vor.u32 s30, v13  }
0x2e7: {  	[tilespmem:v55+s22+$0x0] =	vst.idx.msk $0xffff, v54  }
0x2e8: {  	v62 =	vor.u32 s30, v14;
	v0 =	vld.idx.msk [tilespmem:v40+s21+$0x0], $0xffff;
	[tilespmem:v17+s22+$0x0] =	vst.idx.msk $0xffff, v43  }
0x2e9: {  	v1 =	vld.idx.msk [tilespmem:v47+s21+$0x0], $0xffff;
	[tilespmem:v18+s22+$0x0] =	vst.idx.msk $0xffff, v4  }
0x2ea: {  	v2 =	vld.idx.msk [tilespmem:v59+s21+$0x0], $0xffff;
	v3 =	vadd.s32 v27, v50;
	v4 =	vor.u32 s30, v15;
	[tilespmem:v19+s22+$0x0] =	vst.idx.msk $0xffff, v8  }
0x2eb: {  	v54 =	vld [tilespmem:$0x1FF30];
	[tilespmem:v16+s22+$0x0] =	vst.idx.msk $0xffff, v24  }
0x2ec: {  	v61 =	vadd.s32 v44, v50;
	v58 =	vmov v21;
	v17 =	vadd.s32 v21, v50;
	v21 =	vld [tilespmem:$0x1FF20]  }
0x2ed: {  	[tilespmem:v62+s22+$0x0] =	vst.idx.msk $0xffff, v0  }
0x2ee: {  	v18 =	vadd.s32 v26, v50;
	v8 =	vor.u32 s30, v20;
	v33 =	vld [tilespmem:$0x1FEF0]  }
0x2ef: {  	v57 =	vor.u32 s29, v30;
	v3 =	vld.idx.msk [tilespmem:v3+s21+$0x0], $0xffff;
	[tilespmem:v4+s22+$0x0] =	vst.idx.msk $0xffff, v1  }
0x2f0: {  	v63 =	vor.u32 s2, v13;
	v37 =	vld [tilespmem:$0x1FEE0];
	v19 =	vadd.s32 v54, v49  }
0x2f1: {  	v40 =	vor.u32 s2, v14;
	v24 =	vld.idx.msk [tilespmem:v61+s21+$0x0], $0xffff;
	v16 =	vadd.s32 v21, v49  }
0x2f2: {  	v47 =	vld.idx.msk [tilespmem:v17+s21+$0x0], $0xffff;
	v17 =	vor.u32 s2, v15  }
0x2f3: {  	v4 =	vld.idx.msk [tilespmem:v18+s21+$0x0], $0xffff;
	v18 =	vor.u32 s2, v20;
	[tilespmem:v8+s22+$0x0] =	vst.idx.msk $0xffff, v2;
	v43 =	vadd.s32 v33, v49  }
0x2f4: {  	[tilespmem:v57+s22+$0x0] =	vst.idx.msk $0xffff, v9  }
0x2f5: {  	[tilespmem:v63+s22+$0x0] =	vst.idx.msk $0xffff, v3;
	v3 =	vor.u32 s30, v39;
	v56 =	vadd.s32 v37, v49;
	v19 =	vld.idx.msk [tilespmem:v19+s21+$0x0], $0xffff  }
0x2f6: {  	[tilespmem:v40+s22+$0x0] =	vst.idx.msk $0xffff, v24;
	v24 =	vor.u32 s30, v42;
	v16 =	vld.idx.msk [tilespmem:v16+s21+$0x0], $0xffff  }
0x2f7: {  	[tilespmem:v17+s22+$0x0] =	vst.idx.msk $0xffff, v47  }
0x2f8: {  	v62 =	vor.u32 s30, v22;
	v8 =	vadd.s32 v54, v50;
	[tilespmem:v18+s22+$0x0] =	vst.idx.msk $0xffff, v4;
	v0 =	vld.idx.msk [tilespmem:v43+s21+$0x0], $0xffff  }
0x2f9: {  	v38 =	vld [tilespmem:$0x1FF10]  }
0x2fa: {  	v59 =	vadd.s32 v21, v50;
	v1 =	vld.idx.msk [tilespmem:v56+s21+$0x0], $0xffff;
	[tilespmem:v3+s22+$0x0] =	vst.idx.msk $0xffff, v19  }
0x2fb: {  	v61 =	vadd.s32 v33, v50;
	v43 =	vld [tilespmem:$0x1FF00];
	[tilespmem:v24+s22+$0x0] =	vst.idx.msk $0xffff, v16  }
0x2fc: {  	v17 =	vadd.s32 v37, v50;
	v26 =	vld [tilespmem:$0x1FF60]  }
0x2fd: {  	v4 =	vor.u32 s30, v23;
	v8 =	vld.idx.msk [tilespmem:v8+s21+$0x0], $0xffff;
	[tilespmem:v62+s22+$0x0] =	vst.idx.msk $0xffff, v0  }
0x2fe: {  	v36 =	vor.u32 s2, v39;
	v47 =	vld [tilespmem:$0x1FE90]  }
0x2ff: {  	v18 =	vor.u32 s2, v42;
	v63 =	vadd.s32 v38, v49;
	v19 =	vld.idx.msk [tilespmem:v59+s21+$0x0], $0xffff  }
0x300: {  	v52 =	vld.idx.msk [tilespmem:v61+s21+$0x0], $0xffff;
	v24 =	vor.u32 s2, v22;
	v3 =	vadd.s32 v43, v49  }
0x301: {  	v55 =	vld.idx.msk [tilespmem:v17+s21+$0x0], $0xffff;
	v17 =	vor.u32 s2, v23;
	v16 =	vadd.s32 v26, v49  }
0x302: {  	v56 =	vadd.s32 v38, v50;
	[tilespmem:v4+s22+$0x0] =	vst.idx.msk $0xffff, v1  }
0x303: {  	[tilespmem:v36+s22+$0x0] =	vst.idx.msk $0xffff, v8;
	v53 =	vadd.s32 v47, v49  }
0x304: {  	v4 =	vor.u32 s30, v25;
	v2 =	vld.idx.msk [tilespmem:v63+s21+$0x0], $0xffff;
	[tilespmem:v18+s22+$0x0] =	vst.idx.msk $0xffff, v19;
	v8 =	vadd.s32 v43, v50  }
0x305: {  	v57 =	vor.u32 s30, v29;
	[tilespmem:v24+s22+$0x0] =	vst.idx.msk $0xffff, v52;
	v18 =	vadd.s32 v26, v50;
	v3 =	vld.idx.msk [tilespmem:v3+s21+$0x0], $0xffff  }
0x306: {  	v19 =	vor.u32 s30, v30;
	[tilespmem:v17+s22+$0x0] =	vst.idx.msk $0xffff, v55;
	v24 =	vadd.s32 v47, v50;
	v16 =	vld.idx.msk [tilespmem:v16+s21+$0x0], $0xffff  }
0x307: {  	v61 =	vor.u32 s2, v25;
	v1 =	vld.idx.msk [tilespmem:v56+s21+$0x0], $0xffff  }
0x308: {  	v59 =	vor.u32 s30, v31;
	[tilespmem:v51+s22+$0x0] =	vst.idx.msk $0xffff, v10;
	v0 =	vld.idx.msk [tilespmem:v53+s21+$0x0], $0xffff  }
0x309: {  	v62 =	vld.idx.msk [tilespmem:v8+s21+$0x0], $0xffff;
	[tilespmem:v4+s22+$0x0] =	vst.idx.msk $0xffff, v2;
	v4 =	vor.u32 s2, v29  }
0x30a: {  	v8 =	vor.u32 s2, v30;
	[tilespmem:v57+s22+$0x0] =	vst.idx.msk $0xffff, v3;
	v3 =	vld.idx.msk [tilespmem:v18+s21+$0x0], $0xffff  }
0x30b: {  	v63 =	vor.u32 s2, v31;
	[tilespmem:v19+s22+$0x0] =	vst.idx.msk $0xffff, v16;
	v16 =	vld.idx.msk [tilespmem:v24+s21+$0x0], $0xffff  }
0x30c: {  	[tilespmem:v61+s22+$0x0] =	vst.idx.msk $0xffff, v1  }
0x30d: {  	[tilespmem:v59+s22+$0x0] =	vst.idx.msk $0xffff, v0  }
0x30e: {  	[tilespmem:v4+s22+$0x0] =	vst.idx.msk $0xffff, v62  }
0x30f: {  	[tilespmem:v8+s22+$0x0] =	vst.idx.msk $0xffff, v3  }
0x310: {  	[tilespmem:v63+s22+$0x0] =	vst.idx.msk $0xffff, v16  }
0x311: {  	v61 =	vld [tilespmem:$0x1FEC0]  }
0x312: {  	v62 =	vld [tilespmem:$0x1FED0]  }
0x313: {  	s31 =	sshll.u32 s28, $0x5;
	v49 =	vld [tilespmem:$0x1FF40]  }
.Ltmp7:
0x314: {  	s1 =	sor.u32 s5, s31;
	v36 =	vmovc v35;
	v35 =	vmov v43;
	v52 =	vmov v41;
	v41 =	vmov v28;
	v50 =	vld [tilespmem:$0x1FF50];
	(pc) =	sbr.rel .LBB2_8-.Ltmp7, $4  }
0x315: {  	s1 =	smul.u32 $0xE00, s1;
	v28 =	vmovc v54;
	v17 =	vmovc v44;
	v55 =	vmov v5;
	v5 =	vmov v7;
	v47 =	vmov v32;
	v51 =	vld [tilespmem:$0x1FF70]  }
0x316: {  	v32 =	vmovc v58;
	v58 =	vmovc v37;
	v37 =	vmov v14;
	v14 =	vmov v20;
	v18 =	vmov v46;
	v16 =	vld [tilespmem:$0x1FF90]  }
0x317: {  	s1 =	sadd.s32 s3, s1;
	v57 =	vmovc v60;
	v19 =	vmovc v27;
	v27 =	vmov v42;
	v59 =	vmov v34;
	v4 =	vmov v45;
	v44 =	vld [tilespmem:$0x1FFA0]  }
0x318: {  	v34 =	vmovc v21;
	v45 =	vmovc v6;
	v6 =	vmov v12;
	v12 =	vmov v13;
	v13 =	vmov v15;
	[hbm4b:s1+s4] =	stream.linear.scatter [tilespmem:s22], [sflag:$0x4], $0x7000, $0x38;
	v63 =	vld [tilespmem:$0x1FF80]  }
.LBB2_10:
0x319: {  	_ =	sfence.sel $0x180000  }
0x31a: {  	[bflag:$0x0] =	sbarrier.arrive $0xFFFF  }
0x31b: {  	_ =	strace $0x90000047  }
0x31c: {  	s0 =	stileid.u32;
	[bflag:$0x2] =	sbarrier.arrive $0xFFFF  }
0x31d: {  	p0 =	sne.s32 s0, $0x0;
	s0 =	rddreg [dreg:$0x3]  }
0x31e: {  	s0 =	sadd.s32 @!p0 $0x100000, s0  }
0x31f: {  	[sflag:s0] =	ssyncadd.tile.s32 @!p0 $0x1;
	_ =	shalt  }
.Lfunc_end2:
_tile_overlayer_lowered:
.L_overlay_start_2:
0x320: {  	(tag) =	ssettag $0x2  }
0x321: {  	s0 =	rddreg [dreg:$0x0];
	s2 =	stileid.u32  }
0x322: {  	s1 =	rddreg [dreg:$0x1];
	p0 =	sne.s32 s2, $0x0  }
0x323: {  	s3 =	rddreg [dreg:$0x2];
	[bflag:$0x3] =	sbarrier.arrive $0xFFFF;
	s2 =	simm.s32 @!p0 $0x1C05  }
0x324: {  	[timem:s3], [sflag:s2] =	dma.local @!p0 [hbm:s0], s1  }
0x325: {  	s0 =	simm.s32 @!p0 $0x5  }
0x326: {  	_ =	swait.ge @!p0 [sflag:s0], s1  }
0x327: {  	s1 =	ssub.s32 @!p0 $0x0, s1;
	[sflag:s0] =	ssyncset.done @!p0 $0x0  }
0x328: {  	[sflag:s0] =	ssyncadd.s32 @!p0 s1  }
0x329: {  	[bflag:$0x3] =	sbarrier.arrive $0xFFFF  }
0x32a: {  	_ =	shalt  }

// kernel: sparse-core-data-format-call.cloned.1.call-start
scs
called_computation_lowered:
.L_overlay_start_0:
0x0: {  	s2 =	sld [smem:$0x3FD9]  }
0x1: {  	s3 =	sld [smem:$0x3FFE];
	_ =	sdelay $0x1  }
0x2: {  	s1 =	srdreg.scid  }
0x3: {  	s0 =	sand.u32 $0x1, s1  }
0x4: {  	s18 =	sshll.u32 s0, $0xA;
	s2 =	sadd.s32 s3, s2  }
0x5: {  	s2 =	sadd.s32 s2, s18  }
0x6: {  	[smem:$0x3FC7] =	sst s2  }
0x7: {  	_ = 	snop  }
0x8: {  	s2 =	sld [smem:$0x3FD0];
	(tm) =	ssettm $0x1  }
0x9: {  	s19 =	sld [smem:$0x3FFB];
	_ =	sdelay $0x3  }
0xa: {  	_ =	strace s19  }
0xb: {  	s3 =	sld [smem:$0x3FFC];
	_ =	sdelay $0x3  }
0xc: {  	_ =	strace s3  }
0xd: {  	s3 =	sld [smem:$0x3FFD];
	_ =	sdelay $0x3  }
0xe: {  	_ =	strace s3  }
0xf: {  	_ =	strace $0x8FFFFFFF  }
0x10: {  	s20 =	sld [smem:$0x3FDB];
	_ =	sdelay $0x1  }
0x11: {  	s4 =	simm.s32 $_scs_section_size  }
0x12: {  	s5 =	simm.s32 $_size__tile_overlayer_lowered;
	s6 =	simm.s32 $_tile_overlayer_lowered  }
0x13: {  	s23 =	simm.s32 $0x1BFF;
	s22 =	sshll.u32 s6, $0x1;
	s3 =	sadd.s32 s4, s20  }
0x14: {  	s7 =	simm.s32 $0x0;
	s21 =	sshll.u32 s5, $0x1;
	s5 =	sadd.s32 s22, s3  }
0x15: {  	[timem:s7], [sflag:s23] =	dma.local [hbm:s5], s21  }
0x16: {  	_ =	swait.ge [sflag:s23], s21  }
0x17: {  	s4 =	ssub.s32 $0x0, s21;
	[sflag:s23] =	ssyncset.done $0x0  }
0x18: {  	[sflag:s23] =	ssyncadd.s32 s4;
	_ =	sdelay $0x1  }
0x19: {  	s24 =	simm.s32 $0x1B8B  }
0x1a: {  	_ =	swait.ge [sflag:s24], $0x1  }
0x1b: {  	[sflag:s24] =	ssyncset.done $0x0  }
0x1c: {  	s26 =	simm.s32 $0x1B8E;
	s25 =	sld [smem:$0x3FFE];
	[sflag:s24] =	ssyncadd.s32 $0xFFFFFFFF  }
0x1d: {  	s27 =	simm.s32 $execute0_lowered;
	[smem:$0x3FD2] =	sst s26  }
0x1e: {  	s5 =	sshll.u32 s27, $0x1;
	_ =	strace $0x80000049;
	[dreg:$0x1] =	wrdreg $0xFFFFFFFF  }
0x1f: {  	s28 =	simm.s32 $_size_execute0_lowered;
	s3 =	sadd.s32 s3, s5;
	[dreg:$0x0] =	wrdreg $0x0  }
0x20: {  	s5 =	sshll.u32 s28, $0x1;
	[dreg:$0x2] =	wrdreg s3  }
0x21: {  	[dreg:$0x3] =	wrdreg s5  }
0x22: {  	[dreg:$0x4] =	wrdreg $0xC0  }
0x23: {  	_ =	task [dreg:s7], $0x5FFFF  }
0x24: {  	[dreg:$0x1] =	wrdreg $0xFFFFFFFF  }
0x25: {  	[dreg:$0x0] =	wrdreg $0x60  }
0x26: {  	[dreg:$0x2] =	wrdreg s25  }
0x27: {  	[dreg:$0x3] =	wrdreg s2  }
0x28: {  	[dreg:$0x4] =	wrdreg $0x9  }
0x29: {  	_ =	task.clear_ibuf [dreg:s7], $0x5FFFF;
	_ =	strace $0x90000049  }
0x2a: {  	s29 =	simm.s32 $0x9;
	_ =	strace $0x8000004B  }
0x2b: {  	_ =	swait.ge [sflag:s29], $0x1  }
0x2c: {  	[sflag:s29] =	ssyncadd.s32 $0xFFFFFFFF  }
0x2d: {  	_ =	strace $0x9000004B  }
0x2e: {  	_ =	sfence  }
0x2f: {  	s30 =	sld [smem:$0x0];
	_ =	sdelay $0x2  }
0x30: {  	s31 =	sshll.u32 s1, $0xD;
	s1 =	sshrl.u32 s1, $0x2  }
0x31: {  	s3 =	sand.u32 $0x4000, s31;
	s1 =	sadd.s32 s1, s30  }
0x32: {  	s0 =	sor.u32 s3, s0;
	s1 =	sshll.u32 s1, $0x11  }
0x33: {  	s0 =	sor.u32 s1, s0  }
0x34: {  	s0 =	sadd.s32 $0x8F2B, s0  }
0x35: {  	[sflag:s0] =	ssyncadd.remote.s32 $0x1  }
0x36: {  	_ =	sfence.sel $0xFFFF  }
0x37: {  	[dreg:$0x0] =	wrdreg $0xFFFFFFFF;
	(pc) =	sbr.abs _section_cstart, $3  }
0x38: {  	[dreg:$0x1] =	wrdreg $0xFFFFFFFF  }
0x39: {  	_ =	task.clear_ibuf [dreg:s7], $0x2FFFF;
	_ =	strace $0x9FFFFFFF  }
0x3a: {  	(tm) =	ssettm $0x7FFFFFFF  }
0x3b: {  	_ =	shalt  }
tec
execute0_lowered:
.L_overlay_start_1:
0x0: {  	(tag) =	ssettag $0x1  }
0x1: {  	s4 =	rddreg [dreg:$0x0]  }
0x2: {  	s0 =	srdreg.scid;
	s2 =	rddreg [dreg:$0x1]  }
0x3: {  	s1 =	stileid.u32;
	s5 =	simm.s32 $0x1;
	s0 =	sshll.u32 s0, $0x4  }
0x4: {  	s7 =	simm.s32 $0x2;
	s11 =	simm.s32 $0x0;
	s3 =	sand.u32 $0x10, s0  }
.Ltmp0:
0x5: {  	p0 =	por $0x0, $0x0;
	s3 =	sor.u32 s1, s3;
	(pc) =	sbr.rel .LBB1_1-.Ltmp0, $4  }
0x6: {  	s8 =	simm.s32 $0x7A1400;
	s10 =	simm.s32 $0x0;
	s3 =	sshll.u32 s3, $0x7  }
0x7: {  	s0 =	rddreg [dreg:$0x2];
	_ =	strace $0x8000004A;
	s6 =	ssub.s32 $0xF4200, s3  }
0x8: {  	s4 =	sadd.s32 $0x800, s4;
	[sflag:s5] =	ssyncpa.u1 $0x0;
	s6 =	sshrl.u32 s6, $0xC  }
0x9: {  	[sflag:s7] =	ssyncpa.u1 $0x0;
	s9 =	smov.u32 s3;
	s7 =	sadd.s32 $0x2, s6  }
.LBB1_5:
0xa: {  	s13 =	sadd.s32 $0x1000, s9  }
0xb: {  	p2 =	sgt.s32 s13, $0xF423F  }
0xc: {  	s13 =	smov.u32 @p2 s3;
	p2 =	sne.s32 s10, s7  }
.Ltmp1:
0xd: {  	p1 =	slt.u32 s10, $0x2;
	(pc) =	sbr.rel @!p2 .LBB1_6-.Ltmp1, $4  }
0xe: {  	s12 =	simm.s32 @!p1 $0x2  }
0xf: {  	s14 =	sadd.s32 $0x1, s10;
	_ =	swait.ge @!p1 [sflag:s12], $0x1000  }
0x10: {  	s11 =	smov.u32 s9;
	p0 =	por !p0, !p0;
	[sflag:s12] =	ssyncset.done @!p1 $0x0  }
0x11: {  	s10 =	smov.u32 s14;
	s9 =	smov.u32 s13;
	[sflag:s12] =	ssyncadd.s32 @!p1 $0xFFFFF000  }
.LBB1_1:
0x12: {  	p1 =	sgt.u32 s10, s6  }
0x13: {  	s13 =	smov.u32 s9;
	p2 =	sgt.s32 @!p1 s9, $0xF41C0  }
0x14: {  	s12 =	sand.u32 @!p1 $0x1FFFFFF, s9;
	s14 =	sshra.s32 @!p1 s9, $0x1F;
	p2 =	por !p2, p1  }
0x15: {  	s15 =	smulhi.u32 @!p1 $0x218DEF5, s12;
	s14 =	sand.u32 @!p1 s14, s9;
	s13 =	simm.s32 @p2 $0xF41C0  }
0x16: {  	s13 =	ssub.s32 @!p1 s13, s14  }
0x17: {  	s14 =	sshrl.u32 @!p1 s15, $0xD;
	s13 =	sadd.s32 @!p1 $0xFFF0BE40, s13  }
0x18: {  	s15 =	sxor.u32 @!p1 $0xFFFFFFFF, s10;
	s14 =	smul.u32 @!p1 $0xF4240, s14;
	s16 =	sshll.u32 @!p1 s13, $0x7  }
0x19: {  	s15 =	sshll.u32 @!p1 s15, $0xC;
	p2 =	sgt.s32 @!p1 s13, $0x7F;
	s13 =	ssub.s32 @!p1 $0x4000, s16  }
0x1a: {  	s12 =	ssub.s32 @!p1 s12, s14;
	p2 =	por !p2, p1;
	s14 =	sand.u32 @!p1 $0x1000, s15  }
0x1b: {  	s15 =	simm.s32 @!p1 $0x20;
	s13 =	sshrl.u32 @!p1 s13, $0x2;
	s12 =	sshll.u32 @!p1 s12, $0x4  }
0x1c: {  	s16 =	simm.s32 @!p1 $0x80;
	s13 =	simm.s32 @!p2 $0x0;
	s12 =	sadd.s32 @!p1 s4, s12  }
0x1d: {  	[tilespmem:s14], [sflag:$0x1] =	stream.strided.gather @!p1 [hbm4b:s12+s15], s13, s16, s15, $0x38;
	[tilespmem:$0x4040] =	vst v63  }
0x1e: {  	p1 =	seq.s32 s10, $0x0  }
0x1f: {  	p2 =	sge.u32 @!p1 s10, s7  }
0x20: {  	p1 =	por p1, p2  }
.Ltmp2:
0x21: {  	_ = 	snop;
	(pc) =	sbr.rel @p1 .LBB1_5-.Ltmp2, $1  }
0x22: {  	_ =	sdelay $0x3  }
0x23: {  	p1 =	sgt.s32 s11, $0xF41C0;
	s12 =	smov.u32 s11;
	s13 =	sshra.s32 s11, $0x1F  }
0x24: {  	s12 =	simm.s32 @!p1 $0xF41C0;
	s13 =	sand.u32 s13, s11  }
0x25: {  	s12 =	ssub.s32 s12, s13  }
0x26: {  	s12 =	sadd.s32 $0xFFF0BE40, s12  }
0x27: {  	s28 =	sshll.u32 s12, $0x7  }
0x28: {  	s13 =	ssub.s32 $0x4000, s28  }
0x29: {  	p1 =	sgt.s32 s12, $0x7F;
	s12 =	sshrl.u32 s13, $0x2  }
0x2a: {  	s13 =	simm.s32 $0x1;
	s12 =	simm.s32 @p1 $0x0  }
0x2b: {  	s13 =	simm.s32 @!p0 $0x0;
	_ =	swait.ge [sflag:s5], s12  }
0x2c: {  	s14 =	sshll.u32 s13, $0xC;
	s12 =	ssub.s32 $0x0, s12;
	[sflag:s5] =	ssyncset.done $0x0  }
0x2d: {  	s16 =	sor.u32 $0x10, s14;
	[sflag:s5] =	ssyncadd.s32 s12  }
0x2e: {  	s29 =	smul.u32 $0x4080, s13;
	v1 =	vld [tilespmem:s16+$0x0]  }
0x2f: {  	s30 =	sand.u32 $0x1, s10;
	v0 =	vld [tilespmem:s16+$0xFFFFFFF0]  }
0x30: {  	s13 =	smul.u32 $0x4080, s30;
	s12 =	sshrl.u32 s29, $0x2  }
0x31: {  	s14 =	sor.u32 $0x2000, s12  }
0x32: {  	s31 =	sshrl.u32 s13, $0x2;
	s13 =	sadd.s32 $0x0, s14  }
0x33: {  	s15 =	simm.s32 $0x4;
	s12 =	sor.u32 $0x2000, s31;
	s16 =	sadd.s32 $0x20, s16;
	[tilespmem:s13+$0x810 ss:$0x81] =	vst.msk $0xffff, v1  }
.LBB1_3:
0x34: {  	v1 =	vld [tilespmem:s16+$0x0];
	p1 =	sne.s32 s15, $0x1FC;
	[tilespmem:s13+$0x0 ss:$0x81] =	vst.msk $0xffff, v0;
	s13 =	smov.u32 s15;
	s15 =	sadd.s32 $0x4, s15  }
.Ltmp3:
0x35: {  	v0 =	vld [tilespmem:s16+$0xFFFFFFF0];
	(pc) =	sbr.rel @p1 .LBB1_3-.Ltmp3, $4  }
0x36: {  	_ = 	snop  }
0x37: {  	s13 =	sshra.s32 s13, $0x2  }
0x38: {  	s13 =	sadd.s32 s13, s14  }
0x39: {  	s16 =	sadd.s32 $0x20, s16;
	[tilespmem:s13+$0x810 ss:$0x81] =	vst.msk $0xffff, v1  }
0x3a: {  	s14 =	sshll.u32 s11, $0x3  }
0x3b: {  	s30 =	sand.u32 $0x7F, s11;
	s14 =	sand.u32 $0xFFFFFC00, s14  }
0x3c: {  	s11 =	sor.u32 s30, s14  }
0x3d: {  	s15 =	smulhi.u32 $0x218D6287, s11;
	_ =	sdelay $0x1  }
0x3e: {  	s14 =	smulhi.u32 $0x218D6287, s14;
	s15 =	sshrl.u32 s15, $0x11  }
0x3f: {  	s15 =	smul.u32 $0xF4280, s15  }
0x40: {  	s14 =	sshrl.u32 s14, $0x11  }
.Ltmp4:
0x41: {  	s14 =	sand.u32 $0x1F, s14;
	s11 =	ssub.s32 s11, s15;
	(pc) =	sbr.rel .LBB1_5-.Ltmp4, $4  }
0x42: {  	s14 =	smul.u32 $0x1E850, s14;
	s15 =	sshrl.u32 s11, $0x3;
	s11 =	sand.u32 $0x7, s11  }
0x43: {  	s15 =	sadd.s32 s2, s15;
	s11 =	sshll.u32 s11, $0x12  }
0x44: {  	[tilespmem:s13+$0x0 ss:$0x81] =	vst.msk $0xffff, v0;
	s31 =	sadd.s32 s14, s15;
	s11 =	sor.u32 $0x400, s11  }
0x45: {  	[hbm4b:s31+s11] =	stream.strided.scatter [tilespmem:s12], [sflag:$0x2], $0x1000, s8, s11, $0x20;
	[tilespmem:$0x4040] =	vst v63  }
.LBB1_6:
0x46: {  	_ =	sfence.sel $0x180000  }
0x47: {  	s2 =	simm.s32 $0x1;
	[bflag:$0x0] =	sbarrier.arrive $0xFFFF  }
0x48: {  	s31 =	simm.s32 $0x2;
	[sflag:s2] =	ssyncpa.u1 $0x1  }
0x49: {  	[sflag:s31] =	ssyncpa.u1 $0x1  }
0x4a: {  	p0 =	sne.s32 s1, $0x0;
	_ =	strace $0x9000004A  }
0x4b: {  	s0 =	sadd.s32 @!p0 $0x100000, s0;
	[bflag:$0x2] =	sbarrier.arrive $0xFFFF  }
0x4c: {  	[sflag:s0] =	ssyncadd.tile.s32 @!p0 $0x1;
	_ =	shalt  }
.Lfunc_end1:
_tile_overlayer_lowered:
.L_overlay_start_2:
0x4d: {  	(tag) =	ssettag $0x2  }
0x4e: {  	s0 =	rddreg [dreg:$0x0];
	s2 =	stileid.u32  }
0x4f: {  	s1 =	rddreg [dreg:$0x1];
	p0 =	sne.s32 s2, $0x0  }
0x50: {  	s3 =	rddreg [dreg:$0x2];
	[bflag:$0x3] =	sbarrier.arrive $0xFFFF;
	s2 =	simm.s32 @!p0 $0x1C01  }
0x51: {  	[timem:s3], [sflag:s2] =	dma.local @!p0 [hbm:s0], s1  }
0x52: {  	s0 =	simm.s32 @!p0 $0x1  }
0x53: {  	_ =	swait.ge @!p0 [sflag:s0], s1  }
0x54: {  	s1 =	ssub.s32 @!p0 $0x0, s1;
	[sflag:s0] =	ssyncset.done @!p0 $0x0  }
0x55: {  	[sflag:s0] =	ssyncadd.s32 @!p0 s1  }
0x56: {  	[bflag:$0x3] =	sbarrier.arrive $0xFFFF  }
0x57: {  	_ =	shalt  }

</sc_bundles>
